<compile_context>
chip_gen: v7x
topology: tpu7x:2x2x1
jax: 0.10.2.dev20260603
libtpu: 0.0.44.dev20260713+nightly
codegen_flags: <defaults>
</compile_context>

<pallas_src>
import functools

import jax
import jax.numpy as jnp
from jax import lax
from jax.experimental import pallas as pl
from jax.experimental.pallas import tpu as pltpu
from jax.experimental.pallas import tpu_sc as plsc

N = 10000
E = 320000
IN = 128
H = 128
CO = 64

NPAD = 10240
NC = 2
NS = 16
NW = NC * NS
CE = 128
CH = -(-E // (NW * CE))
EPT = CH * CE
EPAD = NW * EPT
RPT = NPAD // NS

_MESH = dict(core_axis_name="c", subcore_axis_name="s",
             num_cores=NC, num_subcores=NS)
_SC_PARAMS = dict(
    compiler_params=pltpu.CompilerParams(use_tc_tiling_on_sc=False))


def _hist_call(src3, dst3, zeros16, ones16):
    @functools.partial(
        pl.kernel,
        out_type=jax.ShapeDtypeStruct((NC, 2, NPAD, 16), jnp.float32),
        mesh=plsc.VectorSubcoreMesh(**_MESH),
        scratch_types=[
            pltpu.VMEM((CH, 1, CE), jnp.int32),
            pltpu.VMEM((CH, 1, CE), jnp.int32),
            pltpu.VMEM((CE, 16), jnp.float32),
            pltpu.VMEM_SHARED((NPAD, 16), jnp.float32),
            pltpu.VMEM_SHARED((NPAD, 16), jnp.float32),
            pltpu.SemaphoreType.DMA,
            pltpu.SemaphoreType.DMA,
            pltpu.SemaphoreType.DMA,
            pltpu.SemaphoreType.DMA,
            pltpu.SemaphoreType.DMA,
        ],
        **_SC_PARAMS,
    )
    def hist(src_hbm, dst_hbm, z_hbm, ones_hbm, out_hbm,
             sidx, didx, ones_v, acc_s, acc_d,
             lsem, sem_s, sem_d, sem_s2, sem_d2):
        c = lax.axis_index("c")
        s = lax.axis_index("s")
        w = c * NS + s
        r0 = s * RPT
        cp = [
            pltpu.async_copy(src_hbm.at[pl.ds(w * CH, CH)], sidx, lsem),
            pltpu.async_copy(dst_hbm.at[pl.ds(w * CH, CH)], didx, lsem),
            pltpu.async_copy(ones_hbm, ones_v, lsem),
            pltpu.async_copy(z_hbm.at[pl.ds(r0, RPT)],
                             acc_s.at[pl.ds(r0, RPT)], lsem),
            pltpu.async_copy(z_hbm.at[pl.ds(r0, RPT)],
                             acc_d.at[pl.ds(r0, RPT)], lsem),
        ]
        for x in cp:
            x.wait()
        plsc.subcore_barrier()

        def start(acc, idx, g, sem):
            pltpu.async_copy(ones_v, acc.at[idx.at[g, 0]], sem, add=True)

        def drain(acc, idx, sem):
            pltpu.make_async_copy(ones_v, acc.at[idx.at[0, 0]], sem).wait()

        start(acc_s, sidx, 0, sem_s)
        start(acc_d, didx, 0, sem_d)
        start(acc_s, sidx, 1, sem_s2)
        start(acc_d, didx, 1, sem_d2)

        def body2(g, ss, sd):
            drain(acc_s, sidx, ss)
            start(acc_s, sidx, g, ss)
            drain(acc_d, didx, sd)
            start(acc_d, didx, g, sd)

        def body(g, carry):
            @pl.when(g % 2 == 0)
            def _():
                body2(g, sem_s, sem_d)

            @pl.when(g % 2 == 1)
            def _():
                body2(g, sem_s2, sem_d2)
            return carry

        lax.fori_loop(2, CH, body, 0)
        drain(acc_s, sidx, sem_s)
        drain(acc_d, didx, sem_d)
        drain(acc_s, sidx, sem_s2)
        drain(acc_d, didx, sem_d2)
        plsc.subcore_barrier()
        pltpu.sync_copy(acc_s.at[pl.ds(r0, RPT)],
                        out_hbm.at[c, 0, pl.ds(r0, RPT)])
        pltpu.sync_copy(acc_d.at[pl.ds(r0, RPT)],
                        out_hbm.at[c, 1, pl.ds(r0, RPT)])

    return hist(src3, dst3, zeros16, ones16)


def _edge_call(hs3, nh, src3, dst3, zeros_d, d, ch0=79, ch1=79,
               dt=jnp.bfloat16):
    @functools.partial(
        pl.kernel,
        out_type=jax.ShapeDtypeStruct((nh, NC, NPAD, d), dt),
        mesh=plsc.VectorSubcoreMesh(**_MESH),
        scratch_types=[
            [pltpu.VMEM((CE,), jnp.int32)] * 3,
            [pltpu.VMEM((CE,), jnp.int32)] * 3,
            [pltpu.VMEM((CE, d), dt)] * 3,
            pltpu.VMEM_SHARED((NPAD, d), dt),
            pltpu.VMEM_SHARED((NPAD, d), dt),
            [pltpu.SemaphoreType.DMA] * 13,
        ],
        **_SC_PARAMS,
    )
    def edge(hs_hbm, src_hbm, dst_hbm, z_hbm, out_hbm,
             sbuf, dbuf, rows, hs_s, acc, sems):
        c = lax.axis_index("c")
        s = lax.axis_index("s")
        r0 = s * RPT
        nch = jnp.where(c == 0, ch0, ch1)
        q0 = jnp.where(c == 0, s * ch0, NS * ch0 + s * ch1)
        isems = sems[0:3]
        jsems = sems[3:6]
        gsems = sems[6:9]
        ssems = sems[9:12]
        lsem = sems[12]

        def istart_s(g, b):
            pltpu.async_copy(src_hbm.at[q0 + g, 0], sbuf[b], isems[b])

        def iwait_s(b):
            pltpu.make_async_copy(src_hbm.at[0, 0], sbuf[b], isems[b]).wait()

        def istart_d(g, b):
            pltpu.async_copy(dst_hbm.at[q0 + g, 0], dbuf[b], jsems[b])

        def iwait_d(b):
            pltpu.make_async_copy(dst_hbm.at[0, 0], dbuf[b], jsems[b]).wait()

        def gstart(b):
            pltpu.async_copy(hs_s.at[sbuf[b]], rows[b], gsems[b])

        def gwait(b):
            pltpu.make_async_copy(hs_s.at[sbuf[b]], rows[b],
                                  gsems[b]).wait()

        def sstart(b):
            pltpu.async_copy(rows[b], acc.at[dbuf[b]], ssems[b], add=True)

        def swait(b):
            pltpu.make_async_copy(rows[b], acc.at[dbuf[b]], ssems[b]).wait()

        def half(g, b):
            o = (b + 1) % 3
            gwait(b)
            iwait_d(b)
            sstart(b)

            @pl.when(g + 1 < nch)
            def _():
                iwait_s(o)
                @pl.when(g >= 2)
                def _():
                    swait(o)
                gstart(o)
                istart_d(g + 1, o)

            @pl.when(g + 2 < nch)
            def _():
                istart_s(g + 2, (b + 2) % 3)

        def body(g, carry):
            for k in range(3):
                @pl.when(g % 3 == k)
                def _(k=k):
                    half(g, k)
            return carry

        for h in range(nh):
            zcp = pltpu.async_copy(z_hbm.at[pl.ds(r0, RPT)],
                                   acc.at[pl.ds(r0, RPT)], lsem)
            pltpu.async_copy(hs_hbm.at[h, pl.ds(r0, RPT)],
                             hs_s.at[pl.ds(r0, RPT)], lsem).wait()
            istart_s(0, 0)
            istart_d(0, 0)
            istart_s(1, 1)
            iwait_s(0)
            zcp.wait()
            plsc.subcore_barrier()
            gstart(0)
            lax.fori_loop(0, nch, body, 0)
            swait(0)
            swait(1)
            swait(2)
            plsc.subcore_barrier()
            pltpu.sync_copy(acc.at[pl.ds(r0, RPT)],
                            out_hbm.at[h, c, pl.ds(r0, RPT)])

    return edge(hs3, src3, dst3, zeros_d)


RB = 1024


def _norm(deg):
    return jnp.where(deg > 0, lax.rsqrt(deg), 0.0)


HH = H // 2


def _mm1_body(x_ref, w_ref, h_ref, o_ref):
    deg = jnp.sum(h_ref[...], axis=(0, 1, 3)) * (1.0 / 16.0)
    ns = _norm(deg)
    r = (jnp.dot(x_ref[...], w_ref[...],
                 preferred_element_type=jnp.float32)
         * ns[:, None]).astype(jnp.bfloat16)
    o_ref[0] = r[:, :HH]
    o_ref[1] = r[:, HH:]


def _mm1(xpad, w1, hist):
    return pl.pallas_call(
        _mm1_body,
        grid=(NPAD // RB,),
        in_specs=[
            pl.BlockSpec((RB, IN), lambda i: (i, 0)),
            pl.BlockSpec((IN, H), lambda i: (0, 0)),
            pl.BlockSpec((NC, 1, RB, 16), lambda i: (0, 0, i, 0)),
        ],
        out_specs=pl.BlockSpec((2, RB, HH), lambda i: (0, i, 0)),
        out_shape=jax.ShapeDtypeStruct((2, NPAD, HH), jnp.bfloat16),
    )(xpad, w1, hist)


def _mm2_body(p_ref, h_ref, b_ref, w_ref, o_ref):
    degs = jnp.sum(h_ref[...], axis=(0, 3)) * (1.0 / 16.0)
    ns = _norm(degs[0])
    nd = _norm(degs[1])
    p = p_ref[...].astype(jnp.float32)
    agg = jnp.concatenate([p[0, 0] + p[0, 1], p[1, 0] + p[1, 1]], axis=1)
    h1 = jnp.maximum(agg * nd[:, None] + b_ref[...], 0.0)
    o_ref[0] = (jnp.dot(h1, w_ref[...],
                        preferred_element_type=jnp.float32)
                * ns[:, None]).astype(jnp.bfloat16)


def _mm2(p1, hist, b1, w2):
    return pl.pallas_call(
        _mm2_body,
        grid=(NPAD // RB,),
        in_specs=[
            pl.BlockSpec((2, NC, RB, HH), lambda i: (0, 0, i, 0)),
            pl.BlockSpec((NC, 2, RB, 16), lambda i: (0, 0, i, 0)),
            pl.BlockSpec((1, H), lambda i: (0, 0)),
            pl.BlockSpec((H, CO), lambda i: (0, 0)),
        ],
        out_specs=pl.BlockSpec((1, RB, CO), lambda i: (0, i, 0)),
        out_shape=jax.ShapeDtypeStruct((1, NPAD, CO), jnp.bfloat16),
    )(p1, hist, b1, w2)


def _mm3_body(p_ref, h_ref, b_ref, o_ref):
    deg = jnp.sum(h_ref[...], axis=(0, 1, 3)) * (1.0 / 16.0)
    nd = _norm(deg)
    p = p_ref[...].astype(jnp.float32)
    o_ref[...] = (p[0, 0] + p[0, 1]) * nd[:, None] + b_ref[...]


def _mm3(p2, hist, b2):
    return pl.pallas_call(
        _mm3_body,
        grid=(NPAD // RB,),
        in_specs=[
            pl.BlockSpec((1, NC, RB, CO), lambda i: (0, 0, i, 0)),
            pl.BlockSpec((NC, 1, RB, 16), lambda i: (0, 1, i, 0)),
            pl.BlockSpec((1, CO), lambda i: (0, 0)),
        ],
        out_specs=pl.BlockSpec((RB, CO), lambda i: (i, 0)),
        out_shape=jax.ShapeDtypeStruct((NPAD, CO), jnp.float32),
    )(p2, hist, b2)


def kernel(x, edge_index, W1, b1, W2, b2):
    src = edge_index[0].astype(jnp.int32)
    dst = edge_index[1].astype(jnp.int32)
    pad = jnp.full((EPAD - E,), N, jnp.int32)
    srcpad = jnp.concatenate([src, pad])
    dstpad = jnp.concatenate([dst, pad])
    src3 = srcpad.reshape(NW * CH, 1, CE)
    dst3 = dstpad.reshape(NW * CH, 1, CE)
    xpad = jnp.pad(x, ((0, NPAD - N), (0, 0)))

    zeros16 = jnp.zeros((NPAD, 16), jnp.float32)
    ones16 = jnp.ones((CE, 16), jnp.float32)

    hist = _hist_call(src3, dst3, zeros16, ones16)
    hs1 = _mm1(xpad, W1, hist)
    z64 = jnp.zeros((NPAD, HH), jnp.bfloat16)
    p1 = _edge_call(hs1, 2, src3, dst3, z64, HH)
    hs2 = _mm2(p1, hist, b1.reshape(1, H), W2)
    p2 = _edge_call(hs2, 1, src3, dst3, z64, CO)
    out = _mm3(p2, hist, b2.reshape(1, CO))
    return out[:N]

# --- scband reference (transcript-rebuilt; emitter-appended) ---
"""Pipeline reference for scband-gcn-10977936409091 (READ-ONLY COPY).

The authoritative reference and input builder live on the scoring server;
editing this copy changes nothing except your own understanding.
"""

import jax, jax.numpy as jnp
import numpy as np

N_NODES = 10000
N_EDGES = 320000
IN_FEATS = 128
HIDDEN = 128
NUM_CLASSES = 64


def setup_inputs(seed: int = 0) -> dict:
    key = jax.random.key(seed)
    k1, k2, k3, k4, k5, k6 = jax.random.split(key, 6)
    x = jax.random.normal(k1, (N_NODES, IN_FEATS), dtype=jnp.float32)
    edge_index = jax.random.randint(k2, (2, N_EDGES), 0, N_NODES, dtype=jnp.int64)
    W1 = jax.random.normal(k3, (IN_FEATS, HIDDEN), dtype=jnp.float32) * (1.0 / np.sqrt(IN_FEATS))
    b1 = jnp.zeros((HIDDEN,), dtype=jnp.float32)
    W2 = jax.random.normal(k4, (HIDDEN, NUM_CLASSES), dtype=jnp.float32) * (1.0 / np.sqrt(HIDDEN))
    b2 = jnp.zeros((NUM_CLASSES,), dtype=jnp.float32)
    return {"x": x, "edge_index": edge_index, "W1": W1, "b1": b1, "W2": W2, "b2": b2}


def reference(x, edge_index, W1, b1, W2, b2):
    # GCN forward: conv1 -> relu -> conv2 (conv3/classify unused in original forward)
    # GraphConv with symmetric normalization (DGL norm='both'):
    #   out = D_dst^{-1/2} * A @ (D_src^{-1/2} * (X W)) + b
    src = edge_index[0]
    dst = edge_index[1]
    N = x.shape[0]
    ones = jnp.ones((src.shape[0],), dtype=x.dtype)
    deg_out = jnp.zeros((N,), dtype=x.dtype).at[src].add(ones)
    deg_in = jnp.zeros((N,), dtype=x.dtype).at[dst].add(ones)
    norm_src = jnp.where(deg_out > 0, deg_out ** -0.5, 0.0)
    norm_dst = jnp.where(deg_in > 0, deg_in ** -0.5, 0.0)

    def graph_conv(h, W, b):
        h = h @ W
        m = h[src] * norm_src[src][:, None]
        agg = jnp.zeros((N, h.shape[1]), dtype=h.dtype).at[dst].add(m)
        return agg * norm_dst[:, None] + b

    h = graph_conv(x, W1, b1)
    h = jax.nn.relu(h)
    h = graph_conv(h, W2, b2)
    return h

if __name__ == "__main__":
    import jax
    _d = setup_inputs()
    print(jax.jit(kernel)(*tuple(_d.values())))

</pallas_src>

<mosaic_0001>
#map = affine_map<(d0, d1) -> (0, 0, 0)>
#map1 = affine_map<(d0, d1) -> (0, 0)>
#map2 = affine_map<(d0, d1) -> (0, 0, 0, 0)>
module attributes {stable_mosaic.version = 14 : i64} {
  func.func @edge(%arg0: i32, %arg1: i32, %arg2: memref<1x10240x64xbf16, #tpu.memory_space<hbm>>, %arg3: memref<2528x1x128xi32, #tpu.memory_space<hbm>>, %arg4: memref<2528x1x128xi32, #tpu.memory_space<hbm>>, %arg5: memref<10240x64xbf16, #tpu.memory_space<hbm>>, %arg6: memref<1x2x10240x64xbf16, #tpu.memory_space<hbm>>, %arg7: memref<128xi32, #tpu.memory_space<vmem>>, %arg8: memref<128xi32, #tpu.memory_space<vmem>>, %arg9: memref<128xi32, #tpu.memory_space<vmem>>, %arg10: memref<128xi32, #tpu.memory_space<vmem>>, %arg11: memref<128xi32, #tpu.memory_space<vmem>>, %arg12: memref<128xi32, #tpu.memory_space<vmem>>, %arg13: memref<128x64xbf16, #tpu.memory_space<vmem>>, %arg14: memref<128x64xbf16, #tpu.memory_space<vmem>>, %arg15: memref<128x64xbf16, #tpu.memory_space<vmem>>, %arg16: memref<10240x64xbf16, #tpu.memory_space<vmem_shared>>, %arg17: memref<10240x64xbf16, #tpu.memory_space<vmem_shared>>, %arg18: memref<!tpu.dma_semaphore, #tpu.memory_space<semaphore_mem>>, %arg19: memref<!tpu.dma_semaphore, #tpu.memory_space<semaphore_mem>>, %arg20: memref<!tpu.dma_semaphore, #tpu.memory_space<semaphore_mem>>, %arg21: memref<!tpu.dma_semaphore, #tpu.memory_space<semaphore_mem>>, %arg22: memref<!tpu.dma_semaphore, #tpu.memory_space<semaphore_mem>>, %arg23: memref<!tpu.dma_semaphore, #tpu.memory_space<semaphore_mem>>, %arg24: memref<!tpu.dma_semaphore, #tpu.memory_space<semaphore_mem>>, %arg25: memref<!tpu.dma_semaphore, #tpu.memory_space<semaphore_mem>>, %arg26: memref<!tpu.dma_semaphore, #tpu.memory_space<semaphore_mem>>, %arg27: memref<!tpu.dma_semaphore, #tpu.memory_space<semaphore_mem>>, %arg28: memref<!tpu.dma_semaphore, #tpu.memory_space<semaphore_mem>>, %arg29: memref<!tpu.dma_semaphore, #tpu.memory_space<semaphore_mem>>, %arg30: memref<!tpu.dma_semaphore, #tpu.memory_space<semaphore_mem>>) attributes {dimension_semantics = [#tpu.dimension_semantics<core_parallel>, #tpu.dimension_semantics<subcore_parallel>], iteration_bounds = array<i64: 2, 16>, scalar_prefetch = 0 : i64, scratch_operands = 24 : i64, tpu.core_type = #tpu.core_type<sc_vector_subcore>, window_params = [{transform_indices = #map}, {transform_indices = #map}, {transform_indices = #map}, {transform_indices = #map1}, {transform_indices = #map2}]} {
    %mul3A = arith.constant 640 : i32
    %mul3A_0 = arith.muli %arg1, %mul3A : i32
    %eq3A = arith.constant 0 : i32
    %eq3A_1 = arith.cmpi eq, %arg0, %eq3A : i32
    %jit3A = arith.constant 79 : i32
    %jit3A_2 = arith.constant 79 : i32
    %select_n3A = arith.select %eq3A_1, %jit3A, %jit3A_2 : i32
    %eq3A_3 = arith.constant 0 : i32
    %eq3A_4 = arith.cmpi eq, %arg0, %eq3A_3 : i32
    %mul3A_5 = arith.constant 79 : i32
    %mul3A_6 = arith.muli %arg1, %mul3A_5 : i32
    %mul3A_7 = arith.constant 79 : i32
    %mul3A_8 = arith.muli %arg1, %mul3A_7 : i32
    %add3A = arith.constant 1264 : i32
    %add3A_9 = arith.addi %add3A, %mul3A_8 : i32
    %select_n3A_10 = arith.select %eq3A_4, %mul3A_6, %add3A_9 : i32
    %dma_start3A = arith.constant 0 : i32
    %dma_start3A_11 = tpu.memref_slice %arg17[%mul3A_0, %dma_start3A] : memref<10240x64xbf16, #tpu.memory_space<vmem_shared>> -> memref<640x64xbf16, #tpu.memory_space<vmem_shared>>
    %dma_start3A_12 = arith.constant 0 : i32
    %dma_start3A_13 = tpu.memref_slice %arg5[%mul3A_0, %dma_start3A_12] : memref<10240x64xbf16, #tpu.memory_space<hbm>> -> memref<640x64xbf16, #tpu.memory_space<hbm>>
    tpu.enqueue_dma source(%dma_start3A_13 : memref<640x64xbf16, #tpu.memory_space<hbm>>) target(%dma_start3A_11 : memref<640x64xbf16, #tpu.memory_space<vmem_shared>>) target_semaphore(%arg30 : memref<!tpu.dma_semaphore, #tpu.memory_space<semaphore_mem>>)
    %dma_start3A_14 = arith.constant 0 : i32
    %dma_start3A_15 = arith.constant 0 : i32
    %dma_start3A_16 = tpu.memref_slice %arg16[%mul3A_0, %dma_start3A_15] : memref<10240x64xbf16, #tpu.memory_space<vmem_shared>> -> memref<640x64xbf16, #tpu.memory_space<vmem_shared>>
    %dma_start3A_17 = arith.constant 0 : i32
    %dma_start3A_18 = tpu.memref_slice %arg2[%dma_start3A_14, %mul3A_0, %dma_start3A_17] : memref<1x10240x64xbf16, #tpu.memory_space<hbm>> -> memref<1x640x64xbf16, #tpu.memory_space<hbm>>
    %dma_start3A_19 = tpu.memref_squeeze %dma_start3A_18 : memref<1x640x64xbf16, #tpu.memory_space<hbm>> -> memref<640x64xbf16, #tpu.memory_space<hbm>>
    tpu.enqueue_dma source(%dma_start3A_19 : memref<640x64xbf16, #tpu.memory_space<hbm>>) target(%dma_start3A_16 : memref<640x64xbf16, #tpu.memory_space<vmem_shared>>) target_semaphore(%arg30 : memref<!tpu.dma_semaphore, #tpu.memory_space<semaphore_mem>>)
    %dma_wait3A = arith.constant 0 : i32
    %dma_wait3A_20 = arith.constant 0 : i32
    %dma_wait3A_21 = tpu.memref_slice %arg16[%mul3A_0, %dma_wait3A_20] : memref<10240x64xbf16, #tpu.memory_space<vmem_shared>> -> memref<640x64xbf16, #tpu.memory_space<vmem_shared>>
    %dma_wait3A_22 = arith.constant 0 : i32
    %dma_wait3A_23 = tpu.memref_slice %arg2[%dma_wait3A, %mul3A_0, %dma_wait3A_22] : memref<1x10240x64xbf16, #tpu.memory_space<hbm>> -> memref<1x640x64xbf16, #tpu.memory_space<hbm>>
    %dma_wait3A_24 = tpu.memref_squeeze %dma_wait3A_23 : memref<1x640x64xbf16, #tpu.memory_space<hbm>> -> memref<640x64xbf16, #tpu.memory_space<hbm>>
    tpu.wait_dma2 semaphore(%arg30 : memref<!tpu.dma_semaphore, #tpu.memory_space<semaphore_mem>>) src(%dma_wait3A_24 : memref<640x64xbf16, #tpu.memory_space<hbm>>) dst(%dma_wait3A_21 : memref<640x64xbf16, #tpu.memory_space<vmem_shared>>)
    %add3A_25 = arith.constant 0 : i32
    %add3A_26 = arith.addi %select_n3A_10, %add3A_25 : i32
    %dma_start3A_27 = arith.constant 0 : i32
    %dma_start3A_28 = arith.constant 0 : i32
    %dma_start3A_29 = tpu.memref_slice %arg3[%add3A_26, %dma_start3A_27, %dma_start3A_28] : memref<2528x1x128xi32, #tpu.memory_space<hbm>> -> memref<1x1x128xi32, #tpu.memory_space<hbm>>
    %dma_start3A_30 = tpu.memref_squeeze %dma_start3A_29 : memref<1x1x128xi32, #tpu.memory_space<hbm>> -> memref<128xi32, #tpu.memory_space<hbm>>
    %dma_start3A_31 = arith.constant 0 : i32
    %dma_start3A_32 = tpu.memref_slice %arg3[%add3A_26, %dma_start3A_27, %dma_start3A_31] : memref<2528x1x128xi32, #tpu.memory_space<hbm>> -> memref<1x1x128xi32, #tpu.memory_space<hbm>>
    %dma_start3A_33 = tpu.memref_squeeze %dma_start3A_32 : memref<1x1x128xi32, #tpu.memory_space<hbm>> -> memref<128xi32, #tpu.memory_space<hbm>>
    tpu.enqueue_dma source(%dma_start3A_33 : memref<128xi32, #tpu.memory_space<hbm>>) target(%arg7 : memref<128xi32, #tpu.memory_space<vmem>>) target_semaphore(%arg18 : memref<!tpu.dma_semaphore, #tpu.memory_space<semaphore_mem>>)
    %add3A_34 = arith.constant 0 : i32
    %add3A_35 = arith.addi %select_n3A_10, %add3A_34 : i32
    %dma_start3A_36 = arith.constant 0 : i32
    %dma_start3A_37 = arith.constant 0 : i32
    %dma_start3A_38 = tpu.memref_slice %arg4[%add3A_35, %dma_start3A_36, %dma_start3A_37] : memref<2528x1x128xi32, #tpu.memory_space<hbm>> -> memref<1x1x128xi32, #tpu.memory_space<hbm>>
    %dma_start3A_39 = tpu.memref_squeeze %dma_start3A_38 : memref<1x1x128xi32, #tpu.memory_space<hbm>> -> memref<128xi32, #tpu.memory_space<hbm>>
    %dma_start3A_40 = arith.constant 0 : i32
    %dma_start3A_41 = tpu.memref_slice %arg4[%add3A_35, %dma_start3A_36, %dma_start3A_40] : memref<2528x1x128xi32, #tpu.memory_space<hbm>> -> memref<1x1x128xi32, #tpu.memory_space<hbm>>
    %dma_start3A_42 = tpu.memref_squeeze %dma_start3A_41 : memref<1x1x128xi32, #tpu.memory_space<hbm>> -> memref<128xi32, #tpu.memory_space<hbm>>
    tpu.enqueue_dma source(%dma_start3A_42 : memref<128xi32, #tpu.memory_space<hbm>>) target(%arg10 : memref<128xi32, #tpu.memory_space<vmem>>) target_semaphore(%arg21 : memref<!tpu.dma_semaphore, #tpu.memory_space<semaphore_mem>>)
    %add3A_43 = arith.constant 1 : i32
    %add3A_44 = arith.addi %select_n3A_10, %add3A_43 : i32
    %dma_start3A_45 = arith.constant 0 : i32
    %dma_start3A_46 = arith.constant 0 : i32
    %dma_start3A_47 = tpu.memref_slice %arg3[%add3A_44, %dma_start3A_45, %dma_start3A_46] : memref<2528x1x128xi32, #tpu.memory_space<hbm>> -> memref<1x1x128xi32, #tpu.memory_space<hbm>>
    %dma_start3A_48 = tpu.memref_squeeze %dma_start3A_47 : memref<1x1x128xi32, #tpu.memory_space<hbm>> -> memref<128xi32, #tpu.memory_space<hbm>>
    %dma_start3A_49 = arith.constant 0 : i32
    %dma_start3A_50 = tpu.memref_slice %arg3[%add3A_44, %dma_start3A_45, %dma_start3A_49] : memref<2528x1x128xi32, #tpu.memory_space<hbm>> -> memref<1x1x128xi32, #tpu.memory_space<hbm>>
    %dma_start3A_51 = tpu.memref_squeeze %dma_start3A_50 : memref<1x1x128xi32, #tpu.memory_space<hbm>> -> memref<128xi32, #tpu.memory_space<hbm>>
    tpu.enqueue_dma source(%dma_start3A_51 : memref<128xi32, #tpu.memory_space<hbm>>) target(%arg8 : memref<128xi32, #tpu.memory_space<vmem>>) target_semaphore(%arg19 : memref<!tpu.dma_semaphore, #tpu.memory_space<semaphore_mem>>)
    %dma_wait3A_52 = arith.constant 0 : i32
    %dma_wait3A_53 = arith.constant 0 : i32
    %dma_wait3A_54 = arith.constant 0 : i32
    %dma_wait3A_55 = tpu.memref_slice %arg3[%dma_wait3A_52, %dma_wait3A_53, %dma_wait3A_54] : memref<2528x1x128xi32, #tpu.memory_space<hbm>> -> memref<1x1x128xi32, #tpu.memory_space<hbm>>
    %dma_wait3A_56 = tpu.memref_squeeze %dma_wait3A_55 : memref<1x1x128xi32, #tpu.memory_space<hbm>> -> memref<128xi32, #tpu.memory_space<hbm>>
    %dma_wait3A_57 = arith.constant 0 : i32
    %dma_wait3A_58 = tpu.memref_slice %arg3[%dma_wait3A_52, %dma_wait3A_53, %dma_wait3A_57] : memref<2528x1x128xi32, #tpu.memory_space<hbm>> -> memref<1x1x128xi32, #tpu.memory_space<hbm>>
    %dma_wait3A_59 = tpu.memref_squeeze %dma_wait3A_58 : memref<1x1x128xi32, #tpu.memory_space<hbm>> -> memref<128xi32, #tpu.memory_space<hbm>>
    tpu.wait_dma2 semaphore(%arg18 : memref<!tpu.dma_semaphore, #tpu.memory_space<semaphore_mem>>) src(%dma_wait3A_59 : memref<128xi32, #tpu.memory_space<hbm>>) dst(%arg7 : memref<128xi32, #tpu.memory_space<vmem>>)
    %dma_wait3A_60 = arith.constant 0 : i32
    %dma_wait3A_61 = tpu.memref_slice %arg17[%mul3A_0, %dma_wait3A_60] : memref<10240x64xbf16, #tpu.memory_space<vmem_shared>> -> memref<640x64xbf16, #tpu.memory_space<vmem_shared>>
    %dma_wait3A_62 = arith.constant 0 : i32
    %dma_wait3A_63 = tpu.memref_slice %arg5[%mul3A_0, %dma_wait3A_62] : memref<10240x64xbf16, #tpu.memory_space<hbm>> -> memref<640x64xbf16, #tpu.memory_space<hbm>>
    tpu.wait_dma2 semaphore(%arg30 : memref<!tpu.dma_semaphore, #tpu.memory_space<semaphore_mem>>) src(%dma_wait3A_63 : memref<640x64xbf16, #tpu.memory_space<hbm>>) dst(%dma_wait3A_61 : memref<640x64xbf16, #tpu.memory_space<vmem_shared>>)
    %barrier3A = arith.constant 0 : index
    tpu.barrier barrier_id(%barrier3A)
    %dma_start3A_64 = arith.constant 0 : i32
    %dma_start3A_65 = arith.constant 0 : i32
    %dma_start3A_66 = tpu.memref_slice %arg16[%dma_start3A_64, %dma_start3A_65] : memref<10240x64xbf16, #tpu.memory_space<vmem_shared>> -> memref<10240x64xbf16, #tpu.memory_space<vmem_shared>>
    tpu.enqueue_indirect_dma source(%dma_start3A_66 : memref<10240x64xbf16, #tpu.memory_space<vmem_shared>>) target(%arg13 : memref<128x64xbf16, #tpu.memory_space<vmem>>) offsets(%arg7 : memref<128xi32, #tpu.memory_space<vmem>>) semaphore(%arg24 : memref<!tpu.dma_semaphore, #tpu.memory_space<semaphore_mem>>)
    %while3A = arith.constant 0 : i32
    %while3A_67 = arith.constant 0 : i32
    %while3A_68 = arith.subi %select_n3A, %while3A_67 : i32
    %while3A_69 = arith.addi %while3A_67, %while3A_68 : i32
    %while3A_70 = arith.constant 1 : i32
    %while3A_71 = arith.divsi %while3A_68, %while3A_70 : i32
    %while3A_72 = arith.muli %while3A_71, %while3A_70 : i32
    %while3A_73 = arith.addi %while3A_67, %while3A_72 : i32
    %while3A_74 = arith.constant 1 : i32
    scf.for %while3A_86 = %while3A_67 to %while3A_73 step %while3A_74  : i32 {
      %jit3A_87 = arith.constant 3 : i32
      %eq3A_88 = arith.constant 0 : i32
      %eq3A_89 = arith.cmpi eq, %jit3A_87, %eq3A_88 : i32
      %jit3A_90 = arith.constant 1 : i32
      %select_n3A_91 = arith.select %eq3A_89, %jit3A_90, %jit3A_87 : i32
      %rem3A = arith.remsi %while3A_86, %select_n3A_91 : i32
      %ne3A = arith.constant 0 : i32
      %ne3A_92 = arith.cmpi ne, %rem3A, %ne3A : i32
      %lt3A = arith.constant 0 : i32
      %lt3A_93 = arith.cmpi slt, %rem3A, %lt3A : i32
      %lt3A_94 = arith.constant 0 : i32
      %lt3A_95 = arith.cmpi slt, %select_n3A_91, %lt3A_94 : i32
      %ne3A_96 = arith.xori %lt3A_93, %lt3A_95 : i1
      %and3A = arith.andi %ne3A_96, %ne3A_92 : i1
      %add3A_97 = arith.addi %rem3A, %select_n3A_91 : i32
      %select_n3A_98 = arith.select %and3A, %add3A_97, %rem3A : i32
      %eq3A_99 = arith.constant 0 : i32
      %eq3A_100 = arith.cmpi eq, %select_n3A_98, %eq3A_99 : i32
      %convert_element_type3A = arith.extui %eq3A_100 : i1 to i32
      %cond3A = arith.constant 0 : i32
      %cond3A_101 = arith.cmpi ne, %convert_element_type3A, %cond3A : i32
      scf.if %cond3A_101 {
        %dma_wait3A_144 = arith.constant 0 : i32
        %dma_wait3A_145 = arith.constant 0 : i32
        %dma_wait3A_146 = tpu.memref_slice %arg16[%dma_wait3A_144, %dma_wait3A_145] : memref<10240x64xbf16, #tpu.memory_space<vmem_shared>> -> memref<10240x64xbf16, #tpu.memory_space<vmem_shared>>
        tpu.wait_indirect_dma semaphore(%arg24 : memref<!tpu.dma_semaphore, #tpu.memory_space<semaphore_mem>>) src(%dma_wait3A_146 : memref<10240x64xbf16, #tpu.memory_space<vmem_shared>>) dst(%arg13 : memref<128x64xbf16, #tpu.memory_space<vmem>>)
        %dma_wait3A_147 = arith.constant 0 : i32
        %dma_wait3A_148 = arith.constant 0 : i32
        %dma_wait3A_149 = arith.constant 0 : i32
        %dma_wait3A_150 = tpu.memref_slice %arg4[%dma_wait3A_147, %dma_wait3A_148, %dma_wait3A_149] : memref<2528x1x128xi32, #tpu.memory_space<hbm>> -> memref<1x1x128xi32, #tpu.memory_space<hbm>>
        %dma_wait3A_151 = tpu.memref_squeeze %dma_wait3A_150 : memref<1x1x128xi32, #tpu.memory_space<hbm>> -> memref<128xi32, #tpu.memory_space<hbm>>
        %dma_wait3A_152 = arith.constant 0 : i32
        %dma_wait3A_153 = tpu.memref_slice %arg4[%dma_wait3A_147, %dma_wait3A_148, %dma_wait3A_152] : memref<2528x1x128xi32, #tpu.memory_space<hbm>> -> memref<1x1x128xi32, #tpu.memory_space<hbm>>
        %dma_wait3A_154 = tpu.memref_squeeze %dma_wait3A_153 : memref<1x1x128xi32, #tpu.memory_space<hbm>> -> memref<128xi32, #tpu.memory_space<hbm>>
        tpu.wait_dma2 semaphore(%arg21 : memref<!tpu.dma_semaphore, #tpu.memory_space<semaphore_mem>>) src(%dma_wait3A_154 : memref<128xi32, #tpu.memory_space<hbm>>) dst(%arg10 : memref<128xi32, #tpu.memory_space<vmem>>)
        %dma_start3A_155 = arith.constant 0 : i32
        %dma_start3A_156 = arith.constant 0 : i32
        %dma_start3A_157 = tpu.memref_slice %arg17[%dma_start3A_155, %dma_start3A_156] : memref<10240x64xbf16, #tpu.memory_space<vmem_shared>> -> memref<10240x64xbf16, #tpu.memory_space<vmem_shared>>
        tpu.enqueue_indirect_dma source(%arg13 : memref<128x64xbf16, #tpu.memory_space<vmem>>) target(%dma_start3A_157 : memref<10240x64xbf16, #tpu.memory_space<vmem_shared>>) offsets(%arg10 : memref<128xi32, #tpu.memory_space<vmem>>) semaphore(%arg27 : memref<!tpu.dma_semaphore, #tpu.memory_space<semaphore_mem>>) {add = true}
        %add3A_158 = arith.constant 1 : i32
        %add3A_159 = arith.addi %while3A_86, %add3A_158 : i32
        %lt3A_160 = arith.cmpi slt, %add3A_159, %select_n3A : i32
        %convert_element_type3A_161 = arith.extui %lt3A_160 : i1 to i32
        %cond3A_162 = arith.constant 0 : i32
        %cond3A_163 = arith.cmpi ne, %convert_element_type3A_161, %cond3A_162 : i32
        scf.if %cond3A_163 {
          %dma_wait3A_170 = arith.constant 0 : i32
          %dma_wait3A_171 = arith.constant 0 : i32
          %dma_wait3A_172 = arith.constant 0 : i32
          %dma_wait3A_173 = tpu.memref_slice %arg3[%dma_wait3A_170, %dma_wait3A_171, %dma_wait3A_172] : memref<2528x1x128xi32, #tpu.memory_space<hbm>> -> memref<1x1x128xi32, #tpu.memory_space<hbm>>
          %dma_wait3A_174 = tpu.memref_squeeze %dma_wait3A_173 : memref<1x1x128xi32, #tpu.memory_space<hbm>> -> memref<128xi32, #tpu.memory_space<hbm>>
          %dma_wait3A_175 = arith.constant 0 : i32
          %dma_wait3A_176 = tpu.memref_slice %arg3[%dma_wait3A_170, %dma_wait3A_171, %dma_wait3A_175] : memref<2528x1x128xi32, #tpu.memory_space<hbm>> -> memref<1x1x128xi32, #tpu.memory_space<hbm>>
          %dma_wait3A_177 = tpu.memref_squeeze %dma_wait3A_176 : memref<1x1x128xi32, #tpu.memory_space<hbm>> -> memref<128xi32, #tpu.memory_space<hbm>>
          tpu.wait_dma2 semaphore(%arg19 : memref<!tpu.dma_semaphore, #tpu.memory_space<semaphore_mem>>) src(%dma_wait3A_177 : memref<128xi32, #tpu.memory_space<hbm>>) dst(%arg8 : memref<128xi32, #tpu.memory_space<vmem>>)
          %ge3A = arith.constant 2 : i32
          %ge3A_178 = arith.cmpi sge, %while3A_86, %ge3A : i32
          %convert_element_type3A_179 = arith.extui %ge3A_178 : i1 to i32
          %cond3A_180 = arith.constant 0 : i32
          %cond3A_181 = arith.cmpi ne, %convert_element_type3A_179, %cond3A_180 : i32
          scf.if %cond3A_181 {
            %dma_wait3A_195 = arith.constant 0 : i32
            %dma_wait3A_196 = arith.constant 0 : i32
            %dma_wait3A_197 = tpu.memref_slice %arg17[%dma_wait3A_195, %dma_wait3A_196] : memref<10240x64xbf16, #tpu.memory_space<vmem_shared>> -> memref<10240x64xbf16, #tpu.memory_space<vmem_shared>>
            tpu.wait_indirect_dma semaphore(%arg28 : memref<!tpu.dma_semaphore, #tpu.memory_space<semaphore_mem>>) src(%arg14 : memref<128x64xbf16, #tpu.memory_space<vmem>>) dst(%dma_wait3A_197 : memref<10240x64xbf16, #tpu.memory_space<vmem_shared>>)
          } else {
          }
          %dma_start3A_182 = arith.constant 0 : i32
          %dma_start3A_183 = arith.constant 0 : i32
          %dma_start3A_184 = tpu.memref_slice %arg16[%dma_start3A_182, %dma_start3A_183] : memref<10240x64xbf16, #tpu.memory_space<vmem_shared>> -> memref<10240x64xbf16, #tpu.memory_space<vmem_shared>>
          tpu.enqueue_indirect_dma source(%dma_start3A_184 : memref<10240x64xbf16, #tpu.memory_space<vmem_shared>>) target(%arg14 : memref<128x64xbf16, #tpu.memory_space<vmem>>) offsets(%arg8 : memref<128xi32, #tpu.memory_space<vmem>>) semaphore(%arg25 : memref<!tpu.dma_semaphore, #tpu.memory_space<semaphore_mem>>)
          %add3A_185 = arith.constant 1 : i32
          %add3A_186 = arith.addi %while3A_86, %add3A_185 : i32
          %add3A_187 = arith.addi %select_n3A_10, %add3A_186 : i32
          %dma_start3A_188 = arith.constant 0 : i32
          %dma_start3A_189 = arith.constant 0 : i32
          %dma_start3A_190 = tpu.memref_slice %arg4[%add3A_187, %dma_start3A_188, %dma_start3A_189] : memref<2528x1x128xi32, #tpu.memory_space<hbm>> -> memref<1x1x128xi32, #tpu.memory_space<hbm>>
          %dma_start3A_191 = tpu.memref_squeeze %dma_start3A_190 : memref<1x1x128xi32, #tpu.memory_space<hbm>> -> memref<128xi32, #tpu.memory_space<hbm>>
          %dma_start3A_192 = arith.constant 0 : i32
          %dma_start3A_193 = tpu.memref_slice %arg4[%add3A_187, %dma_start3A_188, %dma_start3A_192] : memref<2528x1x128xi32, #tpu.memory_space<hbm>> -> memref<1x1x128xi32, #tpu.memory_space<hbm>>
          %dma_start3A_194 = tpu.memref_squeeze %dma_start3A_193 : memref<1x1x128xi32, #tpu.memory_space<hbm>> -> memref<128xi32, #tpu.memory_space<hbm>>
          tpu.enqueue_dma source(%dma_start3A_194 : memref<128xi32, #tpu.memory_space<hbm>>) target(%arg11 : memref<128xi32, #tpu.memory_space<vmem>>) target_semaphore(%arg22 : memref<!tpu.dma_semaphore, #tpu.memory_space<semaphore_mem>>)
        } else {
        }
        %add3A_164 = arith.constant 2 : i32
        %add3A_165 = arith.addi %while3A_86, %add3A_164 : i32
        %lt3A_166 = arith.cmpi slt, %add3A_165, %select_n3A : i32
        %convert_element_type3A_167 = arith.extui %lt3A_166 : i1 to i32
        %cond3A_168 = arith.constant 0 : i32
        %cond3A_169 = arith.cmpi ne, %convert_element_type3A_167, %cond3A_168 : i32
        scf.if %cond3A_169 {
          %add3A_170 = arith.constant 2 : i32
          %add3A_171 = arith.addi %while3A_86, %add3A_170 : i32
          %add3A_172 = arith.addi %select_n3A_10, %add3A_171 : i32
          %dma_start3A_173 = arith.constant 0 : i32
          %dma_start3A_174 = arith.constant 0 : i32
          %dma_start3A_175 = tpu.memref_slice %arg3[%add3A_172, %dma_start3A_173, %dma_start3A_174] : memref<2528x1x128xi32, #tpu.memory_space<hbm>> -> memref<1x1x128xi32, #tpu.memory_space<hbm>>
          %dma_start3A_176 = tpu.memref_squeeze %dma_start3A_175 : memref<1x1x128xi32, #tpu.memory_space<hbm>> -> memref<128xi32, #tpu.memory_space<hbm>>
          %dma_start3A_177 = arith.constant 0 : i32
          %dma_start3A_178 = tpu.memref_slice %arg3[%add3A_172, %dma_start3A_173, %dma_start3A_177] : memref<2528x1x128xi32, #tpu.memory_space<hbm>> -> memref<1x1x128xi32, #tpu.memory_space<hbm>>
          %dma_start3A_179 = tpu.memref_squeeze %dma_start3A_178 : memref<1x1x128xi32, #tpu.memory_space<hbm>> -> memref<128xi32, #tpu.memory_space<hbm>>
          tpu.enqueue_dma source(%dma_start3A_179 : memref<128xi32, #tpu.memory_space<hbm>>) target(%arg9 : memref<128xi32, #tpu.memory_space<vmem>>) target_semaphore(%arg20 : memref<!tpu.dma_semaphore, #tpu.memory_space<semaphore_mem>>)
        } else {
        }
      } else {
      }
      %jit3A_102 = arith.constant 3 : i32
      %eq3A_103 = arith.constant 0 : i32
      %eq3A_104 = arith.cmpi eq, %jit3A_102, %eq3A_103 : i32
      %jit3A_105 = arith.constant 1 : i32
      %select_n3A_106 = arith.select %eq3A_104, %jit3A_105, %jit3A_102 : i32
      %rem3A_107 = arith.remsi %while3A_86, %select_n3A_106 : i32
      %ne3A_108 = arith.constant 0 : i32
      %ne3A_109 = arith.cmpi ne, %rem3A_107, %ne3A_108 : i32
      %lt3A_110 = arith.constant 0 : i32
      %lt3A_111 = arith.cmpi slt, %rem3A_107, %lt3A_110 : i32
      %lt3A_112 = arith.constant 0 : i32
      %lt3A_113 = arith.cmpi slt, %select_n3A_106, %lt3A_112 : i32
      %ne3A_114 = arith.xori %lt3A_111, %lt3A_113 : i1
      %and3A_115 = arith.andi %ne3A_114, %ne3A_109 : i1
      %add3A_116 = arith.addi %rem3A_107, %select_n3A_106 : i32
      %select_n3A_117 = arith.select %and3A_115, %add3A_116, %rem3A_107 : i32
      %eq3A_118 = arith.constant 1 : i32
      %eq3A_119 = arith.cmpi eq, %select_n3A_117, %eq3A_118 : i32
      %convert_element_type3A_120 = arith.extui %eq3A_119 : i1 to i32
      %cond3A_121 = arith.constant 0 : i32
      %cond3A_122 = arith.cmpi ne, %convert_element_type3A_120, %cond3A_121 : i32
      scf.if %cond3A_122 {
        %dma_wait3A_144 = arith.constant 0 : i32
        %dma_wait3A_145 = arith.constant 0 : i32
        %dma_wait3A_146 = tpu.memref_slice %arg16[%dma_wait3A_144, %dma_wait3A_145] : memref<10240x64xbf16, #tpu.memory_space<vmem_shared>> -> memref<10240x64xbf16, #tpu.memory_space<vmem_shared>>
        tpu.wait_indirect_dma semaphore(%arg25 : memref<!tpu.dma_semaphore, #tpu.memory_space<semaphore_mem>>) src(%dma_wait3A_146 : memref<10240x64xbf16, #tpu.memory_space<vmem_shared>>) dst(%arg14 : memref<128x64xbf16, #tpu.memory_space<vmem>>)
        %dma_wait3A_147 = arith.constant 0 : i32
        %dma_wait3A_148 = arith.constant 0 : i32
        %dma_wait3A_149 = arith.constant 0 : i32
        %dma_wait3A_150 = tpu.memref_slice %arg4[%dma_wait3A_147, %dma_wait3A_148, %dma_wait3A_149] : memref<2528x1x128xi32, #tpu.memory_space<hbm>> -> memref<1x1x128xi32, #tpu.memory_space<hbm>>
        %dma_wait3A_151 = tpu.memref_squeeze %dma_wait3A_150 : memref<1x1x128xi32, #tpu.memory_space<hbm>> -> memref<128xi32, #tpu.memory_space<hbm>>
        %dma_wait3A_152 = arith.constant 0 : i32
        %dma_wait3A_153 = tpu.memref_slice %arg4[%dma_wait3A_147, %dma_wait3A_148, %dma_wait3A_152] : memref<2528x1x128xi32, #tpu.memory_space<hbm>> -> memref<1x1x128xi32, #tpu.memory_space<hbm>>
        %dma_wait3A_154 = tpu.memref_squeeze %dma_wait3A_153 : memref<1x1x128xi32, #tpu.memory_space<hbm>> -> memref<128xi32, #tpu.memory_space<hbm>>
        tpu.wait_dma2 semaphore(%arg22 : memref<!tpu.dma_semaphore, #tpu.memory_space<semaphore_mem>>) src(%dma_wait3A_154 : memref<128xi32, #tpu.memory_space<hbm>>) dst(%arg11 : memref<128xi32, #tpu.memory_space<vmem>>)
        %dma_start3A_155 = arith.constant 0 : i32
        %dma_start3A_156 = arith.constant 0 : i32
        %dma_start3A_157 = tpu.memref_slice %arg17[%dma_start3A_155, %dma_start3A_156] : memref<10240x64xbf16, #tpu.memory_space<vmem_shared>> -> memref<10240x64xbf16, #tpu.memory_space<vmem_shared>>
        tpu.enqueue_indirect_dma source(%arg14 : memref<128x64xbf16, #tpu.memory_space<vmem>>) target(%dma_start3A_157 : memref<10240x64xbf16, #tpu.memory_space<vmem_shared>>) offsets(%arg11 : memref<128xi32, #tpu.memory_space<vmem>>) semaphore(%arg28 : memref<!tpu.dma_semaphore, #tpu.memory_space<semaphore_mem>>) {add = true}
        %add3A_158 = arith.constant 1 : i32
        %add3A_159 = arith.addi %while3A_86, %add3A_158 : i32
        %lt3A_160 = arith.cmpi slt, %add3A_159, %select_n3A : i32
        %convert_element_type3A_161 = arith.extui %lt3A_160 : i1 to i32
        %cond3A_162 = arith.constant 0 : i32
        %cond3A_163 = arith.cmpi ne, %convert_element_type3A_161, %cond3A_162 : i32
        scf.if %cond3A_163 {
          %dma_wait3A_170 = arith.constant 0 : i32
          %dma_wait3A_171 = arith.constant 0 : i32
          %dma_wait3A_172 = arith.constant 0 : i32
          %dma_wait3A_173 = tpu.memref_slice %arg3[%dma_wait3A_170, %dma_wait3A_171, %dma_wait3A_172] : memref<2528x1x128xi32, #tpu.memory_space<hbm>> -> memref<1x1x128xi32, #tpu.memory_space<hbm>>
          %dma_wait3A_174 = tpu.memref_squeeze %dma_wait3A_173 : memref<1x1x128xi32, #tpu.memory_space<hbm>> -> memref<128xi32, #tpu.memory_space<hbm>>
          %dma_wait3A_175 = arith.constant 0 : i32
          %dma_wait3A_176 = tpu.memref_slice %arg3[%dma_wait3A_170, %dma_wait3A_171, %dma_wait3A_175] : memref<2528x1x128xi32, #tpu.memory_space<hbm>> -> memref<1x1x128xi32, #tpu.memory_space<hbm>>
          %dma_wait3A_177 = tpu.memref_squeeze %dma_wait3A_176 : memref<1x1x128xi32, #tpu.memory_space<hbm>> -> memref<128xi32, #tpu.memory_space<hbm>>
          tpu.wait_dma2 semaphore(%arg20 : memref<!tpu.dma_semaphore, #tpu.memory_space<semaphore_mem>>) src(%dma_wait3A_177 : memref<128xi32, #tpu.memory_space<hbm>>) dst(%arg9 : memref<128xi32, #tpu.memory_space<vmem>>)
          %ge3A = arith.constant 2 : i32
          %ge3A_178 = arith.cmpi sge, %while3A_86, %ge3A : i32
          %convert_element_type3A_179 = arith.extui %ge3A_178 : i1 to i32
          %cond3A_180 = arith.constant 0 : i32
          %cond3A_181 = arith.cmpi ne, %convert_element_type3A_179, %cond3A_180 : i32
          scf.if %cond3A_181 {
            %dma_wait3A_195 = arith.constant 0 : i32
            %dma_wait3A_196 = arith.constant 0 : i32
            %dma_wait3A_197 = tpu.memref_slice %arg17[%dma_wait3A_195, %dma_wait3A_196] : memref<10240x64xbf16, #tpu.memory_space<vmem_shared>> -> memref<10240x64xbf16, #tpu.memory_space<vmem_shared>>
            tpu.wait_indirect_dma semaphore(%arg29 : memref<!tpu.dma_semaphore, #tpu.memory_space<semaphore_mem>>) src(%arg15 : memref<128x64xbf16, #tpu.memory_space<vmem>>) dst(%dma_wait3A_197 : memref<10240x64xbf16, #tpu.memory_space<vmem_shared>>)
          } else {
          }
          %dma_start3A_182 = arith.constant 0 : i32
          %dma_start3A_183 = arith.constant 0 : i32
          %dma_start3A_184 = tpu.memref_slice %arg16[%dma_start3A_182, %dma_start3A_183] : memref<10240x64xbf16, #tpu.memory_space<vmem_shared>> -> memref<10240x64xbf16, #tpu.memory_space<vmem_shared>>
          tpu.enqueue_indirect_dma source(%dma_start3A_184 : memref<10240x64xbf16, #tpu.memory_space<vmem_shared>>) target(%arg15 : memref<128x64xbf16, #tpu.memory_space<vmem>>) offsets(%arg9 : memref<128xi32, #tpu.memory_space<vmem>>) semaphore(%arg26 : memref<!tpu.dma_semaphore, #tpu.memory_space<semaphore_mem>>)
          %add3A_185 = arith.constant 1 : i32
          %add3A_186 = arith.addi %while3A_86, %add3A_185 : i32
          %add3A_187 = arith.addi %select_n3A_10, %add3A_186 : i32
          %dma_start3A_188 = arith.constant 0 : i32
          %dma_start3A_189 = arith.constant 0 : i32
          %dma_start3A_190 = tpu.memref_slice %arg4[%add3A_187, %dma_start3A_188, %dma_start3A_189] : memref<2528x1x128xi32, #tpu.memory_space<hbm>> -> memref<1x1x128xi32, #tpu.memory_space<hbm>>
          %dma_start3A_191 = tpu.memref_squeeze %dma_start3A_190 : memref<1x1x128xi32, #tpu.memory_space<hbm>> -> memref<128xi32, #tpu.memory_space<hbm>>
          %dma_start3A_192 = arith.constant 0 : i32
          %dma_start3A_193 = tpu.memref_slice %arg4[%add3A_187, %dma_start3A_188, %dma_start3A_192] : memref<2528x1x128xi32, #tpu.memory_space<hbm>> -> memref<1x1x128xi32, #tpu.memory_space<hbm>>
          %dma_start3A_194 = tpu.memref_squeeze %dma_start3A_193 : memref<1x1x128xi32, #tpu.memory_space<hbm>> -> memref<128xi32, #tpu.memory_space<hbm>>
          tpu.enqueue_dma source(%dma_start3A_194 : memref<128xi32, #tpu.memory_space<hbm>>) target(%arg12 : memref<128xi32, #tpu.memory_space<vmem>>) target_semaphore(%arg23 : memref<!tpu.dma_semaphore, #tpu.memory_space<semaphore_mem>>)
        } else {
        }
        %add3A_164 = arith.constant 2 : i32
        %add3A_165 = arith.addi %while3A_86, %add3A_164 : i32
        %lt3A_166 = arith.cmpi slt, %add3A_165, %select_n3A : i32
        %convert_element_type3A_167 = arith.extui %lt3A_166 : i1 to i32
        %cond3A_168 = arith.constant 0 : i32
        %cond3A_169 = arith.cmpi ne, %convert_element_type3A_167, %cond3A_168 : i32
        scf.if %cond3A_169 {
          %add3A_170 = arith.constant 2 : i32
          %add3A_171 = arith.addi %while3A_86, %add3A_170 : i32
          %add3A_172 = arith.addi %select_n3A_10, %add3A_171 : i32
          %dma_start3A_173 = arith.constant 0 : i32
          %dma_start3A_174 = arith.constant 0 : i32
          %dma_start3A_175 = tpu.memref_slice %arg3[%add3A_172, %dma_start3A_173, %dma_start3A_174] : memref<2528x1x128xi32, #tpu.memory_space<hbm>> -> memref<1x1x128xi32, #tpu.memory_space<hbm>>
          %dma_start3A_176 = tpu.memref_squeeze %dma_start3A_175 : memref<1x1x128xi32, #tpu.memory_space<hbm>> -> memref<128xi32, #tpu.memory_space<hbm>>
          %dma_start3A_177 = arith.constant 0 : i32
          %dma_start3A_178 = tpu.memref_slice %arg3[%add3A_172, %dma_start3A_173, %dma_start3A_177] : memref<2528x1x128xi32, #tpu.memory_space<hbm>> -> memref<1x1x128xi32, #tpu.memory_space<hbm>>
          %dma_start3A_179 = tpu.memref_squeeze %dma_start3A_178 : memref<1x1x128xi32, #tpu.memory_space<hbm>> -> memref<128xi32, #tpu.memory_space<hbm>>
          tpu.enqueue_dma source(%dma_start3A_179 : memref<128xi32, #tpu.memory_space<hbm>>) target(%arg7 : memref<128xi32, #tpu.memory_space<vmem>>) target_semaphore(%arg18 : memref<!tpu.dma_semaphore, #tpu.memory_space<semaphore_mem>>)
        } else {
        }
      } else {
      }
      %jit3A_123 = arith.constant 3 : i32
      %eq3A_124 = arith.constant 0 : i32
      %eq3A_125 = arith.cmpi eq, %jit3A_123, %eq3A_124 : i32
      %jit3A_126 = arith.constant 1 : i32
      %select_n3A_127 = arith.select %eq3A_125, %jit3A_126, %jit3A_123 : i32
      %rem3A_128 = arith.remsi %while3A_86, %select_n3A_127 : i32
      %ne3A_129 = arith.constant 0 : i32
      %ne3A_130 = arith.cmpi ne, %rem3A_128, %ne3A_129 : i32
      %lt3A_131 = arith.constant 0 : i32
      %lt3A_132 = arith.cmpi slt, %rem3A_128, %lt3A_131 : i32
      %lt3A_133 = arith.constant 0 : i32
      %lt3A_134 = arith.cmpi slt, %select_n3A_127, %lt3A_133 : i32
      %ne3A_135 = arith.xori %lt3A_132, %lt3A_134 : i1
      %and3A_136 = arith.andi %ne3A_135, %ne3A_130 : i1
      %add3A_137 = arith.addi %rem3A_128, %select_n3A_127 : i32
      %select_n3A_138 = arith.select %and3A_136, %add3A_137, %rem3A_128 : i32
      %eq3A_139 = arith.constant 2 : i32
      %eq3A_140 = arith.cmpi eq, %select_n3A_138, %eq3A_139 : i32
      %convert_element_type3A_141 = arith.extui %eq3A_140 : i1 to i32
      %cond3A_142 = arith.constant 0 : i32
      %cond3A_143 = arith.cmpi ne, %convert_element_type3A_141, %cond3A_142 : i32
      scf.if %cond3A_143 {
        %dma_wait3A_144 = arith.constant 0 : i32
        %dma_wait3A_145 = arith.constant 0 : i32
        %dma_wait3A_146 = tpu.memref_slice %arg16[%dma_wait3A_144, %dma_wait3A_145] : memref<10240x64xbf16, #tpu.memory_space<vmem_shared>> -> memref<10240x64xbf16, #tpu.memory_space<vmem_shared>>
        tpu.wait_indirect_dma semaphore(%arg26 : memref<!tpu.dma_semaphore, #tpu.memory_space<semaphore_mem>>) src(%dma_wait3A_146 : memref<10240x64xbf16, #tpu.memory_space<vmem_shared>>) dst(%arg15 : memref<128x64xbf16, #tpu.memory_space<vmem>>)
        %dma_wait3A_147 = arith.constant 0 : i32
        %dma_wait3A_148 = arith.constant 0 : i32
        %dma_wait3A_149 = arith.constant 0 : i32
        %dma_wait3A_150 = tpu.memref_slice %arg4[%dma_wait3A_147, %dma_wait3A_148, %dma_wait3A_149] : memref<2528x1x128xi32, #tpu.memory_space<hbm>> -> memref<1x1x128xi32, #tpu.memory_space<hbm>>
        %dma_wait3A_151 = tpu.memref_squeeze %dma_wait3A_150 : memref<1x1x128xi32, #tpu.memory_space<hbm>> -> memref<128xi32, #tpu.memory_space<hbm>>
        %dma_wait3A_152 = arith.constant 0 : i32
        %dma_wait3A_153 = tpu.memref_slice %arg4[%dma_wait3A_147, %dma_wait3A_148, %dma_wait3A_152] : memref<2528x1x128xi32, #tpu.memory_space<hbm>> -> memref<1x1x128xi32, #tpu.memory_space<hbm>>
        %dma_wait3A_154 = tpu.memref_squeeze %dma_wait3A_153 : memref<1x1x128xi32, #tpu.memory_space<hbm>> -> memref<128xi32, #tpu.memory_space<hbm>>
        tpu.wait_dma2 semaphore(%arg23 : memref<!tpu.dma_semaphore, #tpu.memory_space<semaphore_mem>>) src(%dma_wait3A_154 : memref<128xi32, #tpu.memory_space<hbm>>) dst(%arg12 : memref<128xi32, #tpu.memory_space<vmem>>)
        %dma_start3A_155 = arith.constant 0 : i32
        %dma_start3A_156 = arith.constant 0 : i32
        %dma_start3A_157 = tpu.memref_slice %arg17[%dma_start3A_155, %dma_start3A_156] : memref<10240x64xbf16, #tpu.memory_space<vmem_shared>> -> memref<10240x64xbf16, #tpu.memory_space<vmem_shared>>
        tpu.enqueue_indirect_dma source(%arg15 : memref<128x64xbf16, #tpu.memory_space<vmem>>) target(%dma_start3A_157 : memref<10240x64xbf16, #tpu.memory_space<vmem_shared>>) offsets(%arg12 : memref<128xi32, #tpu.memory_space<vmem>>) semaphore(%arg29 : memref<!tpu.dma_semaphore, #tpu.memory_space<semaphore_mem>>) {add = true}
        %add3A_158 = arith.constant 1 : i32
        %add3A_159 = arith.addi %while3A_86, %add3A_158 : i32
        %lt3A_160 = arith.cmpi slt, %add3A_159, %select_n3A : i32
        %convert_element_type3A_161 = arith.extui %lt3A_160 : i1 to i32
        %cond3A_162 = arith.constant 0 : i32
        %cond3A_163 = arith.cmpi ne, %convert_element_type3A_161, %cond3A_162 : i32
        scf.if %cond3A_163 {
          %dma_wait3A_170 = arith.constant 0 : i32
          %dma_wait3A_171 = arith.constant 0 : i32
          %dma_wait3A_172 = arith.constant 0 : i32
          %dma_wait3A_173 = tpu.memref_slice %arg3[%dma_wait3A_170, %dma_wait3A_171, %dma_wait3A_172] : memref<2528x1x128xi32, #tpu.memory_space<hbm>> -> memref<1x1x128xi32, #tpu.memory_space<hbm>>
          %dma_wait3A_174 = tpu.memref_squeeze %dma_wait3A_173 : memref<1x1x128xi32, #tpu.memory_space<hbm>> -> memref<128xi32, #tpu.memory_space<hbm>>
          %dma_wait3A_175 = arith.constant 0 : i32
          %dma_wait3A_176 = tpu.memref_slice %arg3[%dma_wait3A_170, %dma_wait3A_171, %dma_wait3A_175] : memref<2528x1x128xi32, #tpu.memory_space<hbm>> -> memref<1x1x128xi32, #tpu.memory_space<hbm>>
          %dma_wait3A_177 = tpu.memref_squeeze %dma_wait3A_176 : memref<1x1x128xi32, #tpu.memory_space<hbm>> -> memref<128xi32, #tpu.memory_space<hbm>>
          tpu.wait_dma2 semaphore(%arg18 : memref<!tpu.dma_semaphore, #tpu.memory_space<semaphore_mem>>) src(%dma_wait3A_177 : memref<128xi32, #tpu.memory_space<hbm>>) dst(%arg7 : memref<128xi32, #tpu.memory_space<vmem>>)
          %ge3A = arith.constant 2 : i32
          %ge3A_178 = arith.cmpi sge, %while3A_86, %ge3A : i32
          %convert_element_type3A_179 = arith.extui %ge3A_178 : i1 to i32
          %cond3A_180 = arith.constant 0 : i32
          %cond3A_181 = arith.cmpi ne, %convert_element_type3A_179, %cond3A_180 : i32
          scf.if %cond3A_181 {
            %dma_wait3A_195 = arith.constant 0 : i32
            %dma_wait3A_196 = arith.constant 0 : i32
            %dma_wait3A_197 = tpu.memref_slice %arg17[%dma_wait3A_195, %dma_wait3A_196] : memref<10240x64xbf16, #tpu.memory_space<vmem_shared>> -> memref<10240x64xbf16, #tpu.memory_space<vmem_shared>>
            tpu.wait_indirect_dma semaphore(%arg27 : memref<!tpu.dma_semaphore, #tpu.memory_space<semaphore_mem>>) src(%arg13 : memref<128x64xbf16, #tpu.memory_space<vmem>>) dst(%dma_wait3A_197 : memref<10240x64xbf16, #tpu.memory_space<vmem_shared>>)
          } else {
          }
          %dma_start3A_182 = arith.constant 0 : i32
          %dma_start3A_183 = arith.constant 0 : i32
          %dma_start3A_184 = tpu.memref_slice %arg16[%dma_start3A_182, %dma_start3A_183] : memref<10240x64xbf16, #tpu.memory_space<vmem_shared>> -> memref<10240x64xbf16, #tpu.memory_space<vmem_shared>>
          tpu.enqueue_indirect_dma source(%dma_start3A_184 : memref<10240x64xbf16, #tpu.memory_space<vmem_shared>>) target(%arg13 : memref<128x64xbf16, #tpu.memory_space<vmem>>) offsets(%arg7 : memref<128xi32, #tpu.memory_space<vmem>>) semaphore(%arg24 : memref<!tpu.dma_semaphore, #tpu.memory_space<semaphore_mem>>)
          %add3A_185 = arith.constant 1 : i32
          %add3A_186 = arith.addi %while3A_86, %add3A_185 : i32
          %add3A_187 = arith.addi %select_n3A_10, %add3A_186 : i32
          %dma_start3A_188 = arith.constant 0 : i32
          %dma_start3A_189 = arith.constant 0 : i32
          %dma_start3A_190 = tpu.memref_slice %arg4[%add3A_187, %dma_start3A_188, %dma_start3A_189] : memref<2528x1x128xi32, #tpu.memory_space<hbm>> -> memref<1x1x128xi32, #tpu.memory_space<hbm>>
          %dma_start3A_191 = tpu.memref_squeeze %dma_start3A_190 : memref<1x1x128xi32, #tpu.memory_space<hbm>> -> memref<128xi32, #tpu.memory_space<hbm>>
          %dma_start3A_192 = arith.constant 0 : i32
          %dma_start3A_193 = tpu.memref_slice %arg4[%add3A_187, %dma_start3A_188, %dma_start3A_192] : memref<2528x1x128xi32, #tpu.memory_space<hbm>> -> memref<1x1x128xi32, #tpu.memory_space<hbm>>
          %dma_start3A_194 = tpu.memref_squeeze %dma_start3A_193 : memref<1x1x128xi32, #tpu.memory_space<hbm>> -> memref<128xi32, #tpu.memory_space<hbm>>
          tpu.enqueue_dma source(%dma_start3A_194 : memref<128xi32, #tpu.memory_space<hbm>>) target(%arg10 : memref<128xi32, #tpu.memory_space<vmem>>) target_semaphore(%arg21 : memref<!tpu.dma_semaphore, #tpu.memory_space<semaphore_mem>>)
        } else {
        }
        %add3A_164 = arith.constant 2 : i32
        %add3A_165 = arith.addi %while3A_86, %add3A_164 : i32
        %lt3A_166 = arith.cmpi slt, %add3A_165, %select_n3A : i32
        %convert_element_type3A_167 = arith.extui %lt3A_166 : i1 to i32
        %cond3A_168 = arith.constant 0 : i32
        %cond3A_169 = arith.cmpi ne, %convert_element_type3A_167, %cond3A_168 : i32
        scf.if %cond3A_169 {
          %add3A_170 = arith.constant 2 : i32
          %add3A_171 = arith.addi %while3A_86, %add3A_170 : i32
          %add3A_172 = arith.addi %select_n3A_10, %add3A_171 : i32
          %dma_start3A_173 = arith.constant 0 : i32
          %dma_start3A_174 = arith.constant 0 : i32
          %dma_start3A_175 = tpu.memref_slice %arg3[%add3A_172, %dma_start3A_173, %dma_start3A_174] : memref<2528x1x128xi32, #tpu.memory_space<hbm>> -> memref<1x1x128xi32, #tpu.memory_space<hbm>>
          %dma_start3A_176 = tpu.memref_squeeze %dma_start3A_175 : memref<1x1x128xi32, #tpu.memory_space<hbm>> -> memref<128xi32, #tpu.memory_space<hbm>>
          %dma_start3A_177 = arith.constant 0 : i32
          %dma_start3A_178 = tpu.memref_slice %arg3[%add3A_172, %dma_start3A_173, %dma_start3A_177] : memref<2528x1x128xi32, #tpu.memory_space<hbm>> -> memref<1x1x128xi32, #tpu.memory_space<hbm>>
          %dma_start3A_179 = tpu.memref_squeeze %dma_start3A_178 : memref<1x1x128xi32, #tpu.memory_space<hbm>> -> memref<128xi32, #tpu.memory_space<hbm>>
          tpu.enqueue_dma source(%dma_start3A_179 : memref<128xi32, #tpu.memory_space<hbm>>) target(%arg8 : memref<128xi32, #tpu.memory_space<vmem>>) target_semaphore(%arg19 : memref<!tpu.dma_semaphore, #tpu.memory_space<semaphore_mem>>)
        } else {
        }
      } else {
      }
    }
    %while3A_75 = arith.constant 1 : i32
    scf.for %while3A_86 = %while3A_73 to %while3A_69 step %while3A_75  : i32 {
      %jit3A_87 = arith.constant 3 : i32
      %eq3A_88 = arith.constant 0 : i32
      %eq3A_89 = arith.cmpi eq, %jit3A_87, %eq3A_88 : i32
      %jit3A_90 = arith.constant 1 : i32
      %select_n3A_91 = arith.select %eq3A_89, %jit3A_90, %jit3A_87 : i32
      %rem3A = arith.remsi %while3A_86, %select_n3A_91 : i32
      %ne3A = arith.constant 0 : i32
      %ne3A_92 = arith.cmpi ne, %rem3A, %ne3A : i32
      %lt3A = arith.constant 0 : i32
      %lt3A_93 = arith.cmpi slt, %rem3A, %lt3A : i32
      %lt3A_94 = arith.constant 0 : i32
      %lt3A_95 = arith.cmpi slt, %select_n3A_91, %lt3A_94 : i32
      %ne3A_96 = arith.xori %lt3A_93, %lt3A_95 : i1
      %and3A = arith.andi %ne3A_96, %ne3A_92 : i1
      %add3A_97 = arith.addi %rem3A, %select_n3A_91 : i32
      %select_n3A_98 = arith.select %and3A, %add3A_97, %rem3A : i32
      %eq3A_99 = arith.constant 0 : i32
      %eq3A_100 = arith.cmpi eq, %select_n3A_98, %eq3A_99 : i32
      %convert_element_type3A = arith.extui %eq3A_100 : i1 to i32
      %cond3A = arith.constant 0 : i32
      %cond3A_101 = arith.cmpi ne, %convert_element_type3A, %cond3A : i32
      scf.if %cond3A_101 {
        %dma_wait3A_144 = arith.constant 0 : i32
        %dma_wait3A_145 = arith.constant 0 : i32
        %dma_wait3A_146 = tpu.memref_slice %arg16[%dma_wait3A_144, %dma_wait3A_145] : memref<10240x64xbf16, #tpu.memory_space<vmem_shared>> -> memref<10240x64xbf16, #tpu.memory_space<vmem_shared>>
        tpu.wait_indirect_dma semaphore(%arg24 : memref<!tpu.dma_semaphore, #tpu.memory_space<semaphore_mem>>) src(%dma_wait3A_146 : memref<10240x64xbf16, #tpu.memory_space<vmem_shared>>) dst(%arg13 : memref<128x64xbf16, #tpu.memory_space<vmem>>)
        %dma_wait3A_147 = arith.constant 0 : i32
        %dma_wait3A_148 = arith.constant 0 : i32
        %dma_wait3A_149 = arith.constant 0 : i32
        %dma_wait3A_150 = tpu.memref_slice %arg4[%dma_wait3A_147, %dma_wait3A_148, %dma_wait3A_149] : memref<2528x1x128xi32, #tpu.memory_space<hbm>> -> memref<1x1x128xi32, #tpu.memory_space<hbm>>
        %dma_wait3A_151 = tpu.memref_squeeze %dma_wait3A_150 : memref<1x1x128xi32, #tpu.memory_space<hbm>> -> memref<128xi32, #tpu.memory_space<hbm>>
        %dma_wait3A_152 = arith.constant 0 : i32
        %dma_wait3A_153 = tpu.memref_slice %arg4[%dma_wait3A_147, %dma_wait3A_148, %dma_wait3A_152] : memref<2528x1x128xi32, #tpu.memory_space<hbm>> -> memref<1x1x128xi32, #tpu.memory_space<hbm>>
        %dma_wait3A_154 = tpu.memref_squeeze %dma_wait3A_153 : memref<1x1x128xi32, #tpu.memory_space<hbm>> -> memref<128xi32, #tpu.memory_space<hbm>>
        tpu.wait_dma2 semaphore(%arg21 : memref<!tpu.dma_semaphore, #tpu.memory_space<semaphore_mem>>) src(%dma_wait3A_154 : memref<128xi32, #tpu.memory_space<hbm>>) dst(%arg10 : memref<128xi32, #tpu.memory_space<vmem>>)
        %dma_start3A_155 = arith.constant 0 : i32
        %dma_start3A_156 = arith.constant 0 : i32
        %dma_start3A_157 = tpu.memref_slice %arg17[%dma_start3A_155, %dma_start3A_156] : memref<10240x64xbf16, #tpu.memory_space<vmem_shared>> -> memref<10240x64xbf16, #tpu.memory_space<vmem_shared>>
        tpu.enqueue_indirect_dma source(%arg13 : memref<128x64xbf16, #tpu.memory_space<vmem>>) target(%dma_start3A_157 : memref<10240x64xbf16, #tpu.memory_space<vmem_shared>>) offsets(%arg10 : memref<128xi32, #tpu.memory_space<vmem>>) semaphore(%arg27 : memref<!tpu.dma_semaphore, #tpu.memory_space<semaphore_mem>>) {add = true}
        %add3A_158 = arith.constant 1 : i32
        %add3A_159 = arith.addi %while3A_86, %add3A_158 : i32
        %lt3A_160 = arith.cmpi slt, %add3A_159, %select_n3A : i32
        %convert_element_type3A_161 = arith.extui %lt3A_160 : i1 to i32
        %cond3A_162 = arith.constant 0 : i32
        %cond3A_163 = arith.cmpi ne, %convert_element_type3A_161, %cond3A_162 : i32
        scf.if %cond3A_163 {
          %dma_wait3A_170 = arith.constant 0 : i32
          %dma_wait3A_171 = arith.constant 0 : i32
          %dma_wait3A_172 = arith.constant 0 : i32
          %dma_wait3A_173 = tpu.memref_slice %arg3[%dma_wait3A_170, %dma_wait3A_171, %dma_wait3A_172] : memref<2528x1x128xi32, #tpu.memory_space<hbm>> -> memref<1x1x128xi32, #tpu.memory_space<hbm>>
          %dma_wait3A_174 = tpu.memref_squeeze %dma_wait3A_173 : memref<1x1x128xi32, #tpu.memory_space<hbm>> -> memref<128xi32, #tpu.memory_space<hbm>>
          %dma_wait3A_175 = arith.constant 0 : i32
          %dma_wait3A_176 = tpu.memref_slice %arg3[%dma_wait3A_170, %dma_wait3A_171, %dma_wait3A_175] : memref<2528x1x128xi32, #tpu.memory_space<hbm>> -> memref<1x1x128xi32, #tpu.memory_space<hbm>>
          %dma_wait3A_177 = tpu.memref_squeeze %dma_wait3A_176 : memref<1x1x128xi32, #tpu.memory_space<hbm>> -> memref<128xi32, #tpu.memory_space<hbm>>
          tpu.wait_dma2 semaphore(%arg19 : memref<!tpu.dma_semaphore, #tpu.memory_space<semaphore_mem>>) src(%dma_wait3A_177 : memref<128xi32, #tpu.memory_space<hbm>>) dst(%arg8 : memref<128xi32, #tpu.memory_space<vmem>>)
          %ge3A = arith.constant 2 : i32
          %ge3A_178 = arith.cmpi sge, %while3A_86, %ge3A : i32
          %convert_element_type3A_179 = arith.extui %ge3A_178 : i1 to i32
          %cond3A_180 = arith.constant 0 : i32
          %cond3A_181 = arith.cmpi ne, %convert_element_type3A_179, %cond3A_180 : i32
          scf.if %cond3A_181 {
            %dma_wait3A_195 = arith.constant 0 : i32
            %dma_wait3A_196 = arith.constant 0 : i32
            %dma_wait3A_197 = tpu.memref_slice %arg17[%dma_wait3A_195, %dma_wait3A_196] : memref<10240x64xbf16, #tpu.memory_space<vmem_shared>> -> memref<10240x64xbf16, #tpu.memory_space<vmem_shared>>
            tpu.wait_indirect_dma semaphore(%arg28 : memref<!tpu.dma_semaphore, #tpu.memory_space<semaphore_mem>>) src(%arg14 : memref<128x64xbf16, #tpu.memory_space<vmem>>) dst(%dma_wait3A_197 : memref<10240x64xbf16, #tpu.memory_space<vmem_shared>>)
          } else {
          }
          %dma_start3A_182 = arith.constant 0 : i32
          %dma_start3A_183 = arith.constant 0 : i32
          %dma_start3A_184 = tpu.memref_slice %arg16[%dma_start3A_182, %dma_start3A_183] : memref<10240x64xbf16, #tpu.memory_space<vmem_shared>> -> memref<10240x64xbf16, #tpu.memory_space<vmem_shared>>
          tpu.enqueue_indirect_dma source(%dma_start3A_184 : memref<10240x64xbf16, #tpu.memory_space<vmem_shared>>) target(%arg14 : memref<128x64xbf16, #tpu.memory_space<vmem>>) offsets(%arg8 : memref<128xi32, #tpu.memory_space<vmem>>) semaphore(%arg25 : memref<!tpu.dma_semaphore, #tpu.memory_space<semaphore_mem>>)
          %add3A_185 = arith.constant 1 : i32
          %add3A_186 = arith.addi %while3A_86, %add3A_185 : i32
          %add3A_187 = arith.addi %select_n3A_10, %add3A_186 : i32
          %dma_start3A_188 = arith.constant 0 : i32
          %dma_start3A_189 = arith.constant 0 : i32
          %dma_start3A_190 = tpu.memref_slice %arg4[%add3A_187, %dma_start3A_188, %dma_start3A_189] : memref<2528x1x128xi32, #tpu.memory_space<hbm>> -> memref<1x1x128xi32, #tpu.memory_space<hbm>>
          %dma_start3A_191 = tpu.memref_squeeze %dma_start3A_190 : memref<1x1x128xi32, #tpu.memory_space<hbm>> -> memref<128xi32, #tpu.memory_space<hbm>>
          %dma_start3A_192 = arith.constant 0 : i32
          %dma_start3A_193 = tpu.memref_slice %arg4[%add3A_187, %dma_start3A_188, %dma_start3A_192] : memref<2528x1x128xi32, #tpu.memory_space<hbm>> -> memref<1x1x128xi32, #tpu.memory_space<hbm>>
          %dma_start3A_194 = tpu.memref_squeeze %dma_start3A_193 : memref<1x1x128xi32, #tpu.memory_space<hbm>> -> memref<128xi32, #tpu.memory_space<hbm>>
          tpu.enqueue_dma source(%dma_start3A_194 : memref<128xi32, #tpu.memory_space<hbm>>) target(%arg11 : memref<128xi32, #tpu.memory_space<vmem>>) target_semaphore(%arg22 : memref<!tpu.dma_semaphore, #tpu.memory_space<semaphore_mem>>)
        } else {
        }
        %add3A_164 = arith.constant 2 : i32
        %add3A_165 = arith.addi %while3A_86, %add3A_164 : i32
        %lt3A_166 = arith.cmpi slt, %add3A_165, %select_n3A : i32
        %convert_element_type3A_167 = arith.extui %lt3A_166 : i1 to i32
        %cond3A_168 = arith.constant 0 : i32
        %cond3A_169 = arith.cmpi ne, %convert_element_type3A_167, %cond3A_168 : i32
        scf.if %cond3A_169 {
          %add3A_170 = arith.constant 2 : i32
          %add3A_171 = arith.addi %while3A_86, %add3A_170 : i32
          %add3A_172 = arith.addi %select_n3A_10, %add3A_171 : i32
          %dma_start3A_173 = arith.constant 0 : i32
          %dma_start3A_174 = arith.constant 0 : i32
          %dma_start3A_175 = tpu.memref_slice %arg3[%add3A_172, %dma_start3A_173, %dma_start3A_174] : memref<2528x1x128xi32, #tpu.memory_space<hbm>> -> memref<1x1x128xi32, #tpu.memory_space<hbm>>
          %dma_start3A_176 = tpu.memref_squeeze %dma_start3A_175 : memref<1x1x128xi32, #tpu.memory_space<hbm>> -> memref<128xi32, #tpu.memory_space<hbm>>
          %dma_start3A_177 = arith.constant 0 : i32
          %dma_start3A_178 = tpu.memref_slice %arg3[%add3A_172, %dma_start3A_173, %dma_start3A_177] : memref<2528x1x128xi32, #tpu.memory_space<hbm>> -> memref<1x1x128xi32, #tpu.memory_space<hbm>>
          %dma_start3A_179 = tpu.memref_squeeze %dma_start3A_178 : memref<1x1x128xi32, #tpu.memory_space<hbm>> -> memref<128xi32, #tpu.memory_space<hbm>>
          tpu.enqueue_dma source(%dma_start3A_179 : memref<128xi32, #tpu.memory_space<hbm>>) target(%arg9 : memref<128xi32, #tpu.memory_space<vmem>>) target_semaphore(%arg20 : memref<!tpu.dma_semaphore, #tpu.memory_space<semaphore_mem>>)
        } else {
        }
      } else {
      }
      %jit3A_102 = arith.constant 3 : i32
      %eq3A_103 = arith.constant 0 : i32
      %eq3A_104 = arith.cmpi eq, %jit3A_102, %eq3A_103 : i32
      %jit3A_105 = arith.constant 1 : i32
      %select_n3A_106 = arith.select %eq3A_104, %jit3A_105, %jit3A_102 : i32
      %rem3A_107 = arith.remsi %while3A_86, %select_n3A_106 : i32
      %ne3A_108 = arith.constant 0 : i32
      %ne3A_109 = arith.cmpi ne, %rem3A_107, %ne3A_108 : i32
      %lt3A_110 = arith.constant 0 : i32
      %lt3A_111 = arith.cmpi slt, %rem3A_107, %lt3A_110 : i32
      %lt3A_112 = arith.constant 0 : i32
      %lt3A_113 = arith.cmpi slt, %select_n3A_106, %lt3A_112 : i32
      %ne3A_114 = arith.xori %lt3A_111, %lt3A_113 : i1
      %and3A_115 = arith.andi %ne3A_114, %ne3A_109 : i1
      %add3A_116 = arith.addi %rem3A_107, %select_n3A_106 : i32
      %select_n3A_117 = arith.select %and3A_115, %add3A_116, %rem3A_107 : i32
      %eq3A_118 = arith.constant 1 : i32
      %eq3A_119 = arith.cmpi eq, %select_n3A_117, %eq3A_118 : i32
      %convert_element_type3A_120 = arith.extui %eq3A_119 : i1 to i32
      %cond3A_121 = arith.constant 0 : i32
      %cond3A_122 = arith.cmpi ne, %convert_element_type3A_120, %cond3A_121 : i32
      scf.if %cond3A_122 {
        %dma_wait3A_144 = arith.constant 0 : i32
        %dma_wait3A_145 = arith.constant 0 : i32
        %dma_wait3A_146 = tpu.memref_slice %arg16[%dma_wait3A_144, %dma_wait3A_145] : memref<10240x64xbf16, #tpu.memory_space<vmem_shared>> -> memref<10240x64xbf16, #tpu.memory_space<vmem_shared>>
        tpu.wait_indirect_dma semaphore(%arg25 : memref<!tpu.dma_semaphore, #tpu.memory_space<semaphore_mem>>) src(%dma_wait3A_146 : memref<10240x64xbf16, #tpu.memory_space<vmem_shared>>) dst(%arg14 : memref<128x64xbf16, #tpu.memory_space<vmem>>)
        %dma_wait3A_147 = arith.constant 0 : i32
        %dma_wait3A_148 = arith.constant 0 : i32
        %dma_wait3A_149 = arith.constant 0 : i32
        %dma_wait3A_150 = tpu.memref_slice %arg4[%dma_wait3A_147, %dma_wait3A_148, %dma_wait3A_149] : memref<2528x1x128xi32, #tpu.memory_space<hbm>> -> memref<1x1x128xi32, #tpu.memory_space<hbm>>
        %dma_wait3A_151 = tpu.memref_squeeze %dma_wait3A_150 : memref<1x1x128xi32, #tpu.memory_space<hbm>> -> memref<128xi32, #tpu.memory_space<hbm>>
        %dma_wait3A_152 = arith.constant 0 : i32
        %dma_wait3A_153 = tpu.memref_slice %arg4[%dma_wait3A_147, %dma_wait3A_148, %dma_wait3A_152] : memref<2528x1x128xi32, #tpu.memory_space<hbm>> -> memref<1x1x128xi32, #tpu.memory_space<hbm>>
        %dma_wait3A_154 = tpu.memref_squeeze %dma_wait3A_153 : memref<1x1x128xi32, #tpu.memory_space<hbm>> -> memref<128xi32, #tpu.memory_space<hbm>>
        tpu.wait_dma2 semaphore(%arg22 : memref<!tpu.dma_semaphore, #tpu.memory_space<semaphore_mem>>) src(%dma_wait3A_154 : memref<128xi32, #tpu.memory_space<hbm>>) dst(%arg11 : memref<128xi32, #tpu.memory_space<vmem>>)
        %dma_start3A_155 = arith.constant 0 : i32
        %dma_start3A_156 = arith.constant 0 : i32
        %dma_start3A_157 = tpu.memref_slice %arg17[%dma_start3A_155, %dma_start3A_156] : memref<10240x64xbf16, #tpu.memory_space<vmem_shared>> -> memref<10240x64xbf16, #tpu.memory_space<vmem_shared>>
        tpu.enqueue_indirect_dma source(%arg14 : memref<128x64xbf16, #tpu.memory_space<vmem>>) target(%dma_start3A_157 : memref<10240x64xbf16, #tpu.memory_space<vmem_shared>>) offsets(%arg11 : memref<128xi32, #tpu.memory_space<vmem>>) semaphore(%arg28 : memref<!tpu.dma_semaphore, #tpu.memory_space<semaphore_mem>>) {add = true}
        %add3A_158 = arith.constant 1 : i32
        %add3A_159 = arith.addi %while3A_86, %add3A_158 : i32
        %lt3A_160 = arith.cmpi slt, %add3A_159, %select_n3A : i32
        %convert_element_type3A_161 = arith.extui %lt3A_160 : i1 to i32
        %cond3A_162 = arith.constant 0 : i32
        %cond3A_163 = arith.cmpi ne, %convert_element_type3A_161, %cond3A_162 : i32
        scf.if %cond3A_163 {
          %dma_wait3A_170 = arith.constant 0 : i32
          %dma_wait3A_171 = arith.constant 0 : i32
          %dma_wait3A_172 = arith.constant 0 : i32
          %dma_wait3A_173 = tpu.memref_slice %arg3[%dma_wait3A_170, %dma_wait3A_171, %dma_wait3A_172] : memref<2528x1x128xi32, #tpu.memory_space<hbm>> -> memref<1x1x128xi32, #tpu.memory_space<hbm>>
          %dma_wait3A_174 = tpu.memref_squeeze %dma_wait3A_173 : memref<1x1x128xi32, #tpu.memory_space<hbm>> -> memref<128xi32, #tpu.memory_space<hbm>>
          %dma_wait3A_175 = arith.constant 0 : i32
          %dma_wait3A_176 = tpu.memref_slice %arg3[%dma_wait3A_170, %dma_wait3A_171, %dma_wait3A_175] : memref<2528x1x128xi32, #tpu.memory_space<hbm>> -> memref<1x1x128xi32, #tpu.memory_space<hbm>>
          %dma_wait3A_177 = tpu.memref_squeeze %dma_wait3A_176 : memref<1x1x128xi32, #tpu.memory_space<hbm>> -> memref<128xi32, #tpu.memory_space<hbm>>
          tpu.wait_dma2 semaphore(%arg20 : memref<!tpu.dma_semaphore, #tpu.memory_space<semaphore_mem>>) src(%dma_wait3A_177 : memref<128xi32, #tpu.memory_space<hbm>>) dst(%arg9 : memref<128xi32, #tpu.memory_space<vmem>>)
          %ge3A = arith.constant 2 : i32
          %ge3A_178 = arith.cmpi sge, %while3A_86, %ge3A : i32
          %convert_element_type3A_179 = arith.extui %ge3A_178 : i1 to i32
          %cond3A_180 = arith.constant 0 : i32
          %cond3A_181 = arith.cmpi ne, %convert_element_type3A_179, %cond3A_180 : i32
          scf.if %cond3A_181 {
            %dma_wait3A_195 = arith.constant 0 : i32
            %dma_wait3A_196 = arith.constant 0 : i32
            %dma_wait3A_197 = tpu.memref_slice %arg17[%dma_wait3A_195, %dma_wait3A_196] : memref<10240x64xbf16, #tpu.memory_space<vmem_shared>> -> memref<10240x64xbf16, #tpu.memory_space<vmem_shared>>
            tpu.wait_indirect_dma semaphore(%arg29 : memref<!tpu.dma_semaphore, #tpu.memory_space<semaphore_mem>>) src(%arg15 : memref<128x64xbf16, #tpu.memory_space<vmem>>) dst(%dma_wait3A_197 : memref<10240x64xbf16, #tpu.memory_space<vmem_shared>>)
          } else {
          }
          %dma_start3A_182 = arith.constant 0 : i32
          %dma_start3A_183 = arith.constant 0 : i32
          %dma_start3A_184 = tpu.memref_slice %arg16[%dma_start3A_182, %dma_start3A_183] : memref<10240x64xbf16, #tpu.memory_space<vmem_shared>> -> memref<10240x64xbf16, #tpu.memory_space<vmem_shared>>
          tpu.enqueue_indirect_dma source(%dma_start3A_184 : memref<10240x64xbf16, #tpu.memory_space<vmem_shared>>) target(%arg15 : memref<128x64xbf16, #tpu.memory_space<vmem>>) offsets(%arg9 : memref<128xi32, #tpu.memory_space<vmem>>) semaphore(%arg26 : memref<!tpu.dma_semaphore, #tpu.memory_space<semaphore_mem>>)
          %add3A_185 = arith.constant 1 : i32
          %add3A_186 = arith.addi %while3A_86, %add3A_185 : i32
          %add3A_187 = arith.addi %select_n3A_10, %add3A_186 : i32
          %dma_start3A_188 = arith.constant 0 : i32
          %dma_start3A_189 = arith.constant 0 : i32
          %dma_start3A_190 = tpu.memref_slice %arg4[%add3A_187, %dma_start3A_188, %dma_start3A_189] : memref<2528x1x128xi32, #tpu.memory_space<hbm>> -> memref<1x1x128xi32, #tpu.memory_space<hbm>>
          %dma_start3A_191 = tpu.memref_squeeze %dma_start3A_190 : memref<1x1x128xi32, #tpu.memory_space<hbm>> -> memref<128xi32, #tpu.memory_space<hbm>>
          %dma_start3A_192 = arith.constant 0 : i32
          %dma_start3A_193 = tpu.memref_slice %arg4[%add3A_187, %dma_start3A_188, %dma_start3A_192] : memref<2528x1x128xi32, #tpu.memory_space<hbm>> -> memref<1x1x128xi32, #tpu.memory_space<hbm>>
          %dma_start3A_194 = tpu.memref_squeeze %dma_start3A_193 : memref<1x1x128xi32, #tpu.memory_space<hbm>> -> memref<128xi32, #tpu.memory_space<hbm>>
          tpu.enqueue_dma source(%dma_start3A_194 : memref<128xi32, #tpu.memory_space<hbm>>) target(%arg12 : memref<128xi32, #tpu.memory_space<vmem>>) target_semaphore(%arg23 : memref<!tpu.dma_semaphore, #tpu.memory_space<semaphore_mem>>)
        } else {
        }
        %add3A_164 = arith.constant 2 : i32
        %add3A_165 = arith.addi %while3A_86, %add3A_164 : i32
        %lt3A_166 = arith.cmpi slt, %add3A_165, %select_n3A : i32
        %convert_element_type3A_167 = arith.extui %lt3A_166 : i1 to i32
        %cond3A_168 = arith.constant 0 : i32
        %cond3A_169 = arith.cmpi ne, %convert_element_type3A_167, %cond3A_168 : i32
        scf.if %cond3A_169 {
          %add3A_170 = arith.constant 2 : i32
          %add3A_171 = arith.addi %while3A_86, %add3A_170 : i32
          %add3A_172 = arith.addi %select_n3A_10, %add3A_171 : i32
          %dma_start3A_173 = arith.constant 0 : i32
          %dma_start3A_174 = arith.constant 0 : i32
          %dma_start3A_175 = tpu.memref_slice %arg3[%add3A_172, %dma_start3A_173, %dma_start3A_174] : memref<2528x1x128xi32, #tpu.memory_space<hbm>> -> memref<1x1x128xi32, #tpu.memory_space<hbm>>
          %dma_start3A_176 = tpu.memref_squeeze %dma_start3A_175 : memref<1x1x128xi32, #tpu.memory_space<hbm>> -> memref<128xi32, #tpu.memory_space<hbm>>
          %dma_start3A_177 = arith.constant 0 : i32
          %dma_start3A_178 = tpu.memref_slice %arg3[%add3A_172, %dma_start3A_173, %dma_start3A_177] : memref<2528x1x128xi32, #tpu.memory_space<hbm>> -> memref<1x1x128xi32, #tpu.memory_space<hbm>>
          %dma_start3A_179 = tpu.memref_squeeze %dma_start3A_178 : memref<1x1x128xi32, #tpu.memory_space<hbm>> -> memref<128xi32, #tpu.memory_space<hbm>>
          tpu.enqueue_dma source(%dma_start3A_179 : memref<128xi32, #tpu.memory_space<hbm>>) target(%arg7 : memref<128xi32, #tpu.memory_space<vmem>>) target_semaphore(%arg18 : memref<!tpu.dma_semaphore, #tpu.memory_space<semaphore_mem>>)
        } else {
        }
      } else {
      }
      %jit3A_123 = arith.constant 3 : i32
      %eq3A_124 = arith.constant 0 : i32
      %eq3A_125 = arith.cmpi eq, %jit3A_123, %eq3A_124 : i32
      %jit3A_126 = arith.constant 1 : i32
      %select_n3A_127 = arith.select %eq3A_125, %jit3A_126, %jit3A_123 : i32
      %rem3A_128 = arith.remsi %while3A_86, %select_n3A_127 : i32
      %ne3A_129 = arith.constant 0 : i32
      %ne3A_130 = arith.cmpi ne, %rem3A_128, %ne3A_129 : i32
      %lt3A_131 = arith.constant 0 : i32
      %lt3A_132 = arith.cmpi slt, %rem3A_128, %lt3A_131 : i32
      %lt3A_133 = arith.constant 0 : i32
      %lt3A_134 = arith.cmpi slt, %select_n3A_127, %lt3A_133 : i32
      %ne3A_135 = arith.xori %lt3A_132, %lt3A_134 : i1
      %and3A_136 = arith.andi %ne3A_135, %ne3A_130 : i1
      %add3A_137 = arith.addi %rem3A_128, %select_n3A_127 : i32
      %select_n3A_138 = arith.select %and3A_136, %add3A_137, %rem3A_128 : i32
      %eq3A_139 = arith.constant 2 : i32
      %eq3A_140 = arith.cmpi eq, %select_n3A_138, %eq3A_139 : i32
      %convert_element_type3A_141 = arith.extui %eq3A_140 : i1 to i32
      %cond3A_142 = arith.constant 0 : i32
      %cond3A_143 = arith.cmpi ne, %convert_element_type3A_141, %cond3A_142 : i32
      scf.if %cond3A_143 {
        %dma_wait3A_144 = arith.constant 0 : i32
        %dma_wait3A_145 = arith.constant 0 : i32
        %dma_wait3A_146 = tpu.memref_slice %arg16[%dma_wait3A_144, %dma_wait3A_145] : memref<10240x64xbf16, #tpu.memory_space<vmem_shared>> -> memref<10240x64xbf16, #tpu.memory_space<vmem_shared>>
        tpu.wait_indirect_dma semaphore(%arg26 : memref<!tpu.dma_semaphore, #tpu.memory_space<semaphore_mem>>) src(%dma_wait3A_146 : memref<10240x64xbf16, #tpu.memory_space<vmem_shared>>) dst(%arg15 : memref<128x64xbf16, #tpu.memory_space<vmem>>)
        %dma_wait3A_147 = arith.constant 0 : i32
        %dma_wait3A_148 = arith.constant 0 : i32
        %dma_wait3A_149 = arith.constant 0 : i32
        %dma_wait3A_150 = tpu.memref_slice %arg4[%dma_wait3A_147, %dma_wait3A_148, %dma_wait3A_149] : memref<2528x1x128xi32, #tpu.memory_space<hbm>> -> memref<1x1x128xi32, #tpu.memory_space<hbm>>
        %dma_wait3A_151 = tpu.memref_squeeze %dma_wait3A_150 : memref<1x1x128xi32, #tpu.memory_space<hbm>> -> memref<128xi32, #tpu.memory_space<hbm>>
        %dma_wait3A_152 = arith.constant 0 : i32
        %dma_wait3A_153 = tpu.memref_slice %arg4[%dma_wait3A_147, %dma_wait3A_148, %dma_wait3A_152] : memref<2528x1x128xi32, #tpu.memory_space<hbm>> -> memref<1x1x128xi32, #tpu.memory_space<hbm>>
        %dma_wait3A_154 = tpu.memref_squeeze %dma_wait3A_153 : memref<1x1x128xi32, #tpu.memory_space<hbm>> -> memref<128xi32, #tpu.memory_space<hbm>>
        tpu.wait_dma2 semaphore(%arg23 : memref<!tpu.dma_semaphore, #tpu.memory_space<semaphore_mem>>) src(%dma_wait3A_154 : memref<128xi32, #tpu.memory_space<hbm>>) dst(%arg12 : memref<128xi32, #tpu.memory_space<vmem>>)
        %dma_start3A_155 = arith.constant 0 : i32
        %dma_start3A_156 = arith.constant 0 : i32
        %dma_start3A_157 = tpu.memref_slice %arg17[%dma_start3A_155, %dma_start3A_156] : memref<10240x64xbf16, #tpu.memory_space<vmem_shared>> -> memref<10240x64xbf16, #tpu.memory_space<vmem_shared>>
        tpu.enqueue_indirect_dma source(%arg15 : memref<128x64xbf16, #tpu.memory_space<vmem>>) target(%dma_start3A_157 : memref<10240x64xbf16, #tpu.memory_space<vmem_shared>>) offsets(%arg12 : memref<128xi32, #tpu.memory_space<vmem>>) semaphore(%arg29 : memref<!tpu.dma_semaphore, #tpu.memory_space<semaphore_mem>>) {add = true}
        %add3A_158 = arith.constant 1 : i32
        %add3A_159 = arith.addi %while3A_86, %add3A_158 : i32
        %lt3A_160 = arith.cmpi slt, %add3A_159, %select_n3A : i32
        %convert_element_type3A_161 = arith.extui %lt3A_160 : i1 to i32
        %cond3A_162 = arith.constant 0 : i32
        %cond3A_163 = arith.cmpi ne, %convert_element_type3A_161, %cond3A_162 : i32
        scf.if %cond3A_163 {
          %dma_wait3A_170 = arith.constant 0 : i32
          %dma_wait3A_171 = arith.constant 0 : i32
          %dma_wait3A_172 = arith.constant 0 : i32
          %dma_wait3A_173 = tpu.memref_slice %arg3[%dma_wait3A_170, %dma_wait3A_171, %dma_wait3A_172] : memref<2528x1x128xi32, #tpu.memory_space<hbm>> -> memref<1x1x128xi32, #tpu.memory_space<hbm>>
          %dma_wait3A_174 = tpu.memref_squeeze %dma_wait3A_173 : memref<1x1x128xi32, #tpu.memory_space<hbm>> -> memref<128xi32, #tpu.memory_space<hbm>>
          %dma_wait3A_175 = arith.constant 0 : i32
          %dma_wait3A_176 = tpu.memref_slice %arg3[%dma_wait3A_170, %dma_wait3A_171, %dma_wait3A_175] : memref<2528x1x128xi32, #tpu.memory_space<hbm>> -> memref<1x1x128xi32, #tpu.memory_space<hbm>>
          %dma_wait3A_177 = tpu.memref_squeeze %dma_wait3A_176 : memref<1x1x128xi32, #tpu.memory_space<hbm>> -> memref<128xi32, #tpu.memory_space<hbm>>
          tpu.wait_dma2 semaphore(%arg18 : memref<!tpu.dma_semaphore, #tpu.memory_space<semaphore_mem>>) src(%dma_wait3A_177 : memref<128xi32, #tpu.memory_space<hbm>>) dst(%arg7 : memref<128xi32, #tpu.memory_space<vmem>>)
          %ge3A = arith.constant 2 : i32
          %ge3A_178 = arith.cmpi sge, %while3A_86, %ge3A : i32
          %convert_element_type3A_179 = arith.extui %ge3A_178 : i1 to i32
          %cond3A_180 = arith.constant 0 : i32
          %cond3A_181 = arith.cmpi ne, %convert_element_type3A_179, %cond3A_180 : i32
          scf.if %cond3A_181 {
            %dma_wait3A_195 = arith.constant 0 : i32
            %dma_wait3A_196 = arith.constant 0 : i32
            %dma_wait3A_197 = tpu.memref_slice %arg17[%dma_wait3A_195, %dma_wait3A_196] : memref<10240x64xbf16, #tpu.memory_space<vmem_shared>> -> memref<10240x64xbf16, #tpu.memory_space<vmem_shared>>
            tpu.wait_indirect_dma semaphore(%arg27 : memref<!tpu.dma_semaphore, #tpu.memory_space<semaphore_mem>>) src(%arg13 : memref<128x64xbf16, #tpu.memory_space<vmem>>) dst(%dma_wait3A_197 : memref<10240x64xbf16, #tpu.memory_space<vmem_shared>>)
          } else {
          }
          %dma_start3A_182 = arith.constant 0 : i32
          %dma_start3A_183 = arith.constant 0 : i32
          %dma_start3A_184 = tpu.memref_slice %arg16[%dma_start3A_182, %dma_start3A_183] : memref<10240x64xbf16, #tpu.memory_space<vmem_shared>> -> memref<10240x64xbf16, #tpu.memory_space<vmem_shared>>
          tpu.enqueue_indirect_dma source(%dma_start3A_184 : memref<10240x64xbf16, #tpu.memory_space<vmem_shared>>) target(%arg13 : memref<128x64xbf16, #tpu.memory_space<vmem>>) offsets(%arg7 : memref<128xi32, #tpu.memory_space<vmem>>) semaphore(%arg24 : memref<!tpu.dma_semaphore, #tpu.memory_space<semaphore_mem>>)
          %add3A_185 = arith.constant 1 : i32
          %add3A_186 = arith.addi %while3A_86, %add3A_185 : i32
          %add3A_187 = arith.addi %select_n3A_10, %add3A_186 : i32
          %dma_start3A_188 = arith.constant 0 : i32
          %dma_start3A_189 = arith.constant 0 : i32
          %dma_start3A_190 = tpu.memref_slice %arg4[%add3A_187, %dma_start3A_188, %dma_start3A_189] : memref<2528x1x128xi32, #tpu.memory_space<hbm>> -> memref<1x1x128xi32, #tpu.memory_space<hbm>>
          %dma_start3A_191 = tpu.memref_squeeze %dma_start3A_190 : memref<1x1x128xi32, #tpu.memory_space<hbm>> -> memref<128xi32, #tpu.memory_space<hbm>>
          %dma_start3A_192 = arith.constant 0 : i32
          %dma_start3A_193 = tpu.memref_slice %arg4[%add3A_187, %dma_start3A_188, %dma_start3A_192] : memref<2528x1x128xi32, #tpu.memory_space<hbm>> -> memref<1x1x128xi32, #tpu.memory_space<hbm>>
          %dma_start3A_194 = tpu.memref_squeeze %dma_start3A_193 : memref<1x1x128xi32, #tpu.memory_space<hbm>> -> memref<128xi32, #tpu.memory_space<hbm>>
          tpu.enqueue_dma source(%dma_start3A_194 : memref<128xi32, #tpu.memory_space<hbm>>) target(%arg10 : memref<128xi32, #tpu.memory_space<vmem>>) target_semaphore(%arg21 : memref<!tpu.dma_semaphore, #tpu.memory_space<semaphore_mem>>)
        } else {
        }
        %add3A_164 = arith.constant 2 : i32
        %add3A_165 = arith.addi %while3A_86, %add3A_164 : i32
        %lt3A_166 = arith.cmpi slt, %add3A_165, %select_n3A : i32
        %convert_element_type3A_167 = arith.extui %lt3A_166 : i1 to i32
        %cond3A_168 = arith.constant 0 : i32
        %cond3A_169 = arith.cmpi ne, %convert_element_type3A_167, %cond3A_168 : i32
        scf.if %cond3A_169 {
          %add3A_170 = arith.constant 2 : i32
          %add3A_171 = arith.addi %while3A_86, %add3A_170 : i32
          %add3A_172 = arith.addi %select_n3A_10, %add3A_171 : i32
          %dma_start3A_173 = arith.constant 0 : i32
          %dma_start3A_174 = arith.constant 0 : i32
          %dma_start3A_175 = tpu.memref_slice %arg3[%add3A_172, %dma_start3A_173, %dma_start3A_174] : memref<2528x1x128xi32, #tpu.memory_space<hbm>> -> memref<1x1x128xi32, #tpu.memory_space<hbm>>
          %dma_start3A_176 = tpu.memref_squeeze %dma_start3A_175 : memref<1x1x128xi32, #tpu.memory_space<hbm>> -> memref<128xi32, #tpu.memory_space<hbm>>
          %dma_start3A_177 = arith.constant 0 : i32
          %dma_start3A_178 = tpu.memref_slice %arg3[%add3A_172, %dma_start3A_173, %dma_start3A_177] : memref<2528x1x128xi32, #tpu.memory_space<hbm>> -> memref<1x1x128xi32, #tpu.memory_space<hbm>>
          %dma_start3A_179 = tpu.memref_squeeze %dma_start3A_178 : memref<1x1x128xi32, #tpu.memory_space<hbm>> -> memref<128xi32, #tpu.memory_space<hbm>>
          tpu.enqueue_dma source(%dma_start3A_179 : memref<128xi32, #tpu.memory_space<hbm>>) target(%arg8 : memref<128xi32, #tpu.memory_space<vmem>>) target_semaphore(%arg19 : memref<!tpu.dma_semaphore, #tpu.memory_space<semaphore_mem>>)
        } else {
        }
      } else {
      }
    }
    %dma_wait3A_76 = arith.constant 0 : i32
    %dma_wait3A_77 = arith.constant 0 : i32
    %dma_wait3A_78 = tpu.memref_slice %arg17[%dma_wait3A_76, %dma_wait3A_77] : memref<10240x64xbf16, #tpu.memory_space<vmem_shared>> -> memref<10240x64xbf16, #tpu.memory_space<vmem_shared>>
    tpu.wait_indirect_dma semaphore(%arg27 : memref<!tpu.dma_semaphore, #tpu.memory_space<semaphore_mem>>) src(%arg13 : memref<128x64xbf16, #tpu.memory_space<vmem>>) dst(%dma_wait3A_78 : memref<10240x64xbf16, #tpu.memory_space<vmem_shared>>)
    %dma_wait3A_79 = arith.constant 0 : i32
    %dma_wait3A_80 = arith.constant 0 : i32
    %dma_wait3A_81 = tpu.memref_slice %arg17[%dma_wait3A_79, %dma_wait3A_80] : memref<10240x64xbf16, #tpu.memory_space<vmem_shared>> -> memref<10240x64xbf16, #tpu.memory_space<vmem_shared>>
    tpu.wait_indirect_dma semaphore(%arg28 : memref<!tpu.dma_semaphore, #tpu.memory_space<semaphore_mem>>) src(%arg14 : memref<128x64xbf16, #tpu.memory_space<vmem>>) dst(%dma_wait3A_81 : memref<10240x64xbf16, #tpu.memory_space<vmem_shared>>)
    %dma_wait3A_82 = arith.constant 0 : i32
    %dma_wait3A_83 = arith.constant 0 : i32
    %dma_wait3A_84 = tpu.memref_slice %arg17[%dma_wait3A_82, %dma_wait3A_83] : memref<10240x64xbf16, #tpu.memory_space<vmem_shared>> -> memref<10240x64xbf16, #tpu.memory_space<vmem_shared>>
    tpu.wait_indirect_dma semaphore(%arg29 : memref<!tpu.dma_semaphore, #tpu.memory_space<semaphore_mem>>) src(%arg15 : memref<128x64xbf16, #tpu.memory_space<vmem>>) dst(%dma_wait3A_84 : memref<10240x64xbf16, #tpu.memory_space<vmem_shared>>)
    %barrier3A_85 = arith.constant 0 : index
    tpu.barrier barrier_id(%barrier3A_85)
    %run_scoped3A = arith.constant 0 : i32
    "tpu.region"() ({
      %run_scoped3A_86 = tpu.sem_alloc : memref<!tpu.dma_semaphore, #tpu.memory_space<semaphore_mem>>
      %dma_start3A_87 = arith.constant 0 : i32
      %dma_start3A_88 = tpu.memref_slice %arg6[%run_scoped3A, %arg0, %mul3A_0, %dma_start3A_87] : memref<1x2x10240x64xbf16, #tpu.memory_space<hbm>> -> memref<1x1x640x64xbf16, #tpu.memory_space<hbm>>
      %dma_start3A_89 = tpu.memref_squeeze %dma_start3A_88 : memref<1x1x640x64xbf16, #tpu.memory_space<hbm>> -> memref<640x64xbf16, #tpu.memory_space<hbm>>
      %dma_start3A_90 = arith.constant 0 : i32
      %dma_start3A_91 = tpu.memref_slice %arg17[%mul3A_0, %dma_start3A_90] : memref<10240x64xbf16, #tpu.memory_space<vmem_shared>> -> memref<640x64xbf16, #tpu.memory_space<vmem_shared>>
      tpu.enqueue_dma source(%dma_start3A_91 : memref<640x64xbf16, #tpu.memory_space<vmem_shared>>) target(%dma_start3A_89 : memref<640x64xbf16, #tpu.memory_space<hbm>>) target_semaphore(%run_scoped3A_86 : memref<!tpu.dma_semaphore, #tpu.memory_space<semaphore_mem>>)
      %dma_wait3A_92 = arith.constant 0 : i32
      %dma_wait3A_93 = tpu.memref_slice %arg6[%run_scoped3A, %arg0, %mul3A_0, %dma_wait3A_92] : memref<1x2x10240x64xbf16, #tpu.memory_space<hbm>> -> memref<1x1x640x64xbf16, #tpu.memory_space<hbm>>
      %dma_wait3A_94 = tpu.memref_squeeze %dma_wait3A_93 : memref<1x1x640x64xbf16, #tpu.memory_space<hbm>> -> memref<640x64xbf16, #tpu.memory_space<hbm>>
      %dma_wait3A_95 = arith.constant 0 : i32
      %dma_wait3A_96 = tpu.memref_slice %arg17[%mul3A_0, %dma_wait3A_95] : memref<10240x64xbf16, #tpu.memory_space<vmem_shared>> -> memref<640x64xbf16, #tpu.memory_space<vmem_shared>>
      tpu.wait_dma2 semaphore(%run_scoped3A_86 : memref<!tpu.dma_semaphore, #tpu.memory_space<semaphore_mem>>) src(%dma_wait3A_96 : memref<640x64xbf16, #tpu.memory_space<vmem_shared>>) dst(%dma_wait3A_94 : memref<640x64xbf16, #tpu.memory_space<hbm>>)
      tpu.yield
    }) : () -> ()
    return
  }
}

#map = affine_map<(d0, d1) -> (0, 0, 0)>
#map1 = affine_map<(d0, d1) -> (0, 0)>
#map2 = affine_map<(d0, d1) -> (0, 0, 0, 0)>
module attributes {stable_mosaic.version = 14 : i64} {
  func.func @hist(%arg0: i32, %arg1: i32, %arg2: memref<2528x1x128xi32, #tpu.memory_space<hbm>>, %arg3: memref<2528x1x128xi32, #tpu.memory_space<hbm>>, %arg4: memref<10240x16xf32, #tpu.memory_space<hbm>>, %arg5: memref<128x16xf32, #tpu.memory_space<hbm>>, %arg6: memref<2x2x10240x16xf32, #tpu.memory_space<hbm>>, %arg7: memref<79x1x128xi32, #tpu.memory_space<vmem>>, %arg8: memref<79x1x128xi32, #tpu.memory_space<vmem>>, %arg9: memref<128x16xf32, #tpu.memory_space<vmem>>, %arg10: memref<10240x16xf32, #tpu.memory_space<vmem_shared>>, %arg11: memref<10240x16xf32, #tpu.memory_space<vmem_shared>>, %arg12: memref<!tpu.dma_semaphore, #tpu.memory_space<semaphore_mem>>, %arg13: memref<!tpu.dma_semaphore, #tpu.memory_space<semaphore_mem>>, %arg14: memref<!tpu.dma_semaphore, #tpu.memory_space<semaphore_mem>>, %arg15: memref<!tpu.dma_semaphore, #tpu.memory_space<semaphore_mem>>, %arg16: memref<!tpu.dma_semaphore, #tpu.memory_space<semaphore_mem>>) attributes {dimension_semantics = [#tpu.dimension_semantics<core_parallel>, #tpu.dimension_semantics<subcore_parallel>], iteration_bounds = array<i64: 2, 16>, scalar_prefetch = 0 : i64, scratch_operands = 10 : i64, tpu.core_type = #tpu.core_type<sc_vector_subcore>, window_params = [{transform_indices = #map}, {transform_indices = #map}, {transform_indices = #map1}, {transform_indices = #map1}, {transform_indices = #map2}]} {
    %mul3A = arith.constant 16 : i32
    %mul3A_0 = arith.muli %arg0, %mul3A : i32
    %add3A = arith.addi %mul3A_0, %arg1 : i32
    %mul3A_1 = arith.constant 640 : i32
    %mul3A_2 = arith.muli %arg1, %mul3A_1 : i32
    %mul3A_3 = arith.constant 79 : i32
    %mul3A_4 = arith.muli %add3A, %mul3A_3 : i32
    %dma_start3A = arith.constant 0 : i32
    %dma_start3A_5 = arith.constant 0 : i32
    %dma_start3A_6 = tpu.memref_slice %arg2[%mul3A_4, %dma_start3A, %dma_start3A_5] : memref<2528x1x128xi32, #tpu.memory_space<hbm>> -> memref<79x1x128xi32, #tpu.memory_space<hbm>>
    %dma_start3A_7 = arith.constant 0 : i32
    %dma_start3A_8 = arith.constant 0 : i32
    %dma_start3A_9 = tpu.memref_slice %arg2[%mul3A_4, %dma_start3A_7, %dma_start3A_8] : memref<2528x1x128xi32, #tpu.memory_space<hbm>> -> memref<79x1x128xi32, #tpu.memory_space<hbm>>
    tpu.enqueue_dma source(%dma_start3A_9 : memref<79x1x128xi32, #tpu.memory_space<hbm>>) target(%arg7 : memref<79x1x128xi32, #tpu.memory_space<vmem>>) target_semaphore(%arg12 : memref<!tpu.dma_semaphore, #tpu.memory_space<semaphore_mem>>)
    %mul3A_10 = arith.constant 79 : i32
    %mul3A_11 = arith.muli %add3A, %mul3A_10 : i32
    %dma_start3A_12 = arith.constant 0 : i32
    %dma_start3A_13 = arith.constant 0 : i32
    %dma_start3A_14 = tpu.memref_slice %arg3[%mul3A_11, %dma_start3A_12, %dma_start3A_13] : memref<2528x1x128xi32, #tpu.memory_space<hbm>> -> memref<79x1x128xi32, #tpu.memory_space<hbm>>
    %dma_start3A_15 = arith.constant 0 : i32
    %dma_start3A_16 = arith.constant 0 : i32
    %dma_start3A_17 = tpu.memref_slice %arg3[%mul3A_11, %dma_start3A_15, %dma_start3A_16] : memref<2528x1x128xi32, #tpu.memory_space<hbm>> -> memref<79x1x128xi32, #tpu.memory_space<hbm>>
    tpu.enqueue_dma source(%dma_start3A_17 : memref<79x1x128xi32, #tpu.memory_space<hbm>>) target(%arg8 : memref<79x1x128xi32, #tpu.memory_space<vmem>>) target_semaphore(%arg12 : memref<!tpu.dma_semaphore, #tpu.memory_space<semaphore_mem>>)
    tpu.enqueue_dma source(%arg5 : memref<128x16xf32, #tpu.memory_space<hbm>>) target(%arg9 : memref<128x16xf32, #tpu.memory_space<vmem>>) target_semaphore(%arg12 : memref<!tpu.dma_semaphore, #tpu.memory_space<semaphore_mem>>)
    %dma_start3A_18 = arith.constant 0 : i32
    %dma_start3A_19 = tpu.memref_slice %arg10[%mul3A_2, %dma_start3A_18] : memref<10240x16xf32, #tpu.memory_space<vmem_shared>> -> memref<640x16xf32, #tpu.memory_space<vmem_shared>>
    %dma_start3A_20 = arith.constant 0 : i32
    %dma_start3A_21 = tpu.memref_slice %arg4[%mul3A_2, %dma_start3A_20] : memref<10240x16xf32, #tpu.memory_space<hbm>> -> memref<640x16xf32, #tpu.memory_space<hbm>>
    tpu.enqueue_dma source(%dma_start3A_21 : memref<640x16xf32, #tpu.memory_space<hbm>>) target(%dma_start3A_19 : memref<640x16xf32, #tpu.memory_space<vmem_shared>>) target_semaphore(%arg12 : memref<!tpu.dma_semaphore, #tpu.memory_space<semaphore_mem>>)
    %dma_start3A_22 = arith.constant 0 : i32
    %dma_start3A_23 = tpu.memref_slice %arg11[%mul3A_2, %dma_start3A_22] : memref<10240x16xf32, #tpu.memory_space<vmem_shared>> -> memref<640x16xf32, #tpu.memory_space<vmem_shared>>
    %dma_start3A_24 = arith.constant 0 : i32
    %dma_start3A_25 = tpu.memref_slice %arg4[%mul3A_2, %dma_start3A_24] : memref<10240x16xf32, #tpu.memory_space<hbm>> -> memref<640x16xf32, #tpu.memory_space<hbm>>
    tpu.enqueue_dma source(%dma_start3A_25 : memref<640x16xf32, #tpu.memory_space<hbm>>) target(%dma_start3A_23 : memref<640x16xf32, #tpu.memory_space<vmem_shared>>) target_semaphore(%arg12 : memref<!tpu.dma_semaphore, #tpu.memory_space<semaphore_mem>>)
    %dma_wait3A = arith.constant 0 : i32
    %dma_wait3A_26 = arith.constant 0 : i32
    %dma_wait3A_27 = tpu.memref_slice %arg2[%mul3A_4, %dma_wait3A, %dma_wait3A_26] : memref<2528x1x128xi32, #tpu.memory_space<hbm>> -> memref<79x1x128xi32, #tpu.memory_space<hbm>>
    %dma_wait3A_28 = arith.constant 0 : i32
    %dma_wait3A_29 = arith.constant 0 : i32
    %dma_wait3A_30 = tpu.memref_slice %arg2[%mul3A_4, %dma_wait3A_28, %dma_wait3A_29] : memref<2528x1x128xi32, #tpu.memory_space<hbm>> -> memref<79x1x128xi32, #tpu.memory_space<hbm>>
    tpu.wait_dma2 semaphore(%arg12 : memref<!tpu.dma_semaphore, #tpu.memory_space<semaphore_mem>>) src(%dma_wait3A_30 : memref<79x1x128xi32, #tpu.memory_space<hbm>>) dst(%arg7 : memref<79x1x128xi32, #tpu.memory_space<vmem>>)
    %dma_wait3A_31 = arith.constant 0 : i32
    %dma_wait3A_32 = arith.constant 0 : i32
    %dma_wait3A_33 = tpu.memref_slice %arg3[%mul3A_11, %dma_wait3A_31, %dma_wait3A_32] : memref<2528x1x128xi32, #tpu.memory_space<hbm>> -> memref<79x1x128xi32, #tpu.memory_space<hbm>>
    %dma_wait3A_34 = arith.constant 0 : i32
    %dma_wait3A_35 = arith.constant 0 : i32
    %dma_wait3A_36 = tpu.memref_slice %arg3[%mul3A_11, %dma_wait3A_34, %dma_wait3A_35] : memref<2528x1x128xi32, #tpu.memory_space<hbm>> -> memref<79x1x128xi32, #tpu.memory_space<hbm>>
    tpu.wait_dma2 semaphore(%arg12 : memref<!tpu.dma_semaphore, #tpu.memory_space<semaphore_mem>>) src(%dma_wait3A_36 : memref<79x1x128xi32, #tpu.memory_space<hbm>>) dst(%arg8 : memref<79x1x128xi32, #tpu.memory_space<vmem>>)
    tpu.wait_dma2 semaphore(%arg12 : memref<!tpu.dma_semaphore, #tpu.memory_space<semaphore_mem>>) src(%arg5 : memref<128x16xf32, #tpu.memory_space<hbm>>) dst(%arg9 : memref<128x16xf32, #tpu.memory_space<vmem>>)
    %dma_wait3A_37 = arith.constant 0 : i32
    %dma_wait3A_38 = tpu.memref_slice %arg10[%mul3A_2, %dma_wait3A_37] : memref<10240x16xf32, #tpu.memory_space<vmem_shared>> -> memref<640x16xf32, #tpu.memory_space<vmem_shared>>
    %dma_wait3A_39 = arith.constant 0 : i32
    %dma_wait3A_40 = tpu.memref_slice %arg4[%mul3A_2, %dma_wait3A_39] : memref<10240x16xf32, #tpu.memory_space<hbm>> -> memref<640x16xf32, #tpu.memory_space<hbm>>
    tpu.wait_dma2 semaphore(%arg12 : memref<!tpu.dma_semaphore, #tpu.memory_space<semaphore_mem>>) src(%dma_wait3A_40 : memref<640x16xf32, #tpu.memory_space<hbm>>) dst(%dma_wait3A_38 : memref<640x16xf32, #tpu.memory_space<vmem_shared>>)
    %dma_wait3A_41 = arith.constant 0 : i32
    %dma_wait3A_42 = tpu.memref_slice %arg11[%mul3A_2, %dma_wait3A_41] : memref<10240x16xf32, #tpu.memory_space<vmem_shared>> -> memref<640x16xf32, #tpu.memory_space<vmem_shared>>
    %dma_wait3A_43 = arith.constant 0 : i32
    %dma_wait3A_44 = tpu.memref_slice %arg4[%mul3A_2, %dma_wait3A_43] : memref<10240x16xf32, #tpu.memory_space<hbm>> -> memref<640x16xf32, #tpu.memory_space<hbm>>
    tpu.wait_dma2 semaphore(%arg12 : memref<!tpu.dma_semaphore, #tpu.memory_space<semaphore_mem>>) src(%dma_wait3A_44 : memref<640x16xf32, #tpu.memory_space<hbm>>) dst(%dma_wait3A_42 : memref<640x16xf32, #tpu.memory_space<vmem_shared>>)
    %barrier3A = arith.constant 0 : index
    tpu.barrier barrier_id(%barrier3A)
    %dma_start3A_45 = arith.constant 0 : i32
    %dma_start3A_46 = arith.constant 0 : i32
    %dma_start3A_47 = arith.constant 0 : i32
    %dma_start3A_48 = tpu.memref_slice %arg7[%dma_start3A_45, %dma_start3A_46, %dma_start3A_47] : memref<79x1x128xi32, #tpu.memory_space<vmem>> -> memref<1x1x128xi32, #tpu.memory_space<vmem>>
    %dma_start3A_49 = tpu.memref_squeeze %dma_start3A_48 : memref<1x1x128xi32, #tpu.memory_space<vmem>> -> memref<128xi32, #tpu.memory_space<vmem>>
    %dma_start3A_50 = arith.constant 0 : i32
    %dma_start3A_51 = arith.constant 0 : i32
    %dma_start3A_52 = tpu.memref_slice %arg10[%dma_start3A_50, %dma_start3A_51] : memref<10240x16xf32, #tpu.memory_space<vmem_shared>> -> memref<10240x16xf32, #tpu.memory_space<vmem_shared>>
    tpu.enqueue_indirect_dma source(%arg9 : memref<128x16xf32, #tpu.memory_space<vmem>>) target(%dma_start3A_52 : memref<10240x16xf32, #tpu.memory_space<vmem_shared>>) offsets(%dma_start3A_49 : memref<128xi32, #tpu.memory_space<vmem>>) semaphore(%arg13 : memref<!tpu.dma_semaphore, #tpu.memory_space<semaphore_mem>>) {add = true}
    %dma_start3A_53 = arith.constant 0 : i32
    %dma_start3A_54 = arith.constant 0 : i32
    %dma_start3A_55 = arith.constant 0 : i32
    %dma_start3A_56 = tpu.memref_slice %arg8[%dma_start3A_53, %dma_start3A_54, %dma_start3A_55] : memref<79x1x128xi32, #tpu.memory_space<vmem>> -> memref<1x1x128xi32, #tpu.memory_space<vmem>>
    %dma_start3A_57 = tpu.memref_squeeze %dma_start3A_56 : memref<1x1x128xi32, #tpu.memory_space<vmem>> -> memref<128xi32, #tpu.memory_space<vmem>>
    %dma_start3A_58 = arith.constant 0 : i32
    %dma_start3A_59 = arith.constant 0 : i32
    %dma_start3A_60 = tpu.memref_slice %arg11[%dma_start3A_58, %dma_start3A_59] : memref<10240x16xf32, #tpu.memory_space<vmem_shared>> -> memref<10240x16xf32, #tpu.memory_space<vmem_shared>>
    tpu.enqueue_indirect_dma source(%arg9 : memref<128x16xf32, #tpu.memory_space<vmem>>) target(%dma_start3A_60 : memref<10240x16xf32, #tpu.memory_space<vmem_shared>>) offsets(%dma_start3A_57 : memref<128xi32, #tpu.memory_space<vmem>>) semaphore(%arg14 : memref<!tpu.dma_semaphore, #tpu.memory_space<semaphore_mem>>) {add = true}
    %dma_start3A_61 = arith.constant 1 : i32
    %dma_start3A_62 = arith.constant 0 : i32
    %dma_start3A_63 = arith.constant 0 : i32
    %dma_start3A_64 = tpu.memref_slice %arg7[%dma_start3A_61, %dma_start3A_62, %dma_start3A_63] : memref<79x1x128xi32, #tpu.memory_space<vmem>> -> memref<1x1x128xi32, #tpu.memory_space<vmem>>
    %dma_start3A_65 = tpu.memref_squeeze %dma_start3A_64 : memref<1x1x128xi32, #tpu.memory_space<vmem>> -> memref<128xi32, #tpu.memory_space<vmem>>
    %dma_start3A_66 = arith.constant 0 : i32
    %dma_start3A_67 = arith.constant 0 : i32
    %dma_start3A_68 = tpu.memref_slice %arg10[%dma_start3A_66, %dma_start3A_67] : memref<10240x16xf32, #tpu.memory_space<vmem_shared>> -> memref<10240x16xf32, #tpu.memory_space<vmem_shared>>
    tpu.enqueue_indirect_dma source(%arg9 : memref<128x16xf32, #tpu.memory_space<vmem>>) target(%dma_start3A_68 : memref<10240x16xf32, #tpu.memory_space<vmem_shared>>) offsets(%dma_start3A_65 : memref<128xi32, #tpu.memory_space<vmem>>) semaphore(%arg15 : memref<!tpu.dma_semaphore, #tpu.memory_space<semaphore_mem>>) {add = true}
    %dma_start3A_69 = arith.constant 1 : i32
    %dma_start3A_70 = arith.constant 0 : i32
    %dma_start3A_71 = arith.constant 0 : i32
    %dma_start3A_72 = tpu.memref_slice %arg8[%dma_start3A_69, %dma_start3A_70, %dma_start3A_71] : memref<79x1x128xi32, #tpu.memory_space<vmem>> -> memref<1x1x128xi32, #tpu.memory_space<vmem>>
    %dma_start3A_73 = tpu.memref_squeeze %dma_start3A_72 : memref<1x1x128xi32, #tpu.memory_space<vmem>> -> memref<128xi32, #tpu.memory_space<vmem>>
    %dma_start3A_74 = arith.constant 0 : i32
    %dma_start3A_75 = arith.constant 0 : i32
    %dma_start3A_76 = tpu.memref_slice %arg11[%dma_start3A_74, %dma_start3A_75] : memref<10240x16xf32, #tpu.memory_space<vmem_shared>> -> memref<10240x16xf32, #tpu.memory_space<vmem_shared>>
    tpu.enqueue_indirect_dma source(%arg9 : memref<128x16xf32, #tpu.memory_space<vmem>>) target(%dma_start3A_76 : memref<10240x16xf32, #tpu.memory_space<vmem_shared>>) offsets(%dma_start3A_73 : memref<128xi32, #tpu.memory_space<vmem>>) semaphore(%arg16 : memref<!tpu.dma_semaphore, #tpu.memory_space<semaphore_mem>>) {add = true}
    %scan3A = arith.constant 0 : i32
    %scan3A_77 = arith.constant 2 : i32
    %scan3A_78 = arith.constant 77 : i32
    %scan3A_79 = arith.addi %scan3A_77, %scan3A_78 : i32
    %scan3A_80 = arith.constant 1 : i32
    scf.for %scan3A_116 = %scan3A_77 to %scan3A_79 step %scan3A_80  : i32 {
      %jit3A = arith.constant 2 : i32
      %eq3A = arith.constant 0 : i32
      %eq3A_117 = arith.cmpi eq, %jit3A, %eq3A : i32
      %jit3A_118 = arith.constant 1 : i32
      %select_n3A = arith.select %eq3A_117, %jit3A_118, %jit3A : i32
      %rem3A = arith.remsi %scan3A_116, %select_n3A : i32
      %ne3A = arith.constant 0 : i32
      %ne3A_119 = arith.cmpi ne, %rem3A, %ne3A : i32
      %lt3A = arith.constant 0 : i32
      %lt3A_120 = arith.cmpi slt, %rem3A, %lt3A : i32
      %lt3A_121 = arith.constant 0 : i32
      %lt3A_122 = arith.cmpi slt, %select_n3A, %lt3A_121 : i32
      %ne3A_123 = arith.xori %lt3A_120, %lt3A_122 : i1
      %and3A = arith.andi %ne3A_123, %ne3A_119 : i1
      %add3A_124 = arith.addi %rem3A, %select_n3A : i32
      %select_n3A_125 = arith.select %and3A, %add3A_124, %rem3A : i32
      %eq3A_126 = arith.constant 0 : i32
      %eq3A_127 = arith.cmpi eq, %select_n3A_125, %eq3A_126 : i32
      %convert_element_type3A = arith.extui %eq3A_127 : i1 to i32
      %cond3A = arith.constant 0 : i32
      %cond3A_128 = arith.cmpi ne, %convert_element_type3A, %cond3A : i32
      scf.if %cond3A_128 {
        %dma_wait3A_150 = arith.constant 0 : i32
        %dma_wait3A_151 = arith.constant 0 : i32
        %dma_wait3A_152 = arith.constant 0 : i32
        %dma_wait3A_153 = tpu.memref_slice %arg7[%dma_wait3A_150, %dma_wait3A_151, %dma_wait3A_152] : memref<79x1x128xi32, #tpu.memory_space<vmem>> -> memref<1x1x128xi32, #tpu.memory_space<vmem>>
        %dma_wait3A_154 = tpu.memref_squeeze %dma_wait3A_153 : memref<1x1x128xi32, #tpu.memory_space<vmem>> -> memref<128xi32, #tpu.memory_space<vmem>>
        %dma_wait3A_155 = arith.constant 0 : i32
        %dma_wait3A_156 = arith.constant 0 : i32
        %dma_wait3A_157 = tpu.memref_slice %arg10[%dma_wait3A_155, %dma_wait3A_156] : memref<10240x16xf32, #tpu.memory_space<vmem_shared>> -> memref<10240x16xf32, #tpu.memory_space<vmem_shared>>
        tpu.wait_indirect_dma semaphore(%arg13 : memref<!tpu.dma_semaphore, #tpu.memory_space<semaphore_mem>>) src(%arg9 : memref<128x16xf32, #tpu.memory_space<vmem>>) dst(%dma_wait3A_157 : memref<10240x16xf32, #tpu.memory_space<vmem_shared>>)
        %dma_start3A_158 = arith.constant 0 : i32
        %dma_start3A_159 = arith.constant 0 : i32
        %dma_start3A_160 = tpu.memref_slice %arg7[%scan3A_116, %dma_start3A_158, %dma_start3A_159] : memref<79x1x128xi32, #tpu.memory_space<vmem>> -> memref<1x1x128xi32, #tpu.memory_space<vmem>>
        %dma_start3A_161 = tpu.memref_squeeze %dma_start3A_160 : memref<1x1x128xi32, #tpu.memory_space<vmem>> -> memref<128xi32, #tpu.memory_space<vmem>>
        %dma_start3A_162 = arith.constant 0 : i32
        %dma_start3A_163 = arith.constant 0 : i32
        %dma_start3A_164 = tpu.memref_slice %arg10[%dma_start3A_162, %dma_start3A_163] : memref<10240x16xf32, #tpu.memory_space<vmem_shared>> -> memref<10240x16xf32, #tpu.memory_space<vmem_shared>>
        tpu.enqueue_indirect_dma source(%arg9 : memref<128x16xf32, #tpu.memory_space<vmem>>) target(%dma_start3A_164 : memref<10240x16xf32, #tpu.memory_space<vmem_shared>>) offsets(%dma_start3A_161 : memref<128xi32, #tpu.memory_space<vmem>>) semaphore(%arg13 : memref<!tpu.dma_semaphore, #tpu.memory_space<semaphore_mem>>) {add = true}
        %dma_wait3A_165 = arith.constant 0 : i32
        %dma_wait3A_166 = arith.constant 0 : i32
        %dma_wait3A_167 = arith.constant 0 : i32
        %dma_wait3A_168 = tpu.memref_slice %arg8[%dma_wait3A_165, %dma_wait3A_166, %dma_wait3A_167] : memref<79x1x128xi32, #tpu.memory_space<vmem>> -> memref<1x1x128xi32, #tpu.memory_space<vmem>>
        %dma_wait3A_169 = tpu.memref_squeeze %dma_wait3A_168 : memref<1x1x128xi32, #tpu.memory_space<vmem>> -> memref<128xi32, #tpu.memory_space<vmem>>
        %dma_wait3A_170 = arith.constant 0 : i32
        %dma_wait3A_171 = arith.constant 0 : i32
        %dma_wait3A_172 = tpu.memref_slice %arg11[%dma_wait3A_170, %dma_wait3A_171] : memref<10240x16xf32, #tpu.memory_space<vmem_shared>> -> memref<10240x16xf32, #tpu.memory_space<vmem_shared>>
        tpu.wait_indirect_dma semaphore(%arg14 : memref<!tpu.dma_semaphore, #tpu.memory_space<semaphore_mem>>) src(%arg9 : memref<128x16xf32, #tpu.memory_space<vmem>>) dst(%dma_wait3A_172 : memref<10240x16xf32, #tpu.memory_space<vmem_shared>>)
        %dma_start3A_173 = arith.constant 0 : i32
        %dma_start3A_174 = arith.constant 0 : i32
        %dma_start3A_175 = tpu.memref_slice %arg8[%scan3A_116, %dma_start3A_173, %dma_start3A_174] : memref<79x1x128xi32, #tpu.memory_space<vmem>> -> memref<1x1x128xi32, #tpu.memory_space<vmem>>
        %dma_start3A_176 = tpu.memref_squeeze %dma_start3A_175 : memref<1x1x128xi32, #tpu.memory_space<vmem>> -> memref<128xi32, #tpu.memory_space<vmem>>
        %dma_start3A_177 = arith.constant 0 : i32
        %dma_start3A_178 = arith.constant 0 : i32
        %dma_start3A_179 = tpu.memref_slice %arg11[%dma_start3A_177, %dma_start3A_178] : memref<10240x16xf32, #tpu.memory_space<vmem_shared>> -> memref<10240x16xf32, #tpu.memory_space<vmem_shared>>
        tpu.enqueue_indirect_dma source(%arg9 : memref<128x16xf32, #tpu.memory_space<vmem>>) target(%dma_start3A_179 : memref<10240x16xf32, #tpu.memory_space<vmem_shared>>) offsets(%dma_start3A_176 : memref<128xi32, #tpu.memory_space<vmem>>) semaphore(%arg14 : memref<!tpu.dma_semaphore, #tpu.memory_space<semaphore_mem>>) {add = true}
      } else {
      }
      %jit3A_129 = arith.constant 2 : i32
      %eq3A_130 = arith.constant 0 : i32
      %eq3A_131 = arith.cmpi eq, %jit3A_129, %eq3A_130 : i32
      %jit3A_132 = arith.constant 1 : i32
      %select_n3A_133 = arith.select %eq3A_131, %jit3A_132, %jit3A_129 : i32
      %rem3A_134 = arith.remsi %scan3A_116, %select_n3A_133 : i32
      %ne3A_135 = arith.constant 0 : i32
      %ne3A_136 = arith.cmpi ne, %rem3A_134, %ne3A_135 : i32
      %lt3A_137 = arith.constant 0 : i32
      %lt3A_138 = arith.cmpi slt, %rem3A_134, %lt3A_137 : i32
      %lt3A_139 = arith.constant 0 : i32
      %lt3A_140 = arith.cmpi slt, %select_n3A_133, %lt3A_139 : i32
      %ne3A_141 = arith.xori %lt3A_138, %lt3A_140 : i1
      %and3A_142 = arith.andi %ne3A_141, %ne3A_136 : i1
      %add3A_143 = arith.addi %rem3A_134, %select_n3A_133 : i32
      %select_n3A_144 = arith.select %and3A_142, %add3A_143, %rem3A_134 : i32
      %eq3A_145 = arith.constant 1 : i32
      %eq3A_146 = arith.cmpi eq, %select_n3A_144, %eq3A_145 : i32
      %convert_element_type3A_147 = arith.extui %eq3A_146 : i1 to i32
      %cond3A_148 = arith.constant 0 : i32
      %cond3A_149 = arith.cmpi ne, %convert_element_type3A_147, %cond3A_148 : i32
      scf.if %cond3A_149 {
        %dma_wait3A_150 = arith.constant 0 : i32
        %dma_wait3A_151 = arith.constant 0 : i32
        %dma_wait3A_152 = arith.constant 0 : i32
        %dma_wait3A_153 = tpu.memref_slice %arg7[%dma_wait3A_150, %dma_wait3A_151, %dma_wait3A_152] : memref<79x1x128xi32, #tpu.memory_space<vmem>> -> memref<1x1x128xi32, #tpu.memory_space<vmem>>
        %dma_wait3A_154 = tpu.memref_squeeze %dma_wait3A_153 : memref<1x1x128xi32, #tpu.memory_space<vmem>> -> memref<128xi32, #tpu.memory_space<vmem>>
        %dma_wait3A_155 = arith.constant 0 : i32
        %dma_wait3A_156 = arith.constant 0 : i32
        %dma_wait3A_157 = tpu.memref_slice %arg10[%dma_wait3A_155, %dma_wait3A_156] : memref<10240x16xf32, #tpu.memory_space<vmem_shared>> -> memref<10240x16xf32, #tpu.memory_space<vmem_shared>>
        tpu.wait_indirect_dma semaphore(%arg15 : memref<!tpu.dma_semaphore, #tpu.memory_space<semaphore_mem>>) src(%arg9 : memref<128x16xf32, #tpu.memory_space<vmem>>) dst(%dma_wait3A_157 : memref<10240x16xf32, #tpu.memory_space<vmem_shared>>)
        %dma_start3A_158 = arith.constant 0 : i32
        %dma_start3A_159 = arith.constant 0 : i32
        %dma_start3A_160 = tpu.memref_slice %arg7[%scan3A_116, %dma_start3A_158, %dma_start3A_159] : memref<79x1x128xi32, #tpu.memory_space<vmem>> -> memref<1x1x128xi32, #tpu.memory_space<vmem>>
        %dma_start3A_161 = tpu.memref_squeeze %dma_start3A_160 : memref<1x1x128xi32, #tpu.memory_space<vmem>> -> memref<128xi32, #tpu.memory_space<vmem>>
        %dma_start3A_162 = arith.constant 0 : i32
        %dma_start3A_163 = arith.constant 0 : i32
        %dma_start3A_164 = tpu.memref_slice %arg10[%dma_start3A_162, %dma_start3A_163] : memref<10240x16xf32, #tpu.memory_space<vmem_shared>> -> memref<10240x16xf32, #tpu.memory_space<vmem_shared>>
        tpu.enqueue_indirect_dma source(%arg9 : memref<128x16xf32, #tpu.memory_space<vmem>>) target(%dma_start3A_164 : memref<10240x16xf32, #tpu.memory_space<vmem_shared>>) offsets(%dma_start3A_161 : memref<128xi32, #tpu.memory_space<vmem>>) semaphore(%arg15 : memref<!tpu.dma_semaphore, #tpu.memory_space<semaphore_mem>>) {add = true}
        %dma_wait3A_165 = arith.constant 0 : i32
        %dma_wait3A_166 = arith.constant 0 : i32
        %dma_wait3A_167 = arith.constant 0 : i32
        %dma_wait3A_168 = tpu.memref_slice %arg8[%dma_wait3A_165, %dma_wait3A_166, %dma_wait3A_167] : memref<79x1x128xi32, #tpu.memory_space<vmem>> -> memref<1x1x128xi32, #tpu.memory_space<vmem>>
        %dma_wait3A_169 = tpu.memref_squeeze %dma_wait3A_168 : memref<1x1x128xi32, #tpu.memory_space<vmem>> -> memref<128xi32, #tpu.memory_space<vmem>>
        %dma_wait3A_170 = arith.constant 0 : i32
        %dma_wait3A_171 = arith.constant 0 : i32
        %dma_wait3A_172 = tpu.memref_slice %arg11[%dma_wait3A_170, %dma_wait3A_171] : memref<10240x16xf32, #tpu.memory_space<vmem_shared>> -> memref<10240x16xf32, #tpu.memory_space<vmem_shared>>
        tpu.wait_indirect_dma semaphore(%arg16 : memref<!tpu.dma_semaphore, #tpu.memory_space<semaphore_mem>>) src(%arg9 : memref<128x16xf32, #tpu.memory_space<vmem>>) dst(%dma_wait3A_172 : memref<10240x16xf32, #tpu.memory_space<vmem_shared>>)
        %dma_start3A_173 = arith.constant 0 : i32
        %dma_start3A_174 = arith.constant 0 : i32
        %dma_start3A_175 = tpu.memref_slice %arg8[%scan3A_116, %dma_start3A_173, %dma_start3A_174] : memref<79x1x128xi32, #tpu.memory_space<vmem>> -> memref<1x1x128xi32, #tpu.memory_space<vmem>>
        %dma_start3A_176 = tpu.memref_squeeze %dma_start3A_175 : memref<1x1x128xi32, #tpu.memory_space<vmem>> -> memref<128xi32, #tpu.memory_space<vmem>>
        %dma_start3A_177 = arith.constant 0 : i32
        %dma_start3A_178 = arith.constant 0 : i32
        %dma_start3A_179 = tpu.memref_slice %arg11[%dma_start3A_177, %dma_start3A_178] : memref<10240x16xf32, #tpu.memory_space<vmem_shared>> -> memref<10240x16xf32, #tpu.memory_space<vmem_shared>>
        tpu.enqueue_indirect_dma source(%arg9 : memref<128x16xf32, #tpu.memory_space<vmem>>) target(%dma_start3A_179 : memref<10240x16xf32, #tpu.memory_space<vmem_shared>>) offsets(%dma_start3A_176 : memref<128xi32, #tpu.memory_space<vmem>>) semaphore(%arg16 : memref<!tpu.dma_semaphore, #tpu.memory_space<semaphore_mem>>) {add = true}
      } else {
      }
    }
    %scan3A_81 = arith.constant 77 : i32
    %dma_wait3A_82 = arith.constant 0 : i32
    %dma_wait3A_83 = arith.constant 0 : i32
    %dma_wait3A_84 = arith.constant 0 : i32
    %dma_wait3A_85 = tpu.memref_slice %arg7[%dma_wait3A_82, %dma_wait3A_83, %dma_wait3A_84] : memref<79x1x128xi32, #tpu.memory_space<vmem>> -> memref<1x1x128xi32, #tpu.memory_space<vmem>>
    %dma_wait3A_86 = tpu.memref_squeeze %dma_wait3A_85 : memref<1x1x128xi32, #tpu.memory_space<vmem>> -> memref<128xi32, #tpu.memory_space<vmem>>
    %dma_wait3A_87 = arith.constant 0 : i32
    %dma_wait3A_88 = arith.constant 0 : i32
    %dma_wait3A_89 = tpu.memref_slice %arg10[%dma_wait3A_87, %dma_wait3A_88] : memref<10240x16xf32, #tpu.memory_space<vmem_shared>> -> memref<10240x16xf32, #tpu.memory_space<vmem_shared>>
    tpu.wait_indirect_dma semaphore(%arg13 : memref<!tpu.dma_semaphore, #tpu.memory_space<semaphore_mem>>) src(%arg9 : memref<128x16xf32, #tpu.memory_space<vmem>>) dst(%dma_wait3A_89 : memref<10240x16xf32, #tpu.memory_space<vmem_shared>>)
    %dma_wait3A_90 = arith.constant 0 : i32
    %dma_wait3A_91 = arith.constant 0 : i32
    %dma_wait3A_92 = arith.constant 0 : i32
    %dma_wait3A_93 = tpu.memref_slice %arg8[%dma_wait3A_90, %dma_wait3A_91, %dma_wait3A_92] : memref<79x1x128xi32, #tpu.memory_space<vmem>> -> memref<1x1x128xi32, #tpu.memory_space<vmem>>
    %dma_wait3A_94 = tpu.memref_squeeze %dma_wait3A_93 : memref<1x1x128xi32, #tpu.memory_space<vmem>> -> memref<128xi32, #tpu.memory_space<vmem>>
    %dma_wait3A_95 = arith.constant 0 : i32
    %dma_wait3A_96 = arith.constant 0 : i32
    %dma_wait3A_97 = tpu.memref_slice %arg11[%dma_wait3A_95, %dma_wait3A_96] : memref<10240x16xf32, #tpu.memory_space<vmem_shared>> -> memref<10240x16xf32, #tpu.memory_space<vmem_shared>>
    tpu.wait_indirect_dma semaphore(%arg14 : memref<!tpu.dma_semaphore, #tpu.memory_space<semaphore_mem>>) src(%arg9 : memref<128x16xf32, #tpu.memory_space<vmem>>) dst(%dma_wait3A_97 : memref<10240x16xf32, #tpu.memory_space<vmem_shared>>)
    %dma_wait3A_98 = arith.constant 0 : i32
    %dma_wait3A_99 = arith.constant 0 : i32
    %dma_wait3A_100 = arith.constant 0 : i32
    %dma_wait3A_101 = tpu.memref_slice %arg7[%dma_wait3A_98, %dma_wait3A_99, %dma_wait3A_100] : memref<79x1x128xi32, #tpu.memory_space<vmem>> -> memref<1x1x128xi32, #tpu.memory_space<vmem>>
    %dma_wait3A_102 = tpu.memref_squeeze %dma_wait3A_101 : memref<1x1x128xi32, #tpu.memory_space<vmem>> -> memref<128xi32, #tpu.memory_space<vmem>>
    %dma_wait3A_103 = arith.constant 0 : i32
    %dma_wait3A_104 = arith.constant 0 : i32
    %dma_wait3A_105 = tpu.memref_slice %arg10[%dma_wait3A_103, %dma_wait3A_104] : memref<10240x16xf32, #tpu.memory_space<vmem_shared>> -> memref<10240x16xf32, #tpu.memory_space<vmem_shared>>
    tpu.wait_indirect_dma semaphore(%arg15 : memref<!tpu.dma_semaphore, #tpu.memory_space<semaphore_mem>>) src(%arg9 : memref<128x16xf32, #tpu.memory_space<vmem>>) dst(%dma_wait3A_105 : memref<10240x16xf32, #tpu.memory_space<vmem_shared>>)
    %dma_wait3A_106 = arith.constant 0 : i32
    %dma_wait3A_107 = arith.constant 0 : i32
    %dma_wait3A_108 = arith.constant 0 : i32
    %dma_wait3A_109 = tpu.memref_slice %arg8[%dma_wait3A_106, %dma_wait3A_107, %dma_wait3A_108] : memref<79x1x128xi32, #tpu.memory_space<vmem>> -> memref<1x1x128xi32, #tpu.memory_space<vmem>>
    %dma_wait3A_110 = tpu.memref_squeeze %dma_wait3A_109 : memref<1x1x128xi32, #tpu.memory_space<vmem>> -> memref<128xi32, #tpu.memory_space<vmem>>
    %dma_wait3A_111 = arith.constant 0 : i32
    %dma_wait3A_112 = arith.constant 0 : i32
    %dma_wait3A_113 = tpu.memref_slice %arg11[%dma_wait3A_111, %dma_wait3A_112] : memref<10240x16xf32, #tpu.memory_space<vmem_shared>> -> memref<10240x16xf32, #tpu.memory_space<vmem_shared>>
    tpu.wait_indirect_dma semaphore(%arg16 : memref<!tpu.dma_semaphore, #tpu.memory_space<semaphore_mem>>) src(%arg9 : memref<128x16xf32, #tpu.memory_space<vmem>>) dst(%dma_wait3A_113 : memref<10240x16xf32, #tpu.memory_space<vmem_shared>>)
    %barrier3A_114 = arith.constant 0 : index
    tpu.barrier barrier_id(%barrier3A_114)
    %run_scoped3A = arith.constant 0 : i32
    "tpu.region"() ({
      %run_scoped3A_116 = tpu.sem_alloc : memref<!tpu.dma_semaphore, #tpu.memory_space<semaphore_mem>>
      %dma_start3A_117 = arith.constant 0 : i32
      %dma_start3A_118 = tpu.memref_slice %arg6[%arg0, %run_scoped3A, %mul3A_2, %dma_start3A_117] : memref<2x2x10240x16xf32, #tpu.memory_space<hbm>> -> memref<1x1x640x16xf32, #tpu.memory_space<hbm>>
      %dma_start3A_119 = tpu.memref_squeeze %dma_start3A_118 : memref<1x1x640x16xf32, #tpu.memory_space<hbm>> -> memref<640x16xf32, #tpu.memory_space<hbm>>
      %dma_start3A_120 = arith.constant 0 : i32
      %dma_start3A_121 = tpu.memref_slice %arg10[%mul3A_2, %dma_start3A_120] : memref<10240x16xf32, #tpu.memory_space<vmem_shared>> -> memref<640x16xf32, #tpu.memory_space<vmem_shared>>
      tpu.enqueue_dma source(%dma_start3A_121 : memref<640x16xf32, #tpu.memory_space<vmem_shared>>) target(%dma_start3A_119 : memref<640x16xf32, #tpu.memory_space<hbm>>) target_semaphore(%run_scoped3A_116 : memref<!tpu.dma_semaphore, #tpu.memory_space<semaphore_mem>>)
      %dma_wait3A_122 = arith.constant 0 : i32
      %dma_wait3A_123 = tpu.memref_slice %arg6[%arg0, %run_scoped3A, %mul3A_2, %dma_wait3A_122] : memref<2x2x10240x16xf32, #tpu.memory_space<hbm>> -> memref<1x1x640x16xf32, #tpu.memory_space<hbm>>
      %dma_wait3A_124 = tpu.memref_squeeze %dma_wait3A_123 : memref<1x1x640x16xf32, #tpu.memory_space<hbm>> -> memref<640x16xf32, #tpu.memory_space<hbm>>
      %dma_wait3A_125 = arith.constant 0 : i32
      %dma_wait3A_126 = tpu.memref_slice %arg10[%mul3A_2, %dma_wait3A_125] : memref<10240x16xf32, #tpu.memory_space<vmem_shared>> -> memref<640x16xf32, #tpu.memory_space<vmem_shared>>
      tpu.wait_dma2 semaphore(%run_scoped3A_116 : memref<!tpu.dma_semaphore, #tpu.memory_space<semaphore_mem>>) src(%dma_wait3A_126 : memref<640x16xf32, #tpu.memory_space<vmem_shared>>) dst(%dma_wait3A_124 : memref<640x16xf32, #tpu.memory_space<hbm>>)
      tpu.yield
    }) : () -> ()
    %run_scoped3A_115 = arith.constant 1 : i32
    "tpu.region"() ({
      %run_scoped3A_116 = tpu.sem_alloc : memref<!tpu.dma_semaphore, #tpu.memory_space<semaphore_mem>>
      %dma_start3A_117 = arith.constant 0 : i32
      %dma_start3A_118 = tpu.memref_slice %arg6[%arg0, %run_scoped3A_115, %mul3A_2, %dma_start3A_117] : memref<2x2x10240x16xf32, #tpu.memory_space<hbm>> -> memref<1x1x640x16xf32, #tpu.memory_space<hbm>>
      %dma_start3A_119 = tpu.memref_squeeze %dma_start3A_118 : memref<1x1x640x16xf32, #tpu.memory_space<hbm>> -> memref<640x16xf32, #tpu.memory_space<hbm>>
      %dma_start3A_120 = arith.constant 0 : i32
      %dma_start3A_121 = tpu.memref_slice %arg11[%mul3A_2, %dma_start3A_120] : memref<10240x16xf32, #tpu.memory_space<vmem_shared>> -> memref<640x16xf32, #tpu.memory_space<vmem_shared>>
      tpu.enqueue_dma source(%dma_start3A_121 : memref<640x16xf32, #tpu.memory_space<vmem_shared>>) target(%dma_start3A_119 : memref<640x16xf32, #tpu.memory_space<hbm>>) target_semaphore(%run_scoped3A_116 : memref<!tpu.dma_semaphore, #tpu.memory_space<semaphore_mem>>)
      %dma_wait3A_122 = arith.constant 0 : i32
      %dma_wait3A_123 = tpu.memref_slice %arg6[%arg0, %run_scoped3A_115, %mul3A_2, %dma_wait3A_122] : memref<2x2x10240x16xf32, #tpu.memory_space<hbm>> -> memref<1x1x640x16xf32, #tpu.memory_space<hbm>>
      %dma_wait3A_124 = tpu.memref_squeeze %dma_wait3A_123 : memref<1x1x640x16xf32, #tpu.memory_space<hbm>> -> memref<640x16xf32, #tpu.memory_space<hbm>>
      %dma_wait3A_125 = arith.constant 0 : i32
      %dma_wait3A_126 = tpu.memref_slice %arg11[%mul3A_2, %dma_wait3A_125] : memref<10240x16xf32, #tpu.memory_space<vmem_shared>> -> memref<640x16xf32, #tpu.memory_space<vmem_shared>>
      tpu.wait_dma2 semaphore(%run_scoped3A_116 : memref<!tpu.dma_semaphore, #tpu.memory_space<semaphore_mem>>) src(%dma_wait3A_126 : memref<640x16xf32, #tpu.memory_space<vmem_shared>>) dst(%dma_wait3A_124 : memref<640x16xf32, #tpu.memory_space<hbm>>)
      tpu.yield
    }) : () -> ()
    return
  }
}

#map = affine_map<(d0, d1) -> (0, 0, 0)>
#map1 = affine_map<(d0, d1) -> (0, 0)>
#map2 = affine_map<(d0, d1) -> (0, 0, 0, 0)>
module attributes {stable_mosaic.version = 14 : i64} {
  func.func @edge(%arg0: i32, %arg1: i32, %arg2: memref<2x10240x64xbf16, #tpu.memory_space<hbm>>, %arg3: memref<2528x1x128xi32, #tpu.memory_space<hbm>>, %arg4: memref<2528x1x128xi32, #tpu.memory_space<hbm>>, %arg5: memref<10240x64xbf16, #tpu.memory_space<hbm>>, %arg6: memref<2x2x10240x64xbf16, #tpu.memory_space<hbm>>, %arg7: memref<128xi32, #tpu.memory_space<vmem>>, %arg8: memref<128xi32, #tpu.memory_space<vmem>>, %arg9: memref<128xi32, #tpu.memory_space<vmem>>, %arg10: memref<128xi32, #tpu.memory_space<vmem>>, %arg11: memref<128xi32, #tpu.memory_space<vmem>>, %arg12: memref<128xi32, #tpu.memory_space<vmem>>, %arg13: memref<128x64xbf16, #tpu.memory_space<vmem>>, %arg14: memref<128x64xbf16, #tpu.memory_space<vmem>>, %arg15: memref<128x64xbf16, #tpu.memory_space<vmem>>, %arg16: memref<10240x64xbf16, #tpu.memory_space<vmem_shared>>, %arg17: memref<10240x64xbf16, #tpu.memory_space<vmem_shared>>, %arg18: memref<!tpu.dma_semaphore, #tpu.memory_space<semaphore_mem>>, %arg19: memref<!tpu.dma_semaphore, #tpu.memory_space<semaphore_mem>>, %arg20: memref<!tpu.dma_semaphore, #tpu.memory_space<semaphore_mem>>, %arg21: memref<!tpu.dma_semaphore, #tpu.memory_space<semaphore_mem>>, %arg22: memref<!tpu.dma_semaphore, #tpu.memory_space<semaphore_mem>>, %arg23: memref<!tpu.dma_semaphore, #tpu.memory_space<semaphore_mem>>, %arg24: memref<!tpu.dma_semaphore, #tpu.memory_space<semaphore_mem>>, %arg25: memref<!tpu.dma_semaphore, #tpu.memory_space<semaphore_mem>>, %arg26: memref<!tpu.dma_semaphore, #tpu.memory_space<semaphore_mem>>, %arg27: memref<!tpu.dma_semaphore, #tpu.memory_space<semaphore_mem>>, %arg28: memref<!tpu.dma_semaphore, #tpu.memory_space<semaphore_mem>>, %arg29: memref<!tpu.dma_semaphore, #tpu.memory_space<semaphore_mem>>, %arg30: memref<!tpu.dma_semaphore, #tpu.memory_space<semaphore_mem>>) attributes {dimension_semantics = [#tpu.dimension_semantics<core_parallel>, #tpu.dimension_semantics<subcore_parallel>], iteration_bounds = array<i64: 2, 16>, scalar_prefetch = 0 : i64, scratch_operands = 24 : i64, tpu.core_type = #tpu.core_type<sc_vector_subcore>, window_params = [{transform_indices = #map}, {transform_indices = #map}, {transform_indices = #map}, {transform_indices = #map1}, {transform_indices = #map2}]} {
    %mul3A = arith.constant 640 : i32
    %mul3A_0 = arith.muli %arg1, %mul3A : i32
    %eq3A = arith.constant 0 : i32
    %eq3A_1 = arith.cmpi eq, %arg0, %eq3A : i32
    %jit3A = arith.constant 79 : i32
    %jit3A_2 = arith.constant 79 : i32
    %select_n3A = arith.select %eq3A_1, %jit3A, %jit3A_2 : i32
    %eq3A_3 = arith.constant 0 : i32
    %eq3A_4 = arith.cmpi eq, %arg0, %eq3A_3 : i32
    %mul3A_5 = arith.constant 79 : i32
    %mul3A_6 = arith.muli %arg1, %mul3A_5 : i32
    %mul3A_7 = arith.constant 79 : i32
    %mul3A_8 = arith.muli %arg1, %mul3A_7 : i32
    %add3A = arith.constant 1264 : i32
    %add3A_9 = arith.addi %add3A, %mul3A_8 : i32
    %select_n3A_10 = arith.select %eq3A_4, %mul3A_6, %add3A_9 : i32
    %dma_start3A = arith.constant 0 : i32
    %dma_start3A_11 = tpu.memref_slice %arg17[%mul3A_0, %dma_start3A] : memref<10240x64xbf16, #tpu.memory_space<vmem_shared>> -> memref<640x64xbf16, #tpu.memory_space<vmem_shared>>
    %dma_start3A_12 = arith.constant 0 : i32
    %dma_start3A_13 = tpu.memref_slice %arg5[%mul3A_0, %dma_start3A_12] : memref<10240x64xbf16, #tpu.memory_space<hbm>> -> memref<640x64xbf16, #tpu.memory_space<hbm>>
    tpu.enqueue_dma source(%dma_start3A_13 : memref<640x64xbf16, #tpu.memory_space<hbm>>) target(%dma_start3A_11 : memref<640x64xbf16, #tpu.memory_space<vmem_shared>>) target_semaphore(%arg30 : memref<!tpu.dma_semaphore, #tpu.memory_space<semaphore_mem>>)
    %dma_start3A_14 = arith.constant 0 : i32
    %dma_start3A_15 = arith.constant 0 : i32
    %dma_start3A_16 = tpu.memref_slice %arg16[%mul3A_0, %dma_start3A_15] : memref<10240x64xbf16, #tpu.memory_space<vmem_shared>> -> memref<640x64xbf16, #tpu.memory_space<vmem_shared>>
    %dma_start3A_17 = arith.constant 0 : i32
    %dma_start3A_18 = tpu.memref_slice %arg2[%dma_start3A_14, %mul3A_0, %dma_start3A_17] : memref<2x10240x64xbf16, #tpu.memory_space<hbm>> -> memref<1x640x64xbf16, #tpu.memory_space<hbm>>
    %dma_start3A_19 = tpu.memref_squeeze %dma_start3A_18 : memref<1x640x64xbf16, #tpu.memory_space<hbm>> -> memref<640x64xbf16, #tpu.memory_space<hbm>>
    tpu.enqueue_dma source(%dma_start3A_19 : memref<640x64xbf16, #tpu.memory_space<hbm>>) target(%dma_start3A_16 : memref<640x64xbf16, #tpu.memory_space<vmem_shared>>) target_semaphore(%arg30 : memref<!tpu.dma_semaphore, #tpu.memory_space<semaphore_mem>>)
    %dma_wait3A = arith.constant 0 : i32
    %dma_wait3A_20 = arith.constant 0 : i32
    %dma_wait3A_21 = tpu.memref_slice %arg16[%mul3A_0, %dma_wait3A_20] : memref<10240x64xbf16, #tpu.memory_space<vmem_shared>> -> memref<640x64xbf16, #tpu.memory_space<vmem_shared>>
    %dma_wait3A_22 = arith.constant 0 : i32
    %dma_wait3A_23 = tpu.memref_slice %arg2[%dma_wait3A, %mul3A_0, %dma_wait3A_22] : memref<2x10240x64xbf16, #tpu.memory_space<hbm>> -> memref<1x640x64xbf16, #tpu.memory_space<hbm>>
    %dma_wait3A_24 = tpu.memref_squeeze %dma_wait3A_23 : memref<1x640x64xbf16, #tpu.memory_space<hbm>> -> memref<640x64xbf16, #tpu.memory_space<hbm>>
    tpu.wait_dma2 semaphore(%arg30 : memref<!tpu.dma_semaphore, #tpu.memory_space<semaphore_mem>>) src(%dma_wait3A_24 : memref<640x64xbf16, #tpu.memory_space<hbm>>) dst(%dma_wait3A_21 : memref<640x64xbf16, #tpu.memory_space<vmem_shared>>)
    %add3A_25 = arith.constant 0 : i32
    %add3A_26 = arith.addi %select_n3A_10, %add3A_25 : i32
    %dma_start3A_27 = arith.constant 0 : i32
    %dma_start3A_28 = arith.constant 0 : i32
    %dma_start3A_29 = tpu.memref_slice %arg3[%add3A_26, %dma_start3A_27, %dma_start3A_28] : memref<2528x1x128xi32, #tpu.memory_space<hbm>> -> memref<1x1x128xi32, #tpu.memory_space<hbm>>
    %dma_start3A_30 = tpu.memref_squeeze %dma_start3A_29 : memref<1x1x128xi32, #tpu.memory_space<hbm>> -> memref<128xi32, #tpu.memory_space<hbm>>
    %dma_start3A_31 = arith.constant 0 : i32
    %dma_start3A_32 = tpu.memref_slice %arg3[%add3A_26, %dma_start3A_27, %dma_start3A_31] : memref<2528x1x128xi32, #tpu.memory_space<hbm>> -> memref<1x1x128xi32, #tpu.memory_space<hbm>>
    %dma_start3A_33 = tpu.memref_squeeze %dma_start3A_32 : memref<1x1x128xi32, #tpu.memory_space<hbm>> -> memref<128xi32, #tpu.memory_space<hbm>>
    tpu.enqueue_dma source(%dma_start3A_33 : memref<128xi32, #tpu.memory_space<hbm>>) target(%arg7 : memref<128xi32, #tpu.memory_space<vmem>>) target_semaphore(%arg18 : memref<!tpu.dma_semaphore, #tpu.memory_space<semaphore_mem>>)
    %add3A_34 = arith.constant 0 : i32
    %add3A_35 = arith.addi %select_n3A_10, %add3A_34 : i32
    %dma_start3A_36 = arith.constant 0 : i32
    %dma_start3A_37 = arith.constant 0 : i32
    %dma_start3A_38 = tpu.memref_slice %arg4[%add3A_35, %dma_start3A_36, %dma_start3A_37] : memref<2528x1x128xi32, #tpu.memory_space<hbm>> -> memref<1x1x128xi32, #tpu.memory_space<hbm>>
    %dma_start3A_39 = tpu.memref_squeeze %dma_start3A_38 : memref<1x1x128xi32, #tpu.memory_space<hbm>> -> memref<128xi32, #tpu.memory_space<hbm>>
    %dma_start3A_40 = arith.constant 0 : i32
    %dma_start3A_41 = tpu.memref_slice %arg4[%add3A_35, %dma_start3A_36, %dma_start3A_40] : memref<2528x1x128xi32, #tpu.memory_space<hbm>> -> memref<1x1x128xi32, #tpu.memory_space<hbm>>
    %dma_start3A_42 = tpu.memref_squeeze %dma_start3A_41 : memref<1x1x128xi32, #tpu.memory_space<hbm>> -> memref<128xi32, #tpu.memory_space<hbm>>
    tpu.enqueue_dma source(%dma_start3A_42 : memref<128xi32, #tpu.memory_space<hbm>>) target(%arg10 : memref<128xi32, #tpu.memory_space<vmem>>) target_semaphore(%arg21 : memref<!tpu.dma_semaphore, #tpu.memory_space<semaphore_mem>>)
    %add3A_43 = arith.constant 1 : i32
    %add3A_44 = arith.addi %select_n3A_10, %add3A_43 : i32
    %dma_start3A_45 = arith.constant 0 : i32
    %dma_start3A_46 = arith.constant 0 : i32
    %dma_start3A_47 = tpu.memref_slice %arg3[%add3A_44, %dma_start3A_45, %dma_start3A_46] : memref<2528x1x128xi32, #tpu.memory_space<hbm>> -> memref<1x1x128xi32, #tpu.memory_space<hbm>>
    %dma_start3A_48 = tpu.memref_squeeze %dma_start3A_47 : memref<1x1x128xi32, #tpu.memory_space<hbm>> -> memref<128xi32, #tpu.memory_space<hbm>>
    %dma_start3A_49 = arith.constant 0 : i32
    %dma_start3A_50 = tpu.memref_slice %arg3[%add3A_44, %dma_start3A_45, %dma_start3A_49] : memref<2528x1x128xi32, #tpu.memory_space<hbm>> -> memref<1x1x128xi32, #tpu.memory_space<hbm>>
    %dma_start3A_51 = tpu.memref_squeeze %dma_start3A_50 : memref<1x1x128xi32, #tpu.memory_space<hbm>> -> memref<128xi32, #tpu.memory_space<hbm>>
    tpu.enqueue_dma source(%dma_start3A_51 : memref<128xi32, #tpu.memory_space<hbm>>) target(%arg8 : memref<128xi32, #tpu.memory_space<vmem>>) target_semaphore(%arg19 : memref<!tpu.dma_semaphore, #tpu.memory_space<semaphore_mem>>)
    %dma_wait3A_52 = arith.constant 0 : i32
    %dma_wait3A_53 = arith.constant 0 : i32
    %dma_wait3A_54 = arith.constant 0 : i32
    %dma_wait3A_55 = tpu.memref_slice %arg3[%dma_wait3A_52, %dma_wait3A_53, %dma_wait3A_54] : memref<2528x1x128xi32, #tpu.memory_space<hbm>> -> memref<1x1x128xi32, #tpu.memory_space<hbm>>
    %dma_wait3A_56 = tpu.memref_squeeze %dma_wait3A_55 : memref<1x1x128xi32, #tpu.memory_space<hbm>> -> memref<128xi32, #tpu.memory_space<hbm>>
    %dma_wait3A_57 = arith.constant 0 : i32
    %dma_wait3A_58 = tpu.memref_slice %arg3[%dma_wait3A_52, %dma_wait3A_53, %dma_wait3A_57] : memref<2528x1x128xi32, #tpu.memory_space<hbm>> -> memref<1x1x128xi32, #tpu.memory_space<hbm>>
    %dma_wait3A_59 = tpu.memref_squeeze %dma_wait3A_58 : memref<1x1x128xi32, #tpu.memory_space<hbm>> -> memref<128xi32, #tpu.memory_space<hbm>>
    tpu.wait_dma2 semaphore(%arg18 : memref<!tpu.dma_semaphore, #tpu.memory_space<semaphore_mem>>) src(%dma_wait3A_59 : memref<128xi32, #tpu.memory_space<hbm>>) dst(%arg7 : memref<128xi32, #tpu.memory_space<vmem>>)
    %dma_wait3A_60 = arith.constant 0 : i32
    %dma_wait3A_61 = tpu.memref_slice %arg17[%mul3A_0, %dma_wait3A_60] : memref<10240x64xbf16, #tpu.memory_space<vmem_shared>> -> memref<640x64xbf16, #tpu.memory_space<vmem_shared>>
    %dma_wait3A_62 = arith.constant 0 : i32
    %dma_wait3A_63 = tpu.memref_slice %arg5[%mul3A_0, %dma_wait3A_62] : memref<10240x64xbf16, #tpu.memory_space<hbm>> -> memref<640x64xbf16, #tpu.memory_space<hbm>>
    tpu.wait_dma2 semaphore(%arg30 : memref<!tpu.dma_semaphore, #tpu.memory_space<semaphore_mem>>) src(%dma_wait3A_63 : memref<640x64xbf16, #tpu.memory_space<hbm>>) dst(%dma_wait3A_61 : memref<640x64xbf16, #tpu.memory_space<vmem_shared>>)
    %barrier3A = arith.constant 0 : index
    tpu.barrier barrier_id(%barrier3A)
    %dma_start3A_64 = arith.constant 0 : i32
    %dma_start3A_65 = arith.constant 0 : i32
    %dma_start3A_66 = tpu.memref_slice %arg16[%dma_start3A_64, %dma_start3A_65] : memref<10240x64xbf16, #tpu.memory_space<vmem_shared>> -> memref<10240x64xbf16, #tpu.memory_space<vmem_shared>>
    tpu.enqueue_indirect_dma source(%dma_start3A_66 : memref<10240x64xbf16, #tpu.memory_space<vmem_shared>>) target(%arg13 : memref<128x64xbf16, #tpu.memory_space<vmem>>) offsets(%arg7 : memref<128xi32, #tpu.memory_space<vmem>>) semaphore(%arg24 : memref<!tpu.dma_semaphore, #tpu.memory_space<semaphore_mem>>)
    %while3A = arith.constant 0 : i32
    %while3A_67 = arith.constant 0 : i32
    %while3A_68 = arith.subi %select_n3A, %while3A_67 : i32
    %while3A_69 = arith.addi %while3A_67, %while3A_68 : i32
    %while3A_70 = arith.constant 1 : i32
    %while3A_71 = arith.divsi %while3A_68, %while3A_70 : i32
    %while3A_72 = arith.muli %while3A_71, %while3A_70 : i32
    %while3A_73 = arith.addi %while3A_67, %while3A_72 : i32
    %while3A_74 = arith.constant 1 : i32
    scf.for %while3A_166 = %while3A_67 to %while3A_73 step %while3A_74  : i32 {
      %jit3A_167 = arith.constant 3 : i32
      %eq3A_168 = arith.constant 0 : i32
      %eq3A_169 = arith.cmpi eq, %jit3A_167, %eq3A_168 : i32
      %jit3A_170 = arith.constant 1 : i32
      %select_n3A_171 = arith.select %eq3A_169, %jit3A_170, %jit3A_167 : i32
      %rem3A = arith.remsi %while3A_166, %select_n3A_171 : i32
      %ne3A = arith.constant 0 : i32
      %ne3A_172 = arith.cmpi ne, %rem3A, %ne3A : i32
      %lt3A = arith.constant 0 : i32
      %lt3A_173 = arith.cmpi slt, %rem3A, %lt3A : i32
      %lt3A_174 = arith.constant 0 : i32
      %lt3A_175 = arith.cmpi slt, %select_n3A_171, %lt3A_174 : i32
      %ne3A_176 = arith.xori %lt3A_173, %lt3A_175 : i1
      %and3A = arith.andi %ne3A_176, %ne3A_172 : i1
      %add3A_177 = arith.addi %rem3A, %select_n3A_171 : i32
      %select_n3A_178 = arith.select %and3A, %add3A_177, %rem3A : i32
      %eq3A_179 = arith.constant 0 : i32
      %eq3A_180 = arith.cmpi eq, %select_n3A_178, %eq3A_179 : i32
      %convert_element_type3A = arith.extui %eq3A_180 : i1 to i32
      %cond3A = arith.constant 0 : i32
      %cond3A_181 = arith.cmpi ne, %convert_element_type3A, %cond3A : i32
      scf.if %cond3A_181 {
        %dma_wait3A_224 = arith.constant 0 : i32
        %dma_wait3A_225 = arith.constant 0 : i32
        %dma_wait3A_226 = tpu.memref_slice %arg16[%dma_wait3A_224, %dma_wait3A_225] : memref<10240x64xbf16, #tpu.memory_space<vmem_shared>> -> memref<10240x64xbf16, #tpu.memory_space<vmem_shared>>
        tpu.wait_indirect_dma semaphore(%arg24 : memref<!tpu.dma_semaphore, #tpu.memory_space<semaphore_mem>>) src(%dma_wait3A_226 : memref<10240x64xbf16, #tpu.memory_space<vmem_shared>>) dst(%arg13 : memref<128x64xbf16, #tpu.memory_space<vmem>>)
        %dma_wait3A_227 = arith.constant 0 : i32
        %dma_wait3A_228 = arith.constant 0 : i32
        %dma_wait3A_229 = arith.constant 0 : i32
        %dma_wait3A_230 = tpu.memref_slice %arg4[%dma_wait3A_227, %dma_wait3A_228, %dma_wait3A_229] : memref<2528x1x128xi32, #tpu.memory_space<hbm>> -> memref<1x1x128xi32, #tpu.memory_space<hbm>>
        %dma_wait3A_231 = tpu.memref_squeeze %dma_wait3A_230 : memref<1x1x128xi32, #tpu.memory_space<hbm>> -> memref<128xi32, #tpu.memory_space<hbm>>
        %dma_wait3A_232 = arith.constant 0 : i32
        %dma_wait3A_233 = tpu.memref_slice %arg4[%dma_wait3A_227, %dma_wait3A_228, %dma_wait3A_232] : memref<2528x1x128xi32, #tpu.memory_space<hbm>> -> memref<1x1x128xi32, #tpu.memory_space<hbm>>
        %dma_wait3A_234 = tpu.memref_squeeze %dma_wait3A_233 : memref<1x1x128xi32, #tpu.memory_space<hbm>> -> memref<128xi32, #tpu.memory_space<hbm>>
        tpu.wait_dma2 semaphore(%arg21 : memref<!tpu.dma_semaphore, #tpu.memory_space<semaphore_mem>>) src(%dma_wait3A_234 : memref<128xi32, #tpu.memory_space<hbm>>) dst(%arg10 : memref<128xi32, #tpu.memory_space<vmem>>)
        %dma_start3A_235 = arith.constant 0 : i32
        %dma_start3A_236 = arith.constant 0 : i32
        %dma_start3A_237 = tpu.memref_slice %arg17[%dma_start3A_235, %dma_start3A_236] : memref<10240x64xbf16, #tpu.memory_space<vmem_shared>> -> memref<10240x64xbf16, #tpu.memory_space<vmem_shared>>
        tpu.enqueue_indirect_dma source(%arg13 : memref<128x64xbf16, #tpu.memory_space<vmem>>) target(%dma_start3A_237 : memref<10240x64xbf16, #tpu.memory_space<vmem_shared>>) offsets(%arg10 : memref<128xi32, #tpu.memory_space<vmem>>) semaphore(%arg27 : memref<!tpu.dma_semaphore, #tpu.memory_space<semaphore_mem>>) {add = true}
        %add3A_238 = arith.constant 1 : i32
        %add3A_239 = arith.addi %while3A_166, %add3A_238 : i32
        %lt3A_240 = arith.cmpi slt, %add3A_239, %select_n3A : i32
        %convert_element_type3A_241 = arith.extui %lt3A_240 : i1 to i32
        %cond3A_242 = arith.constant 0 : i32
        %cond3A_243 = arith.cmpi ne, %convert_element_type3A_241, %cond3A_242 : i32
        scf.if %cond3A_243 {
          %dma_wait3A_250 = arith.constant 0 : i32
          %dma_wait3A_251 = arith.constant 0 : i32
          %dma_wait3A_252 = arith.constant 0 : i32
          %dma_wait3A_253 = tpu.memref_slice %arg3[%dma_wait3A_250, %dma_wait3A_251, %dma_wait3A_252] : memref<2528x1x128xi32, #tpu.memory_space<hbm>> -> memref<1x1x128xi32, #tpu.memory_space<hbm>>
          %dma_wait3A_254 = tpu.memref_squeeze %dma_wait3A_253 : memref<1x1x128xi32, #tpu.memory_space<hbm>> -> memref<128xi32, #tpu.memory_space<hbm>>
          %dma_wait3A_255 = arith.constant 0 : i32
          %dma_wait3A_256 = tpu.memref_slice %arg3[%dma_wait3A_250, %dma_wait3A_251, %dma_wait3A_255] : memref<2528x1x128xi32, #tpu.memory_space<hbm>> -> memref<1x1x128xi32, #tpu.memory_space<hbm>>
          %dma_wait3A_257 = tpu.memref_squeeze %dma_wait3A_256 : memref<1x1x128xi32, #tpu.memory_space<hbm>> -> memref<128xi32, #tpu.memory_space<hbm>>
          tpu.wait_dma2 semaphore(%arg19 : memref<!tpu.dma_semaphore, #tpu.memory_space<semaphore_mem>>) src(%dma_wait3A_257 : memref<128xi32, #tpu.memory_space<hbm>>) dst(%arg8 : memref<128xi32, #tpu.memory_space<vmem>>)
          %ge3A = arith.constant 2 : i32
          %ge3A_258 = arith.cmpi sge, %while3A_166, %ge3A : i32
          %convert_element_type3A_259 = arith.extui %ge3A_258 : i1 to i32
          %cond3A_260 = arith.constant 0 : i32
          %cond3A_261 = arith.cmpi ne, %convert_element_type3A_259, %cond3A_260 : i32
          scf.if %cond3A_261 {
            %dma_wait3A_275 = arith.constant 0 : i32
            %dma_wait3A_276 = arith.constant 0 : i32
            %dma_wait3A_277 = tpu.memref_slice %arg17[%dma_wait3A_275, %dma_wait3A_276] : memref<10240x64xbf16, #tpu.memory_space<vmem_shared>> -> memref<10240x64xbf16, #tpu.memory_space<vmem_shared>>
            tpu.wait_indirect_dma semaphore(%arg28 : memref<!tpu.dma_semaphore, #tpu.memory_space<semaphore_mem>>) src(%arg14 : memref<128x64xbf16, #tpu.memory_space<vmem>>) dst(%dma_wait3A_277 : memref<10240x64xbf16, #tpu.memory_space<vmem_shared>>)
          } else {
          }
          %dma_start3A_262 = arith.constant 0 : i32
          %dma_start3A_263 = arith.constant 0 : i32
          %dma_start3A_264 = tpu.memref_slice %arg16[%dma_start3A_262, %dma_start3A_263] : memref<10240x64xbf16, #tpu.memory_space<vmem_shared>> -> memref<10240x64xbf16, #tpu.memory_space<vmem_shared>>
          tpu.enqueue_indirect_dma source(%dma_start3A_264 : memref<10240x64xbf16, #tpu.memory_space<vmem_shared>>) target(%arg14 : memref<128x64xbf16, #tpu.memory_space<vmem>>) offsets(%arg8 : memref<128xi32, #tpu.memory_space<vmem>>) semaphore(%arg25 : memref<!tpu.dma_semaphore, #tpu.memory_space<semaphore_mem>>)
          %add3A_265 = arith.constant 1 : i32
          %add3A_266 = arith.addi %while3A_166, %add3A_265 : i32
          %add3A_267 = arith.addi %select_n3A_10, %add3A_266 : i32
          %dma_start3A_268 = arith.constant 0 : i32
          %dma_start3A_269 = arith.constant 0 : i32
          %dma_start3A_270 = tpu.memref_slice %arg4[%add3A_267, %dma_start3A_268, %dma_start3A_269] : memref<2528x1x128xi32, #tpu.memory_space<hbm>> -> memref<1x1x128xi32, #tpu.memory_space<hbm>>
          %dma_start3A_271 = tpu.memref_squeeze %dma_start3A_270 : memref<1x1x128xi32, #tpu.memory_space<hbm>> -> memref<128xi32, #tpu.memory_space<hbm>>
          %dma_start3A_272 = arith.constant 0 : i32
          %dma_start3A_273 = tpu.memref_slice %arg4[%add3A_267, %dma_start3A_268, %dma_start3A_272] : memref<2528x1x128xi32, #tpu.memory_space<hbm>> -> memref<1x1x128xi32, #tpu.memory_space<hbm>>
          %dma_start3A_274 = tpu.memref_squeeze %dma_start3A_273 : memref<1x1x128xi32, #tpu.memory_space<hbm>> -> memref<128xi32, #tpu.memory_space<hbm>>
          tpu.enqueue_dma source(%dma_start3A_274 : memref<128xi32, #tpu.memory_space<hbm>>) target(%arg11 : memref<128xi32, #tpu.memory_space<vmem>>) target_semaphore(%arg22 : memref<!tpu.dma_semaphore, #tpu.memory_space<semaphore_mem>>)
        } else {
        }
        %add3A_244 = arith.constant 2 : i32
        %add3A_245 = arith.addi %while3A_166, %add3A_244 : i32
        %lt3A_246 = arith.cmpi slt, %add3A_245, %select_n3A : i32
        %convert_element_type3A_247 = arith.extui %lt3A_246 : i1 to i32
        %cond3A_248 = arith.constant 0 : i32
        %cond3A_249 = arith.cmpi ne, %convert_element_type3A_247, %cond3A_248 : i32
        scf.if %cond3A_249 {
          %add3A_250 = arith.constant 2 : i32
          %add3A_251 = arith.addi %while3A_166, %add3A_250 : i32
          %add3A_252 = arith.addi %select_n3A_10, %add3A_251 : i32
          %dma_start3A_253 = arith.constant 0 : i32
          %dma_start3A_254 = arith.constant 0 : i32
          %dma_start3A_255 = tpu.memref_slice %arg3[%add3A_252, %dma_start3A_253, %dma_start3A_254] : memref<2528x1x128xi32, #tpu.memory_space<hbm>> -> memref<1x1x128xi32, #tpu.memory_space<hbm>>
          %dma_start3A_256 = tpu.memref_squeeze %dma_start3A_255 : memref<1x1x128xi32, #tpu.memory_space<hbm>> -> memref<128xi32, #tpu.memory_space<hbm>>
          %dma_start3A_257 = arith.constant 0 : i32
          %dma_start3A_258 = tpu.memref_slice %arg3[%add3A_252, %dma_start3A_253, %dma_start3A_257] : memref<2528x1x128xi32, #tpu.memory_space<hbm>> -> memref<1x1x128xi32, #tpu.memory_space<hbm>>
          %dma_start3A_259 = tpu.memref_squeeze %dma_start3A_258 : memref<1x1x128xi32, #tpu.memory_space<hbm>> -> memref<128xi32, #tpu.memory_space<hbm>>
          tpu.enqueue_dma source(%dma_start3A_259 : memref<128xi32, #tpu.memory_space<hbm>>) target(%arg9 : memref<128xi32, #tpu.memory_space<vmem>>) target_semaphore(%arg20 : memref<!tpu.dma_semaphore, #tpu.memory_space<semaphore_mem>>)
        } else {
        }
      } else {
      }
      %jit3A_182 = arith.constant 3 : i32
      %eq3A_183 = arith.constant 0 : i32
      %eq3A_184 = arith.cmpi eq, %jit3A_182, %eq3A_183 : i32
      %jit3A_185 = arith.constant 1 : i32
      %select_n3A_186 = arith.select %eq3A_184, %jit3A_185, %jit3A_182 : i32
      %rem3A_187 = arith.remsi %while3A_166, %select_n3A_186 : i32
      %ne3A_188 = arith.constant 0 : i32
      %ne3A_189 = arith.cmpi ne, %rem3A_187, %ne3A_188 : i32
      %lt3A_190 = arith.constant 0 : i32
      %lt3A_191 = arith.cmpi slt, %rem3A_187, %lt3A_190 : i32
      %lt3A_192 = arith.constant 0 : i32
      %lt3A_193 = arith.cmpi slt, %select_n3A_186, %lt3A_192 : i32
      %ne3A_194 = arith.xori %lt3A_191, %lt3A_193 : i1
      %and3A_195 = arith.andi %ne3A_194, %ne3A_189 : i1
      %add3A_196 = arith.addi %rem3A_187, %select_n3A_186 : i32
      %select_n3A_197 = arith.select %and3A_195, %add3A_196, %rem3A_187 : i32
      %eq3A_198 = arith.constant 1 : i32
      %eq3A_199 = arith.cmpi eq, %select_n3A_197, %eq3A_198 : i32
      %convert_element_type3A_200 = arith.extui %eq3A_199 : i1 to i32
      %cond3A_201 = arith.constant 0 : i32
      %cond3A_202 = arith.cmpi ne, %convert_element_type3A_200, %cond3A_201 : i32
      scf.if %cond3A_202 {
        %dma_wait3A_224 = arith.constant 0 : i32
        %dma_wait3A_225 = arith.constant 0 : i32
        %dma_wait3A_226 = tpu.memref_slice %arg16[%dma_wait3A_224, %dma_wait3A_225] : memref<10240x64xbf16, #tpu.memory_space<vmem_shared>> -> memref<10240x64xbf16, #tpu.memory_space<vmem_shared>>
        tpu.wait_indirect_dma semaphore(%arg25 : memref<!tpu.dma_semaphore, #tpu.memory_space<semaphore_mem>>) src(%dma_wait3A_226 : memref<10240x64xbf16, #tpu.memory_space<vmem_shared>>) dst(%arg14 : memref<128x64xbf16, #tpu.memory_space<vmem>>)
        %dma_wait3A_227 = arith.constant 0 : i32
        %dma_wait3A_228 = arith.constant 0 : i32
        %dma_wait3A_229 = arith.constant 0 : i32
        %dma_wait3A_230 = tpu.memref_slice %arg4[%dma_wait3A_227, %dma_wait3A_228, %dma_wait3A_229] : memref<2528x1x128xi32, #tpu.memory_space<hbm>> -> memref<1x1x128xi32, #tpu.memory_space<hbm>>
        %dma_wait3A_231 = tpu.memref_squeeze %dma_wait3A_230 : memref<1x1x128xi32, #tpu.memory_space<hbm>> -> memref<128xi32, #tpu.memory_space<hbm>>
        %dma_wait3A_232 = arith.constant 0 : i32
        %dma_wait3A_233 = tpu.memref_slice %arg4[%dma_wait3A_227, %dma_wait3A_228, %dma_wait3A_232] : memref<2528x1x128xi32, #tpu.memory_space<hbm>> -> memref<1x1x128xi32, #tpu.memory_space<hbm>>
        %dma_wait3A_234 = tpu.memref_squeeze %dma_wait3A_233 : memref<1x1x128xi32, #tpu.memory_space<hbm>> -> memref<128xi32, #tpu.memory_space<hbm>>
        tpu.wait_dma2 semaphore(%arg22 : memref<!tpu.dma_semaphore, #tpu.memory_space<semaphore_mem>>) src(%dma_wait3A_234 : memref<128xi32, #tpu.memory_space<hbm>>) dst(%arg11 : memref<128xi32, #tpu.memory_space<vmem>>)
        %dma_start3A_235 = arith.constant 0 : i32
        %dma_start3A_236 = arith.constant 0 : i32
        %dma_start3A_237 = tpu.memref_slice %arg17[%dma_start3A_235, %dma_start3A_236] : memref<10240x64xbf16, #tpu.memory_space<vmem_shared>> -> memref<10240x64xbf16, #tpu.memory_space<vmem_shared>>
        tpu.enqueue_indirect_dma source(%arg14 : memref<128x64xbf16, #tpu.memory_space<vmem>>) target(%dma_start3A_237 : memref<10240x64xbf16, #tpu.memory_space<vmem_shared>>) offsets(%arg11 : memref<128xi32, #tpu.memory_space<vmem>>) semaphore(%arg28 : memref<!tpu.dma_semaphore, #tpu.memory_space<semaphore_mem>>) {add = true}
        %add3A_238 = arith.constant 1 : i32
        %add3A_239 = arith.addi %while3A_166, %add3A_238 : i32
        %lt3A_240 = arith.cmpi slt, %add3A_239, %select_n3A : i32
        %convert_element_type3A_241 = arith.extui %lt3A_240 : i1 to i32
        %cond3A_242 = arith.constant 0 : i32
        %cond3A_243 = arith.cmpi ne, %convert_element_type3A_241, %cond3A_242 : i32
        scf.if %cond3A_243 {
          %dma_wait3A_250 = arith.constant 0 : i32
          %dma_wait3A_251 = arith.constant 0 : i32
          %dma_wait3A_252 = arith.constant 0 : i32
          %dma_wait3A_253 = tpu.memref_slice %arg3[%dma_wait3A_250, %dma_wait3A_251, %dma_wait3A_252] : memref<2528x1x128xi32, #tpu.memory_space<hbm>> -> memref<1x1x128xi32, #tpu.memory_space<hbm>>
          %dma_wait3A_254 = tpu.memref_squeeze %dma_wait3A_253 : memref<1x1x128xi32, #tpu.memory_space<hbm>> -> memref<128xi32, #tpu.memory_space<hbm>>
          %dma_wait3A_255 = arith.constant 0 : i32
          %dma_wait3A_256 = tpu.memref_slice %arg3[%dma_wait3A_250, %dma_wait3A_251, %dma_wait3A_255] : memref<2528x1x128xi32, #tpu.memory_space<hbm>> -> memref<1x1x128xi32, #tpu.memory_space<hbm>>
          %dma_wait3A_257 = tpu.memref_squeeze %dma_wait3A_256 : memref<1x1x128xi32, #tpu.memory_space<hbm>> -> memref<128xi32, #tpu.memory_space<hbm>>
          tpu.wait_dma2 semaphore(%arg20 : memref<!tpu.dma_semaphore, #tpu.memory_space<semaphore_mem>>) src(%dma_wait3A_257 : memref<128xi32, #tpu.memory_space<hbm>>) dst(%arg9 : memref<128xi32, #tpu.memory_space<vmem>>)
          %ge3A = arith.constant 2 : i32
          %ge3A_258 = arith.cmpi sge, %while3A_166, %ge3A : i32
          %convert_element_type3A_259 = arith.extui %ge3A_258 : i1 to i32
          %cond3A_260 = arith.constant 0 : i32
          %cond3A_261 = arith.cmpi ne, %convert_element_type3A_259, %cond3A_260 : i32
          scf.if %cond3A_261 {
            %dma_wait3A_275 = arith.constant 0 : i32
            %dma_wait3A_276 = arith.constant 0 : i32
            %dma_wait3A_277 = tpu.memref_slice %arg17[%dma_wait3A_275, %dma_wait3A_276] : memref<10240x64xbf16, #tpu.memory_space<vmem_shared>> -> memref<10240x64xbf16, #tpu.memory_space<vmem_shared>>
            tpu.wait_indirect_dma semaphore(%arg29 : memref<!tpu.dma_semaphore, #tpu.memory_space<semaphore_mem>>) src(%arg15 : memref<128x64xbf16, #tpu.memory_space<vmem>>) dst(%dma_wait3A_277 : memref<10240x64xbf16, #tpu.memory_space<vmem_shared>>)
          } else {
          }
          %dma_start3A_262 = arith.constant 0 : i32
          %dma_start3A_263 = arith.constant 0 : i32
          %dma_start3A_264 = tpu.memref_slice %arg16[%dma_start3A_262, %dma_start3A_263] : memref<10240x64xbf16, #tpu.memory_space<vmem_shared>> -> memref<10240x64xbf16, #tpu.memory_space<vmem_shared>>
          tpu.enqueue_indirect_dma source(%dma_start3A_264 : memref<10240x64xbf16, #tpu.memory_space<vmem_shared>>) target(%arg15 : memref<128x64xbf16, #tpu.memory_space<vmem>>) offsets(%arg9 : memref<128xi32, #tpu.memory_space<vmem>>) semaphore(%arg26 : memref<!tpu.dma_semaphore, #tpu.memory_space<semaphore_mem>>)
          %add3A_265 = arith.constant 1 : i32
          %add3A_266 = arith.addi %while3A_166, %add3A_265 : i32
          %add3A_267 = arith.addi %select_n3A_10, %add3A_266 : i32
          %dma_start3A_268 = arith.constant 0 : i32
          %dma_start3A_269 = arith.constant 0 : i32
          %dma_start3A_270 = tpu.memref_slice %arg4[%add3A_267, %dma_start3A_268, %dma_start3A_269] : memref<2528x1x128xi32, #tpu.memory_space<hbm>> -> memref<1x1x128xi32, #tpu.memory_space<hbm>>
          %dma_start3A_271 = tpu.memref_squeeze %dma_start3A_270 : memref<1x1x128xi32, #tpu.memory_space<hbm>> -> memref<128xi32, #tpu.memory_space<hbm>>
          %dma_start3A_272 = arith.constant 0 : i32
          %dma_start3A_273 = tpu.memref_slice %arg4[%add3A_267, %dma_start3A_268, %dma_start3A_272] : memref<2528x1x128xi32, #tpu.memory_space<hbm>> -> memref<1x1x128xi32, #tpu.memory_space<hbm>>
          %dma_start3A_274 = tpu.memref_squeeze %dma_start3A_273 : memref<1x1x128xi32, #tpu.memory_space<hbm>> -> memref<128xi32, #tpu.memory_space<hbm>>
          tpu.enqueue_dma source(%dma_start3A_274 : memref<128xi32, #tpu.memory_space<hbm>>) target(%arg12 : memref<128xi32, #tpu.memory_space<vmem>>) target_semaphore(%arg23 : memref<!tpu.dma_semaphore, #tpu.memory_space<semaphore_mem>>)
        } else {
        }
        %add3A_244 = arith.constant 2 : i32
        %add3A_245 = arith.addi %while3A_166, %add3A_244 : i32
        %lt3A_246 = arith.cmpi slt, %add3A_245, %select_n3A : i32
        %convert_element_type3A_247 = arith.extui %lt3A_246 : i1 to i32
        %cond3A_248 = arith.constant 0 : i32
        %cond3A_249 = arith.cmpi ne, %convert_element_type3A_247, %cond3A_248 : i32
        scf.if %cond3A_249 {
          %add3A_250 = arith.constant 2 : i32
          %add3A_251 = arith.addi %while3A_166, %add3A_250 : i32
          %add3A_252 = arith.addi %select_n3A_10, %add3A_251 : i32
          %dma_start3A_253 = arith.constant 0 : i32
          %dma_start3A_254 = arith.constant 0 : i32
          %dma_start3A_255 = tpu.memref_slice %arg3[%add3A_252, %dma_start3A_253, %dma_start3A_254] : memref<2528x1x128xi32, #tpu.memory_space<hbm>> -> memref<1x1x128xi32, #tpu.memory_space<hbm>>
          %dma_start3A_256 = tpu.memref_squeeze %dma_start3A_255 : memref<1x1x128xi32, #tpu.memory_space<hbm>> -> memref<128xi32, #tpu.memory_space<hbm>>
          %dma_start3A_257 = arith.constant 0 : i32
          %dma_start3A_258 = tpu.memref_slice %arg3[%add3A_252, %dma_start3A_253, %dma_start3A_257] : memref<2528x1x128xi32, #tpu.memory_space<hbm>> -> memref<1x1x128xi32, #tpu.memory_space<hbm>>
          %dma_start3A_259 = tpu.memref_squeeze %dma_start3A_258 : memref<1x1x128xi32, #tpu.memory_space<hbm>> -> memref<128xi32, #tpu.memory_space<hbm>>
          tpu.enqueue_dma source(%dma_start3A_259 : memref<128xi32, #tpu.memory_space<hbm>>) target(%arg7 : memref<128xi32, #tpu.memory_space<vmem>>) target_semaphore(%arg18 : memref<!tpu.dma_semaphore, #tpu.memory_space<semaphore_mem>>)
        } else {
        }
      } else {
      }
      %jit3A_203 = arith.constant 3 : i32
      %eq3A_204 = arith.constant 0 : i32
      %eq3A_205 = arith.cmpi eq, %jit3A_203, %eq3A_204 : i32
      %jit3A_206 = arith.constant 1 : i32
      %select_n3A_207 = arith.select %eq3A_205, %jit3A_206, %jit3A_203 : i32
      %rem3A_208 = arith.remsi %while3A_166, %select_n3A_207 : i32
      %ne3A_209 = arith.constant 0 : i32
      %ne3A_210 = arith.cmpi ne, %rem3A_208, %ne3A_209 : i32
      %lt3A_211 = arith.constant 0 : i32
      %lt3A_212 = arith.cmpi slt, %rem3A_208, %lt3A_211 : i32
      %lt3A_213 = arith.constant 0 : i32
      %lt3A_214 = arith.cmpi slt, %select_n3A_207, %lt3A_213 : i32
      %ne3A_215 = arith.xori %lt3A_212, %lt3A_214 : i1
      %and3A_216 = arith.andi %ne3A_215, %ne3A_210 : i1
      %add3A_217 = arith.addi %rem3A_208, %select_n3A_207 : i32
      %select_n3A_218 = arith.select %and3A_216, %add3A_217, %rem3A_208 : i32
      %eq3A_219 = arith.constant 2 : i32
      %eq3A_220 = arith.cmpi eq, %select_n3A_218, %eq3A_219 : i32
      %convert_element_type3A_221 = arith.extui %eq3A_220 : i1 to i32
      %cond3A_222 = arith.constant 0 : i32
      %cond3A_223 = arith.cmpi ne, %convert_element_type3A_221, %cond3A_222 : i32
      scf.if %cond3A_223 {
        %dma_wait3A_224 = arith.constant 0 : i32
        %dma_wait3A_225 = arith.constant 0 : i32
        %dma_wait3A_226 = tpu.memref_slice %arg16[%dma_wait3A_224, %dma_wait3A_225] : memref<10240x64xbf16, #tpu.memory_space<vmem_shared>> -> memref<10240x64xbf16, #tpu.memory_space<vmem_shared>>
        tpu.wait_indirect_dma semaphore(%arg26 : memref<!tpu.dma_semaphore, #tpu.memory_space<semaphore_mem>>) src(%dma_wait3A_226 : memref<10240x64xbf16, #tpu.memory_space<vmem_shared>>) dst(%arg15 : memref<128x64xbf16, #tpu.memory_space<vmem>>)
        %dma_wait3A_227 = arith.constant 0 : i32
        %dma_wait3A_228 = arith.constant 0 : i32
        %dma_wait3A_229 = arith.constant 0 : i32
        %dma_wait3A_230 = tpu.memref_slice %arg4[%dma_wait3A_227, %dma_wait3A_228, %dma_wait3A_229] : memref<2528x1x128xi32, #tpu.memory_space<hbm>> -> memref<1x1x128xi32, #tpu.memory_space<hbm>>
        %dma_wait3A_231 = tpu.memref_squeeze %dma_wait3A_230 : memref<1x1x128xi32, #tpu.memory_space<hbm>> -> memref<128xi32, #tpu.memory_space<hbm>>
        %dma_wait3A_232 = arith.constant 0 : i32
        %dma_wait3A_233 = tpu.memref_slice %arg4[%dma_wait3A_227, %dma_wait3A_228, %dma_wait3A_232] : memref<2528x1x128xi32, #tpu.memory_space<hbm>> -> memref<1x1x128xi32, #tpu.memory_space<hbm>>
        %dma_wait3A_234 = tpu.memref_squeeze %dma_wait3A_233 : memref<1x1x128xi32, #tpu.memory_space<hbm>> -> memref<128xi32, #tpu.memory_space<hbm>>
        tpu.wait_dma2 semaphore(%arg23 : memref<!tpu.dma_semaphore, #tpu.memory_space<semaphore_mem>>) src(%dma_wait3A_234 : memref<128xi32, #tpu.memory_space<hbm>>) dst(%arg12 : memref<128xi32, #tpu.memory_space<vmem>>)
        %dma_start3A_235 = arith.constant 0 : i32
        %dma_start3A_236 = arith.constant 0 : i32
        %dma_start3A_237 = tpu.memref_slice %arg17[%dma_start3A_235, %dma_start3A_236] : memref<10240x64xbf16, #tpu.memory_space<vmem_shared>> -> memref<10240x64xbf16, #tpu.memory_space<vmem_shared>>
        tpu.enqueue_indirect_dma source(%arg15 : memref<128x64xbf16, #tpu.memory_space<vmem>>) target(%dma_start3A_237 : memref<10240x64xbf16, #tpu.memory_space<vmem_shared>>) offsets(%arg12 : memref<128xi32, #tpu.memory_space<vmem>>) semaphore(%arg29 : memref<!tpu.dma_semaphore, #tpu.memory_space<semaphore_mem>>) {add = true}
        %add3A_238 = arith.constant 1 : i32
        %add3A_239 = arith.addi %while3A_166, %add3A_238 : i32
        %lt3A_240 = arith.cmpi slt, %add3A_239, %select_n3A : i32
        %convert_element_type3A_241 = arith.extui %lt3A_240 : i1 to i32
        %cond3A_242 = arith.constant 0 : i32
        %cond3A_243 = arith.cmpi ne, %convert_element_type3A_241, %cond3A_242 : i32
        scf.if %cond3A_243 {
          %dma_wait3A_250 = arith.constant 0 : i32
          %dma_wait3A_251 = arith.constant 0 : i32
          %dma_wait3A_252 = arith.constant 0 : i32
          %dma_wait3A_253 = tpu.memref_slice %arg3[%dma_wait3A_250, %dma_wait3A_251, %dma_wait3A_252] : memref<2528x1x128xi32, #tpu.memory_space<hbm>> -> memref<1x1x128xi32, #tpu.memory_space<hbm>>
          %dma_wait3A_254 = tpu.memref_squeeze %dma_wait3A_253 : memref<1x1x128xi32, #tpu.memory_space<hbm>> -> memref<128xi32, #tpu.memory_space<hbm>>
          %dma_wait3A_255 = arith.constant 0 : i32
          %dma_wait3A_256 = tpu.memref_slice %arg3[%dma_wait3A_250, %dma_wait3A_251, %dma_wait3A_255] : memref<2528x1x128xi32, #tpu.memory_space<hbm>> -> memref<1x1x128xi32, #tpu.memory_space<hbm>>
          %dma_wait3A_257 = tpu.memref_squeeze %dma_wait3A_256 : memref<1x1x128xi32, #tpu.memory_space<hbm>> -> memref<128xi32, #tpu.memory_space<hbm>>
          tpu.wait_dma2 semaphore(%arg18 : memref<!tpu.dma_semaphore, #tpu.memory_space<semaphore_mem>>) src(%dma_wait3A_257 : memref<128xi32, #tpu.memory_space<hbm>>) dst(%arg7 : memref<128xi32, #tpu.memory_space<vmem>>)
          %ge3A = arith.constant 2 : i32
          %ge3A_258 = arith.cmpi sge, %while3A_166, %ge3A : i32
          %convert_element_type3A_259 = arith.extui %ge3A_258 : i1 to i32
          %cond3A_260 = arith.constant 0 : i32
          %cond3A_261 = arith.cmpi ne, %convert_element_type3A_259, %cond3A_260 : i32
          scf.if %cond3A_261 {
            %dma_wait3A_275 = arith.constant 0 : i32
            %dma_wait3A_276 = arith.constant 0 : i32
            %dma_wait3A_277 = tpu.memref_slice %arg17[%dma_wait3A_275, %dma_wait3A_276] : memref<10240x64xbf16, #tpu.memory_space<vmem_shared>> -> memref<10240x64xbf16, #tpu.memory_space<vmem_shared>>
            tpu.wait_indirect_dma semaphore(%arg27 : memref<!tpu.dma_semaphore, #tpu.memory_space<semaphore_mem>>) src(%arg13 : memref<128x64xbf16, #tpu.memory_space<vmem>>) dst(%dma_wait3A_277 : memref<10240x64xbf16, #tpu.memory_space<vmem_shared>>)
          } else {
          }
          %dma_start3A_262 = arith.constant 0 : i32
          %dma_start3A_263 = arith.constant 0 : i32
          %dma_start3A_264 = tpu.memref_slice %arg16[%dma_start3A_262, %dma_start3A_263] : memref<10240x64xbf16, #tpu.memory_space<vmem_shared>> -> memref<10240x64xbf16, #tpu.memory_space<vmem_shared>>
          tpu.enqueue_indirect_dma source(%dma_start3A_264 : memref<10240x64xbf16, #tpu.memory_space<vmem_shared>>) target(%arg13 : memref<128x64xbf16, #tpu.memory_space<vmem>>) offsets(%arg7 : memref<128xi32, #tpu.memory_space<vmem>>) semaphore(%arg24 : memref<!tpu.dma_semaphore, #tpu.memory_space<semaphore_mem>>)
          %add3A_265 = arith.constant 1 : i32
          %add3A_266 = arith.addi %while3A_166, %add3A_265 : i32
          %add3A_267 = arith.addi %select_n3A_10, %add3A_266 : i32
          %dma_start3A_268 = arith.constant 0 : i32
          %dma_start3A_269 = arith.constant 0 : i32
          %dma_start3A_270 = tpu.memref_slice %arg4[%add3A_267, %dma_start3A_268, %dma_start3A_269] : memref<2528x1x128xi32, #tpu.memory_space<hbm>> -> memref<1x1x128xi32, #tpu.memory_space<hbm>>
          %dma_start3A_271 = tpu.memref_squeeze %dma_start3A_270 : memref<1x1x128xi32, #tpu.memory_space<hbm>> -> memref<128xi32, #tpu.memory_space<hbm>>
          %dma_start3A_272 = arith.constant 0 : i32
          %dma_start3A_273 = tpu.memref_slice %arg4[%add3A_267, %dma_start3A_268, %dma_start3A_272] : memref<2528x1x128xi32, #tpu.memory_space<hbm>> -> memref<1x1x128xi32, #tpu.memory_space<hbm>>
          %dma_start3A_274 = tpu.memref_squeeze %dma_start3A_273 : memref<1x1x128xi32, #tpu.memory_space<hbm>> -> memref<128xi32, #tpu.memory_space<hbm>>
          tpu.enqueue_dma source(%dma_start3A_274 : memref<128xi32, #tpu.memory_space<hbm>>) target(%arg10 : memref<128xi32, #tpu.memory_space<vmem>>) target_semaphore(%arg21 : memref<!tpu.dma_semaphore, #tpu.memory_space<semaphore_mem>>)
        } else {
        }
        %add3A_244 = arith.constant 2 : i32
        %add3A_245 = arith.addi %while3A_166, %add3A_244 : i32
        %lt3A_246 = arith.cmpi slt, %add3A_245, %select_n3A : i32
        %convert_element_type3A_247 = arith.extui %lt3A_246 : i1 to i32
        %cond3A_248 = arith.constant 0 : i32
        %cond3A_249 = arith.cmpi ne, %convert_element_type3A_247, %cond3A_248 : i32
        scf.if %cond3A_249 {
          %add3A_250 = arith.constant 2 : i32
          %add3A_251 = arith.addi %while3A_166, %add3A_250 : i32
          %add3A_252 = arith.addi %select_n3A_10, %add3A_251 : i32
          %dma_start3A_253 = arith.constant 0 : i32
          %dma_start3A_254 = arith.constant 0 : i32
          %dma_start3A_255 = tpu.memref_slice %arg3[%add3A_252, %dma_start3A_253, %dma_start3A_254] : memref<2528x1x128xi32, #tpu.memory_space<hbm>> -> memref<1x1x128xi32, #tpu.memory_space<hbm>>
          %dma_start3A_256 = tpu.memref_squeeze %dma_start3A_255 : memref<1x1x128xi32, #tpu.memory_space<hbm>> -> memref<128xi32, #tpu.memory_space<hbm>>
          %dma_start3A_257 = arith.constant 0 : i32
          %dma_start3A_258 = tpu.memref_slice %arg3[%add3A_252, %dma_start3A_253, %dma_start3A_257] : memref<2528x1x128xi32, #tpu.memory_space<hbm>> -> memref<1x1x128xi32, #tpu.memory_space<hbm>>
          %dma_start3A_259 = tpu.memref_squeeze %dma_start3A_258 : memref<1x1x128xi32, #tpu.memory_space<hbm>> -> memref<128xi32, #tpu.memory_space<hbm>>
          tpu.enqueue_dma source(%dma_start3A_259 : memref<128xi32, #tpu.memory_space<hbm>>) target(%arg8 : memref<128xi32, #tpu.memory_space<vmem>>) target_semaphore(%arg19 : memref<!tpu.dma_semaphore, #tpu.memory_space<semaphore_mem>>)
        } else {
        }
      } else {
      }
    }
    %while3A_75 = arith.constant 1 : i32
    scf.for %while3A_166 = %while3A_73 to %while3A_69 step %while3A_75  : i32 {
      %jit3A_167 = arith.constant 3 : i32
      %eq3A_168 = arith.constant 0 : i32
      %eq3A_169 = arith.cmpi eq, %jit3A_167, %eq3A_168 : i32
      %jit3A_170 = arith.constant 1 : i32
      %select_n3A_171 = arith.select %eq3A_169, %jit3A_170, %jit3A_167 : i32
      %rem3A = arith.remsi %while3A_166, %select_n3A_171 : i32
      %ne3A = arith.constant 0 : i32
      %ne3A_172 = arith.cmpi ne, %rem3A, %ne3A : i32
      %lt3A = arith.constant 0 : i32
      %lt3A_173 = arith.cmpi slt, %rem3A, %lt3A : i32
      %lt3A_174 = arith.constant 0 : i32
      %lt3A_175 = arith.cmpi slt, %select_n3A_171, %lt3A_174 : i32
      %ne3A_176 = arith.xori %lt3A_173, %lt3A_175 : i1
      %and3A = arith.andi %ne3A_176, %ne3A_172 : i1
      %add3A_177 = arith.addi %rem3A, %select_n3A_171 : i32
      %select_n3A_178 = arith.select %and3A, %add3A_177, %rem3A : i32
      %eq3A_179 = arith.constant 0 : i32
      %eq3A_180 = arith.cmpi eq, %select_n3A_178, %eq3A_179 : i32
      %convert_element_type3A = arith.extui %eq3A_180 : i1 to i32
      %cond3A = arith.constant 0 : i32
      %cond3A_181 = arith.cmpi ne, %convert_element_type3A, %cond3A : i32
      scf.if %cond3A_181 {
        %dma_wait3A_224 = arith.constant 0 : i32
        %dma_wait3A_225 = arith.constant 0 : i32
        %dma_wait3A_226 = tpu.memref_slice %arg16[%dma_wait3A_224, %dma_wait3A_225] : memref<10240x64xbf16, #tpu.memory_space<vmem_shared>> -> memref<10240x64xbf16, #tpu.memory_space<vmem_shared>>
        tpu.wait_indirect_dma semaphore(%arg24 : memref<!tpu.dma_semaphore, #tpu.memory_space<semaphore_mem>>) src(%dma_wait3A_226 : memref<10240x64xbf16, #tpu.memory_space<vmem_shared>>) dst(%arg13 : memref<128x64xbf16, #tpu.memory_space<vmem>>)
        %dma_wait3A_227 = arith.constant 0 : i32
        %dma_wait3A_228 = arith.constant 0 : i32
        %dma_wait3A_229 = arith.constant 0 : i32
        %dma_wait3A_230 = tpu.memref_slice %arg4[%dma_wait3A_227, %dma_wait3A_228, %dma_wait3A_229] : memref<2528x1x128xi32, #tpu.memory_space<hbm>> -> memref<1x1x128xi32, #tpu.memory_space<hbm>>
        %dma_wait3A_231 = tpu.memref_squeeze %dma_wait3A_230 : memref<1x1x128xi32, #tpu.memory_space<hbm>> -> memref<128xi32, #tpu.memory_space<hbm>>
        %dma_wait3A_232 = arith.constant 0 : i32
        %dma_wait3A_233 = tpu.memref_slice %arg4[%dma_wait3A_227, %dma_wait3A_228, %dma_wait3A_232] : memref<2528x1x128xi32, #tpu.memory_space<hbm>> -> memref<1x1x128xi32, #tpu.memory_space<hbm>>
        %dma_wait3A_234 = tpu.memref_squeeze %dma_wait3A_233 : memref<1x1x128xi32, #tpu.memory_space<hbm>> -> memref<128xi32, #tpu.memory_space<hbm>>
        tpu.wait_dma2 semaphore(%arg21 : memref<!tpu.dma_semaphore, #tpu.memory_space<semaphore_mem>>) src(%dma_wait3A_234 : memref<128xi32, #tpu.memory_space<hbm>>) dst(%arg10 : memref<128xi32, #tpu.memory_space<vmem>>)
        %dma_start3A_235 = arith.constant 0 : i32
        %dma_start3A_236 = arith.constant 0 : i32
        %dma_start3A_237 = tpu.memref_slice %arg17[%dma_start3A_235, %dma_start3A_236] : memref<10240x64xbf16, #tpu.memory_space<vmem_shared>> -> memref<10240x64xbf16, #tpu.memory_space<vmem_shared>>
        tpu.enqueue_indirect_dma source(%arg13 : memref<128x64xbf16, #tpu.memory_space<vmem>>) target(%dma_start3A_237 : memref<10240x64xbf16, #tpu.memory_space<vmem_shared>>) offsets(%arg10 : memref<128xi32, #tpu.memory_space<vmem>>) semaphore(%arg27 : memref<!tpu.dma_semaphore, #tpu.memory_space<semaphore_mem>>) {add = true}
        %add3A_238 = arith.constant 1 : i32
        %add3A_239 = arith.addi %while3A_166, %add3A_238 : i32
        %lt3A_240 = arith.cmpi slt, %add3A_239, %select_n3A : i32
        %convert_element_type3A_241 = arith.extui %lt3A_240 : i1 to i32
        %cond3A_242 = arith.constant 0 : i32
        %cond3A_243 = arith.cmpi ne, %convert_element_type3A_241, %cond3A_242 : i32
        scf.if %cond3A_243 {
          %dma_wait3A_250 = arith.constant 0 : i32
          %dma_wait3A_251 = arith.constant 0 : i32
          %dma_wait3A_252 = arith.constant 0 : i32
          %dma_wait3A_253 = tpu.memref_slice %arg3[%dma_wait3A_250, %dma_wait3A_251, %dma_wait3A_252] : memref<2528x1x128xi32, #tpu.memory_space<hbm>> -> memref<1x1x128xi32, #tpu.memory_space<hbm>>
          %dma_wait3A_254 = tpu.memref_squeeze %dma_wait3A_253 : memref<1x1x128xi32, #tpu.memory_space<hbm>> -> memref<128xi32, #tpu.memory_space<hbm>>
          %dma_wait3A_255 = arith.constant 0 : i32
          %dma_wait3A_256 = tpu.memref_slice %arg3[%dma_wait3A_250, %dma_wait3A_251, %dma_wait3A_255] : memref<2528x1x128xi32, #tpu.memory_space<hbm>> -> memref<1x1x128xi32, #tpu.memory_space<hbm>>
          %dma_wait3A_257 = tpu.memref_squeeze %dma_wait3A_256 : memref<1x1x128xi32, #tpu.memory_space<hbm>> -> memref<128xi32, #tpu.memory_space<hbm>>
          tpu.wait_dma2 semaphore(%arg19 : memref<!tpu.dma_semaphore, #tpu.memory_space<semaphore_mem>>) src(%dma_wait3A_257 : memref<128xi32, #tpu.memory_space<hbm>>) dst(%arg8 : memref<128xi32, #tpu.memory_space<vmem>>)
          %ge3A = arith.constant 2 : i32
          %ge3A_258 = arith.cmpi sge, %while3A_166, %ge3A : i32
          %convert_element_type3A_259 = arith.extui %ge3A_258 : i1 to i32
          %cond3A_260 = arith.constant 0 : i32
          %cond3A_261 = arith.cmpi ne, %convert_element_type3A_259, %cond3A_260 : i32
          scf.if %cond3A_261 {
            %dma_wait3A_275 = arith.constant 0 : i32
            %dma_wait3A_276 = arith.constant 0 : i32
            %dma_wait3A_277 = tpu.memref_slice %arg17[%dma_wait3A_275, %dma_wait3A_276] : memref<10240x64xbf16, #tpu.memory_space<vmem_shared>> -> memref<10240x64xbf16, #tpu.memory_space<vmem_shared>>
            tpu.wait_indirect_dma semaphore(%arg28 : memref<!tpu.dma_semaphore, #tpu.memory_space<semaphore_mem>>) src(%arg14 : memref<128x64xbf16, #tpu.memory_space<vmem>>) dst(%dma_wait3A_277 : memref<10240x64xbf16, #tpu.memory_space<vmem_shared>>)
          } else {
          }
          %dma_start3A_262 = arith.constant 0 : i32
          %dma_start3A_263 = arith.constant 0 : i32
          %dma_start3A_264 = tpu.memref_slice %arg16[%dma_start3A_262, %dma_start3A_263] : memref<10240x64xbf16, #tpu.memory_space<vmem_shared>> -> memref<10240x64xbf16, #tpu.memory_space<vmem_shared>>
          tpu.enqueue_indirect_dma source(%dma_start3A_264 : memref<10240x64xbf16, #tpu.memory_space<vmem_shared>>) target(%arg14 : memref<128x64xbf16, #tpu.memory_space<vmem>>) offsets(%arg8 : memref<128xi32, #tpu.memory_space<vmem>>) semaphore(%arg25 : memref<!tpu.dma_semaphore, #tpu.memory_space<semaphore_mem>>)
          %add3A_265 = arith.constant 1 : i32
          %add3A_266 = arith.addi %while3A_166, %add3A_265 : i32
          %add3A_267 = arith.addi %select_n3A_10, %add3A_266 : i32
          %dma_start3A_268 = arith.constant 0 : i32
          %dma_start3A_269 = arith.constant 0 : i32
          %dma_start3A_270 = tpu.memref_slice %arg4[%add3A_267, %dma_start3A_268, %dma_start3A_269] : memref<2528x1x128xi32, #tpu.memory_space<hbm>> -> memref<1x1x128xi32, #tpu.memory_space<hbm>>
          %dma_start3A_271 = tpu.memref_squeeze %dma_start3A_270 : memref<1x1x128xi32, #tpu.memory_space<hbm>> -> memref<128xi32, #tpu.memory_space<hbm>>
          %dma_start3A_272 = arith.constant 0 : i32
          %dma_start3A_273 = tpu.memref_slice %arg4[%add3A_267, %dma_start3A_268, %dma_start3A_272] : memref<2528x1x128xi32, #tpu.memory_space<hbm>> -> memref<1x1x128xi32, #tpu.memory_space<hbm>>
          %dma_start3A_274 = tpu.memref_squeeze %dma_start3A_273 : memref<1x1x128xi32, #tpu.memory_space<hbm>> -> memref<128xi32, #tpu.memory_space<hbm>>
          tpu.enqueue_dma source(%dma_start3A_274 : memref<128xi32, #tpu.memory_space<hbm>>) target(%arg11 : memref<128xi32, #tpu.memory_space<vmem>>) target_semaphore(%arg22 : memref<!tpu.dma_semaphore, #tpu.memory_space<semaphore_mem>>)
        } else {
        }
        %add3A_244 = arith.constant 2 : i32
        %add3A_245 = arith.addi %while3A_166, %add3A_244 : i32
        %lt3A_246 = arith.cmpi slt, %add3A_245, %select_n3A : i32
        %convert_element_type3A_247 = arith.extui %lt3A_246 : i1 to i32
        %cond3A_248 = arith.constant 0 : i32
        %cond3A_249 = arith.cmpi ne, %convert_element_type3A_247, %cond3A_248 : i32
        scf.if %cond3A_249 {
          %add3A_250 = arith.constant 2 : i32
          %add3A_251 = arith.addi %while3A_166, %add3A_250 : i32
          %add3A_252 = arith.addi %select_n3A_10, %add3A_251 : i32
          %dma_start3A_253 = arith.constant 0 : i32
          %dma_start3A_254 = arith.constant 0 : i32
          %dma_start3A_255 = tpu.memref_slice %arg3[%add3A_252, %dma_start3A_253, %dma_start3A_254] : memref<2528x1x128xi32, #tpu.memory_space<hbm>> -> memref<1x1x128xi32, #tpu.memory_space<hbm>>
          %dma_start3A_256 = tpu.memref_squeeze %dma_start3A_255 : memref<1x1x128xi32, #tpu.memory_space<hbm>> -> memref<128xi32, #tpu.memory_space<hbm>>
          %dma_start3A_257 = arith.constant 0 : i32
          %dma_start3A_258 = tpu.memref_slice %arg3[%add3A_252, %dma_start3A_253, %dma_start3A_257] : memref<2528x1x128xi32, #tpu.memory_space<hbm>> -> memref<1x1x128xi32, #tpu.memory_space<hbm>>
          %dma_start3A_259 = tpu.memref_squeeze %dma_start3A_258 : memref<1x1x128xi32, #tpu.memory_space<hbm>> -> memref<128xi32, #tpu.memory_space<hbm>>
          tpu.enqueue_dma source(%dma_start3A_259 : memref<128xi32, #tpu.memory_space<hbm>>) target(%arg9 : memref<128xi32, #tpu.memory_space<vmem>>) target_semaphore(%arg20 : memref<!tpu.dma_semaphore, #tpu.memory_space<semaphore_mem>>)
        } else {
        }
      } else {
      }
      %jit3A_182 = arith.constant 3 : i32
      %eq3A_183 = arith.constant 0 : i32
      %eq3A_184 = arith.cmpi eq, %jit3A_182, %eq3A_183 : i32
      %jit3A_185 = arith.constant 1 : i32
      %select_n3A_186 = arith.select %eq3A_184, %jit3A_185, %jit3A_182 : i32
      %rem3A_187 = arith.remsi %while3A_166, %select_n3A_186 : i32
      %ne3A_188 = arith.constant 0 : i32
      %ne3A_189 = arith.cmpi ne, %rem3A_187, %ne3A_188 : i32
      %lt3A_190 = arith.constant 0 : i32
      %lt3A_191 = arith.cmpi slt, %rem3A_187, %lt3A_190 : i32
      %lt3A_192 = arith.constant 0 : i32
      %lt3A_193 = arith.cmpi slt, %select_n3A_186, %lt3A_192 : i32
      %ne3A_194 = arith.xori %lt3A_191, %lt3A_193 : i1
      %and3A_195 = arith.andi %ne3A_194, %ne3A_189 : i1
      %add3A_196 = arith.addi %rem3A_187, %select_n3A_186 : i32
      %select_n3A_197 = arith.select %and3A_195, %add3A_196, %rem3A_187 : i32
      %eq3A_198 = arith.constant 1 : i32
      %eq3A_199 = arith.cmpi eq, %select_n3A_197, %eq3A_198 : i32
      %convert_element_type3A_200 = arith.extui %eq3A_199 : i1 to i32
      %cond3A_201 = arith.constant 0 : i32
      %cond3A_202 = arith.cmpi ne, %convert_element_type3A_200, %cond3A_201 : i32
      scf.if %cond3A_202 {
        %dma_wait3A_224 = arith.constant 0 : i32
        %dma_wait3A_225 = arith.constant 0 : i32
        %dma_wait3A_226 = tpu.memref_slice %arg16[%dma_wait3A_224, %dma_wait3A_225] : memref<10240x64xbf16, #tpu.memory_space<vmem_shared>> -> memref<10240x64xbf16, #tpu.memory_space<vmem_shared>>
        tpu.wait_indirect_dma semaphore(%arg25 : memref<!tpu.dma_semaphore, #tpu.memory_space<semaphore_mem>>) src(%dma_wait3A_226 : memref<10240x64xbf16, #tpu.memory_space<vmem_shared>>) dst(%arg14 : memref<128x64xbf16, #tpu.memory_space<vmem>>)
        %dma_wait3A_227 = arith.constant 0 : i32
        %dma_wait3A_228 = arith.constant 0 : i32
        %dma_wait3A_229 = arith.constant 0 : i32
        %dma_wait3A_230 = tpu.memref_slice %arg4[%dma_wait3A_227, %dma_wait3A_228, %dma_wait3A_229] : memref<2528x1x128xi32, #tpu.memory_space<hbm>> -> memref<1x1x128xi32, #tpu.memory_space<hbm>>
        %dma_wait3A_231 = tpu.memref_squeeze %dma_wait3A_230 : memref<1x1x128xi32, #tpu.memory_space<hbm>> -> memref<128xi32, #tpu.memory_space<hbm>>
        %dma_wait3A_232 = arith.constant 0 : i32
        %dma_wait3A_233 = tpu.memref_slice %arg4[%dma_wait3A_227, %dma_wait3A_228, %dma_wait3A_232] : memref<2528x1x128xi32, #tpu.memory_space<hbm>> -> memref<1x1x128xi32, #tpu.memory_space<hbm>>
        %dma_wait3A_234 = tpu.memref_squeeze %dma_wait3A_233 : memref<1x1x128xi32, #tpu.memory_space<hbm>> -> memref<128xi32, #tpu.memory_space<hbm>>
        tpu.wait_dma2 semaphore(%arg22 : memref<!tpu.dma_semaphore, #tpu.memory_space<semaphore_mem>>) src(%dma_wait3A_234 : memref<128xi32, #tpu.memory_space<hbm>>) dst(%arg11 : memref<128xi32, #tpu.memory_space<vmem>>)
        %dma_start3A_235 = arith.constant 0 : i32
        %dma_start3A_236 = arith.constant 0 : i32
        %dma_start3A_237 = tpu.memref_slice %arg17[%dma_start3A_235, %dma_start3A_236] : memref<10240x64xbf16, #tpu.memory_space<vmem_shared>> -> memref<10240x64xbf16, #tpu.memory_space<vmem_shared>>
        tpu.enqueue_indirect_dma source(%arg14 : memref<128x64xbf16, #tpu.memory_space<vmem>>) target(%dma_start3A_237 : memref<10240x64xbf16, #tpu.memory_space<vmem_shared>>) offsets(%arg11 : memref<128xi32, #tpu.memory_space<vmem>>) semaphore(%arg28 : memref<!tpu.dma_semaphore, #tpu.memory_space<semaphore_mem>>) {add = true}
        %add3A_238 = arith.constant 1 : i32
        %add3A_239 = arith.addi %while3A_166, %add3A_238 : i32
        %lt3A_240 = arith.cmpi slt, %add3A_239, %select_n3A : i32
        %convert_element_type3A_241 = arith.extui %lt3A_240 : i1 to i32
        %cond3A_242 = arith.constant 0 : i32
        %cond3A_243 = arith.cmpi ne, %convert_element_type3A_241, %cond3A_242 : i32
        scf.if %cond3A_243 {
          %dma_wait3A_250 = arith.constant 0 : i32
          %dma_wait3A_251 = arith.constant 0 : i32
          %dma_wait3A_252 = arith.constant 0 : i32
          %dma_wait3A_253 = tpu.memref_slice %arg3[%dma_wait3A_250, %dma_wait3A_251, %dma_wait3A_252] : memref<2528x1x128xi32, #tpu.memory_space<hbm>> -> memref<1x1x128xi32, #tpu.memory_space<hbm>>
          %dma_wait3A_254 = tpu.memref_squeeze %dma_wait3A_253 : memref<1x1x128xi32, #tpu.memory_space<hbm>> -> memref<128xi32, #tpu.memory_space<hbm>>
          %dma_wait3A_255 = arith.constant 0 : i32
          %dma_wait3A_256 = tpu.memref_slice %arg3[%dma_wait3A_250, %dma_wait3A_251, %dma_wait3A_255] : memref<2528x1x128xi32, #tpu.memory_space<hbm>> -> memref<1x1x128xi32, #tpu.memory_space<hbm>>
          %dma_wait3A_257 = tpu.memref_squeeze %dma_wait3A_256 : memref<1x1x128xi32, #tpu.memory_space<hbm>> -> memref<128xi32, #tpu.memory_space<hbm>>
          tpu.wait_dma2 semaphore(%arg20 : memref<!tpu.dma_semaphore, #tpu.memory_space<semaphore_mem>>) src(%dma_wait3A_257 : memref<128xi32, #tpu.memory_space<hbm>>) dst(%arg9 : memref<128xi32, #tpu.memory_space<vmem>>)
          %ge3A = arith.constant 2 : i32
          %ge3A_258 = arith.cmpi sge, %while3A_166, %ge3A : i32
          %convert_element_type3A_259 = arith.extui %ge3A_258 : i1 to i32
          %cond3A_260 = arith.constant 0 : i32
          %cond3A_261 = arith.cmpi ne, %convert_element_type3A_259, %cond3A_260 : i32
          scf.if %cond3A_261 {
            %dma_wait3A_275 = arith.constant 0 : i32
            %dma_wait3A_276 = arith.constant 0 : i32
            %dma_wait3A_277 = tpu.memref_slice %arg17[%dma_wait3A_275, %dma_wait3A_276] : memref<10240x64xbf16, #tpu.memory_space<vmem_shared>> -> memref<10240x64xbf16, #tpu.memory_space<vmem_shared>>
            tpu.wait_indirect_dma semaphore(%arg29 : memref<!tpu.dma_semaphore, #tpu.memory_space<semaphore_mem>>) src(%arg15 : memref<128x64xbf16, #tpu.memory_space<vmem>>) dst(%dma_wait3A_277 : memref<10240x64xbf16, #tpu.memory_space<vmem_shared>>)
          } else {
          }
          %dma_start3A_262 = arith.constant 0 : i32
          %dma_start3A_263 = arith.constant 0 : i32
          %dma_start3A_264 = tpu.memref_slice %arg16[%dma_start3A_262, %dma_start3A_263] : memref<10240x64xbf16, #tpu.memory_space<vmem_shared>> -> memref<10240x64xbf16, #tpu.memory_space<vmem_shared>>
          tpu.enqueue_indirect_dma source(%dma_start3A_264 : memref<10240x64xbf16, #tpu.memory_space<vmem_shared>>) target(%arg15 : memref<128x64xbf16, #tpu.memory_space<vmem>>) offsets(%arg9 : memref<128xi32, #tpu.memory_space<vmem>>) semaphore(%arg26 : memref<!tpu.dma_semaphore, #tpu.memory_space<semaphore_mem>>)
          %add3A_265 = arith.constant 1 : i32
          %add3A_266 = arith.addi %while3A_166, %add3A_265 : i32
          %add3A_267 = arith.addi %select_n3A_10, %add3A_266 : i32
          %dma_start3A_268 = arith.constant 0 : i32
          %dma_start3A_269 = arith.constant 0 : i32
          %dma_start3A_270 = tpu.memref_slice %arg4[%add3A_267, %dma_start3A_268, %dma_start3A_269] : memref<2528x1x128xi32, #tpu.memory_space<hbm>> -> memref<1x1x128xi32, #tpu.memory_space<hbm>>
          %dma_start3A_271 = tpu.memref_squeeze %dma_start3A_270 : memref<1x1x128xi32, #tpu.memory_space<hbm>> -> memref<128xi32, #tpu.memory_space<hbm>>
          %dma_start3A_272 = arith.constant 0 : i32
          %dma_start3A_273 = tpu.memref_slice %arg4[%add3A_267, %dma_start3A_268, %dma_start3A_272] : memref<2528x1x128xi32, #tpu.memory_space<hbm>> -> memref<1x1x128xi32, #tpu.memory_space<hbm>>
          %dma_start3A_274 = tpu.memref_squeeze %dma_start3A_273 : memref<1x1x128xi32, #tpu.memory_space<hbm>> -> memref<128xi32, #tpu.memory_space<hbm>>
          tpu.enqueue_dma source(%dma_start3A_274 : memref<128xi32, #tpu.memory_space<hbm>>) target(%arg12 : memref<128xi32, #tpu.memory_space<vmem>>) target_semaphore(%arg23 : memref<!tpu.dma_semaphore, #tpu.memory_space<semaphore_mem>>)
        } else {
        }
        %add3A_244 = arith.constant 2 : i32
        %add3A_245 = arith.addi %while3A_166, %add3A_244 : i32
        %lt3A_246 = arith.cmpi slt, %add3A_245, %select_n3A : i32
        %convert_element_type3A_247 = arith.extui %lt3A_246 : i1 to i32
        %cond3A_248 = arith.constant 0 : i32
        %cond3A_249 = arith.cmpi ne, %convert_element_type3A_247, %cond3A_248 : i32
        scf.if %cond3A_249 {
          %add3A_250 = arith.constant 2 : i32
          %add3A_251 = arith.addi %while3A_166, %add3A_250 : i32
          %add3A_252 = arith.addi %select_n3A_10, %add3A_251 : i32
          %dma_start3A_253 = arith.constant 0 : i32
          %dma_start3A_254 = arith.constant 0 : i32
          %dma_start3A_255 = tpu.memref_slice %arg3[%add3A_252, %dma_start3A_253, %dma_start3A_254] : memref<2528x1x128xi32, #tpu.memory_space<hbm>> -> memref<1x1x128xi32, #tpu.memory_space<hbm>>
          %dma_start3A_256 = tpu.memref_squeeze %dma_start3A_255 : memref<1x1x128xi32, #tpu.memory_space<hbm>> -> memref<128xi32, #tpu.memory_space<hbm>>
          %dma_start3A_257 = arith.constant 0 : i32
          %dma_start3A_258 = tpu.memref_slice %arg3[%add3A_252, %dma_start3A_253, %dma_start3A_257] : memref<2528x1x128xi32, #tpu.memory_space<hbm>> -> memref<1x1x128xi32, #tpu.memory_space<hbm>>
          %dma_start3A_259 = tpu.memref_squeeze %dma_start3A_258 : memref<1x1x128xi32, #tpu.memory_space<hbm>> -> memref<128xi32, #tpu.memory_space<hbm>>
          tpu.enqueue_dma source(%dma_start3A_259 : memref<128xi32, #tpu.memory_space<hbm>>) target(%arg7 : memref<128xi32, #tpu.memory_space<vmem>>) target_semaphore(%arg18 : memref<!tpu.dma_semaphore, #tpu.memory_space<semaphore_mem>>)
        } else {
        }
      } else {
      }
      %jit3A_203 = arith.constant 3 : i32
      %eq3A_204 = arith.constant 0 : i32
      %eq3A_205 = arith.cmpi eq, %jit3A_203, %eq3A_204 : i32
      %jit3A_206 = arith.constant 1 : i32
      %select_n3A_207 = arith.select %eq3A_205, %jit3A_206, %jit3A_203 : i32
      %rem3A_208 = arith.remsi %while3A_166, %select_n3A_207 : i32
      %ne3A_209 = arith.constant 0 : i32
      %ne3A_210 = arith.cmpi ne, %rem3A_208, %ne3A_209 : i32
      %lt3A_211 = arith.constant 0 : i32
      %lt3A_212 = arith.cmpi slt, %rem3A_208, %lt3A_211 : i32
      %lt3A_213 = arith.constant 0 : i32
      %lt3A_214 = arith.cmpi slt, %select_n3A_207, %lt3A_213 : i32
      %ne3A_215 = arith.xori %lt3A_212, %lt3A_214 : i1
      %and3A_216 = arith.andi %ne3A_215, %ne3A_210 : i1
      %add3A_217 = arith.addi %rem3A_208, %select_n3A_207 : i32
      %select_n3A_218 = arith.select %and3A_216, %add3A_217, %rem3A_208 : i32
      %eq3A_219 = arith.constant 2 : i32
      %eq3A_220 = arith.cmpi eq, %select_n3A_218, %eq3A_219 : i32
      %convert_element_type3A_221 = arith.extui %eq3A_220 : i1 to i32
      %cond3A_222 = arith.constant 0 : i32
      %cond3A_223 = arith.cmpi ne, %convert_element_type3A_221, %cond3A_222 : i32
      scf.if %cond3A_223 {
        %dma_wait3A_224 = arith.constant 0 : i32
        %dma_wait3A_225 = arith.constant 0 : i32
        %dma_wait3A_226 = tpu.memref_slice %arg16[%dma_wait3A_224, %dma_wait3A_225] : memref<10240x64xbf16, #tpu.memory_space<vmem_shared>> -> memref<10240x64xbf16, #tpu.memory_space<vmem_shared>>
        tpu.wait_indirect_dma semaphore(%arg26 : memref<!tpu.dma_semaphore, #tpu.memory_space<semaphore_mem>>) src(%dma_wait3A_226 : memref<10240x64xbf16, #tpu.memory_space<vmem_shared>>) dst(%arg15 : memref<128x64xbf16, #tpu.memory_space<vmem>>)
        %dma_wait3A_227 = arith.constant 0 : i32
        %dma_wait3A_228 = arith.constant 0 : i32
        %dma_wait3A_229 = arith.constant 0 : i32
        %dma_wait3A_230 = tpu.memref_slice %arg4[%dma_wait3A_227, %dma_wait3A_228, %dma_wait3A_229] : memref<2528x1x128xi32, #tpu.memory_space<hbm>> -> memref<1x1x128xi32, #tpu.memory_space<hbm>>
        %dma_wait3A_231 = tpu.memref_squeeze %dma_wait3A_230 : memref<1x1x128xi32, #tpu.memory_space<hbm>> -> memref<128xi32, #tpu.memory_space<hbm>>
        %dma_wait3A_232 = arith.constant 0 : i32
        %dma_wait3A_233 = tpu.memref_slice %arg4[%dma_wait3A_227, %dma_wait3A_228, %dma_wait3A_232] : memref<2528x1x128xi32, #tpu.memory_space<hbm>> -> memref<1x1x128xi32, #tpu.memory_space<hbm>>
        %dma_wait3A_234 = tpu.memref_squeeze %dma_wait3A_233 : memref<1x1x128xi32, #tpu.memory_space<hbm>> -> memref<128xi32, #tpu.memory_space<hbm>>
        tpu.wait_dma2 semaphore(%arg23 : memref<!tpu.dma_semaphore, #tpu.memory_space<semaphore_mem>>) src(%dma_wait3A_234 : memref<128xi32, #tpu.memory_space<hbm>>) dst(%arg12 : memref<128xi32, #tpu.memory_space<vmem>>)
        %dma_start3A_235 = arith.constant 0 : i32
        %dma_start3A_236 = arith.constant 0 : i32
        %dma_start3A_237 = tpu.memref_slice %arg17[%dma_start3A_235, %dma_start3A_236] : memref<10240x64xbf16, #tpu.memory_space<vmem_shared>> -> memref<10240x64xbf16, #tpu.memory_space<vmem_shared>>
        tpu.enqueue_indirect_dma source(%arg15 : memref<128x64xbf16, #tpu.memory_space<vmem>>) target(%dma_start3A_237 : memref<10240x64xbf16, #tpu.memory_space<vmem_shared>>) offsets(%arg12 : memref<128xi32, #tpu.memory_space<vmem>>) semaphore(%arg29 : memref<!tpu.dma_semaphore, #tpu.memory_space<semaphore_mem>>) {add = true}
        %add3A_238 = arith.constant 1 : i32
        %add3A_239 = arith.addi %while3A_166, %add3A_238 : i32
        %lt3A_240 = arith.cmpi slt, %add3A_239, %select_n3A : i32
        %convert_element_type3A_241 = arith.extui %lt3A_240 : i1 to i32
        %cond3A_242 = arith.constant 0 : i32
        %cond3A_243 = arith.cmpi ne, %convert_element_type3A_241, %cond3A_242 : i32
        scf.if %cond3A_243 {
          %dma_wait3A_250 = arith.constant 0 : i32
          %dma_wait3A_251 = arith.constant 0 : i32
          %dma_wait3A_252 = arith.constant 0 : i32
          %dma_wait3A_253 = tpu.memref_slice %arg3[%dma_wait3A_250, %dma_wait3A_251, %dma_wait3A_252] : memref<2528x1x128xi32, #tpu.memory_space<hbm>> -> memref<1x1x128xi32, #tpu.memory_space<hbm>>
          %dma_wait3A_254 = tpu.memref_squeeze %dma_wait3A_253 : memref<1x1x128xi32, #tpu.memory_space<hbm>> -> memref<128xi32, #tpu.memory_space<hbm>>
          %dma_wait3A_255 = arith.constant 0 : i32
          %dma_wait3A_256 = tpu.memref_slice %arg3[%dma_wait3A_250, %dma_wait3A_251, %dma_wait3A_255] : memref<2528x1x128xi32, #tpu.memory_space<hbm>> -> memref<1x1x128xi32, #tpu.memory_space<hbm>>
          %dma_wait3A_257 = tpu.memref_squeeze %dma_wait3A_256 : memref<1x1x128xi32, #tpu.memory_space<hbm>> -> memref<128xi32, #tpu.memory_space<hbm>>
          tpu.wait_dma2 semaphore(%arg18 : memref<!tpu.dma_semaphore, #tpu.memory_space<semaphore_mem>>) src(%dma_wait3A_257 : memref<128xi32, #tpu.memory_space<hbm>>) dst(%arg7 : memref<128xi32, #tpu.memory_space<vmem>>)
          %ge3A = arith.constant 2 : i32
          %ge3A_258 = arith.cmpi sge, %while3A_166, %ge3A : i32
          %convert_element_type3A_259 = arith.extui %ge3A_258 : i1 to i32
          %cond3A_260 = arith.constant 0 : i32
          %cond3A_261 = arith.cmpi ne, %convert_element_type3A_259, %cond3A_260 : i32
          scf.if %cond3A_261 {
            %dma_wait3A_275 = arith.constant 0 : i32
            %dma_wait3A_276 = arith.constant 0 : i32
            %dma_wait3A_277 = tpu.memref_slice %arg17[%dma_wait3A_275, %dma_wait3A_276] : memref<10240x64xbf16, #tpu.memory_space<vmem_shared>> -> memref<10240x64xbf16, #tpu.memory_space<vmem_shared>>
            tpu.wait_indirect_dma semaphore(%arg27 : memref<!tpu.dma_semaphore, #tpu.memory_space<semaphore_mem>>) src(%arg13 : memref<128x64xbf16, #tpu.memory_space<vmem>>) dst(%dma_wait3A_277 : memref<10240x64xbf16, #tpu.memory_space<vmem_shared>>)
          } else {
          }
          %dma_start3A_262 = arith.constant 0 : i32
          %dma_start3A_263 = arith.constant 0 : i32
          %dma_start3A_264 = tpu.memref_slice %arg16[%dma_start3A_262, %dma_start3A_263] : memref<10240x64xbf16, #tpu.memory_space<vmem_shared>> -> memref<10240x64xbf16, #tpu.memory_space<vmem_shared>>
          tpu.enqueue_indirect_dma source(%dma_start3A_264 : memref<10240x64xbf16, #tpu.memory_space<vmem_shared>>) target(%arg13 : memref<128x64xbf16, #tpu.memory_space<vmem>>) offsets(%arg7 : memref<128xi32, #tpu.memory_space<vmem>>) semaphore(%arg24 : memref<!tpu.dma_semaphore, #tpu.memory_space<semaphore_mem>>)
          %add3A_265 = arith.constant 1 : i32
          %add3A_266 = arith.addi %while3A_166, %add3A_265 : i32
          %add3A_267 = arith.addi %select_n3A_10, %add3A_266 : i32
          %dma_start3A_268 = arith.constant 0 : i32
          %dma_start3A_269 = arith.constant 0 : i32
          %dma_start3A_270 = tpu.memref_slice %arg4[%add3A_267, %dma_start3A_268, %dma_start3A_269] : memref<2528x1x128xi32, #tpu.memory_space<hbm>> -> memref<1x1x128xi32, #tpu.memory_space<hbm>>
          %dma_start3A_271 = tpu.memref_squeeze %dma_start3A_270 : memref<1x1x128xi32, #tpu.memory_space<hbm>> -> memref<128xi32, #tpu.memory_space<hbm>>
          %dma_start3A_272 = arith.constant 0 : i32
          %dma_start3A_273 = tpu.memref_slice %arg4[%add3A_267, %dma_start3A_268, %dma_start3A_272] : memref<2528x1x128xi32, #tpu.memory_space<hbm>> -> memref<1x1x128xi32, #tpu.memory_space<hbm>>
          %dma_start3A_274 = tpu.memref_squeeze %dma_start3A_273 : memref<1x1x128xi32, #tpu.memory_space<hbm>> -> memref<128xi32, #tpu.memory_space<hbm>>
          tpu.enqueue_dma source(%dma_start3A_274 : memref<128xi32, #tpu.memory_space<hbm>>) target(%arg10 : memref<128xi32, #tpu.memory_space<vmem>>) target_semaphore(%arg21 : memref<!tpu.dma_semaphore, #tpu.memory_space<semaphore_mem>>)
        } else {
        }
        %add3A_244 = arith.constant 2 : i32
        %add3A_245 = arith.addi %while3A_166, %add3A_244 : i32
        %lt3A_246 = arith.cmpi slt, %add3A_245, %select_n3A : i32
        %convert_element_type3A_247 = arith.extui %lt3A_246 : i1 to i32
        %cond3A_248 = arith.constant 0 : i32
        %cond3A_249 = arith.cmpi ne, %convert_element_type3A_247, %cond3A_248 : i32
        scf.if %cond3A_249 {
          %add3A_250 = arith.constant 2 : i32
          %add3A_251 = arith.addi %while3A_166, %add3A_250 : i32
          %add3A_252 = arith.addi %select_n3A_10, %add3A_251 : i32
          %dma_start3A_253 = arith.constant 0 : i32
          %dma_start3A_254 = arith.constant 0 : i32
          %dma_start3A_255 = tpu.memref_slice %arg3[%add3A_252, %dma_start3A_253, %dma_start3A_254] : memref<2528x1x128xi32, #tpu.memory_space<hbm>> -> memref<1x1x128xi32, #tpu.memory_space<hbm>>
          %dma_start3A_256 = tpu.memref_squeeze %dma_start3A_255 : memref<1x1x128xi32, #tpu.memory_space<hbm>> -> memref<128xi32, #tpu.memory_space<hbm>>
          %dma_start3A_257 = arith.constant 0 : i32
          %dma_start3A_258 = tpu.memref_slice %arg3[%add3A_252, %dma_start3A_253, %dma_start3A_257] : memref<2528x1x128xi32, #tpu.memory_space<hbm>> -> memref<1x1x128xi32, #tpu.memory_space<hbm>>
          %dma_start3A_259 = tpu.memref_squeeze %dma_start3A_258 : memref<1x1x128xi32, #tpu.memory_space<hbm>> -> memref<128xi32, #tpu.memory_space<hbm>>
          tpu.enqueue_dma source(%dma_start3A_259 : memref<128xi32, #tpu.memory_space<hbm>>) target(%arg8 : memref<128xi32, #tpu.memory_space<vmem>>) target_semaphore(%arg19 : memref<!tpu.dma_semaphore, #tpu.memory_space<semaphore_mem>>)
        } else {
        }
      } else {
      }
    }
    %dma_wait3A_76 = arith.constant 0 : i32
    %dma_wait3A_77 = arith.constant 0 : i32
    %dma_wait3A_78 = tpu.memref_slice %arg17[%dma_wait3A_76, %dma_wait3A_77] : memref<10240x64xbf16, #tpu.memory_space<vmem_shared>> -> memref<10240x64xbf16, #tpu.memory_space<vmem_shared>>
    tpu.wait_indirect_dma semaphore(%arg27 : memref<!tpu.dma_semaphore, #tpu.memory_space<semaphore_mem>>) src(%arg13 : memref<128x64xbf16, #tpu.memory_space<vmem>>) dst(%dma_wait3A_78 : memref<10240x64xbf16, #tpu.memory_space<vmem_shared>>)
    %dma_wait3A_79 = arith.constant 0 : i32
    %dma_wait3A_80 = arith.constant 0 : i32
    %dma_wait3A_81 = tpu.memref_slice %arg17[%dma_wait3A_79, %dma_wait3A_80] : memref<10240x64xbf16, #tpu.memory_space<vmem_shared>> -> memref<10240x64xbf16, #tpu.memory_space<vmem_shared>>
    tpu.wait_indirect_dma semaphore(%arg28 : memref<!tpu.dma_semaphore, #tpu.memory_space<semaphore_mem>>) src(%arg14 : memref<128x64xbf16, #tpu.memory_space<vmem>>) dst(%dma_wait3A_81 : memref<10240x64xbf16, #tpu.memory_space<vmem_shared>>)
    %dma_wait3A_82 = arith.constant 0 : i32
    %dma_wait3A_83 = arith.constant 0 : i32
    %dma_wait3A_84 = tpu.memref_slice %arg17[%dma_wait3A_82, %dma_wait3A_83] : memref<10240x64xbf16, #tpu.memory_space<vmem_shared>> -> memref<10240x64xbf16, #tpu.memory_space<vmem_shared>>
    tpu.wait_indirect_dma semaphore(%arg29 : memref<!tpu.dma_semaphore, #tpu.memory_space<semaphore_mem>>) src(%arg15 : memref<128x64xbf16, #tpu.memory_space<vmem>>) dst(%dma_wait3A_84 : memref<10240x64xbf16, #tpu.memory_space<vmem_shared>>)
    %barrier3A_85 = arith.constant 0 : index
    tpu.barrier barrier_id(%barrier3A_85)
    %run_scoped3A = arith.constant 0 : i32
    "tpu.region"() ({
      %run_scoped3A_166 = tpu.sem_alloc : memref<!tpu.dma_semaphore, #tpu.memory_space<semaphore_mem>>
      %dma_start3A_167 = arith.constant 0 : i32
      %dma_start3A_168 = tpu.memref_slice %arg6[%run_scoped3A, %arg0, %mul3A_0, %dma_start3A_167] : memref<2x2x10240x64xbf16, #tpu.memory_space<hbm>> -> memref<1x1x640x64xbf16, #tpu.memory_space<hbm>>
      %dma_start3A_169 = tpu.memref_squeeze %dma_start3A_168 : memref<1x1x640x64xbf16, #tpu.memory_space<hbm>> -> memref<640x64xbf16, #tpu.memory_space<hbm>>
      %dma_start3A_170 = arith.constant 0 : i32
      %dma_start3A_171 = tpu.memref_slice %arg17[%mul3A_0, %dma_start3A_170] : memref<10240x64xbf16, #tpu.memory_space<vmem_shared>> -> memref<640x64xbf16, #tpu.memory_space<vmem_shared>>
      tpu.enqueue_dma source(%dma_start3A_171 : memref<640x64xbf16, #tpu.memory_space<vmem_shared>>) target(%dma_start3A_169 : memref<640x64xbf16, #tpu.memory_space<hbm>>) target_semaphore(%run_scoped3A_166 : memref<!tpu.dma_semaphore, #tpu.memory_space<semaphore_mem>>)
      %dma_wait3A_172 = arith.constant 0 : i32
      %dma_wait3A_173 = tpu.memref_slice %arg6[%run_scoped3A, %arg0, %mul3A_0, %dma_wait3A_172] : memref<2x2x10240x64xbf16, #tpu.memory_space<hbm>> -> memref<1x1x640x64xbf16, #tpu.memory_space<hbm>>
      %dma_wait3A_174 = tpu.memref_squeeze %dma_wait3A_173 : memref<1x1x640x64xbf16, #tpu.memory_space<hbm>> -> memref<640x64xbf16, #tpu.memory_space<hbm>>
      %dma_wait3A_175 = arith.constant 0 : i32
      %dma_wait3A_176 = tpu.memref_slice %arg17[%mul3A_0, %dma_wait3A_175] : memref<10240x64xbf16, #tpu.memory_space<vmem_shared>> -> memref<640x64xbf16, #tpu.memory_space<vmem_shared>>
      tpu.wait_dma2 semaphore(%run_scoped3A_166 : memref<!tpu.dma_semaphore, #tpu.memory_space<semaphore_mem>>) src(%dma_wait3A_176 : memref<640x64xbf16, #tpu.memory_space<vmem_shared>>) dst(%dma_wait3A_174 : memref<640x64xbf16, #tpu.memory_space<hbm>>)
      tpu.yield
    }) : () -> ()
    %dma_start3A_86 = arith.constant 0 : i32
    %dma_start3A_87 = tpu.memref_slice %arg17[%mul3A_0, %dma_start3A_86] : memref<10240x64xbf16, #tpu.memory_space<vmem_shared>> -> memref<640x64xbf16, #tpu.memory_space<vmem_shared>>
    %dma_start3A_88 = arith.constant 0 : i32
    %dma_start3A_89 = tpu.memref_slice %arg5[%mul3A_0, %dma_start3A_88] : memref<10240x64xbf16, #tpu.memory_space<hbm>> -> memref<640x64xbf16, #tpu.memory_space<hbm>>
    tpu.enqueue_dma source(%dma_start3A_89 : memref<640x64xbf16, #tpu.memory_space<hbm>>) target(%dma_start3A_87 : memref<640x64xbf16, #tpu.memory_space<vmem_shared>>) target_semaphore(%arg30 : memref<!tpu.dma_semaphore, #tpu.memory_space<semaphore_mem>>)
    %dma_start3A_90 = arith.constant 1 : i32
    %dma_start3A_91 = arith.constant 0 : i32
    %dma_start3A_92 = tpu.memref_slice %arg16[%mul3A_0, %dma_start3A_91] : memref<10240x64xbf16, #tpu.memory_space<vmem_shared>> -> memref<640x64xbf16, #tpu.memory_space<vmem_shared>>
    %dma_start3A_93 = arith.constant 0 : i32
    %dma_start3A_94 = tpu.memref_slice %arg2[%dma_start3A_90, %mul3A_0, %dma_start3A_93] : memref<2x10240x64xbf16, #tpu.memory_space<hbm>> -> memref<1x640x64xbf16, #tpu.memory_space<hbm>>
    %dma_start3A_95 = tpu.memref_squeeze %dma_start3A_94 : memref<1x640x64xbf16, #tpu.memory_space<hbm>> -> memref<640x64xbf16, #tpu.memory_space<hbm>>
    tpu.enqueue_dma source(%dma_start3A_95 : memref<640x64xbf16, #tpu.memory_space<hbm>>) target(%dma_start3A_92 : memref<640x64xbf16, #tpu.memory_space<vmem_shared>>) target_semaphore(%arg30 : memref<!tpu.dma_semaphore, #tpu.memory_space<semaphore_mem>>)
    %dma_wait3A_96 = arith.constant 1 : i32
    %dma_wait3A_97 = arith.constant 0 : i32
    %dma_wait3A_98 = tpu.memref_slice %arg16[%mul3A_0, %dma_wait3A_97] : memref<10240x64xbf16, #tpu.memory_space<vmem_shared>> -> memref<640x64xbf16, #tpu.memory_space<vmem_shared>>
    %dma_wait3A_99 = arith.constant 0 : i32
    %dma_wait3A_100 = tpu.memref_slice %arg2[%dma_wait3A_96, %mul3A_0, %dma_wait3A_99] : memref<2x10240x64xbf16, #tpu.memory_space<hbm>> -> memref<1x640x64xbf16, #tpu.memory_space<hbm>>
    %dma_wait3A_101 = tpu.memref_squeeze %dma_wait3A_100 : memref<1x640x64xbf16, #tpu.memory_space<hbm>> -> memref<640x64xbf16, #tpu.memory_space<hbm>>
    tpu.wait_dma2 semaphore(%arg30 : memref<!tpu.dma_semaphore, #tpu.memory_space<semaphore_mem>>) src(%dma_wait3A_101 : memref<640x64xbf16, #tpu.memory_space<hbm>>) dst(%dma_wait3A_98 : memref<640x64xbf16, #tpu.memory_space<vmem_shared>>)
    %add3A_102 = arith.constant 0 : i32
    %add3A_103 = arith.addi %select_n3A_10, %add3A_102 : i32
    %dma_start3A_104 = arith.constant 0 : i32
    %dma_start3A_105 = arith.constant 0 : i32
    %dma_start3A_106 = tpu.memref_slice %arg3[%add3A_103, %dma_start3A_104, %dma_start3A_105] : memref<2528x1x128xi32, #tpu.memory_space<hbm>> -> memref<1x1x128xi32, #tpu.memory_space<hbm>>
    %dma_start3A_107 = tpu.memref_squeeze %dma_start3A_106 : memref<1x1x128xi32, #tpu.memory_space<hbm>> -> memref<128xi32, #tpu.memory_space<hbm>>
    %dma_start3A_108 = arith.constant 0 : i32
    %dma_start3A_109 = tpu.memref_slice %arg3[%add3A_103, %dma_start3A_104, %dma_start3A_108] : memref<2528x1x128xi32, #tpu.memory_space<hbm>> -> memref<1x1x128xi32, #tpu.memory_space<hbm>>
    %dma_start3A_110 = tpu.memref_squeeze %dma_start3A_109 : memref<1x1x128xi32, #tpu.memory_space<hbm>> -> memref<128xi32, #tpu.memory_space<hbm>>
    tpu.enqueue_dma source(%dma_start3A_110 : memref<128xi32, #tpu.memory_space<hbm>>) target(%arg7 : memref<128xi32, #tpu.memory_space<vmem>>) target_semaphore(%arg18 : memref<!tpu.dma_semaphore, #tpu.memory_space<semaphore_mem>>)
    %add3A_111 = arith.constant 0 : i32
    %add3A_112 = arith.addi %select_n3A_10, %add3A_111 : i32
    %dma_start3A_113 = arith.constant 0 : i32
    %dma_start3A_114 = arith.constant 0 : i32
    %dma_start3A_115 = tpu.memref_slice %arg4[%add3A_112, %dma_start3A_113, %dma_start3A_114] : memref<2528x1x128xi32, #tpu.memory_space<hbm>> -> memref<1x1x128xi32, #tpu.memory_space<hbm>>
    %dma_start3A_116 = tpu.memref_squeeze %dma_start3A_115 : memref<1x1x128xi32, #tpu.memory_space<hbm>> -> memref<128xi32, #tpu.memory_space<hbm>>
    %dma_start3A_117 = arith.constant 0 : i32
    %dma_start3A_118 = tpu.memref_slice %arg4[%add3A_112, %dma_start3A_113, %dma_start3A_117] : memref<2528x1x128xi32, #tpu.memory_space<hbm>> -> memref<1x1x128xi32, #tpu.memory_space<hbm>>
    %dma_start3A_119 = tpu.memref_squeeze %dma_start3A_118 : memref<1x1x128xi32, #tpu.memory_space<hbm>> -> memref<128xi32, #tpu.memory_space<hbm>>
    tpu.enqueue_dma source(%dma_start3A_119 : memref<128xi32, #tpu.memory_space<hbm>>) target(%arg10 : memref<128xi32, #tpu.memory_space<vmem>>) target_semaphore(%arg21 : memref<!tpu.dma_semaphore, #tpu.memory_space<semaphore_mem>>)
    %add3A_120 = arith.constant 1 : i32
    %add3A_121 = arith.addi %select_n3A_10, %add3A_120 : i32
    %dma_start3A_122 = arith.constant 0 : i32
    %dma_start3A_123 = arith.constant 0 : i32
    %dma_start3A_124 = tpu.memref_slice %arg3[%add3A_121, %dma_start3A_122, %dma_start3A_123] : memref<2528x1x128xi32, #tpu.memory_space<hbm>> -> memref<1x1x128xi32, #tpu.memory_space<hbm>>
    %dma_start3A_125 = tpu.memref_squeeze %dma_start3A_124 : memref<1x1x128xi32, #tpu.memory_space<hbm>> -> memref<128xi32, #tpu.memory_space<hbm>>
    %dma_start3A_126 = arith.constant 0 : i32
    %dma_start3A_127 = tpu.memref_slice %arg3[%add3A_121, %dma_start3A_122, %dma_start3A_126] : memref<2528x1x128xi32, #tpu.memory_space<hbm>> -> memref<1x1x128xi32, #tpu.memory_space<hbm>>
    %dma_start3A_128 = tpu.memref_squeeze %dma_start3A_127 : memref<1x1x128xi32, #tpu.memory_space<hbm>> -> memref<128xi32, #tpu.memory_space<hbm>>
    tpu.enqueue_dma source(%dma_start3A_128 : memref<128xi32, #tpu.memory_space<hbm>>) target(%arg8 : memref<128xi32, #tpu.memory_space<vmem>>) target_semaphore(%arg19 : memref<!tpu.dma_semaphore, #tpu.memory_space<semaphore_mem>>)
    %dma_wait3A_129 = arith.constant 0 : i32
    %dma_wait3A_130 = arith.constant 0 : i32
    %dma_wait3A_131 = arith.constant 0 : i32
    %dma_wait3A_132 = tpu.memref_slice %arg3[%dma_wait3A_129, %dma_wait3A_130, %dma_wait3A_131] : memref<2528x1x128xi32, #tpu.memory_space<hbm>> -> memref<1x1x128xi32, #tpu.memory_space<hbm>>
    %dma_wait3A_133 = tpu.memref_squeeze %dma_wait3A_132 : memref<1x1x128xi32, #tpu.memory_space<hbm>> -> memref<128xi32, #tpu.memory_space<hbm>>
    %dma_wait3A_134 = arith.constant 0 : i32
    %dma_wait3A_135 = tpu.memref_slice %arg3[%dma_wait3A_129, %dma_wait3A_130, %dma_wait3A_134] : memref<2528x1x128xi32, #tpu.memory_space<hbm>> -> memref<1x1x128xi32, #tpu.memory_space<hbm>>
    %dma_wait3A_136 = tpu.memref_squeeze %dma_wait3A_135 : memref<1x1x128xi32, #tpu.memory_space<hbm>> -> memref<128xi32, #tpu.memory_space<hbm>>
    tpu.wait_dma2 semaphore(%arg18 : memref<!tpu.dma_semaphore, #tpu.memory_space<semaphore_mem>>) src(%dma_wait3A_136 : memref<128xi32, #tpu.memory_space<hbm>>) dst(%arg7 : memref<128xi32, #tpu.memory_space<vmem>>)
    %dma_wait3A_137 = arith.constant 0 : i32
    %dma_wait3A_138 = tpu.memref_slice %arg17[%mul3A_0, %dma_wait3A_137] : memref<10240x64xbf16, #tpu.memory_space<vmem_shared>> -> memref<640x64xbf16, #tpu.memory_space<vmem_shared>>
    %dma_wait3A_139 = arith.constant 0 : i32
    %dma_wait3A_140 = tpu.memref_slice %arg5[%mul3A_0, %dma_wait3A_139] : memref<10240x64xbf16, #tpu.memory_space<hbm>> -> memref<640x64xbf16, #tpu.memory_space<hbm>>
    tpu.wait_dma2 semaphore(%arg30 : memref<!tpu.dma_semaphore, #tpu.memory_space<semaphore_mem>>) src(%dma_wait3A_140 : memref<640x64xbf16, #tpu.memory_space<hbm>>) dst(%dma_wait3A_138 : memref<640x64xbf16, #tpu.memory_space<vmem_shared>>)
    %barrier3A_141 = arith.constant 0 : index
    tpu.barrier barrier_id(%barrier3A_141)
    %dma_start3A_142 = arith.constant 0 : i32
    %dma_start3A_143 = arith.constant 0 : i32
    %dma_start3A_144 = tpu.memref_slice %arg16[%dma_start3A_142, %dma_start3A_143] : memref<10240x64xbf16, #tpu.memory_space<vmem_shared>> -> memref<10240x64xbf16, #tpu.memory_space<vmem_shared>>
    tpu.enqueue_indirect_dma source(%dma_start3A_144 : memref<10240x64xbf16, #tpu.memory_space<vmem_shared>>) target(%arg13 : memref<128x64xbf16, #tpu.memory_space<vmem>>) offsets(%arg7 : memref<128xi32, #tpu.memory_space<vmem>>) semaphore(%arg24 : memref<!tpu.dma_semaphore, #tpu.memory_space<semaphore_mem>>)
    %while3A_145 = arith.constant 0 : i32
    %while3A_146 = arith.constant 0 : i32
    %while3A_147 = arith.subi %select_n3A, %while3A_146 : i32
    %while3A_148 = arith.addi %while3A_146, %while3A_147 : i32
    %while3A_149 = arith.constant 1 : i32
    %while3A_150 = arith.divsi %while3A_147, %while3A_149 : i32
    %while3A_151 = arith.muli %while3A_150, %while3A_149 : i32
    %while3A_152 = arith.addi %while3A_146, %while3A_151 : i32
    %while3A_153 = arith.constant 1 : i32
    scf.for %while3A_166 = %while3A_146 to %while3A_152 step %while3A_153  : i32 {
      %jit3A_167 = arith.constant 3 : i32
      %eq3A_168 = arith.constant 0 : i32
      %eq3A_169 = arith.cmpi eq, %jit3A_167, %eq3A_168 : i32
      %jit3A_170 = arith.constant 1 : i32
      %select_n3A_171 = arith.select %eq3A_169, %jit3A_170, %jit3A_167 : i32
      %rem3A = arith.remsi %while3A_166, %select_n3A_171 : i32
      %ne3A = arith.constant 0 : i32
      %ne3A_172 = arith.cmpi ne, %rem3A, %ne3A : i32
      %lt3A = arith.constant 0 : i32
      %lt3A_173 = arith.cmpi slt, %rem3A, %lt3A : i32
      %lt3A_174 = arith.constant 0 : i32
      %lt3A_175 = arith.cmpi slt, %select_n3A_171, %lt3A_174 : i32
      %ne3A_176 = arith.xori %lt3A_173, %lt3A_175 : i1
      %and3A = arith.andi %ne3A_176, %ne3A_172 : i1
      %add3A_177 = arith.addi %rem3A, %select_n3A_171 : i32
      %select_n3A_178 = arith.select %and3A, %add3A_177, %rem3A : i32
      %eq3A_179 = arith.constant 0 : i32
      %eq3A_180 = arith.cmpi eq, %select_n3A_178, %eq3A_179 : i32
      %convert_element_type3A = arith.extui %eq3A_180 : i1 to i32
      %cond3A = arith.constant 0 : i32
      %cond3A_181 = arith.cmpi ne, %convert_element_type3A, %cond3A : i32
      scf.if %cond3A_181 {
        %dma_wait3A_224 = arith.constant 0 : i32
        %dma_wait3A_225 = arith.constant 0 : i32
        %dma_wait3A_226 = tpu.memref_slice %arg16[%dma_wait3A_224, %dma_wait3A_225] : memref<10240x64xbf16, #tpu.memory_space<vmem_shared>> -> memref<10240x64xbf16, #tpu.memory_space<vmem_shared>>
        tpu.wait_indirect_dma semaphore(%arg24 : memref<!tpu.dma_semaphore, #tpu.memory_space<semaphore_mem>>) src(%dma_wait3A_226 : memref<10240x64xbf16, #tpu.memory_space<vmem_shared>>) dst(%arg13 : memref<128x64xbf16, #tpu.memory_space<vmem>>)
        %dma_wait3A_227 = arith.constant 0 : i32
        %dma_wait3A_228 = arith.constant 0 : i32
        %dma_wait3A_229 = arith.constant 0 : i32
        %dma_wait3A_230 = tpu.memref_slice %arg4[%dma_wait3A_227, %dma_wait3A_228, %dma_wait3A_229] : memref<2528x1x128xi32, #tpu.memory_space<hbm>> -> memref<1x1x128xi32, #tpu.memory_space<hbm>>
        %dma_wait3A_231 = tpu.memref_squeeze %dma_wait3A_230 : memref<1x1x128xi32, #tpu.memory_space<hbm>> -> memref<128xi32, #tpu.memory_space<hbm>>
        %dma_wait3A_232 = arith.constant 0 : i32
        %dma_wait3A_233 = tpu.memref_slice %arg4[%dma_wait3A_227, %dma_wait3A_228, %dma_wait3A_232] : memref<2528x1x128xi32, #tpu.memory_space<hbm>> -> memref<1x1x128xi32, #tpu.memory_space<hbm>>
        %dma_wait3A_234 = tpu.memref_squeeze %dma_wait3A_233 : memref<1x1x128xi32, #tpu.memory_space<hbm>> -> memref<128xi32, #tpu.memory_space<hbm>>
        tpu.wait_dma2 semaphore(%arg21 : memref<!tpu.dma_semaphore, #tpu.memory_space<semaphore_mem>>) src(%dma_wait3A_234 : memref<128xi32, #tpu.memory_space<hbm>>) dst(%arg10 : memref<128xi32, #tpu.memory_space<vmem>>)
        %dma_start3A_235 = arith.constant 0 : i32
        %dma_start3A_236 = arith.constant 0 : i32
        %dma_start3A_237 = tpu.memref_slice %arg17[%dma_start3A_235, %dma_start3A_236] : memref<10240x64xbf16, #tpu.memory_space<vmem_shared>> -> memref<10240x64xbf16, #tpu.memory_space<vmem_shared>>
        tpu.enqueue_indirect_dma source(%arg13 : memref<128x64xbf16, #tpu.memory_space<vmem>>) target(%dma_start3A_237 : memref<10240x64xbf16, #tpu.memory_space<vmem_shared>>) offsets(%arg10 : memref<128xi32, #tpu.memory_space<vmem>>) semaphore(%arg27 : memref<!tpu.dma_semaphore, #tpu.memory_space<semaphore_mem>>) {add = true}
        %add3A_238 = arith.constant 1 : i32
        %add3A_239 = arith.addi %while3A_166, %add3A_238 : i32
        %lt3A_240 = arith.cmpi slt, %add3A_239, %select_n3A : i32
        %convert_element_type3A_241 = arith.extui %lt3A_240 : i1 to i32
        %cond3A_242 = arith.constant 0 : i32
        %cond3A_243 = arith.cmpi ne, %convert_element_type3A_241, %cond3A_242 : i32
        scf.if %cond3A_243 {
          %dma_wait3A_250 = arith.constant 0 : i32
          %dma_wait3A_251 = arith.constant 0 : i32
          %dma_wait3A_252 = arith.constant 0 : i32
          %dma_wait3A_253 = tpu.memref_slice %arg3[%dma_wait3A_250, %dma_wait3A_251, %dma_wait3A_252] : memref<2528x1x128xi32, #tpu.memory_space<hbm>> -> memref<1x1x128xi32, #tpu.memory_space<hbm>>
          %dma_wait3A_254 = tpu.memref_squeeze %dma_wait3A_253 : memref<1x1x128xi32, #tpu.memory_space<hbm>> -> memref<128xi32, #tpu.memory_space<hbm>>
          %dma_wait3A_255 = arith.constant 0 : i32
          %dma_wait3A_256 = tpu.memref_slice %arg3[%dma_wait3A_250, %dma_wait3A_251, %dma_wait3A_255] : memref<2528x1x128xi32, #tpu.memory_space<hbm>> -> memref<1x1x128xi32, #tpu.memory_space<hbm>>
          %dma_wait3A_257 = tpu.memref_squeeze %dma_wait3A_256 : memref<1x1x128xi32, #tpu.memory_space<hbm>> -> memref<128xi32, #tpu.memory_space<hbm>>
          tpu.wait_dma2 semaphore(%arg19 : memref<!tpu.dma_semaphore, #tpu.memory_space<semaphore_mem>>) src(%dma_wait3A_257 : memref<128xi32, #tpu.memory_space<hbm>>) dst(%arg8 : memref<128xi32, #tpu.memory_space<vmem>>)
          %ge3A = arith.constant 2 : i32
          %ge3A_258 = arith.cmpi sge, %while3A_166, %ge3A : i32
          %convert_element_type3A_259 = arith.extui %ge3A_258 : i1 to i32
          %cond3A_260 = arith.constant 0 : i32
          %cond3A_261 = arith.cmpi ne, %convert_element_type3A_259, %cond3A_260 : i32
          scf.if %cond3A_261 {
            %dma_wait3A_275 = arith.constant 0 : i32
            %dma_wait3A_276 = arith.constant 0 : i32
            %dma_wait3A_277 = tpu.memref_slice %arg17[%dma_wait3A_275, %dma_wait3A_276] : memref<10240x64xbf16, #tpu.memory_space<vmem_shared>> -> memref<10240x64xbf16, #tpu.memory_space<vmem_shared>>
            tpu.wait_indirect_dma semaphore(%arg28 : memref<!tpu.dma_semaphore, #tpu.memory_space<semaphore_mem>>) src(%arg14 : memref<128x64xbf16, #tpu.memory_space<vmem>>) dst(%dma_wait3A_277 : memref<10240x64xbf16, #tpu.memory_space<vmem_shared>>)
          } else {
          }
          %dma_start3A_262 = arith.constant 0 : i32
          %dma_start3A_263 = arith.constant 0 : i32
          %dma_start3A_264 = tpu.memref_slice %arg16[%dma_start3A_262, %dma_start3A_263] : memref<10240x64xbf16, #tpu.memory_space<vmem_shared>> -> memref<10240x64xbf16, #tpu.memory_space<vmem_shared>>
          tpu.enqueue_indirect_dma source(%dma_start3A_264 : memref<10240x64xbf16, #tpu.memory_space<vmem_shared>>) target(%arg14 : memref<128x64xbf16, #tpu.memory_space<vmem>>) offsets(%arg8 : memref<128xi32, #tpu.memory_space<vmem>>) semaphore(%arg25 : memref<!tpu.dma_semaphore, #tpu.memory_space<semaphore_mem>>)
          %add3A_265 = arith.constant 1 : i32
          %add3A_266 = arith.addi %while3A_166, %add3A_265 : i32
          %add3A_267 = arith.addi %select_n3A_10, %add3A_266 : i32
          %dma_start3A_268 = arith.constant 0 : i32
          %dma_start3A_269 = arith.constant 0 : i32
          %dma_start3A_270 = tpu.memref_slice %arg4[%add3A_267, %dma_start3A_268, %dma_start3A_269] : memref<2528x1x128xi32, #tpu.memory_space<hbm>> -> memref<1x1x128xi32, #tpu.memory_space<hbm>>
          %dma_start3A_271 = tpu.memref_squeeze %dma_start3A_270 : memref<1x1x128xi32, #tpu.memory_space<hbm>> -> memref<128xi32, #tpu.memory_space<hbm>>
          %dma_start3A_272 = arith.constant 0 : i32
          %dma_start3A_273 = tpu.memref_slice %arg4[%add3A_267, %dma_start3A_268, %dma_start3A_272] : memref<2528x1x128xi32, #tpu.memory_space<hbm>> -> memref<1x1x128xi32, #tpu.memory_space<hbm>>
          %dma_start3A_274 = tpu.memref_squeeze %dma_start3A_273 : memref<1x1x128xi32, #tpu.memory_space<hbm>> -> memref<128xi32, #tpu.memory_space<hbm>>
          tpu.enqueue_dma source(%dma_start3A_274 : memref<128xi32, #tpu.memory_space<hbm>>) target(%arg11 : memref<128xi32, #tpu.memory_space<vmem>>) target_semaphore(%arg22 : memref<!tpu.dma_semaphore, #tpu.memory_space<semaphore_mem>>)
        } else {
        }
        %add3A_244 = arith.constant 2 : i32
        %add3A_245 = arith.addi %while3A_166, %add3A_244 : i32
        %lt3A_246 = arith.cmpi slt, %add3A_245, %select_n3A : i32
        %convert_element_type3A_247 = arith.extui %lt3A_246 : i1 to i32
        %cond3A_248 = arith.constant 0 : i32
        %cond3A_249 = arith.cmpi ne, %convert_element_type3A_247, %cond3A_248 : i32
        scf.if %cond3A_249 {
          %add3A_250 = arith.constant 2 : i32
          %add3A_251 = arith.addi %while3A_166, %add3A_250 : i32
          %add3A_252 = arith.addi %select_n3A_10, %add3A_251 : i32
          %dma_start3A_253 = arith.constant 0 : i32
          %dma_start3A_254 = arith.constant 0 : i32
          %dma_start3A_255 = tpu.memref_slice %arg3[%add3A_252, %dma_start3A_253, %dma_start3A_254] : memref<2528x1x128xi32, #tpu.memory_space<hbm>> -> memref<1x1x128xi32, #tpu.memory_space<hbm>>
          %dma_start3A_256 = tpu.memref_squeeze %dma_start3A_255 : memref<1x1x128xi32, #tpu.memory_space<hbm>> -> memref<128xi32, #tpu.memory_space<hbm>>
          %dma_start3A_257 = arith.constant 0 : i32
          %dma_start3A_258 = tpu.memref_slice %arg3[%add3A_252, %dma_start3A_253, %dma_start3A_257] : memref<2528x1x128xi32, #tpu.memory_space<hbm>> -> memref<1x1x128xi32, #tpu.memory_space<hbm>>
          %dma_start3A_259 = tpu.memref_squeeze %dma_start3A_258 : memref<1x1x128xi32, #tpu.memory_space<hbm>> -> memref<128xi32, #tpu.memory_space<hbm>>
          tpu.enqueue_dma source(%dma_start3A_259 : memref<128xi32, #tpu.memory_space<hbm>>) target(%arg9 : memref<128xi32, #tpu.memory_space<vmem>>) target_semaphore(%arg20 : memref<!tpu.dma_semaphore, #tpu.memory_space<semaphore_mem>>)
        } else {
        }
      } else {
      }
      %jit3A_182 = arith.constant 3 : i32
      %eq3A_183 = arith.constant 0 : i32
      %eq3A_184 = arith.cmpi eq, %jit3A_182, %eq3A_183 : i32
      %jit3A_185 = arith.constant 1 : i32
      %select_n3A_186 = arith.select %eq3A_184, %jit3A_185, %jit3A_182 : i32
      %rem3A_187 = arith.remsi %while3A_166, %select_n3A_186 : i32
      %ne3A_188 = arith.constant 0 : i32
      %ne3A_189 = arith.cmpi ne, %rem3A_187, %ne3A_188 : i32
      %lt3A_190 = arith.constant 0 : i32
      %lt3A_191 = arith.cmpi slt, %rem3A_187, %lt3A_190 : i32
      %lt3A_192 = arith.constant 0 : i32
      %lt3A_193 = arith.cmpi slt, %select_n3A_186, %lt3A_192 : i32
      %ne3A_194 = arith.xori %lt3A_191, %lt3A_193 : i1
      %and3A_195 = arith.andi %ne3A_194, %ne3A_189 : i1
      %add3A_196 = arith.addi %rem3A_187, %select_n3A_186 : i32
      %select_n3A_197 = arith.select %and3A_195, %add3A_196, %rem3A_187 : i32
      %eq3A_198 = arith.constant 1 : i32
      %eq3A_199 = arith.cmpi eq, %select_n3A_197, %eq3A_198 : i32
      %convert_element_type3A_200 = arith.extui %eq3A_199 : i1 to i32
      %cond3A_201 = arith.constant 0 : i32
      %cond3A_202 = arith.cmpi ne, %convert_element_type3A_200, %cond3A_201 : i32
      scf.if %cond3A_202 {
        %dma_wait3A_224 = arith.constant 0 : i32
        %dma_wait3A_225 = arith.constant 0 : i32
        %dma_wait3A_226 = tpu.memref_slice %arg16[%dma_wait3A_224, %dma_wait3A_225] : memref<10240x64xbf16, #tpu.memory_space<vmem_shared>> -> memref<10240x64xbf16, #tpu.memory_space<vmem_shared>>
        tpu.wait_indirect_dma semaphore(%arg25 : memref<!tpu.dma_semaphore, #tpu.memory_space<semaphore_mem>>) src(%dma_wait3A_226 : memref<10240x64xbf16, #tpu.memory_space<vmem_shared>>) dst(%arg14 : memref<128x64xbf16, #tpu.memory_space<vmem>>)
        %dma_wait3A_227 = arith.constant 0 : i32
        %dma_wait3A_228 = arith.constant 0 : i32
        %dma_wait3A_229 = arith.constant 0 : i32
        %dma_wait3A_230 = tpu.memref_slice %arg4[%dma_wait3A_227, %dma_wait3A_228, %dma_wait3A_229] : memref<2528x1x128xi32, #tpu.memory_space<hbm>> -> memref<1x1x128xi32, #tpu.memory_space<hbm>>
        %dma_wait3A_231 = tpu.memref_squeeze %dma_wait3A_230 : memref<1x1x128xi32, #tpu.memory_space<hbm>> -> memref<128xi32, #tpu.memory_space<hbm>>
        %dma_wait3A_232 = arith.constant 0 : i32
        %dma_wait3A_233 = tpu.memref_slice %arg4[%dma_wait3A_227, %dma_wait3A_228, %dma_wait3A_232] : memref<2528x1x128xi32, #tpu.memory_space<hbm>> -> memref<1x1x128xi32, #tpu.memory_space<hbm>>
        %dma_wait3A_234 = tpu.memref_squeeze %dma_wait3A_233 : memref<1x1x128xi32, #tpu.memory_space<hbm>> -> memref<128xi32, #tpu.memory_space<hbm>>
        tpu.wait_dma2 semaphore(%arg22 : memref<!tpu.dma_semaphore, #tpu.memory_space<semaphore_mem>>) src(%dma_wait3A_234 : memref<128xi32, #tpu.memory_space<hbm>>) dst(%arg11 : memref<128xi32, #tpu.memory_space<vmem>>)
        %dma_start3A_235 = arith.constant 0 : i32
        %dma_start3A_236 = arith.constant 0 : i32
        %dma_start3A_237 = tpu.memref_slice %arg17[%dma_start3A_235, %dma_start3A_236] : memref<10240x64xbf16, #tpu.memory_space<vmem_shared>> -> memref<10240x64xbf16, #tpu.memory_space<vmem_shared>>
        tpu.enqueue_indirect_dma source(%arg14 : memref<128x64xbf16, #tpu.memory_space<vmem>>) target(%dma_start3A_237 : memref<10240x64xbf16, #tpu.memory_space<vmem_shared>>) offsets(%arg11 : memref<128xi32, #tpu.memory_space<vmem>>) semaphore(%arg28 : memref<!tpu.dma_semaphore, #tpu.memory_space<semaphore_mem>>) {add = true}
        %add3A_238 = arith.constant 1 : i32
        %add3A_239 = arith.addi %while3A_166, %add3A_238 : i32
        %lt3A_240 = arith.cmpi slt, %add3A_239, %select_n3A : i32
        %convert_element_type3A_241 = arith.extui %lt3A_240 : i1 to i32
        %cond3A_242 = arith.constant 0 : i32
        %cond3A_243 = arith.cmpi ne, %convert_element_type3A_241, %cond3A_242 : i32
        scf.if %cond3A_243 {
          %dma_wait3A_250 = arith.constant 0 : i32
          %dma_wait3A_251 = arith.constant 0 : i32
          %dma_wait3A_252 = arith.constant 0 : i32
          %dma_wait3A_253 = tpu.memref_slice %arg3[%dma_wait3A_250, %dma_wait3A_251, %dma_wait3A_252] : memref<2528x1x128xi32, #tpu.memory_space<hbm>> -> memref<1x1x128xi32, #tpu.memory_space<hbm>>
          %dma_wait3A_254 = tpu.memref_squeeze %dma_wait3A_253 : memref<1x1x128xi32, #tpu.memory_space<hbm>> -> memref<128xi32, #tpu.memory_space<hbm>>
          %dma_wait3A_255 = arith.constant 0 : i32
          %dma_wait3A_256 = tpu.memref_slice %arg3[%dma_wait3A_250, %dma_wait3A_251, %dma_wait3A_255] : memref<2528x1x128xi32, #tpu.memory_space<hbm>> -> memref<1x1x128xi32, #tpu.memory_space<hbm>>
          %dma_wait3A_257 = tpu.memref_squeeze %dma_wait3A_256 : memref<1x1x128xi32, #tpu.memory_space<hbm>> -> memref<128xi32, #tpu.memory_space<hbm>>
          tpu.wait_dma2 semaphore(%arg20 : memref<!tpu.dma_semaphore, #tpu.memory_space<semaphore_mem>>) src(%dma_wait3A_257 : memref<128xi32, #tpu.memory_space<hbm>>) dst(%arg9 : memref<128xi32, #tpu.memory_space<vmem>>)
          %ge3A = arith.constant 2 : i32
          %ge3A_258 = arith.cmpi sge, %while3A_166, %ge3A : i32
          %convert_element_type3A_259 = arith.extui %ge3A_258 : i1 to i32
          %cond3A_260 = arith.constant 0 : i32
          %cond3A_261 = arith.cmpi ne, %convert_element_type3A_259, %cond3A_260 : i32
          scf.if %cond3A_261 {
            %dma_wait3A_275 = arith.constant 0 : i32
            %dma_wait3A_276 = arith.constant 0 : i32
            %dma_wait3A_277 = tpu.memref_slice %arg17[%dma_wait3A_275, %dma_wait3A_276] : memref<10240x64xbf16, #tpu.memory_space<vmem_shared>> -> memref<10240x64xbf16, #tpu.memory_space<vmem_shared>>
            tpu.wait_indirect_dma semaphore(%arg29 : memref<!tpu.dma_semaphore, #tpu.memory_space<semaphore_mem>>) src(%arg15 : memref<128x64xbf16, #tpu.memory_space<vmem>>) dst(%dma_wait3A_277 : memref<10240x64xbf16, #tpu.memory_space<vmem_shared>>)
          } else {
          }
          %dma_start3A_262 = arith.constant 0 : i32
          %dma_start3A_263 = arith.constant 0 : i32
          %dma_start3A_264 = tpu.memref_slice %arg16[%dma_start3A_262, %dma_start3A_263] : memref<10240x64xbf16, #tpu.memory_space<vmem_shared>> -> memref<10240x64xbf16, #tpu.memory_space<vmem_shared>>
          tpu.enqueue_indirect_dma source(%dma_start3A_264 : memref<10240x64xbf16, #tpu.memory_space<vmem_shared>>) target(%arg15 : memref<128x64xbf16, #tpu.memory_space<vmem>>) offsets(%arg9 : memref<128xi32, #tpu.memory_space<vmem>>) semaphore(%arg26 : memref<!tpu.dma_semaphore, #tpu.memory_space<semaphore_mem>>)
          %add3A_265 = arith.constant 1 : i32
          %add3A_266 = arith.addi %while3A_166, %add3A_265 : i32
          %add3A_267 = arith.addi %select_n3A_10, %add3A_266 : i32
          %dma_start3A_268 = arith.constant 0 : i32
          %dma_start3A_269 = arith.constant 0 : i32
          %dma_start3A_270 = tpu.memref_slice %arg4[%add3A_267, %dma_start3A_268, %dma_start3A_269] : memref<2528x1x128xi32, #tpu.memory_space<hbm>> -> memref<1x1x128xi32, #tpu.memory_space<hbm>>
          %dma_start3A_271 = tpu.memref_squeeze %dma_start3A_270 : memref<1x1x128xi32, #tpu.memory_space<hbm>> -> memref<128xi32, #tpu.memory_space<hbm>>
          %dma_start3A_272 = arith.constant 0 : i32
          %dma_start3A_273 = tpu.memref_slice %arg4[%add3A_267, %dma_start3A_268, %dma_start3A_272] : memref<2528x1x128xi32, #tpu.memory_space<hbm>> -> memref<1x1x128xi32, #tpu.memory_space<hbm>>
          %dma_start3A_274 = tpu.memref_squeeze %dma_start3A_273 : memref<1x1x128xi32, #tpu.memory_space<hbm>> -> memref<128xi32, #tpu.memory_space<hbm>>
          tpu.enqueue_dma source(%dma_start3A_274 : memref<128xi32, #tpu.memory_space<hbm>>) target(%arg12 : memref<128xi32, #tpu.memory_space<vmem>>) target_semaphore(%arg23 : memref<!tpu.dma_semaphore, #tpu.memory_space<semaphore_mem>>)
        } else {
        }
        %add3A_244 = arith.constant 2 : i32
        %add3A_245 = arith.addi %while3A_166, %add3A_244 : i32
        %lt3A_246 = arith.cmpi slt, %add3A_245, %select_n3A : i32
        %convert_element_type3A_247 = arith.extui %lt3A_246 : i1 to i32
        %cond3A_248 = arith.constant 0 : i32
        %cond3A_249 = arith.cmpi ne, %convert_element_type3A_247, %cond3A_248 : i32
        scf.if %cond3A_249 {
          %add3A_250 = arith.constant 2 : i32
          %add3A_251 = arith.addi %while3A_166, %add3A_250 : i32
          %add3A_252 = arith.addi %select_n3A_10, %add3A_251 : i32
          %dma_start3A_253 = arith.constant 0 : i32
          %dma_start3A_254 = arith.constant 0 : i32
          %dma_start3A_255 = tpu.memref_slice %arg3[%add3A_252, %dma_start3A_253, %dma_start3A_254] : memref<2528x1x128xi32, #tpu.memory_space<hbm>> -> memref<1x1x128xi32, #tpu.memory_space<hbm>>
          %dma_start3A_256 = tpu.memref_squeeze %dma_start3A_255 : memref<1x1x128xi32, #tpu.memory_space<hbm>> -> memref<128xi32, #tpu.memory_space<hbm>>
          %dma_start3A_257 = arith.constant 0 : i32
          %dma_start3A_258 = tpu.memref_slice %arg3[%add3A_252, %dma_start3A_253, %dma_start3A_257] : memref<2528x1x128xi32, #tpu.memory_space<hbm>> -> memref<1x1x128xi32, #tpu.memory_space<hbm>>
          %dma_start3A_259 = tpu.memref_squeeze %dma_start3A_258 : memref<1x1x128xi32, #tpu.memory_space<hbm>> -> memref<128xi32, #tpu.memory_space<hbm>>
          tpu.enqueue_dma source(%dma_start3A_259 : memref<128xi32, #tpu.memory_space<hbm>>) target(%arg7 : memref<128xi32, #tpu.memory_space<vmem>>) target_semaphore(%arg18 : memref<!tpu.dma_semaphore, #tpu.memory_space<semaphore_mem>>)
        } else {
        }
      } else {
      }
      %jit3A_203 = arith.constant 3 : i32
      %eq3A_204 = arith.constant 0 : i32
      %eq3A_205 = arith.cmpi eq, %jit3A_203, %eq3A_204 : i32
      %jit3A_206 = arith.constant 1 : i32
      %select_n3A_207 = arith.select %eq3A_205, %jit3A_206, %jit3A_203 : i32
      %rem3A_208 = arith.remsi %while3A_166, %select_n3A_207 : i32
      %ne3A_209 = arith.constant 0 : i32
      %ne3A_210 = arith.cmpi ne, %rem3A_208, %ne3A_209 : i32
      %lt3A_211 = arith.constant 0 : i32
      %lt3A_212 = arith.cmpi slt, %rem3A_208, %lt3A_211 : i32
      %lt3A_213 = arith.constant 0 : i32
      %lt3A_214 = arith.cmpi slt, %select_n3A_207, %lt3A_213 : i32
      %ne3A_215 = arith.xori %lt3A_212, %lt3A_214 : i1
      %and3A_216 = arith.andi %ne3A_215, %ne3A_210 : i1
      %add3A_217 = arith.addi %rem3A_208, %select_n3A_207 : i32
      %select_n3A_218 = arith.select %and3A_216, %add3A_217, %rem3A_208 : i32
      %eq3A_219 = arith.constant 2 : i32
      %eq3A_220 = arith.cmpi eq, %select_n3A_218, %eq3A_219 : i32
      %convert_element_type3A_221 = arith.extui %eq3A_220 : i1 to i32
      %cond3A_222 = arith.constant 0 : i32
      %cond3A_223 = arith.cmpi ne, %convert_element_type3A_221, %cond3A_222 : i32
      scf.if %cond3A_223 {
        %dma_wait3A_224 = arith.constant 0 : i32
        %dma_wait3A_225 = arith.constant 0 : i32
        %dma_wait3A_226 = tpu.memref_slice %arg16[%dma_wait3A_224, %dma_wait3A_225] : memref<10240x64xbf16, #tpu.memory_space<vmem_shared>> -> memref<10240x64xbf16, #tpu.memory_space<vmem_shared>>
        tpu.wait_indirect_dma semaphore(%arg26 : memref<!tpu.dma_semaphore, #tpu.memory_space<semaphore_mem>>) src(%dma_wait3A_226 : memref<10240x64xbf16, #tpu.memory_space<vmem_shared>>) dst(%arg15 : memref<128x64xbf16, #tpu.memory_space<vmem>>)
        %dma_wait3A_227 = arith.constant 0 : i32
        %dma_wait3A_228 = arith.constant 0 : i32
        %dma_wait3A_229 = arith.constant 0 : i32
        %dma_wait3A_230 = tpu.memref_slice %arg4[%dma_wait3A_227, %dma_wait3A_228, %dma_wait3A_229] : memref<2528x1x128xi32, #tpu.memory_space<hbm>> -> memref<1x1x128xi32, #tpu.memory_space<hbm>>
        %dma_wait3A_231 = tpu.memref_squeeze %dma_wait3A_230 : memref<1x1x128xi32, #tpu.memory_space<hbm>> -> memref<128xi32, #tpu.memory_space<hbm>>
        %dma_wait3A_232 = arith.constant 0 : i32
        %dma_wait3A_233 = tpu.memref_slice %arg4[%dma_wait3A_227, %dma_wait3A_228, %dma_wait3A_232] : memref<2528x1x128xi32, #tpu.memory_space<hbm>> -> memref<1x1x128xi32, #tpu.memory_space<hbm>>
        %dma_wait3A_234 = tpu.memref_squeeze %dma_wait3A_233 : memref<1x1x128xi32, #tpu.memory_space<hbm>> -> memref<128xi32, #tpu.memory_space<hbm>>
        tpu.wait_dma2 semaphore(%arg23 : memref<!tpu.dma_semaphore, #tpu.memory_space<semaphore_mem>>) src(%dma_wait3A_234 : memref<128xi32, #tpu.memory_space<hbm>>) dst(%arg12 : memref<128xi32, #tpu.memory_space<vmem>>)
        %dma_start3A_235 = arith.constant 0 : i32
        %dma_start3A_236 = arith.constant 0 : i32
        %dma_start3A_237 = tpu.memref_slice %arg17[%dma_start3A_235, %dma_start3A_236] : memref<10240x64xbf16, #tpu.memory_space<vmem_shared>> -> memref<10240x64xbf16, #tpu.memory_space<vmem_shared>>
        tpu.enqueue_indirect_dma source(%arg15 : memref<128x64xbf16, #tpu.memory_space<vmem>>) target(%dma_start3A_237 : memref<10240x64xbf16, #tpu.memory_space<vmem_shared>>) offsets(%arg12 : memref<128xi32, #tpu.memory_space<vmem>>) semaphore(%arg29 : memref<!tpu.dma_semaphore, #tpu.memory_space<semaphore_mem>>) {add = true}
        %add3A_238 = arith.constant 1 : i32
        %add3A_239 = arith.addi %while3A_166, %add3A_238 : i32
        %lt3A_240 = arith.cmpi slt, %add3A_239, %select_n3A : i32
        %convert_element_type3A_241 = arith.extui %lt3A_240 : i1 to i32
        %cond3A_242 = arith.constant 0 : i32
        %cond3A_243 = arith.cmpi ne, %convert_element_type3A_241, %cond3A_242 : i32
        scf.if %cond3A_243 {
          %dma_wait3A_250 = arith.constant 0 : i32
          %dma_wait3A_251 = arith.constant 0 : i32
          %dma_wait3A_252 = arith.constant 0 : i32
          %dma_wait3A_253 = tpu.memref_slice %arg3[%dma_wait3A_250, %dma_wait3A_251, %dma_wait3A_252] : memref<2528x1x128xi32, #tpu.memory_space<hbm>> -> memref<1x1x128xi32, #tpu.memory_space<hbm>>
          %dma_wait3A_254 = tpu.memref_squeeze %dma_wait3A_253 : memref<1x1x128xi32, #tpu.memory_space<hbm>> -> memref<128xi32, #tpu.memory_space<hbm>>
          %dma_wait3A_255 = arith.constant 0 : i32
          %dma_wait3A_256 = tpu.memref_slice %arg3[%dma_wait3A_250, %dma_wait3A_251, %dma_wait3A_255] : memref<2528x1x128xi32, #tpu.memory_space<hbm>> -> memref<1x1x128xi32, #tpu.memory_space<hbm>>
          %dma_wait3A_257 = tpu.memref_squeeze %dma_wait3A_256 : memref<1x1x128xi32, #tpu.memory_space<hbm>> -> memref<128xi32, #tpu.memory_space<hbm>>
          tpu.wait_dma2 semaphore(%arg18 : memref<!tpu.dma_semaphore, #tpu.memory_space<semaphore_mem>>) src(%dma_wait3A_257 : memref<128xi32, #tpu.memory_space<hbm>>) dst(%arg7 : memref<128xi32, #tpu.memory_space<vmem>>)
          %ge3A = arith.constant 2 : i32
          %ge3A_258 = arith.cmpi sge, %while3A_166, %ge3A : i32
          %convert_element_type3A_259 = arith.extui %ge3A_258 : i1 to i32
          %cond3A_260 = arith.constant 0 : i32
          %cond3A_261 = arith.cmpi ne, %convert_element_type3A_259, %cond3A_260 : i32
          scf.if %cond3A_261 {
            %dma_wait3A_275 = arith.constant 0 : i32
            %dma_wait3A_276 = arith.constant 0 : i32
            %dma_wait3A_277 = tpu.memref_slice %arg17[%dma_wait3A_275, %dma_wait3A_276] : memref<10240x64xbf16, #tpu.memory_space<vmem_shared>> -> memref<10240x64xbf16, #tpu.memory_space<vmem_shared>>
            tpu.wait_indirect_dma semaphore(%arg27 : memref<!tpu.dma_semaphore, #tpu.memory_space<semaphore_mem>>) src(%arg13 : memref<128x64xbf16, #tpu.memory_space<vmem>>) dst(%dma_wait3A_277 : memref<10240x64xbf16, #tpu.memory_space<vmem_shared>>)
          } else {
          }
          %dma_start3A_262 = arith.constant 0 : i32
          %dma_start3A_263 = arith.constant 0 : i32
          %dma_start3A_264 = tpu.memref_slice %arg16[%dma_start3A_262, %dma_start3A_263] : memref<10240x64xbf16, #tpu.memory_space<vmem_shared>> -> memref<10240x64xbf16, #tpu.memory_space<vmem_shared>>
          tpu.enqueue_indirect_dma source(%dma_start3A_264 : memref<10240x64xbf16, #tpu.memory_space<vmem_shared>>) target(%arg13 : memref<128x64xbf16, #tpu.memory_space<vmem>>) offsets(%arg7 : memref<128xi32, #tpu.memory_space<vmem>>) semaphore(%arg24 : memref<!tpu.dma_semaphore, #tpu.memory_space<semaphore_mem>>)
          %add3A_265 = arith.constant 1 : i32
          %add3A_266 = arith.addi %while3A_166, %add3A_265 : i32
          %add3A_267 = arith.addi %select_n3A_10, %add3A_266 : i32
          %dma_start3A_268 = arith.constant 0 : i32
          %dma_start3A_269 = arith.constant 0 : i32
          %dma_start3A_270 = tpu.memref_slice %arg4[%add3A_267, %dma_start3A_268, %dma_start3A_269] : memref<2528x1x128xi32, #tpu.memory_space<hbm>> -> memref<1x1x128xi32, #tpu.memory_space<hbm>>
          %dma_start3A_271 = tpu.memref_squeeze %dma_start3A_270 : memref<1x1x128xi32, #tpu.memory_space<hbm>> -> memref<128xi32, #tpu.memory_space<hbm>>
          %dma_start3A_272 = arith.constant 0 : i32
          %dma_start3A_273 = tpu.memref_slice %arg4[%add3A_267, %dma_start3A_268, %dma_start3A_272] : memref<2528x1x128xi32, #tpu.memory_space<hbm>> -> memref<1x1x128xi32, #tpu.memory_space<hbm>>
          %dma_start3A_274 = tpu.memref_squeeze %dma_start3A_273 : memref<1x1x128xi32, #tpu.memory_space<hbm>> -> memref<128xi32, #tpu.memory_space<hbm>>
          tpu.enqueue_dma source(%dma_start3A_274 : memref<128xi32, #tpu.memory_space<hbm>>) target(%arg10 : memref<128xi32, #tpu.memory_space<vmem>>) target_semaphore(%arg21 : memref<!tpu.dma_semaphore, #tpu.memory_space<semaphore_mem>>)
        } else {
        }
        %add3A_244 = arith.constant 2 : i32
        %add3A_245 = arith.addi %while3A_166, %add3A_244 : i32
        %lt3A_246 = arith.cmpi slt, %add3A_245, %select_n3A : i32
        %convert_element_type3A_247 = arith.extui %lt3A_246 : i1 to i32
        %cond3A_248 = arith.constant 0 : i32
        %cond3A_249 = arith.cmpi ne, %convert_element_type3A_247, %cond3A_248 : i32
        scf.if %cond3A_249 {
          %add3A_250 = arith.constant 2 : i32
          %add3A_251 = arith.addi %while3A_166, %add3A_250 : i32
          %add3A_252 = arith.addi %select_n3A_10, %add3A_251 : i32
          %dma_start3A_253 = arith.constant 0 : i32
          %dma_start3A_254 = arith.constant 0 : i32
          %dma_start3A_255 = tpu.memref_slice %arg3[%add3A_252, %dma_start3A_253, %dma_start3A_254] : memref<2528x1x128xi32, #tpu.memory_space<hbm>> -> memref<1x1x128xi32, #tpu.memory_space<hbm>>
          %dma_start3A_256 = tpu.memref_squeeze %dma_start3A_255 : memref<1x1x128xi32, #tpu.memory_space<hbm>> -> memref<128xi32, #tpu.memory_space<hbm>>
          %dma_start3A_257 = arith.constant 0 : i32
          %dma_start3A_258 = tpu.memref_slice %arg3[%add3A_252, %dma_start3A_253, %dma_start3A_257] : memref<2528x1x128xi32, #tpu.memory_space<hbm>> -> memref<1x1x128xi32, #tpu.memory_space<hbm>>
          %dma_start3A_259 = tpu.memref_squeeze %dma_start3A_258 : memref<1x1x128xi32, #tpu.memory_space<hbm>> -> memref<128xi32, #tpu.memory_space<hbm>>
          tpu.enqueue_dma source(%dma_start3A_259 : memref<128xi32, #tpu.memory_space<hbm>>) target(%arg8 : memref<128xi32, #tpu.memory_space<vmem>>) target_semaphore(%arg19 : memref<!tpu.dma_semaphore, #tpu.memory_space<semaphore_mem>>)
        } else {
        }
      } else {
      }
    }
    %while3A_154 = arith.constant 1 : i32
    scf.for %while3A_166 = %while3A_152 to %while3A_148 step %while3A_154  : i32 {
      %jit3A_167 = arith.constant 3 : i32
      %eq3A_168 = arith.constant 0 : i32
      %eq3A_169 = arith.cmpi eq, %jit3A_167, %eq3A_168 : i32
      %jit3A_170 = arith.constant 1 : i32
      %select_n3A_171 = arith.select %eq3A_169, %jit3A_170, %jit3A_167 : i32
      %rem3A = arith.remsi %while3A_166, %select_n3A_171 : i32
      %ne3A = arith.constant 0 : i32
      %ne3A_172 = arith.cmpi ne, %rem3A, %ne3A : i32
      %lt3A = arith.constant 0 : i32
      %lt3A_173 = arith.cmpi slt, %rem3A, %lt3A : i32
      %lt3A_174 = arith.constant 0 : i32
      %lt3A_175 = arith.cmpi slt, %select_n3A_171, %lt3A_174 : i32
      %ne3A_176 = arith.xori %lt3A_173, %lt3A_175 : i1
      %and3A = arith.andi %ne3A_176, %ne3A_172 : i1
      %add3A_177 = arith.addi %rem3A, %select_n3A_171 : i32
      %select_n3A_178 = arith.select %and3A, %add3A_177, %rem3A : i32
      %eq3A_179 = arith.constant 0 : i32
      %eq3A_180 = arith.cmpi eq, %select_n3A_178, %eq3A_179 : i32
      %convert_element_type3A = arith.extui %eq3A_180 : i1 to i32
      %cond3A = arith.constant 0 : i32
      %cond3A_181 = arith.cmpi ne, %convert_element_type3A, %cond3A : i32
      scf.if %cond3A_181 {
        %dma_wait3A_224 = arith.constant 0 : i32
        %dma_wait3A_225 = arith.constant 0 : i32
        %dma_wait3A_226 = tpu.memref_slice %arg16[%dma_wait3A_224, %dma_wait3A_225] : memref<10240x64xbf16, #tpu.memory_space<vmem_shared>> -> memref<10240x64xbf16, #tpu.memory_space<vmem_shared>>
        tpu.wait_indirect_dma semaphore(%arg24 : memref<!tpu.dma_semaphore, #tpu.memory_space<semaphore_mem>>) src(%dma_wait3A_226 : memref<10240x64xbf16, #tpu.memory_space<vmem_shared>>) dst(%arg13 : memref<128x64xbf16, #tpu.memory_space<vmem>>)
        %dma_wait3A_227 = arith.constant 0 : i32
        %dma_wait3A_228 = arith.constant 0 : i32
        %dma_wait3A_229 = arith.constant 0 : i32
        %dma_wait3A_230 = tpu.memref_slice %arg4[%dma_wait3A_227, %dma_wait3A_228, %dma_wait3A_229] : memref<2528x1x128xi32, #tpu.memory_space<hbm>> -> memref<1x1x128xi32, #tpu.memory_space<hbm>>
        %dma_wait3A_231 = tpu.memref_squeeze %dma_wait3A_230 : memref<1x1x128xi32, #tpu.memory_space<hbm>> -> memref<128xi32, #tpu.memory_space<hbm>>
        %dma_wait3A_232 = arith.constant 0 : i32
        %dma_wait3A_233 = tpu.memref_slice %arg4[%dma_wait3A_227, %dma_wait3A_228, %dma_wait3A_232] : memref<2528x1x128xi32, #tpu.memory_space<hbm>> -> memref<1x1x128xi32, #tpu.memory_space<hbm>>
        %dma_wait3A_234 = tpu.memref_squeeze %dma_wait3A_233 : memref<1x1x128xi32, #tpu.memory_space<hbm>> -> memref<128xi32, #tpu.memory_space<hbm>>
        tpu.wait_dma2 semaphore(%arg21 : memref<!tpu.dma_semaphore, #tpu.memory_space<semaphore_mem>>) src(%dma_wait3A_234 : memref<128xi32, #tpu.memory_space<hbm>>) dst(%arg10 : memref<128xi32, #tpu.memory_space<vmem>>)
        %dma_start3A_235 = arith.constant 0 : i32
        %dma_start3A_236 = arith.constant 0 : i32
        %dma_start3A_237 = tpu.memref_slice %arg17[%dma_start3A_235, %dma_start3A_236] : memref<10240x64xbf16, #tpu.memory_space<vmem_shared>> -> memref<10240x64xbf16, #tpu.memory_space<vmem_shared>>
        tpu.enqueue_indirect_dma source(%arg13 : memref<128x64xbf16, #tpu.memory_space<vmem>>) target(%dma_start3A_237 : memref<10240x64xbf16, #tpu.memory_space<vmem_shared>>) offsets(%arg10 : memref<128xi32, #tpu.memory_space<vmem>>) semaphore(%arg27 : memref<!tpu.dma_semaphore, #tpu.memory_space<semaphore_mem>>) {add = true}
        %add3A_238 = arith.constant 1 : i32
        %add3A_239 = arith.addi %while3A_166, %add3A_238 : i32
        %lt3A_240 = arith.cmpi slt, %add3A_239, %select_n3A : i32
        %convert_element_type3A_241 = arith.extui %lt3A_240 : i1 to i32
        %cond3A_242 = arith.constant 0 : i32
        %cond3A_243 = arith.cmpi ne, %convert_element_type3A_241, %cond3A_242 : i32
        scf.if %cond3A_243 {
          %dma_wait3A_250 = arith.constant 0 : i32
          %dma_wait3A_251 = arith.constant 0 : i32
          %dma_wait3A_252 = arith.constant 0 : i32
          %dma_wait3A_253 = tpu.memref_slice %arg3[%dma_wait3A_250, %dma_wait3A_251, %dma_wait3A_252] : memref<2528x1x128xi32, #tpu.memory_space<hbm>> -> memref<1x1x128xi32, #tpu.memory_space<hbm>>
          %dma_wait3A_254 = tpu.memref_squeeze %dma_wait3A_253 : memref<1x1x128xi32, #tpu.memory_space<hbm>> -> memref<128xi32, #tpu.memory_space<hbm>>
          %dma_wait3A_255 = arith.constant 0 : i32
          %dma_wait3A_256 = tpu.memref_slice %arg3[%dma_wait3A_250, %dma_wait3A_251, %dma_wait3A_255] : memref<2528x1x128xi32, #tpu.memory_space<hbm>> -> memref<1x1x128xi32, #tpu.memory_space<hbm>>
          %dma_wait3A_257 = tpu.memref_squeeze %dma_wait3A_256 : memref<1x1x128xi32, #tpu.memory_space<hbm>> -> memref<128xi32, #tpu.memory_space<hbm>>
          tpu.wait_dma2 semaphore(%arg19 : memref<!tpu.dma_semaphore, #tpu.memory_space<semaphore_mem>>) src(%dma_wait3A_257 : memref<128xi32, #tpu.memory_space<hbm>>) dst(%arg8 : memref<128xi32, #tpu.memory_space<vmem>>)
          %ge3A = arith.constant 2 : i32
          %ge3A_258 = arith.cmpi sge, %while3A_166, %ge3A : i32
          %convert_element_type3A_259 = arith.extui %ge3A_258 : i1 to i32
          %cond3A_260 = arith.constant 0 : i32
          %cond3A_261 = arith.cmpi ne, %convert_element_type3A_259, %cond3A_260 : i32
          scf.if %cond3A_261 {
            %dma_wait3A_275 = arith.constant 0 : i32
            %dma_wait3A_276 = arith.constant 0 : i32
            %dma_wait3A_277 = tpu.memref_slice %arg17[%dma_wait3A_275, %dma_wait3A_276] : memref<10240x64xbf16, #tpu.memory_space<vmem_shared>> -> memref<10240x64xbf16, #tpu.memory_space<vmem_shared>>
            tpu.wait_indirect_dma semaphore(%arg28 : memref<!tpu.dma_semaphore, #tpu.memory_space<semaphore_mem>>) src(%arg14 : memref<128x64xbf16, #tpu.memory_space<vmem>>) dst(%dma_wait3A_277 : memref<10240x64xbf16, #tpu.memory_space<vmem_shared>>)
          } else {
          }
          %dma_start3A_262 = arith.constant 0 : i32
          %dma_start3A_263 = arith.constant 0 : i32
          %dma_start3A_264 = tpu.memref_slice %arg16[%dma_start3A_262, %dma_start3A_263] : memref<10240x64xbf16, #tpu.memory_space<vmem_shared>> -> memref<10240x64xbf16, #tpu.memory_space<vmem_shared>>
          tpu.enqueue_indirect_dma source(%dma_start3A_264 : memref<10240x64xbf16, #tpu.memory_space<vmem_shared>>) target(%arg14 : memref<128x64xbf16, #tpu.memory_space<vmem>>) offsets(%arg8 : memref<128xi32, #tpu.memory_space<vmem>>) semaphore(%arg25 : memref<!tpu.dma_semaphore, #tpu.memory_space<semaphore_mem>>)
          %add3A_265 = arith.constant 1 : i32
          %add3A_266 = arith.addi %while3A_166, %add3A_265 : i32
          %add3A_267 = arith.addi %select_n3A_10, %add3A_266 : i32
          %dma_start3A_268 = arith.constant 0 : i32
          %dma_start3A_269 = arith.constant 0 : i32
          %dma_start3A_270 = tpu.memref_slice %arg4[%add3A_267, %dma_start3A_268, %dma_start3A_269] : memref<2528x1x128xi32, #tpu.memory_space<hbm>> -> memref<1x1x128xi32, #tpu.memory_space<hbm>>
          %dma_start3A_271 = tpu.memref_squeeze %dma_start3A_270 : memref<1x1x128xi32, #tpu.memory_space<hbm>> -> memref<128xi32, #tpu.memory_space<hbm>>
          %dma_start3A_272 = arith.constant 0 : i32
          %dma_start3A_273 = tpu.memref_slice %arg4[%add3A_267, %dma_start3A_268, %dma_start3A_272] : memref<2528x1x128xi32, #tpu.memory_space<hbm>> -> memref<1x1x128xi32, #tpu.memory_space<hbm>>
          %dma_start3A_274 = tpu.memref_squeeze %dma_start3A_273 : memref<1x1x128xi32, #tpu.memory_space<hbm>> -> memref<128xi32, #tpu.memory_space<hbm>>
          tpu.enqueue_dma source(%dma_start3A_274 : memref<128xi32, #tpu.memory_space<hbm>>) target(%arg11 : memref<128xi32, #tpu.memory_space<vmem>>) target_semaphore(%arg22 : memref<!tpu.dma_semaphore, #tpu.memory_space<semaphore_mem>>)
        } else {
        }
        %add3A_244 = arith.constant 2 : i32
        %add3A_245 = arith.addi %while3A_166, %add3A_244 : i32
        %lt3A_246 = arith.cmpi slt, %add3A_245, %select_n3A : i32
        %convert_element_type3A_247 = arith.extui %lt3A_246 : i1 to i32
        %cond3A_248 = arith.constant 0 : i32
        %cond3A_249 = arith.cmpi ne, %convert_element_type3A_247, %cond3A_248 : i32
        scf.if %cond3A_249 {
          %add3A_250 = arith.constant 2 : i32
          %add3A_251 = arith.addi %while3A_166, %add3A_250 : i32
          %add3A_252 = arith.addi %select_n3A_10, %add3A_251 : i32
          %dma_start3A_253 = arith.constant 0 : i32
          %dma_start3A_254 = arith.constant 0 : i32
          %dma_start3A_255 = tpu.memref_slice %arg3[%add3A_252, %dma_start3A_253, %dma_start3A_254] : memref<2528x1x128xi32, #tpu.memory_space<hbm>> -> memref<1x1x128xi32, #tpu.memory_space<hbm>>
          %dma_start3A_256 = tpu.memref_squeeze %dma_start3A_255 : memref<1x1x128xi32, #tpu.memory_space<hbm>> -> memref<128xi32, #tpu.memory_space<hbm>>
          %dma_start3A_257 = arith.constant 0 : i32
          %dma_start3A_258 = tpu.memref_slice %arg3[%add3A_252, %dma_start3A_253, %dma_start3A_257] : memref<2528x1x128xi32, #tpu.memory_space<hbm>> -> memref<1x1x128xi32, #tpu.memory_space<hbm>>
          %dma_start3A_259 = tpu.memref_squeeze %dma_start3A_258 : memref<1x1x128xi32, #tpu.memory_space<hbm>> -> memref<128xi32, #tpu.memory_space<hbm>>
          tpu.enqueue_dma source(%dma_start3A_259 : memref<128xi32, #tpu.memory_space<hbm>>) target(%arg9 : memref<128xi32, #tpu.memory_space<vmem>>) target_semaphore(%arg20 : memref<!tpu.dma_semaphore, #tpu.memory_space<semaphore_mem>>)
        } else {
        }
      } else {
      }
      %jit3A_182 = arith.constant 3 : i32
      %eq3A_183 = arith.constant 0 : i32
      %eq3A_184 = arith.cmpi eq, %jit3A_182, %eq3A_183 : i32
      %jit3A_185 = arith.constant 1 : i32
      %select_n3A_186 = arith.select %eq3A_184, %jit3A_185, %jit3A_182 : i32
      %rem3A_187 = arith.remsi %while3A_166, %select_n3A_186 : i32
      %ne3A_188 = arith.constant 0 : i32
      %ne3A_189 = arith.cmpi ne, %rem3A_187, %ne3A_188 : i32
      %lt3A_190 = arith.constant 0 : i32
      %lt3A_191 = arith.cmpi slt, %rem3A_187, %lt3A_190 : i32
      %lt3A_192 = arith.constant 0 : i32
      %lt3A_193 = arith.cmpi slt, %select_n3A_186, %lt3A_192 : i32
      %ne3A_194 = arith.xori %lt3A_191, %lt3A_193 : i1
      %and3A_195 = arith.andi %ne3A_194, %ne3A_189 : i1
      %add3A_196 = arith.addi %rem3A_187, %select_n3A_186 : i32
      %select_n3A_197 = arith.select %and3A_195, %add3A_196, %rem3A_187 : i32
      %eq3A_198 = arith.constant 1 : i32
      %eq3A_199 = arith.cmpi eq, %select_n3A_197, %eq3A_198 : i32
      %convert_element_type3A_200 = arith.extui %eq3A_199 : i1 to i32
      %cond3A_201 = arith.constant 0 : i32
      %cond3A_202 = arith.cmpi ne, %convert_element_type3A_200, %cond3A_201 : i32
      scf.if %cond3A_202 {
        %dma_wait3A_224 = arith.constant 0 : i32
        %dma_wait3A_225 = arith.constant 0 : i32
        %dma_wait3A_226 = tpu.memref_slice %arg16[%dma_wait3A_224, %dma_wait3A_225] : memref<10240x64xbf16, #tpu.memory_space<vmem_shared>> -> memref<10240x64xbf16, #tpu.memory_space<vmem_shared>>
        tpu.wait_indirect_dma semaphore(%arg25 : memref<!tpu.dma_semaphore, #tpu.memory_space<semaphore_mem>>) src(%dma_wait3A_226 : memref<10240x64xbf16, #tpu.memory_space<vmem_shared>>) dst(%arg14 : memref<128x64xbf16, #tpu.memory_space<vmem>>)
        %dma_wait3A_227 = arith.constant 0 : i32
        %dma_wait3A_228 = arith.constant 0 : i32
        %dma_wait3A_229 = arith.constant 0 : i32
        %dma_wait3A_230 = tpu.memref_slice %arg4[%dma_wait3A_227, %dma_wait3A_228, %dma_wait3A_229] : memref<2528x1x128xi32, #tpu.memory_space<hbm>> -> memref<1x1x128xi32, #tpu.memory_space<hbm>>
        %dma_wait3A_231 = tpu.memref_squeeze %dma_wait3A_230 : memref<1x1x128xi32, #tpu.memory_space<hbm>> -> memref<128xi32, #tpu.memory_space<hbm>>
        %dma_wait3A_232 = arith.constant 0 : i32
        %dma_wait3A_233 = tpu.memref_slice %arg4[%dma_wait3A_227, %dma_wait3A_228, %dma_wait3A_232] : memref<2528x1x128xi32, #tpu.memory_space<hbm>> -> memref<1x1x128xi32, #tpu.memory_space<hbm>>
        %dma_wait3A_234 = tpu.memref_squeeze %dma_wait3A_233 : memref<1x1x128xi32, #tpu.memory_space<hbm>> -> memref<128xi32, #tpu.memory_space<hbm>>
        tpu.wait_dma2 semaphore(%arg22 : memref<!tpu.dma_semaphore, #tpu.memory_space<semaphore_mem>>) src(%dma_wait3A_234 : memref<128xi32, #tpu.memory_space<hbm>>) dst(%arg11 : memref<128xi32, #tpu.memory_space<vmem>>)
        %dma_start3A_235 = arith.constant 0 : i32
        %dma_start3A_236 = arith.constant 0 : i32
        %dma_start3A_237 = tpu.memref_slice %arg17[%dma_start3A_235, %dma_start3A_236] : memref<10240x64xbf16, #tpu.memory_space<vmem_shared>> -> memref<10240x64xbf16, #tpu.memory_space<vmem_shared>>
        tpu.enqueue_indirect_dma source(%arg14 : memref<128x64xbf16, #tpu.memory_space<vmem>>) target(%dma_start3A_237 : memref<10240x64xbf16, #tpu.memory_space<vmem_shared>>) offsets(%arg11 : memref<128xi32, #tpu.memory_space<vmem>>) semaphore(%arg28 : memref<!tpu.dma_semaphore, #tpu.memory_space<semaphore_mem>>) {add = true}
        %add3A_238 = arith.constant 1 : i32
        %add3A_239 = arith.addi %while3A_166, %add3A_238 : i32
        %lt3A_240 = arith.cmpi slt, %add3A_239, %select_n3A : i32
        %convert_element_type3A_241 = arith.extui %lt3A_240 : i1 to i32
        %cond3A_242 = arith.constant 0 : i32
        %cond3A_243 = arith.cmpi ne, %convert_element_type3A_241, %cond3A_242 : i32
        scf.if %cond3A_243 {
          %dma_wait3A_250 = arith.constant 0 : i32
          %dma_wait3A_251 = arith.constant 0 : i32
          %dma_wait3A_252 = arith.constant 0 : i32
          %dma_wait3A_253 = tpu.memref_slice %arg3[%dma_wait3A_250, %dma_wait3A_251, %dma_wait3A_252] : memref<2528x1x128xi32, #tpu.memory_space<hbm>> -> memref<1x1x128xi32, #tpu.memory_space<hbm>>
          %dma_wait3A_254 = tpu.memref_squeeze %dma_wait3A_253 : memref<1x1x128xi32, #tpu.memory_space<hbm>> -> memref<128xi32, #tpu.memory_space<hbm>>
          %dma_wait3A_255 = arith.constant 0 : i32
          %dma_wait3A_256 = tpu.memref_slice %arg3[%dma_wait3A_250, %dma_wait3A_251, %dma_wait3A_255] : memref<2528x1x128xi32, #tpu.memory_space<hbm>> -> memref<1x1x128xi32, #tpu.memory_space<hbm>>
          %dma_wait3A_257 = tpu.memref_squeeze %dma_wait3A_256 : memref<1x1x128xi32, #tpu.memory_space<hbm>> -> memref<128xi32, #tpu.memory_space<hbm>>
          tpu.wait_dma2 semaphore(%arg20 : memref<!tpu.dma_semaphore, #tpu.memory_space<semaphore_mem>>) src(%dma_wait3A_257 : memref<128xi32, #tpu.memory_space<hbm>>) dst(%arg9 : memref<128xi32, #tpu.memory_space<vmem>>)
          %ge3A = arith.constant 2 : i32
          %ge3A_258 = arith.cmpi sge, %while3A_166, %ge3A : i32
          %convert_element_type3A_259 = arith.extui %ge3A_258 : i1 to i32
          %cond3A_260 = arith.constant 0 : i32
          %cond3A_261 = arith.cmpi ne, %convert_element_type3A_259, %cond3A_260 : i32
          scf.if %cond3A_261 {
            %dma_wait3A_275 = arith.constant 0 : i32
            %dma_wait3A_276 = arith.constant 0 : i32
            %dma_wait3A_277 = tpu.memref_slice %arg17[%dma_wait3A_275, %dma_wait3A_276] : memref<10240x64xbf16, #tpu.memory_space<vmem_shared>> -> memref<10240x64xbf16, #tpu.memory_space<vmem_shared>>
            tpu.wait_indirect_dma semaphore(%arg29 : memref<!tpu.dma_semaphore, #tpu.memory_space<semaphore_mem>>) src(%arg15 : memref<128x64xbf16, #tpu.memory_space<vmem>>) dst(%dma_wait3A_277 : memref<10240x64xbf16, #tpu.memory_space<vmem_shared>>)
          } else {
          }
          %dma_start3A_262 = arith.constant 0 : i32
          %dma_start3A_263 = arith.constant 0 : i32
          %dma_start3A_264 = tpu.memref_slice %arg16[%dma_start3A_262, %dma_start3A_263] : memref<10240x64xbf16, #tpu.memory_space<vmem_shared>> -> memref<10240x64xbf16, #tpu.memory_space<vmem_shared>>
          tpu.enqueue_indirect_dma source(%dma_start3A_264 : memref<10240x64xbf16, #tpu.memory_space<vmem_shared>>) target(%arg15 : memref<128x64xbf16, #tpu.memory_space<vmem>>) offsets(%arg9 : memref<128xi32, #tpu.memory_space<vmem>>) semaphore(%arg26 : memref<!tpu.dma_semaphore, #tpu.memory_space<semaphore_mem>>)
          %add3A_265 = arith.constant 1 : i32
          %add3A_266 = arith.addi %while3A_166, %add3A_265 : i32
          %add3A_267 = arith.addi %select_n3A_10, %add3A_266 : i32
          %dma_start3A_268 = arith.constant 0 : i32
          %dma_start3A_269 = arith.constant 0 : i32
          %dma_start3A_270 = tpu.memref_slice %arg4[%add3A_267, %dma_start3A_268, %dma_start3A_269] : memref<2528x1x128xi32, #tpu.memory_space<hbm>> -> memref<1x1x128xi32, #tpu.memory_space<hbm>>
          %dma_start3A_271 = tpu.memref_squeeze %dma_start3A_270 : memref<1x1x128xi32, #tpu.memory_space<hbm>> -> memref<128xi32, #tpu.memory_space<hbm>>
          %dma_start3A_272 = arith.constant 0 : i32
          %dma_start3A_273 = tpu.memref_slice %arg4[%add3A_267, %dma_start3A_268, %dma_start3A_272] : memref<2528x1x128xi32, #tpu.memory_space<hbm>> -> memref<1x1x128xi32, #tpu.memory_space<hbm>>
          %dma_start3A_274 = tpu.memref_squeeze %dma_start3A_273 : memref<1x1x128xi32, #tpu.memory_space<hbm>> -> memref<128xi32, #tpu.memory_space<hbm>>
          tpu.enqueue_dma source(%dma_start3A_274 : memref<128xi32, #tpu.memory_space<hbm>>) target(%arg12 : memref<128xi32, #tpu.memory_space<vmem>>) target_semaphore(%arg23 : memref<!tpu.dma_semaphore, #tpu.memory_space<semaphore_mem>>)
        } else {
        }
        %add3A_244 = arith.constant 2 : i32
        %add3A_245 = arith.addi %while3A_166, %add3A_244 : i32
        %lt3A_246 = arith.cmpi slt, %add3A_245, %select_n3A : i32
        %convert_element_type3A_247 = arith.extui %lt3A_246 : i1 to i32
        %cond3A_248 = arith.constant 0 : i32
        %cond3A_249 = arith.cmpi ne, %convert_element_type3A_247, %cond3A_248 : i32
        scf.if %cond3A_249 {
          %add3A_250 = arith.constant 2 : i32
          %add3A_251 = arith.addi %while3A_166, %add3A_250 : i32
          %add3A_252 = arith.addi %select_n3A_10, %add3A_251 : i32
          %dma_start3A_253 = arith.constant 0 : i32
          %dma_start3A_254 = arith.constant 0 : i32
          %dma_start3A_255 = tpu.memref_slice %arg3[%add3A_252, %dma_start3A_253, %dma_start3A_254] : memref<2528x1x128xi32, #tpu.memory_space<hbm>> -> memref<1x1x128xi32, #tpu.memory_space<hbm>>
          %dma_start3A_256 = tpu.memref_squeeze %dma_start3A_255 : memref<1x1x128xi32, #tpu.memory_space<hbm>> -> memref<128xi32, #tpu.memory_space<hbm>>
          %dma_start3A_257 = arith.constant 0 : i32
          %dma_start3A_258 = tpu.memref_slice %arg3[%add3A_252, %dma_start3A_253, %dma_start3A_257] : memref<2528x1x128xi32, #tpu.memory_space<hbm>> -> memref<1x1x128xi32, #tpu.memory_space<hbm>>
          %dma_start3A_259 = tpu.memref_squeeze %dma_start3A_258 : memref<1x1x128xi32, #tpu.memory_space<hbm>> -> memref<128xi32, #tpu.memory_space<hbm>>
          tpu.enqueue_dma source(%dma_start3A_259 : memref<128xi32, #tpu.memory_space<hbm>>) target(%arg7 : memref<128xi32, #tpu.memory_space<vmem>>) target_semaphore(%arg18 : memref<!tpu.dma_semaphore, #tpu.memory_space<semaphore_mem>>)
        } else {
        }
      } else {
      }
      %jit3A_203 = arith.constant 3 : i32
      %eq3A_204 = arith.constant 0 : i32
      %eq3A_205 = arith.cmpi eq, %jit3A_203, %eq3A_204 : i32
      %jit3A_206 = arith.constant 1 : i32
      %select_n3A_207 = arith.select %eq3A_205, %jit3A_206, %jit3A_203 : i32
      %rem3A_208 = arith.remsi %while3A_166, %select_n3A_207 : i32
      %ne3A_209 = arith.constant 0 : i32
      %ne3A_210 = arith.cmpi ne, %rem3A_208, %ne3A_209 : i32
      %lt3A_211 = arith.constant 0 : i32
      %lt3A_212 = arith.cmpi slt, %rem3A_208, %lt3A_211 : i32
      %lt3A_213 = arith.constant 0 : i32
      %lt3A_214 = arith.cmpi slt, %select_n3A_207, %lt3A_213 : i32
      %ne3A_215 = arith.xori %lt3A_212, %lt3A_214 : i1
      %and3A_216 = arith.andi %ne3A_215, %ne3A_210 : i1
      %add3A_217 = arith.addi %rem3A_208, %select_n3A_207 : i32
      %select_n3A_218 = arith.select %and3A_216, %add3A_217, %rem3A_208 : i32
      %eq3A_219 = arith.constant 2 : i32
      %eq3A_220 = arith.cmpi eq, %select_n3A_218, %eq3A_219 : i32
      %convert_element_type3A_221 = arith.extui %eq3A_220 : i1 to i32
      %cond3A_222 = arith.constant 0 : i32
      %cond3A_223 = arith.cmpi ne, %convert_element_type3A_221, %cond3A_222 : i32
      scf.if %cond3A_223 {
        %dma_wait3A_224 = arith.constant 0 : i32
        %dma_wait3A_225 = arith.constant 0 : i32
        %dma_wait3A_226 = tpu.memref_slice %arg16[%dma_wait3A_224, %dma_wait3A_225] : memref<10240x64xbf16, #tpu.memory_space<vmem_shared>> -> memref<10240x64xbf16, #tpu.memory_space<vmem_shared>>
        tpu.wait_indirect_dma semaphore(%arg26 : memref<!tpu.dma_semaphore, #tpu.memory_space<semaphore_mem>>) src(%dma_wait3A_226 : memref<10240x64xbf16, #tpu.memory_space<vmem_shared>>) dst(%arg15 : memref<128x64xbf16, #tpu.memory_space<vmem>>)
        %dma_wait3A_227 = arith.constant 0 : i32
        %dma_wait3A_228 = arith.constant 0 : i32
        %dma_wait3A_229 = arith.constant 0 : i32
        %dma_wait3A_230 = tpu.memref_slice %arg4[%dma_wait3A_227, %dma_wait3A_228, %dma_wait3A_229] : memref<2528x1x128xi32, #tpu.memory_space<hbm>> -> memref<1x1x128xi32, #tpu.memory_space<hbm>>
        %dma_wait3A_231 = tpu.memref_squeeze %dma_wait3A_230 : memref<1x1x128xi32, #tpu.memory_space<hbm>> -> memref<128xi32, #tpu.memory_space<hbm>>
        %dma_wait3A_232 = arith.constant 0 : i32
        %dma_wait3A_233 = tpu.memref_slice %arg4[%dma_wait3A_227, %dma_wait3A_228, %dma_wait3A_232] : memref<2528x1x128xi32, #tpu.memory_space<hbm>> -> memref<1x1x128xi32, #tpu.memory_space<hbm>>
        %dma_wait3A_234 = tpu.memref_squeeze %dma_wait3A_233 : memref<1x1x128xi32, #tpu.memory_space<hbm>> -> memref<128xi32, #tpu.memory_space<hbm>>
        tpu.wait_dma2 semaphore(%arg23 : memref<!tpu.dma_semaphore, #tpu.memory_space<semaphore_mem>>) src(%dma_wait3A_234 : memref<128xi32, #tpu.memory_space<hbm>>) dst(%arg12 : memref<128xi32, #tpu.memory_space<vmem>>)
        %dma_start3A_235 = arith.constant 0 : i32
        %dma_start3A_236 = arith.constant 0 : i32
        %dma_start3A_237 = tpu.memref_slice %arg17[%dma_start3A_235, %dma_start3A_236] : memref<10240x64xbf16, #tpu.memory_space<vmem_shared>> -> memref<10240x64xbf16, #tpu.memory_space<vmem_shared>>
        tpu.enqueue_indirect_dma source(%arg15 : memref<128x64xbf16, #tpu.memory_space<vmem>>) target(%dma_start3A_237 : memref<10240x64xbf16, #tpu.memory_space<vmem_shared>>) offsets(%arg12 : memref<128xi32, #tpu.memory_space<vmem>>) semaphore(%arg29 : memref<!tpu.dma_semaphore, #tpu.memory_space<semaphore_mem>>) {add = true}
        %add3A_238 = arith.constant 1 : i32
        %add3A_239 = arith.addi %while3A_166, %add3A_238 : i32
        %lt3A_240 = arith.cmpi slt, %add3A_239, %select_n3A : i32
        %convert_element_type3A_241 = arith.extui %lt3A_240 : i1 to i32
        %cond3A_242 = arith.constant 0 : i32
        %cond3A_243 = arith.cmpi ne, %convert_element_type3A_241, %cond3A_242 : i32
        scf.if %cond3A_243 {
          %dma_wait3A_250 = arith.constant 0 : i32
          %dma_wait3A_251 = arith.constant 0 : i32
          %dma_wait3A_252 = arith.constant 0 : i32
          %dma_wait3A_253 = tpu.memref_slice %arg3[%dma_wait3A_250, %dma_wait3A_251, %dma_wait3A_252] : memref<2528x1x128xi32, #tpu.memory_space<hbm>> -> memref<1x1x128xi32, #tpu.memory_space<hbm>>
          %dma_wait3A_254 = tpu.memref_squeeze %dma_wait3A_253 : memref<1x1x128xi32, #tpu.memory_space<hbm>> -> memref<128xi32, #tpu.memory_space<hbm>>
          %dma_wait3A_255 = arith.constant 0 : i32
          %dma_wait3A_256 = tpu.memref_slice %arg3[%dma_wait3A_250, %dma_wait3A_251, %dma_wait3A_255] : memref<2528x1x128xi32, #tpu.memory_space<hbm>> -> memref<1x1x128xi32, #tpu.memory_space<hbm>>
          %dma_wait3A_257 = tpu.memref_squeeze %dma_wait3A_256 : memref<1x1x128xi32, #tpu.memory_space<hbm>> -> memref<128xi32, #tpu.memory_space<hbm>>
          tpu.wait_dma2 semaphore(%arg18 : memref<!tpu.dma_semaphore, #tpu.memory_space<semaphore_mem>>) src(%dma_wait3A_257 : memref<128xi32, #tpu.memory_space<hbm>>) dst(%arg7 : memref<128xi32, #tpu.memory_space<vmem>>)
          %ge3A = arith.constant 2 : i32
          %ge3A_258 = arith.cmpi sge, %while3A_166, %ge3A : i32
          %convert_element_type3A_259 = arith.extui %ge3A_258 : i1 to i32
          %cond3A_260 = arith.constant 0 : i32
          %cond3A_261 = arith.cmpi ne, %convert_element_type3A_259, %cond3A_260 : i32
          scf.if %cond3A_261 {
            %dma_wait3A_275 = arith.constant 0 : i32
            %dma_wait3A_276 = arith.constant 0 : i32
            %dma_wait3A_277 = tpu.memref_slice %arg17[%dma_wait3A_275, %dma_wait3A_276] : memref<10240x64xbf16, #tpu.memory_space<vmem_shared>> -> memref<10240x64xbf16, #tpu.memory_space<vmem_shared>>
            tpu.wait_indirect_dma semaphore(%arg27 : memref<!tpu.dma_semaphore, #tpu.memory_space<semaphore_mem>>) src(%arg13 : memref<128x64xbf16, #tpu.memory_space<vmem>>) dst(%dma_wait3A_277 : memref<10240x64xbf16, #tpu.memory_space<vmem_shared>>)
          } else {
          }
          %dma_start3A_262 = arith.constant 0 : i32
          %dma_start3A_263 = arith.constant 0 : i32
          %dma_start3A_264 = tpu.memref_slice %arg16[%dma_start3A_262, %dma_start3A_263] : memref<10240x64xbf16, #tpu.memory_space<vmem_shared>> -> memref<10240x64xbf16, #tpu.memory_space<vmem_shared>>
          tpu.enqueue_indirect_dma source(%dma_start3A_264 : memref<10240x64xbf16, #tpu.memory_space<vmem_shared>>) target(%arg13 : memref<128x64xbf16, #tpu.memory_space<vmem>>) offsets(%arg7 : memref<128xi32, #tpu.memory_space<vmem>>) semaphore(%arg24 : memref<!tpu.dma_semaphore, #tpu.memory_space<semaphore_mem>>)
          %add3A_265 = arith.constant 1 : i32
          %add3A_266 = arith.addi %while3A_166, %add3A_265 : i32
          %add3A_267 = arith.addi %select_n3A_10, %add3A_266 : i32
          %dma_start3A_268 = arith.constant 0 : i32
          %dma_start3A_269 = arith.constant 0 : i32
          %dma_start3A_270 = tpu.memref_slice %arg4[%add3A_267, %dma_start3A_268, %dma_start3A_269] : memref<2528x1x128xi32, #tpu.memory_space<hbm>> -> memref<1x1x128xi32, #tpu.memory_space<hbm>>
          %dma_start3A_271 = tpu.memref_squeeze %dma_start3A_270 : memref<1x1x128xi32, #tpu.memory_space<hbm>> -> memref<128xi32, #tpu.memory_space<hbm>>
          %dma_start3A_272 = arith.constant 0 : i32
          %dma_start3A_273 = tpu.memref_slice %arg4[%add3A_267, %dma_start3A_268, %dma_start3A_272] : memref<2528x1x128xi32, #tpu.memory_space<hbm>> -> memref<1x1x128xi32, #tpu.memory_space<hbm>>
          %dma_start3A_274 = tpu.memref_squeeze %dma_start3A_273 : memref<1x1x128xi32, #tpu.memory_space<hbm>> -> memref<128xi32, #tpu.memory_space<hbm>>
          tpu.enqueue_dma source(%dma_start3A_274 : memref<128xi32, #tpu.memory_space<hbm>>) target(%arg10 : memref<128xi32, #tpu.memory_space<vmem>>) target_semaphore(%arg21 : memref<!tpu.dma_semaphore, #tpu.memory_space<semaphore_mem>>)
        } else {
        }
        %add3A_244 = arith.constant 2 : i32
        %add3A_245 = arith.addi %while3A_166, %add3A_244 : i32
        %lt3A_246 = arith.cmpi slt, %add3A_245, %select_n3A : i32
        %convert_element_type3A_247 = arith.extui %lt3A_246 : i1 to i32
        %cond3A_248 = arith.constant 0 : i32
        %cond3A_249 = arith.cmpi ne, %convert_element_type3A_247, %cond3A_248 : i32
        scf.if %cond3A_249 {
          %add3A_250 = arith.constant 2 : i32
          %add3A_251 = arith.addi %while3A_166, %add3A_250 : i32
          %add3A_252 = arith.addi %select_n3A_10, %add3A_251 : i32
          %dma_start3A_253 = arith.constant 0 : i32
          %dma_start3A_254 = arith.constant 0 : i32
          %dma_start3A_255 = tpu.memref_slice %arg3[%add3A_252, %dma_start3A_253, %dma_start3A_254] : memref<2528x1x128xi32, #tpu.memory_space<hbm>> -> memref<1x1x128xi32, #tpu.memory_space<hbm>>
          %dma_start3A_256 = tpu.memref_squeeze %dma_start3A_255 : memref<1x1x128xi32, #tpu.memory_space<hbm>> -> memref<128xi32, #tpu.memory_space<hbm>>
          %dma_start3A_257 = arith.constant 0 : i32
          %dma_start3A_258 = tpu.memref_slice %arg3[%add3A_252, %dma_start3A_253, %dma_start3A_257] : memref<2528x1x128xi32, #tpu.memory_space<hbm>> -> memref<1x1x128xi32, #tpu.memory_space<hbm>>
          %dma_start3A_259 = tpu.memref_squeeze %dma_start3A_258 : memref<1x1x128xi32, #tpu.memory_space<hbm>> -> memref<128xi32, #tpu.memory_space<hbm>>
          tpu.enqueue_dma source(%dma_start3A_259 : memref<128xi32, #tpu.memory_space<hbm>>) target(%arg8 : memref<128xi32, #tpu.memory_space<vmem>>) target_semaphore(%arg19 : memref<!tpu.dma_semaphore, #tpu.memory_space<semaphore_mem>>)
        } else {
        }
      } else {
      }
    }
    %dma_wait3A_155 = arith.constant 0 : i32
    %dma_wait3A_156 = arith.constant 0 : i32
    %dma_wait3A_157 = tpu.memref_slice %arg17[%dma_wait3A_155, %dma_wait3A_156] : memref<10240x64xbf16, #tpu.memory_space<vmem_shared>> -> memref<10240x64xbf16, #tpu.memory_space<vmem_shared>>
    tpu.wait_indirect_dma semaphore(%arg27 : memref<!tpu.dma_semaphore, #tpu.memory_space<semaphore_mem>>) src(%arg13 : memref<128x64xbf16, #tpu.memory_space<vmem>>) dst(%dma_wait3A_157 : memref<10240x64xbf16, #tpu.memory_space<vmem_shared>>)
    %dma_wait3A_158 = arith.constant 0 : i32
    %dma_wait3A_159 = arith.constant 0 : i32
    %dma_wait3A_160 = tpu.memref_slice %arg17[%dma_wait3A_158, %dma_wait3A_159] : memref<10240x64xbf16, #tpu.memory_space<vmem_shared>> -> memref<10240x64xbf16, #tpu.memory_space<vmem_shared>>
    tpu.wait_indirect_dma semaphore(%arg28 : memref<!tpu.dma_semaphore, #tpu.memory_space<semaphore_mem>>) src(%arg14 : memref<128x64xbf16, #tpu.memory_space<vmem>>) dst(%dma_wait3A_160 : memref<10240x64xbf16, #tpu.memory_space<vmem_shared>>)
    %dma_wait3A_161 = arith.constant 0 : i32
    %dma_wait3A_162 = arith.constant 0 : i32
    %dma_wait3A_163 = tpu.memref_slice %arg17[%dma_wait3A_161, %dma_wait3A_162] : memref<10240x64xbf16, #tpu.memory_space<vmem_shared>> -> memref<10240x64xbf16, #tpu.memory_space<vmem_shared>>
    tpu.wait_indirect_dma semaphore(%arg29 : memref<!tpu.dma_semaphore, #tpu.memory_space<semaphore_mem>>) src(%arg15 : memref<128x64xbf16, #tpu.memory_space<vmem>>) dst(%dma_wait3A_163 : memref<10240x64xbf16, #tpu.memory_space<vmem_shared>>)
    %barrier3A_164 = arith.constant 0 : index
    tpu.barrier barrier_id(%barrier3A_164)
    %run_scoped3A_165 = arith.constant 1 : i32
    "tpu.region"() ({
      %run_scoped3A_166 = tpu.sem_alloc : memref<!tpu.dma_semaphore, #tpu.memory_space<semaphore_mem>>
      %dma_start3A_167 = arith.constant 0 : i32
      %dma_start3A_168 = tpu.memref_slice %arg6[%run_scoped3A_165, %arg0, %mul3A_0, %dma_start3A_167] : memref<2x2x10240x64xbf16, #tpu.memory_space<hbm>> -> memref<1x1x640x64xbf16, #tpu.memory_space<hbm>>
      %dma_start3A_169 = tpu.memref_squeeze %dma_start3A_168 : memref<1x1x640x64xbf16, #tpu.memory_space<hbm>> -> memref<640x64xbf16, #tpu.memory_space<hbm>>
      %dma_start3A_170 = arith.constant 0 : i32
      %dma_start3A_171 = tpu.memref_slice %arg17[%mul3A_0, %dma_start3A_170] : memref<10240x64xbf16, #tpu.memory_space<vmem_shared>> -> memref<640x64xbf16, #tpu.memory_space<vmem_shared>>
      tpu.enqueue_dma source(%dma_start3A_171 : memref<640x64xbf16, #tpu.memory_space<vmem_shared>>) target(%dma_start3A_169 : memref<640x64xbf16, #tpu.memory_space<hbm>>) target_semaphore(%run_scoped3A_166 : memref<!tpu.dma_semaphore, #tpu.memory_space<semaphore_mem>>)
      %dma_wait3A_172 = arith.constant 0 : i32
      %dma_wait3A_173 = tpu.memref_slice %arg6[%run_scoped3A_165, %arg0, %mul3A_0, %dma_wait3A_172] : memref<2x2x10240x64xbf16, #tpu.memory_space<hbm>> -> memref<1x1x640x64xbf16, #tpu.memory_space<hbm>>
      %dma_wait3A_174 = tpu.memref_squeeze %dma_wait3A_173 : memref<1x1x640x64xbf16, #tpu.memory_space<hbm>> -> memref<640x64xbf16, #tpu.memory_space<hbm>>
      %dma_wait3A_175 = arith.constant 0 : i32
      %dma_wait3A_176 = tpu.memref_slice %arg17[%mul3A_0, %dma_wait3A_175] : memref<10240x64xbf16, #tpu.memory_space<vmem_shared>> -> memref<640x64xbf16, #tpu.memory_space<vmem_shared>>
      tpu.wait_dma2 semaphore(%run_scoped3A_166 : memref<!tpu.dma_semaphore, #tpu.memory_space<semaphore_mem>>) src(%dma_wait3A_176 : memref<640x64xbf16, #tpu.memory_space<vmem_shared>>) dst(%dma_wait3A_174 : memref<640x64xbf16, #tpu.memory_space<hbm>>)
      tpu.yield
    }) : () -> ()
    return
  }
}

module attributes {stable_mosaic.version = 14 : i64} {
  func.func @_mm1_body(%arg0: i32, %arg1: memref<1024x128xf32, #tpu.memory_space<vmem>>, %arg2: memref<128x128xf32, #tpu.memory_space<vmem>>, %arg3: memref<2x1x1024x16xf32, #tpu.memory_space<vmem>>, %arg4: memref<2x1024x64xbf16, #tpu.memory_space<vmem>>) attributes {dimension_semantics = [#tpu.dimension_semantics<arbitrary>], iteration_bounds = array<i64: 10>, scalar_prefetch = 0 : i64, scratch_operands = 0 : i64, tpu.core_type = #tpu.core_type<tc>, window_params = [{transform_indices = @transform_0, window_bounds = array<i64: 1024, 128>}, {pipeline_mode = #tpu.pipeline_mode<synchronous>, transform_indices = @transform_1, window_bounds = array<i64: 128, 128>}, {transform_indices = @transform_2, window_bounds = array<i64: 2, 1, 1024, 16>}, {transform_indices = @transform_3, window_bounds = array<i64: 2, 1024, 64>}]} {
    %get3A = arith.constant 0 : index
    %get3A_0 = arith.constant 0 : index
    %get3A_1 = arith.constant 0 : index
    %get3A_2 = arith.constant 0 : index
    %get3A_3 = vector.load %arg3[%get3A, %get3A_0, %get3A_1, %get3A_2] : memref<2x1x1024x16xf32, #tpu.memory_space<vmem>>, vector<2x1x1024x16xf32>
    %reduce_sum3A = arith.constant dense<0.000000e+00> : vector<1024xf32>
    %reduce_sum3A_4 = vector.multi_reduction <add>, %get3A_3, %reduce_sum3A [0, 1, 3] : vector<2x1x1024x16xf32> to vector<1024xf32>
    %mul3A = arith.constant 6.250000e-02 : f32
    %mul3A_5 = vector.broadcast %mul3A : f32 to vector<1024xf32>
    %mul3A_6 = arith.mulf %reduce_sum3A_4, %mul3A_5 : vector<1024xf32>
    %gt3A = arith.constant 0.000000e+00 : f32
    %gt3A_7 = vector.broadcast %gt3A : f32 to vector<1024xf32>
    %gt3A_8 = arith.cmpf ogt, %mul3A_6, %gt3A_7 : vector<1024xf32>
    %rsqrt3A = math.rsqrt %mul3A_6 : vector<1024xf32>
    %jit3A = arith.constant 0.000000e+00 : f32
    %broadcast_in_dim3A = vector.broadcast %jit3A : f32 to vector<1024xf32>
    %select_n3A = arith.select %gt3A_8, %rsqrt3A, %broadcast_in_dim3A : vector<1024xi1>, vector<1024xf32>
    %get3A_9 = arith.constant 0 : index
    %get3A_10 = arith.constant 0 : index
    %get3A_11 = vector.load %arg1[%get3A_9, %get3A_10] : memref<1024x128xf32, #tpu.memory_space<vmem>>, vector<1024x128xf32>
    %get3A_12 = arith.constant 0 : index
    %get3A_13 = arith.constant 0 : index
    %get3A_14 = vector.load %arg2[%get3A_12, %get3A_13] : memref<128x128xf32, #tpu.memory_space<vmem>>, vector<128x128xf32>
    %dot_general3A = arith.constant dense<0.000000e+00> : vector<1024x128xf32>
    %dot_general3A_15 = tpu.matmul %get3A_11, %get3A_14, %dot_general3A {dimension_numbers = #tpu.dot_dimension_numbers<[1], [0], [0], [1], [0, 0, 1, 1], [], []>, transpose_lhs_hint = false} : vector<1024x128xf32>, vector<128x128xf32>, vector<1024x128xf32> -> vector<1024x128xf32>
    %broadcast_in_dim3A_16 = vector.shape_cast %select_n3A : vector<1024xf32> to vector<1024x1xf32>
    %mul3A_17 = vector.broadcast %broadcast_in_dim3A_16 : vector<1024x1xf32> to vector<1024x128xf32>
    %mul3A_18 = arith.mulf %dot_general3A_15, %mul3A_17 : vector<1024x128xf32>
    %convert_element_type3A = arith.truncf %mul3A_18 : vector<1024x128xf32> to vector<1024x128xbf16>
    %slice3A = vector.extract_strided_slice %convert_element_type3A {offsets = [0, 0], sizes = [1024, 64], strides = [1, 1]} : vector<1024x128xbf16> to vector<1024x64xbf16>
    %swap3A = arith.constant 0 : index
    %swap3A_19 = arith.constant 0 : index
    %swap3A_20 = arith.constant 0 : index
    %swap3A_21 = vector.load %arg4[%swap3A, %swap3A_19, %swap3A_20] : memref<2x1024x64xbf16, #tpu.memory_space<vmem>>, vector<1x1024x64xbf16>
    %swap3A_22 = vector.shape_cast %swap3A_21 : vector<1x1024x64xbf16> to vector<1024x64xbf16>
    %swap3A_23 = vector.shape_cast %slice3A : vector<1024x64xbf16> to vector<1x1024x64xbf16>
    tpu.vector_store %arg4[%swap3A, %swap3A_19, %swap3A_20], %swap3A_23 {strides = array<i32>} : memref<2x1024x64xbf16, #tpu.memory_space<vmem>>, vector<1x1024x64xbf16>,
    %slice3A_24 = vector.extract_strided_slice %convert_element_type3A {offsets = [0, 64], sizes = [1024, 64], strides = [1, 1]} : vector<1024x128xbf16> to vector<1024x64xbf16>
    %swap3A_25 = arith.constant 1 : index
    %swap3A_26 = arith.constant 0 : index
    %swap3A_27 = arith.constant 0 : index
    %swap3A_28 = vector.load %arg4[%swap3A_25, %swap3A_26, %swap3A_27] : memref<2x1024x64xbf16, #tpu.memory_space<vmem>>, vector<1x1024x64xbf16>
    %swap3A_29 = vector.shape_cast %swap3A_28 : vector<1x1024x64xbf16> to vector<1024x64xbf16>
    %swap3A_30 = vector.shape_cast %slice3A_24 : vector<1024x64xbf16> to vector<1x1024x64xbf16>
    tpu.vector_store %arg4[%swap3A_25, %swap3A_26, %swap3A_27], %swap3A_30 {strides = array<i32>} : memref<2x1024x64xbf16, #tpu.memory_space<vmem>>, vector<1x1024x64xbf16>,
    return
  }
  func.func @transform_0(%arg0: i32) -> (i32, i32) {
    %c0_i32 = arith.constant 0 : i32
    %c0_i32_0 = arith.constant 0 : i32
    return %arg0, %c0_i32 : i32, i32
  }
  func.func @transform_1(%arg0: i32) -> (i32, i32) {
    %c0_i32 = arith.constant 0 : i32
    %c0_i32_0 = arith.constant 0 : i32
    %c0_i32_1 = arith.constant 0 : i32
    return %c0_i32, %c0_i32_0 : i32, i32
  }
  func.func @transform_2(%arg0: i32) -> (i32, i32, i32, i32) {
    %c0_i32 = arith.constant 0 : i32
    %c0_i32_0 = arith.constant 0 : i32
    %c0_i32_1 = arith.constant 0 : i32
    %c0_i32_2 = arith.constant 0 : i32
    return %c0_i32, %c0_i32_0, %arg0, %c0_i32_1 : i32, i32, i32, i32
  }
  func.func @transform_3(%arg0: i32) -> (i32, i32, i32) {
    %c0_i32 = arith.constant 0 : i32
    %c0_i32_0 = arith.constant 0 : i32
    %c0_i32_1 = arith.constant 0 : i32
    return %c0_i32, %arg0, %c0_i32_0 : i32, i32, i32
  }
}

module attributes {stable_mosaic.version = 14 : i64} {
  func.func @_mm2_body(%arg0: i32, %arg1: memref<2x2x1024x64xbf16, #tpu.memory_space<vmem>>, %arg2: memref<2x2x1024x16xf32, #tpu.memory_space<vmem>>, %arg3: memref<1x128xf32, #tpu.memory_space<vmem>>, %arg4: memref<128x64xf32, #tpu.memory_space<vmem>>, %arg5: memref<1x1024x64xbf16, #tpu.memory_space<vmem>>) attributes {dimension_semantics = [#tpu.dimension_semantics<arbitrary>], iteration_bounds = array<i64: 10>, scalar_prefetch = 0 : i64, scratch_operands = 0 : i64, tpu.core_type = #tpu.core_type<tc>, window_params = [{transform_indices = @transform_0, window_bounds = array<i64: 2, 2, 1024, 64>}, {transform_indices = @transform_1, window_bounds = array<i64: 2, 2, 1024, 16>}, {pipeline_mode = #tpu.pipeline_mode<synchronous>, transform_indices = @transform_2, window_bounds = array<i64: 1, 128>}, {pipeline_mode = #tpu.pipeline_mode<synchronous>, transform_indices = @transform_3, window_bounds = array<i64: 128, 64>}, {transform_indices = @transform_4, window_bounds = array<i64: 1, 1024, 64>}]} {
    %get3A = arith.constant 0 : index
    %get3A_0 = arith.constant 0 : index
    %get3A_1 = arith.constant 0 : index
    %get3A_2 = arith.constant 0 : index
    %get3A_3 = vector.load %arg2[%get3A, %get3A_0, %get3A_1, %get3A_2] : memref<2x2x1024x16xf32, #tpu.memory_space<vmem>>, vector<2x2x1024x16xf32>
    %reduce_sum3A = arith.constant dense<0.000000e+00> : vector<2x1024xf32>
    %reduce_sum3A_4 = vector.multi_reduction <add>, %get3A_3, %reduce_sum3A [0, 3] : vector<2x2x1024x16xf32> to vector<2x1024xf32>
    %mul3A = arith.constant 6.250000e-02 : f32
    %mul3A_5 = vector.broadcast %mul3A : f32 to vector<2x1024xf32>
    %mul3A_6 = arith.mulf %reduce_sum3A_4, %mul3A_5 : vector<2x1024xf32>
    %slice3A = vector.extract_strided_slice %mul3A_6 {offsets = [0, 0], sizes = [1, 1024], strides = [1, 1]} : vector<2x1024xf32> to vector<1x1024xf32>
    %squeeze3A = vector.shape_cast %slice3A : vector<1x1024xf32> to vector<1024xf32>
    %gt3A = arith.constant 0.000000e+00 : f32
    %gt3A_7 = vector.broadcast %gt3A : f32 to vector<1024xf32>
    %gt3A_8 = arith.cmpf ogt, %squeeze3A, %gt3A_7 : vector<1024xf32>
    %rsqrt3A = math.rsqrt %squeeze3A : vector<1024xf32>
    %jit3A = arith.constant 0.000000e+00 : f32
    %broadcast_in_dim3A = vector.broadcast %jit3A : f32 to vector<1024xf32>
    %select_n3A = arith.select %gt3A_8, %rsqrt3A, %broadcast_in_dim3A : vector<1024xi1>, vector<1024xf32>
    %slice3A_9 = vector.extract_strided_slice %mul3A_6 {offsets = [1, 0], sizes = [1, 1024], strides = [1, 1]} : vector<2x1024xf32> to vector<1x1024xf32>
    %squeeze3A_10 = vector.shape_cast %slice3A_9 : vector<1x1024xf32> to vector<1024xf32>
    %gt3A_11 = arith.constant 0.000000e+00 : f32
    %gt3A_12 = vector.broadcast %gt3A_11 : f32 to vector<1024xf32>
    %gt3A_13 = arith.cmpf ogt, %squeeze3A_10, %gt3A_12 : vector<1024xf32>
    %rsqrt3A_14 = math.rsqrt %squeeze3A_10 : vector<1024xf32>
    %jit3A_15 = arith.constant 0.000000e+00 : f32
    %broadcast_in_dim3A_16 = vector.broadcast %jit3A_15 : f32 to vector<1024xf32>
    %select_n3A_17 = arith.select %gt3A_13, %rsqrt3A_14, %broadcast_in_dim3A_16 : vector<1024xi1>, vector<1024xf32>
    %get3A_18 = arith.constant 0 : index
    %get3A_19 = arith.constant 0 : index
    %get3A_20 = arith.constant 0 : index
    %get3A_21 = arith.constant 0 : index
    %get3A_22 = vector.load %arg1[%get3A_18, %get3A_19, %get3A_20, %get3A_21] : memref<2x2x1024x64xbf16, #tpu.memory_space<vmem>>, vector<2x2x1024x64xbf16>
    %convert_element_type3A = arith.extf %get3A_22 : vector<2x2x1024x64xbf16> to vector<2x2x1024x64xf32>
    %slice3A_23 = vector.extract_strided_slice %convert_element_type3A {offsets = [0, 0, 0, 0], sizes = [1, 1, 1024, 64], strides = [1, 1, 1, 1]} : vector<2x2x1024x64xf32> to vector<1x1x1024x64xf32>
    %squeeze3A_24 = vector.shape_cast %slice3A_23 : vector<1x1x1024x64xf32> to vector<1024x64xf32>
    %slice3A_25 = vector.extract_strided_slice %convert_element_type3A {offsets = [0, 1, 0, 0], sizes = [1, 1, 1024, 64], strides = [1, 1, 1, 1]} : vector<2x2x1024x64xf32> to vector<1x1x1024x64xf32>
    %squeeze3A_26 = vector.shape_cast %slice3A_25 : vector<1x1x1024x64xf32> to vector<1024x64xf32>
    %add3A = arith.addf %squeeze3A_24, %squeeze3A_26 : vector<1024x64xf32>
    %slice3A_27 = vector.extract_strided_slice %convert_element_type3A {offsets = [1, 0, 0, 0], sizes = [1, 1, 1024, 64], strides = [1, 1, 1, 1]} : vector<2x2x1024x64xf32> to vector<1x1x1024x64xf32>
    %squeeze3A_28 = vector.shape_cast %slice3A_27 : vector<1x1x1024x64xf32> to vector<1024x64xf32>
    %slice3A_29 = vector.extract_strided_slice %convert_element_type3A {offsets = [1, 1, 0, 0], sizes = [1, 1, 1024, 64], strides = [1, 1, 1, 1]} : vector<2x2x1024x64xf32> to vector<1x1x1024x64xf32>
    %squeeze3A_30 = vector.shape_cast %slice3A_29 : vector<1x1x1024x64xf32> to vector<1024x64xf32>
    %add3A_31 = arith.addf %squeeze3A_28, %squeeze3A_30 : vector<1024x64xf32>
    %concatenate3A = tpu.concatenate %add3A, %add3A_31 in 1 : vector<1024x64xf32>, vector<1024x64xf32> -> vector<1024x128xf32>
    %broadcast_in_dim3A_32 = vector.shape_cast %select_n3A_17 : vector<1024xf32> to vector<1024x1xf32>
    %mul3A_33 = vector.broadcast %broadcast_in_dim3A_32 : vector<1024x1xf32> to vector<1024x128xf32>
    %mul3A_34 = arith.mulf %concatenate3A, %mul3A_33 : vector<1024x128xf32>
    %get3A_35 = arith.constant 0 : index
    %get3A_36 = arith.constant 0 : index
    %get3A_37 = vector.load %arg3[%get3A_35, %get3A_36] : memref<1x128xf32, #tpu.memory_space<vmem>>, vector<1x128xf32>
    %add3A_38 = vector.broadcast %get3A_37 : vector<1x128xf32> to vector<1024x128xf32>
    %add3A_39 = arith.addf %mul3A_34, %add3A_38 : vector<1024x128xf32>
    %max3A = arith.constant 0.000000e+00 : f32
    %max3A_40 = vector.broadcast %max3A : f32 to vector<1024x128xf32>
    %max3A_41 = arith.maximumf %add3A_39, %max3A_40 : vector<1024x128xf32>
    %get3A_42 = arith.constant 0 : index
    %get3A_43 = arith.constant 0 : index
    %get3A_44 = vector.load %arg4[%get3A_42, %get3A_43] : memref<128x64xf32, #tpu.memory_space<vmem>>, vector<128x64xf32>
    %dot_general3A = arith.constant dense<0.000000e+00> : vector<1024x64xf32>
    %dot_general3A_45 = tpu.matmul %max3A_41, %get3A_44, %dot_general3A {dimension_numbers = #tpu.dot_dimension_numbers<[1], [0], [0], [1], [0, 0, 1, 1], [], []>, transpose_lhs_hint = false} : vector<1024x128xf32>, vector<128x64xf32>, vector<1024x64xf32> -> vector<1024x64xf32>
    %broadcast_in_dim3A_46 = vector.shape_cast %select_n3A : vector<1024xf32> to vector<1024x1xf32>
    %mul3A_47 = vector.broadcast %broadcast_in_dim3A_46 : vector<1024x1xf32> to vector<1024x64xf32>
    %mul3A_48 = arith.mulf %dot_general3A_45, %mul3A_47 : vector<1024x64xf32>
    %convert_element_type3A_49 = arith.truncf %mul3A_48 : vector<1024x64xf32> to vector<1024x64xbf16>
    %swap3A = arith.constant 0 : index
    %swap3A_50 = arith.constant 0 : index
    %swap3A_51 = arith.constant 0 : index
    %swap3A_52 = vector.load %arg5[%swap3A, %swap3A_50, %swap3A_51] : memref<1x1024x64xbf16, #tpu.memory_space<vmem>>, vector<1x1024x64xbf16>
    %swap3A_53 = vector.shape_cast %swap3A_52 : vector<1x1024x64xbf16> to vector<1024x64xbf16>
    %swap3A_54 = vector.shape_cast %convert_element_type3A_49 : vector<1024x64xbf16> to vector<1x1024x64xbf16>
    tpu.vector_store %arg5[%swap3A, %swap3A_50, %swap3A_51], %swap3A_54 {strides = array<i32>} : memref<1x1024x64xbf16, #tpu.memory_space<vmem>>, vector<1x1024x64xbf16>,
    return
  }
  func.func @transform_0(%arg0: i32) -> (i32, i32, i32, i32) {
    %c0_i32 = arith.constant 0 : i32
    %c0_i32_0 = arith.constant 0 : i32
    %c0_i32_1 = arith.constant 0 : i32
    %c0_i32_2 = arith.constant 0 : i32
    return %c0_i32, %c0_i32_0, %arg0, %c0_i32_1 : i32, i32, i32, i32
  }
  func.func @transform_1(%arg0: i32) -> (i32, i32, i32, i32) {
    %c0_i32 = arith.constant 0 : i32
    %c0_i32_0 = arith.constant 0 : i32
    %c0_i32_1 = arith.constant 0 : i32
    %c0_i32_2 = arith.constant 0 : i32
    return %c0_i32, %c0_i32_0, %arg0, %c0_i32_1 : i32, i32, i32, i32
  }
  func.func @transform_2(%arg0: i32) -> (i32, i32) {
    %c0_i32 = arith.constant 0 : i32
    %c0_i32_0 = arith.constant 0 : i32
    %c0_i32_1 = arith.constant 0 : i32
    return %c0_i32, %c0_i32_0 : i32, i32
  }
  func.func @transform_3(%arg0: i32) -> (i32, i32) {
    %c0_i32 = arith.constant 0 : i32
    %c0_i32_0 = arith.constant 0 : i32
    %c0_i32_1 = arith.constant 0 : i32
    return %c0_i32, %c0_i32_0 : i32, i32
  }
  func.func @transform_4(%arg0: i32) -> (i32, i32, i32) {
    %c0_i32 = arith.constant 0 : i32
    %c0_i32_0 = arith.constant 0 : i32
    %c0_i32_1 = arith.constant 0 : i32
    return %c0_i32, %arg0, %c0_i32_0 : i32, i32, i32
  }
}

module attributes {stable_mosaic.version = 14 : i64} {
  func.func @_mm3_body(%arg0: i32, %arg1: memref<1x2x1024x64xbf16, #tpu.memory_space<vmem>>, %arg2: memref<2x1x1024x16xf32, #tpu.memory_space<vmem>>, %arg3: memref<1x64xf32, #tpu.memory_space<vmem>>, %arg4: memref<1024x64xf32, #tpu.memory_space<vmem>>) attributes {dimension_semantics = [#tpu.dimension_semantics<arbitrary>], iteration_bounds = array<i64: 10>, scalar_prefetch = 0 : i64, scratch_operands = 0 : i64, tpu.core_type = #tpu.core_type<tc>, window_params = [{transform_indices = @transform_0, window_bounds = array<i64: 1, 2, 1024, 64>}, {transform_indices = @transform_1, window_bounds = array<i64: 2, 1, 1024, 16>}, {pipeline_mode = #tpu.pipeline_mode<synchronous>, transform_indices = @transform_2, window_bounds = array<i64: 1, 64>}, {transform_indices = @transform_3, window_bounds = array<i64: 1024, 64>}]} {
    %get3A = arith.constant 0 : index
    %get3A_0 = arith.constant 0 : index
    %get3A_1 = arith.constant 0 : index
    %get3A_2 = arith.constant 0 : index
    %get3A_3 = vector.load %arg2[%get3A, %get3A_0, %get3A_1, %get3A_2] : memref<2x1x1024x16xf32, #tpu.memory_space<vmem>>, vector<2x1x1024x16xf32>
    %reduce_sum3A = arith.constant dense<0.000000e+00> : vector<1024xf32>
    %reduce_sum3A_4 = vector.multi_reduction <add>, %get3A_3, %reduce_sum3A [0, 1, 3] : vector<2x1x1024x16xf32> to vector<1024xf32>
    %mul3A = arith.constant 6.250000e-02 : f32
    %mul3A_5 = vector.broadcast %mul3A : f32 to vector<1024xf32>
    %mul3A_6 = arith.mulf %reduce_sum3A_4, %mul3A_5 : vector<1024xf32>
    %gt3A = arith.constant 0.000000e+00 : f32
    %gt3A_7 = vector.broadcast %gt3A : f32 to vector<1024xf32>
    %gt3A_8 = arith.cmpf ogt, %mul3A_6, %gt3A_7 : vector<1024xf32>
    %rsqrt3A = math.rsqrt %mul3A_6 : vector<1024xf32>
    %jit3A = arith.constant 0.000000e+00 : f32
    %broadcast_in_dim3A = vector.broadcast %jit3A : f32 to vector<1024xf32>
    %select_n3A = arith.select %gt3A_8, %rsqrt3A, %broadcast_in_dim3A : vector<1024xi1>, vector<1024xf32>
    %get3A_9 = arith.constant 0 : index
    %get3A_10 = arith.constant 0 : index
    %get3A_11 = arith.constant 0 : index
    %get3A_12 = arith.constant 0 : index
    %get3A_13 = vector.load %arg1[%get3A_9, %get3A_10, %get3A_11, %get3A_12] : memref<1x2x1024x64xbf16, #tpu.memory_space<vmem>>, vector<1x2x1024x64xbf16>
    %convert_element_type3A = arith.extf %get3A_13 : vector<1x2x1024x64xbf16> to vector<1x2x1024x64xf32>
    %slice3A = vector.extract_strided_slice %convert_element_type3A {offsets = [0, 0, 0, 0], sizes = [1, 1, 1024, 64], strides = [1, 1, 1, 1]} : vector<1x2x1024x64xf32> to vector<1x1x1024x64xf32>
    %squeeze3A = vector.shape_cast %slice3A : vector<1x1x1024x64xf32> to vector<1024x64xf32>
    %slice3A_14 = vector.extract_strided_slice %convert_element_type3A {offsets = [0, 1, 0, 0], sizes = [1, 1, 1024, 64], strides = [1, 1, 1, 1]} : vector<1x2x1024x64xf32> to vector<1x1x1024x64xf32>
    %squeeze3A_15 = vector.shape_cast %slice3A_14 : vector<1x1x1024x64xf32> to vector<1024x64xf32>
    %add3A = arith.addf %squeeze3A, %squeeze3A_15 : vector<1024x64xf32>
    %broadcast_in_dim3A_16 = vector.shape_cast %select_n3A : vector<1024xf32> to vector<1024x1xf32>
    %mul3A_17 = vector.broadcast %broadcast_in_dim3A_16 : vector<1024x1xf32> to vector<1024x64xf32>
    %mul3A_18 = arith.mulf %add3A, %mul3A_17 : vector<1024x64xf32>
    %get3A_19 = arith.constant 0 : index
    %get3A_20 = arith.constant 0 : index
    %get3A_21 = vector.load %arg3[%get3A_19, %get3A_20] : memref<1x64xf32, #tpu.memory_space<vmem>>, vector<1x64xf32>
    %add3A_22 = vector.broadcast %get3A_21 : vector<1x64xf32> to vector<1024x64xf32>
    %add3A_23 = arith.addf %mul3A_18, %add3A_22 : vector<1024x64xf32>
    %swap3A = arith.constant 0 : index
    %swap3A_24 = arith.constant 0 : index
    %swap3A_25 = vector.load %arg4[%swap3A, %swap3A_24] : memref<1024x64xf32, #tpu.memory_space<vmem>>, vector<1024x64xf32>
    tpu.vector_store %arg4[%swap3A, %swap3A_24], %add3A_23 {strides = array<i32>} : memref<1024x64xf32, #tpu.memory_space<vmem>>, vector<1024x64xf32>,
    return
  }
  func.func @transform_0(%arg0: i32) -> (i32, i32, i32, i32) {
    %c0_i32 = arith.constant 0 : i32
    %c0_i32_0 = arith.constant 0 : i32
    %c0_i32_1 = arith.constant 0 : i32
    %c0_i32_2 = arith.constant 0 : i32
    return %c0_i32, %c0_i32_0, %arg0, %c0_i32_1 : i32, i32, i32, i32
  }
  func.func @transform_1(%arg0: i32) -> (i32, i32, i32, i32) {
    %c0_i32 = arith.constant 0 : i32
    %c1_i32 = arith.constant 1 : i32
    %c0_i32_0 = arith.constant 0 : i32
    %c0_i32_1 = arith.constant 0 : i32
    return %c0_i32, %c1_i32, %arg0, %c0_i32_0 : i32, i32, i32, i32
  }
  func.func @transform_2(%arg0: i32) -> (i32, i32) {
    %c0_i32 = arith.constant 0 : i32
    %c0_i32_0 = arith.constant 0 : i32
    %c0_i32_1 = arith.constant 0 : i32
    return %c0_i32, %c0_i32_0 : i32, i32
  }
  func.func @transform_3(%arg0: i32) -> (i32, i32) {
    %c0_i32 = arith.constant 0 : i32
    %c0_i32_0 = arith.constant 0 : i32
    return %arg0, %c0_i32 : i32, i32
  }
}

</mosaic_0001>

<sc_bundles>
// kernel: kernel.11.cloned.1.call-start
scs
__scs_entry_jumppad:
0x0: {  	(pc) =	sbr.rel $0x88, $3  }
0x1: {  	(tag) =	ssettag $0x0;
	lr =	simm.s32 $0x1  }
0x2: {  	[smem:$0x3F9B] =	sst lr;
	_ =	strace $0xD0000000  }
0x3: {  	_ = 	snop  }
0x4: {  	_ = 	snop  }
0x5: {  	_ = 	snop  }
0x6: {  	_ = 	snop  }
0x7: {  	_ = 	snop  }
__scs_overlays_trampoline_lowered:
0x8: {  	[smem:$0x3FAA] =	sst s0  }
0x9: {  	[smem:$0x3FAB] =	sst s1  }
0xa: {  	[smem:$0x3FAC] =	sst s2  }
0xb: {  	[smem:$0x3FAD] =	sst s3  }
0xc: {  	[smem:$0x3FAE] =	sst s4  }
0xd: {  	[smem:$0x3FAF] =	sst s5  }
0xe: {  	[smem:$0x3FB0] =	sst s6  }
0xf: {  	[smem:$0x3FB1] =	sst s7  }
0x10: {  	[smem:$0x3FB2] =	sst s8  }
0x11: {  	[smem:$0x3FB3] =	sst s9;
	s0 =	simm.s32 @!p0 $0x0  }
0x12: {  	s1 =	sld [smem:$0x3F99];
	s0 =	simm.s32 @p0 $0x1  }
0x13: {  	[smem:$0x3FB4] =	sst s0;
	s0 =	simm.s32 @!p1 $0x0  }
0x14: {  	s2 =	sld [smem:$0x3F98];
	s0 =	simm.s32 @p1 $0x1  }
0x15: {  	[smem:$0x3FB5] =	sst s0;
	s0 =	simm.s32 @!p2 $0x0  }
0x16: {  	s3 =	sld [smem:$0x3FDB];
	s0 =	simm.s32 @p2 $0x1  }
0x17: {  	s4 =	simm.s32 $0x1BF5;
	[smem:$0x3FB7] =	sst s0  }
0x18: {  	s0 =	sld [smem:$0x3F9A];
	_ =	swait.ge [sflag:s4], $0x0  }
0x19: {  	s7 =	sld [smem:$0x3F9B]  }
0x1a: {  	s8 =	sadd.s32 $0xFFFFE003, lr  }
0x1b: {  	s9 =	sadd.s32 $0xFFFFFEF7, lr;
	s5 =	simm.s32 $0xFFFFFFFF;
	p2 =	slt.u32 s8, $0xFFFFF086  }
0x1c: {  	p1 =	slt.u32 s9, $0xF7A;
	s5 =	simm.s32 @!p2 $0x0  }
0x1d: {  	s5 =	simm.s32 @p1 $0x1;
	p0 =	seq.s32 s7, s2  }
0x1e: {  	s7 =	smul.u32 @!p0 $0xF7A, s2;
	p2 =	seq.s32 @!p0 s5, $0x0  }
0x1f: {  	s9 =	smul.u32 $0xF7A, s1;
	s8 =	simm.s32 @!p0 $0x1BF5;
	p2 =	por !p2, p0  }
0x20: {  	[sflag:s8] =	ssyncset.s32 @!p0 $0xFFFFF086;
	s6 =	sadd.s32 @!p0 s3, s7;
	s7 =	simm.s32 @!p0 $0x108  }
0x21: {  	s3 =	sadd.s32 s3, s9;
	s6 =	sadd.s32 @!p0 $0x88, s6;
	s7 =	simm.s32 @p2 $0x1082  }
0x22: {  	[simem:s7], [sflag:s8] =	dma.local @!p0 [hbm:s6], $0xF7A  }
0x23: {  	s9 =	sor.u32 $0xD0000000, s2;
	s6 =	simm.s32 $0x108;
	_ =	swait.ge @!p0 [sflag:s8], $0x0  }
0x24: {  	s3 =	sadd.s32 $0x88, s3;
	s6 =	simm.s32 @!p1 $0x1082;
	[sflag:s4] =	ssyncset.s32 $0xFFFFF086  }
0x25: {  	[simem:s6], [sflag:s4] =	dma.local [hbm:s3], $0xF7A  }
0x26: {  	[smem:$0x3F9B] =	sst s1;
	(tag) =	ssettag s2;
	_ =	strace s9  }
0x27: {  	s1 =	sld [smem:$0x3FAB]  }
0x28: {  	s2 =	sld [smem:$0x3FAC]  }
0x29: {  	s4 =	sld [smem:$0x3FAE]  }
0x2a: {  	p0 =	seq.s32 s5, $0x0;
	s5 =	sld [smem:$0x3FAF]  }
0x2b: {  	s6 =	sld [smem:$0x3FB0]  }
0x2c: {  	s7 =	sld [smem:$0x3FB1]  }
0x2d: {  	s3 =	simm.s32 $0x108;
	s8 =	sld [smem:$0x3FB2]  }
0x2e: {  	s3 =	simm.s32 @!p0 $0x1082;
	s9 =	sld [smem:$0x3FB3]  }
0x2f: {  	lr =	sadd.s32 s0, s3;
	s0 =	sld [smem:$0x3FAA]  }
0x30: {  	s3 =	sld [smem:$0x3FAD]  }
0x31: {  	[smem:$0x3FB6] =	sst s10  }
0x32: {  	s10 =	sld [smem:$0x3FB4];
	_ =	sdelay $0x3  }
0x33: {  	p0 =	seq.s32 s10, $0x1;
	s10 =	sld [smem:$0x3FB6];
	_ =	sdelay $0x3  }
0x34: {  	[smem:$0x3FB6] =	sst s10  }
0x35: {  	s10 =	sld [smem:$0x3FB5];
	_ =	sdelay $0x3  }
0x36: {  	p1 =	seq.s32 s10, $0x1;
	s10 =	sld [smem:$0x3FB6];
	_ =	sdelay $0x3  }
0x37: {  	[smem:$0x3FB6] =	sst s10  }
0x38: {  	s10 =	sld [smem:$0x3FB7]  }
0x39: {  	_ = 	snop;
	(pc) =	sbr.ind lr, $3  }
0x3a: {  	_ = 	snop  }
0x3b: {  	_ = 	snop  }
0x3c: {  	p2 =	seq.s32 s10, $0x1;
	s10 =	sld [smem:$0x3FB6]  }
0x3d: {  	_ =	shalt  }
0x3e: {  	_ =	shalt  }
0x3f: {  	_ =	shalt  }
0x40: {  	_ =	shalt  }
0x41: {  	_ =	shalt  }
0x42: {  	_ =	shalt  }
0x43: {  	_ =	shalt  }
0x44: {  	_ =	shalt  }
0x45: {  	_ =	shalt  }
0x46: {  	_ =	shalt  }
0x47: {  	_ =	shalt  }
0x48: {  	_ =	shalt  }
0x49: {  	_ =	shalt  }
0x4a: {  	_ =	shalt  }
0x4b: {  	_ =	shalt  }
0x4c: {  	_ =	shalt  }
0x4d: {  	_ =	shalt  }
0x4e: {  	_ =	shalt  }
0x4f: {  	_ =	shalt  }
0x50: {  	_ =	shalt  }
0x51: {  	_ =	shalt  }
0x52: {  	_ =	shalt  }
0x53: {  	_ =	shalt  }
0x54: {  	_ =	shalt  }
0x55: {  	_ =	shalt  }
0x56: {  	_ =	shalt  }
0x57: {  	_ =	shalt  }
0x58: {  	_ =	shalt  }
0x59: {  	_ =	shalt  }
0x5a: {  	_ =	shalt  }
0x5b: {  	_ =	shalt  }
0x5c: {  	_ =	shalt  }
0x5d: {  	_ =	shalt  }
0x5e: {  	_ =	shalt  }
0x5f: {  	_ =	shalt  }
0x60: {  	_ =	shalt  }
0x61: {  	_ =	shalt  }
0x62: {  	_ =	shalt  }
0x63: {  	_ =	shalt  }
0x64: {  	_ =	shalt  }
0x65: {  	_ =	shalt  }
0x66: {  	_ =	shalt  }
0x67: {  	_ =	shalt  }
0x68: {  	_ =	shalt  }
0x69: {  	_ =	shalt  }
0x6a: {  	_ =	shalt  }
0x6b: {  	_ =	shalt  }
0x6c: {  	_ =	shalt  }
0x6d: {  	_ =	shalt  }
0x6e: {  	_ =	shalt  }
0x6f: {  	_ =	shalt  }
0x70: {  	_ =	shalt  }
0x71: {  	_ =	shalt  }
0x72: {  	_ =	shalt  }
0x73: {  	_ =	shalt  }
0x74: {  	_ =	shalt  }
0x75: {  	_ =	shalt  }
0x76: {  	_ =	shalt  }
0x77: {  	_ =	shalt  }
0x78: {  	_ =	shalt  }
0x79: {  	_ =	shalt  }
0x7a: {  	_ =	shalt  }
0x7b: {  	_ =	shalt  }
0x7c: {  	_ =	shalt  }
0x7d: {  	_ =	shalt  }
0x7e: {  	_ =	shalt  }
0x7f: {  	_ =	shalt  }
0x80: {  	_ =	shalt  }
0x81: {  	_ =	shalt  }
0x82: {  	_ =	shalt  }
0x83: {  	_ =	shalt  }
0x84: {  	_ =	shalt  }
0x85: {  	_ =	shalt  }
0x86: {  	_ =	shalt  }
0x87: {  	_ =	shalt  }
.Lfunc_end0:
.L_simem_size_0:
called_computation.1_lowered:
.L_overlay_start_0:
0x88: {  	s2 =	sld [smem:$0x3FD9]  }
0x89: {  	s3 =	sld [smem:$0x3FFE];
	_ =	sdelay $0x1  }
0x8a: {  	s1 =	srdreg.scid  }
0x8b: {  	s0 =	sand.u32 $0x1, s1  }
0x8c: {  	s17 =	sshll.u32 s0, $0xA;
	s2 =	sadd.s32 s3, s2  }
0x8d: {  	s2 =	sadd.s32 s2, s17  }
0x8e: {  	[smem:$0x3FC2] =	sst s2  }
0x8f: {  	_ = 	snop  }
0x90: {  	s2 =	sld [smem:$0x3FD0];
	(tm) =	ssettm $0x1  }
0x91: {  	s18 =	sld [smem:$0x3FFB];
	_ =	sdelay $0x3  }
0x92: {  	_ =	strace s18  }
0x93: {  	s3 =	sld [smem:$0x3FFC];
	_ =	sdelay $0x3  }
0x94: {  	_ =	strace s3  }
0x95: {  	s3 =	sld [smem:$0x3FFD];
	_ =	sdelay $0x3  }
0x96: {  	_ =	strace s3  }
0x97: {  	_ =	strace $0x8FFFFFFF  }
0x98: {  	s19 =	sld [smem:$0x3FDB];
	_ =	sdelay $0x1  }
0x99: {  	s4 =	simm.s32 $_scs_section_size  }
0x9a: {  	s5 =	simm.s32 $_size__tile_overlayer_lowered;
	s6 =	simm.s32 $_tile_overlayer_lowered  }
0x9b: {  	s22 =	simm.s32 $0x1BFF;
	s21 =	sshll.u32 s6, $0x1;
	s3 =	sadd.s32 s4, s19  }
0x9c: {  	s7 =	simm.s32 $0x0;
	s20 =	sshll.u32 s5, $0x1;
	s5 =	sadd.s32 s21, s3  }
0x9d: {  	[timem:s7], [sflag:s22] =	dma.local [hbm:s5], s20  }
0x9e: {  	_ =	swait.ge [sflag:s22], s20  }
0x9f: {  	s4 =	ssub.s32 $0x0, s20;
	[sflag:s22] =	ssyncset.done $0x0  }
0xa0: {  	[sflag:s22] =	ssyncadd.s32 s4;
	_ =	sdelay $0x1  }
0xa1: {  	s23 =	simm.s32 $0x1B8B  }
0xa2: {  	_ =	swait.ge [sflag:s23], $0x1  }
0xa3: {  	[sflag:s23] =	ssyncset.done $0x0  }
0xa4: {  	s25 =	simm.s32 $0x1B8E;
	s24 =	sld [smem:$0x3FFE];
	[sflag:s23] =	ssyncadd.s32 $0xFFFFFFFF  }
0xa5: {  	s26 =	simm.s32 $execute0_lowered;
	[smem:$0x3FD2] =	sst s25  }
0xa6: {  	s5 =	sshll.u32 s26, $0x1;
	_ =	strace $0x80000049;
	[dreg:$0x1] =	wrdreg $0xFFFFFFFF  }
0xa7: {  	s28 =	simm.s32 $_size_execute0_lowered;
	s3 =	sadd.s32 s3, s5;
	[dreg:$0x0] =	wrdreg $0x0  }
0xa8: {  	s5 =	sshll.u32 s28, $0x1;
	[dreg:$0x2] =	wrdreg s3  }
0xa9: {  	[dreg:$0x3] =	wrdreg s5  }
0xaa: {  	[dreg:$0x4] =	wrdreg $0xC0  }
0xab: {  	_ =	task [dreg:s7], $0x5FFFF  }
0xac: {  	[dreg:$0x1] =	wrdreg $0xFFFFFFFF  }
0xad: {  	[dreg:$0x0] =	wrdreg $0x60  }
0xae: {  	[dreg:$0x2] =	wrdreg s24  }
0xaf: {  	[dreg:$0x3] =	wrdreg s2  }
0xb0: {  	[dreg:$0x4] =	wrdreg $0x83000  }
0xb1: {  	[dreg:$0x5] =	wrdreg $0x33000  }
0xb2: {  	[dreg:$0x6] =	wrdreg $0x9  }
0xb3: {  	_ =	task.clear_ibuf [dreg:s7], $0x7FFFF;
	_ =	strace $0x90000049  }
0xb4: {  	s29 =	simm.s32 $0x9;
	_ =	strace $0x8000004B  }
0xb5: {  	_ =	swait.ge [sflag:s29], $0x1  }
0xb6: {  	[sflag:s29] =	ssyncadd.s32 $0xFFFFFFFF  }
0xb7: {  	_ =	strace $0x9000004B  }
0xb8: {  	_ =	sfence  }
0xb9: {  	s30 =	sld [smem:$0x0];
	_ =	sdelay $0x2  }
0xba: {  	s31 =	sshll.u32 s1, $0xD;
	s1 =	sshrl.u32 s1, $0x2  }
0xbb: {  	s3 =	sand.u32 $0x4000, s31;
	s1 =	sadd.s32 s1, s30  }
0xbc: {  	s0 =	sor.u32 s3, s0;
	s1 =	sshll.u32 s1, $0x11  }
0xbd: {  	s0 =	sor.u32 s1, s0  }
0xbe: {  	s0 =	sadd.s32 $0x8F2B, s0  }
0xbf: {  	[sflag:s0] =	ssyncadd.remote.s32 $0x1  }
0xc0: {  	_ =	sfence.sel $0xFFFF  }
0xc1: {  	[dreg:$0x0] =	wrdreg $0xFFFFFFFF;
	(pc) =	sbr.abs _section_cstart, $3  }
0xc2: {  	[dreg:$0x1] =	wrdreg $0xFFFFFFFF  }
0xc3: {  	_ =	task.clear_ibuf [dreg:s7], $0x2FFFF;
	_ =	strace $0x9FFFFFFF  }
0xc4: {  	(tm) =	ssettm $0x7FFFFFFF  }
0xc5: {  	_ =	shalt  }
tec
execute0_lowered:
.L_overlay_start_1:
0x0: {  	(tag) =	ssettag $0x1  }
0x1: {  	s0 =	rddreg [dreg:$0x0]  }
0x2: {  	s1 =	rddreg [dreg:$0x1]  }
0x3: {  	s2 =	rddreg [dreg:$0x2]  }
0x4: {  	s3 =	rddreg [dreg:$0x3];
	s12 =	stileid.u32;
	s4 =	simm.s32 $0x0  }
0x5: {  	s6 =	srdreg.scid;
	s28 =	simm.s32 $0x280;
	s29 =	simm.s32 $0x2300  }
0x6: {  	s30 =	simm.s32 $0xA;
	s5 =	smul.u32 $0xA000, s12;
	[smem:$0x7FF] =	sst s4  }
0x7: {  	s6 =	sand.u32 $0x1, s6;
	s7 =	smul.u32 $0x4F, s12;
	s15 =	sshll.u32 s12, $0x6  }
0x8: {  	s12 =	simm.s32 $0x5;
	_ =	strace $0x8000004A;
	s8 =	smul.u32 $0xA0000, s6  }
0x9: {  	p0 =	seq.s32 s6, $0x0;
	s6 =	ssub.s32 $0x2, s6;
	[dreg:$0x5] =	wrdreg s15  }
0xa: {  	s9 =	sshrl.u32 s5, $0x4;
	s10 =	sadd.s32 $0x4F0, s7;
	s14 =	sshrl.u32 s6, $0x1  }
0xb: {  	s11 =	sadd.s32 s9, s0;
	s10 =	smov.u32 @p0 s7;
	s8 =	sadd.s32 s5, s8  }
0xc: {  	s6 =	ssub.s32 s6, s14;
	s5 =	sshrl.u32 s5, $0x1;
	s1 =	sadd.s32 s1, s9  }
0xd: {  	s14 =	simm.s32 $0x3;
	s9 =	simm.s32 $0x4;
	s13 =	sshll.u32 s10, $0x4  }
0xe: {  	s7 =	sshrl.u32 s8, $0x4;
	s16 =	sadd.s32 s5, s2;
	[dreg:$0x6] =	wrdreg s1  }
0xf: {  	s17 =	sadd.s32 s5, s3;
	s18 =	sadd.s32 $0x15000, s11;
	s23 =	sadd.s32 $0x1F000, s11  }
0x10: {  	s24 =	smax.u32 s6, $0x1;
	s5 =	simm.s32 $0x200;
	s6 =	simm.s32 $0x7  }
0x11: {  	s10 =	simm.s32 $0x2;
	s11 =	simm.s32 $0x0;
	[dreg:$0x7] =	wrdreg s18  }
0x12: {  	s8 =	sadd.s32 s13, s0;
	s0 =	sadd.s32 s7, s0;
	[dreg:$0xc] =	wrdreg s23  }
0x13: {  	s7 =	sor.u32 $0x1C0D, s15;
	[dreg:$0xe] =	wrdreg s24;
	s31 =	sshrl.u32 s17, $0x3  }
0x14: {  	s18 =	sshrl.u32 s16, $0x3;
	s19 =	sadd.s32 $0xB200, s8;
	[dreg:$0x11] =	wrdreg s31  }
0x15: {  	s23 =	simm.s32 $0x1;
	s20 =	sadd.s32 $0x1400, s8;
	[dreg:$0x8] =	wrdreg s19  }
0x16: {  	s24 =	simm.s32 $0x300;
	s21 =	sadd.s32 $0xB210, s8;
	[dreg:$0x9] =	wrdreg s20  }
0x17: {  	s13 =	simm.s32 $0x1300;
	s22 =	sadd.s32 $0xCE200, s0;
	[dreg:$0xa] =	wrdreg s21  }
.Ltmp0:
0x18: {  	s0 =	sadd.s32 $0xE2200, s0;
	[dreg:$0xb] =	wrdreg s22;
	(pc) =	sbr.rel .LBB2_1-.Ltmp0, $4  }
0x19: {  	s15 =	simm.s32 $0x100;
	s25 =	sadd.s32 $0xB220, s8;
	[dreg:$0xd] =	wrdreg s0  }
0x1a: {  	s26 =	sadd.s32 $0x1410, s8;
	s8 =	simm.s32 $0x8;
	[dreg:$0xf] =	wrdreg s25  }
0x1b: {  	[dreg:$0x10] =	wrdreg s26;
	s20 =	simm.s32 $0xD;
	s21 =	simm.s32 $0x180  }
0x1c: {  	s22 =	simm.s32 $0x80;
	s25 =	simm.s32 $0x9;
	s26 =	simm.s32 $0x6  }
.LBB2_21:
0x1d: {  	_ =	swait.ge [sflag:s30], $0x1000  }
0x1e: {  	[sflag:s30] =	ssyncset.done $0x0  }
0x1f: {  	s0 =	simm.s32 $0xB;
	[sflag:s30] =	ssyncadd.s32 $0xFFFFF000  }
0x20: {  	_ =	swait.ge [sflag:s0], $0x1000  }
0x21: {  	[sflag:s0] =	ssyncset.done $0x0  }
0x22: {  	s16 =	simm.s32 $0xC;
	[sflag:s0] =	ssyncadd.s32 $0xFFFFF000  }
0x23: {  	_ =	swait.ge [sflag:s16], $0x1000  }
0x24: {  	[sflag:s16] =	ssyncset.done $0x0  }
0x25: {  	[sflag:s16] =	ssyncadd.s32 $0xFFFFF000  }
0x26: {  	[bflag:$0x0] =	sbarrier.arrive $0xFFFF  }
0x27: {  	s1 =	simm.s32 $0xE;
	s17 =	rddreg [dreg:$0xd]  }
0x28: {  	[hbm:s17], [sflag:s19] =	dma.local [spmem:s18], $0xA00  }
0x29: {  	_ =	swait.ge [sflag:s1], $0xA00  }
0x2a: {  	s11 =	sadd.s32 $0x1, s11;
	s31 =	rddreg [dreg:$0xe]  }
0x2b: {  	p0 =	sne.s32 s11, s31  }
.Ltmp1:
0x2c: {  	_ = 	snop;
	(pc) =	sbr.rel @!p0 .LBB2_22-.Ltmp1, $3  }
0x2d: {  	_ =	sdelay $0x1  }
0x2e: {  	[sflag:s1] =	ssyncset.done $0x0  }
0x2f: {  	[sflag:s1] =	ssyncadd.s32 $0xFFFFF600  }
.LBB2_1:
0x30: {  	s0 =	rddreg [dreg:$0x6]  }
0x31: {  	[spmem:s18], [sflag:s7] =	dma.local [hbm:s0], $0xA00  }
0x32: {  	s0 =	rddreg [dreg:$0x7]  }
0x33: {  	s1 =	rddreg [dreg:$0x11]  }
0x34: {  	[spmem:s1], [sflag:s7] =	dma.local [hbm:s0], $0xA00  }
0x35: {  	_ =	swait.ge [sflag:s20], $0xA00  }
0x36: {  	[sflag:s20] =	ssyncset.done $0x0  }
0x37: {  	s17 =	rddreg [dreg:$0x8];
	[sflag:s20] =	ssyncadd.s32 $0xFFFFF600  }
0x38: {  	[tilespmem:s4], [sflag:$0x1] =	stream.linear.gather [hbm4b:s17+s4], $0x80, $0x38;
	[tilespmem:$0xD300] =	vst v63  }
0x39: {  	s19 =	rddreg [dreg:$0x9]  }
0x3a: {  	[tilespmem:s21], [sflag:$0x4] =	stream.linear.gather [hbm4b:s19+s4], $0x80, $0x38;
	[tilespmem:$0xD300] =	vst v63  }
0x3b: {  	s31 =	rddreg [dreg:$0xa]  }
0x3c: {  	[tilespmem:s22], [sflag:$0x2] =	stream.linear.gather [hbm4b:s31+s4], $0x80, $0x38;
	[tilespmem:$0xD300] =	vst v63  }
0x3d: {  	_ =	swait.ge [sflag:s23], $0x80  }
0x3e: {  	[sflag:s23] =	ssyncset.done $0x0  }
0x3f: {  	[sflag:s23] =	ssyncadd.s32 $0xFFFFFF80  }
0x40: {  	_ =	swait.ge [sflag:s20], $0xA00  }
0x41: {  	[sflag:s20] =	ssyncset.done $0x0  }
.Ltmp2:
0x42: {  	[sflag:s20] =	ssyncadd.s32 $0xFFFFF600;
	(pc) =	sbr.rel .LBB2_2-.Ltmp2, $4  }
0x43: {  	[bflag:$0x0] =	sbarrier.arrive $0xFFFF  }
0x44: {  	[tilespmem:s24], [sflag:$0x7] =	stream.indirect.gather [spmem:s3], $0x20, s4, s22, $0xb8;
	[tilespmem:$0xD300] =	vst v63  }
0x45: {  	s16 =	rddreg [dreg:$0x10]  }
0x46: {  	s17 =	simm.s32 $0x0;
	s19 =	rddreg [dreg:$0xf]  }
.LBB2_4:
0x47: {  	_ =	swait.ge [sflag:s6], $0x1000  }
0x48: {  	p0 =	seq.s32 s17, $0x4E;
	[sflag:s6] =	ssyncset.done $0x0  }
.Ltmp3:
0x49: {  	[sflag:s6] =	ssyncadd.s32 $0xFFFFF000;
	(pc) =	sbr.rel @p0 .LBB2_11-.Ltmp3, $4  }
0x4a: {  	_ =	swait.ge [sflag:s9], $0x80  }
0x4b: {  	[sflag:s9] =	ssyncset.done $0x0  }
0x4c: {  	[sflag:s9] =	ssyncadd.s32 $0xFFFFFF80  }
0x4d: {  	[spmem:s2] =	stream.indirect.scatter.add.bf16 [tilespmem:s24], [sflag:$0xA], $0x20, s21, s22, $0xb8;
	[tilespmem:$0xD300] =	vst v63  }
0x4e: {  	_ =	swait.ge [sflag:s10], $0x80  }
0x4f: {  	p0 =	slt.u32 s17, $0x2;
	[sflag:s10] =	ssyncset.done $0x0  }
0x50: {  	s0 =	simm.s32 @!p0 $0xB;
	[sflag:s10] =	ssyncadd.s32 $0xFFFFFF80  }
0x51: {  	_ =	swait.ge @!p0 [sflag:s0], $0x1000  }
0x52: {  	[sflag:s0] =	ssyncset.done @!p0 $0x0  }
0x53: {  	[sflag:s0] =	ssyncadd.s32 @!p0 $0xFFFFF000  }
0x54: {  	[tilespmem:s13], [sflag:$0x8] =	stream.indirect.gather [spmem:s3], $0x20, s22, s22, $0xb8;
	[tilespmem:$0xD300] =	vst v63  }
0x55: {  	p0 =	sgt.u32 s17, $0x4C  }
0x56: {  	[tilespmem:s5], [sflag:$0x5] =	stream.linear.gather [hbm4b:s16+s4], $0x80, $0x38;
	[tilespmem:$0xD300] =	vst v63  }
0x57: {  	s0 =	simm.s32 @!p0 $0x0;
	s31 =	simm.s32 @!p0 $0x100  }
0x58: {  	[tilespmem:s31], [sflag:$0x3] =	stream.linear.gather @!p0 [hbm4b:s19+s0], $0x80, $0x38;
	[tilespmem:$0xD300] =	vst v63  }
.LBB2_10:
0x59: {  	s17 =	sadd.s32 $0x1, s17  }
0x5a: {  	p0 =	sne.s32 s17, $0x4F  }
.Ltmp4:
0x5b: {  	_ = 	snop;
	(pc) =	sbr.rel @!p0 .LBB2_11-.Ltmp4, $2  }
0x5c: {  	_ =	sdelay $0x2  }
0x5d: {  	s19 =	sadd.s32 $0x10, s19;
	s16 =	sadd.s32 $0x10, s16  }
.LBB2_2:
0x5e: {  	s0 =	smul.u32 $0xAB, s17;
	_ =	sdelay $0x1  }
0x5f: {  	s0 =	sshrl.u32 s0, $0x9  }
0x60: {  	s0 =	sand.u32 $0x7F, s0  }
0x61: {  	s0 =	smul.u32 $0x3, s0;
	_ =	sdelay $0x1  }
0x62: {  	s0 =	ssub.s32 s17, s0  }
0x63: {  	s31 =	sand.u32 $0xFF, s0  }
0x64: {  	p0 =	seq.s32 s31, $0x2  }
.Ltmp5:
0x65: {  	_ = 	snop;
	(pc) =	sbr.rel @p0 .LBB2_8-.Ltmp5, $1  }
0x66: {  	_ =	sdelay $0x3  }
0x67: {  	p0 =	seq.s32 s31, $0x1  }
.Ltmp6:
0x68: {  	_ = 	snop;
	(pc) =	sbr.rel @!p0 .LBB2_4-.Ltmp6, $1  }
0x69: {  	_ =	sdelay $0x3  }
0x6a: {  	_ =	swait.ge [sflag:s8], $0x1000  }
0x6b: {  	p0 =	seq.s32 s17, $0x4E;
	[sflag:s8] =	ssyncset.done $0x0  }
.Ltmp7:
0x6c: {  	[sflag:s8] =	ssyncadd.s32 $0xFFFFF000;
	(pc) =	sbr.rel @p0 .LBB2_11-.Ltmp7, $4  }
0x6d: {  	_ =	swait.ge [sflag:s12], $0x80  }
0x6e: {  	[sflag:s12] =	ssyncset.done $0x0  }
0x6f: {  	[sflag:s12] =	ssyncadd.s32 $0xFFFFFF80  }
0x70: {  	[spmem:s2] =	stream.indirect.scatter.add.bf16 [tilespmem:s13], [sflag:$0xB], $0x20, s5, s22, $0xb8;
	[tilespmem:$0xD300] =	vst v63  }
0x71: {  	_ =	swait.ge [sflag:s14], $0x80  }
0x72: {  	p0 =	slt.u32 s17, $0x2;
	[sflag:s14] =	ssyncset.done $0x0  }
0x73: {  	s0 =	simm.s32 @!p0 $0xC;
	[sflag:s14] =	ssyncadd.s32 $0xFFFFFF80  }
0x74: {  	_ =	swait.ge @!p0 [sflag:s0], $0x1000  }
0x75: {  	[sflag:s0] =	ssyncset.done @!p0 $0x0  }
0x76: {  	[sflag:s0] =	ssyncadd.s32 @!p0 $0xFFFFF000  }
0x77: {  	[tilespmem:s29], [sflag:$0x9] =	stream.indirect.gather [spmem:s3], $0x20, s15, s22, $0xb8;
	[tilespmem:$0xD300] =	vst v63  }
.Ltmp8:
0x78: {  	_ = 	snop;
	(pc) =	sbr.rel .LBB2_10-.Ltmp8, $4  }
0x79: {  	p0 =	sgt.u32 s17, $0x4C  }
0x7a: {  	[tilespmem:s28], [sflag:$0x6] =	stream.linear.gather [hbm4b:s16+s4], $0x80, $0x38;
	[tilespmem:$0xD300] =	vst v63  }
0x7b: {  	s0 =	simm.s32 @!p0 $0x0  }
0x7c: {  	[tilespmem:s0], [sflag:$0x1] =	stream.linear.gather @!p0 [hbm4b:s19+s0], $0x80, $0x38;
	[tilespmem:$0xD300] =	vst v63  }
.LBB2_8:
0x7d: {  	_ =	swait.ge [sflag:s25], $0x1000  }
0x7e: {  	p0 =	seq.s32 s17, $0x4E;
	[sflag:s25] =	ssyncset.done $0x0  }
.Ltmp9:
0x7f: {  	[sflag:s25] =	ssyncadd.s32 $0xFFFFF000;
	(pc) =	sbr.rel @p0 .LBB2_11-.Ltmp9, $4  }
0x80: {  	_ =	swait.ge [sflag:s26], $0x80  }
0x81: {  	[sflag:s26] =	ssyncset.done $0x0  }
0x82: {  	[sflag:s26] =	ssyncadd.s32 $0xFFFFFF80  }
0x83: {  	[spmem:s2] =	stream.indirect.scatter.add.bf16 [tilespmem:s29], [sflag:$0xC], $0x20, s28, s22, $0xb8;
	[tilespmem:$0xD300] =	vst v63  }
0x84: {  	_ =	swait.ge [sflag:s23], $0x80  }
0x85: {  	[sflag:s23] =	ssyncset.done $0x0  }
0x86: {  	[sflag:s23] =	ssyncadd.s32 $0xFFFFFF80  }
0x87: {  	_ =	swait.ge [sflag:s30], $0x1000  }
0x88: {  	[sflag:s30] =	ssyncset.done $0x0  }
0x89: {  	[sflag:s30] =	ssyncadd.s32 $0xFFFFF000  }
0x8a: {  	[tilespmem:s24], [sflag:$0x7] =	stream.indirect.gather [spmem:s3], $0x20, s4, s22, $0xb8;
	[tilespmem:$0xD300] =	vst v63  }
.Ltmp10:
0x8b: {  	_ = 	snop;
	(pc) =	sbr.rel .LBB2_10-.Ltmp10, $4  }
0x8c: {  	p0 =	sgt.u32 s17, $0x4C  }
0x8d: {  	[tilespmem:s21], [sflag:$0x4] =	stream.linear.gather [hbm4b:s16+s4], $0x80, $0x38;
	[tilespmem:$0xD300] =	vst v63  }
0x8e: {  	s0 =	simm.s32 @!p0 $0x0;
	s31 =	simm.s32 @!p0 $0x80  }
0x8f: {  	[tilespmem:s31], [sflag:$0x2] =	stream.linear.gather @!p0 [hbm4b:s19+s0], $0x80, $0x38;
	[tilespmem:$0xD300] =	vst v63  }
.LBB2_11:
0x90: {  	_ =	swait.ge [sflag:s30], $0x1000  }
0x91: {  	[sflag:s30] =	ssyncset.done $0x0  }
0x92: {  	s0 =	simm.s32 $0xB;
	[sflag:s30] =	ssyncadd.s32 $0xFFFFF000  }
0x93: {  	_ =	swait.ge [sflag:s0], $0x1000  }
0x94: {  	[sflag:s0] =	ssyncset.done $0x0  }
0x95: {  	s1 =	simm.s32 $0xC;
	[sflag:s0] =	ssyncadd.s32 $0xFFFFF000  }
0x96: {  	_ =	swait.ge [sflag:s1], $0x1000  }
0x97: {  	[sflag:s1] =	ssyncset.done $0x0  }
0x98: {  	[sflag:s1] =	ssyncadd.s32 $0xFFFFF000  }
0x99: {  	[bflag:$0x0] =	sbarrier.arrive $0xFFFF  }
0x9a: {  	s16 =	rddreg [dreg:$0x5]  }
0x9b: {  	s1 =	simm.s32 $0xE;
	s17 =	rddreg [dreg:$0xb];
	s19 =	sor.u32 $0x1C0E, s16  }
0x9c: {  	[hbm:s17], [sflag:s19] =	dma.local [spmem:s18], $0xA00  }
0x9d: {  	_ =	swait.ge [sflag:s1], $0xA00  }
0x9e: {  	[sflag:s1] =	ssyncset.done $0x0  }
0x9f: {  	s16 =	rddreg [dreg:$0x6];
	[sflag:s1] =	ssyncadd.s32 $0xFFFFF600  }
0xa0: {  	[spmem:s18], [sflag:s7] =	dma.local [hbm:s16], $0xA00  }
0xa1: {  	s0 =	rddreg [dreg:$0xc]  }
0xa2: {  	s1 =	rddreg [dreg:$0x11]  }
0xa3: {  	[spmem:s1], [sflag:s7] =	dma.local [hbm:s0], $0xA00  }
0xa4: {  	_ =	swait.ge [sflag:s20], $0xA00  }
0xa5: {  	[sflag:s20] =	ssyncset.done $0x0  }
0xa6: {  	s16 =	simm.s32 $0x0;
	s17 =	rddreg [dreg:$0x8];
	[sflag:s20] =	ssyncadd.s32 $0xFFFFF600  }
0xa7: {  	[tilespmem:s16], [sflag:$0x1] =	stream.linear.gather [hbm4b:s17+s16], $0x80, $0x38;
	[tilespmem:$0xD300] =	vst v63  }
0xa8: {  	s1 =	rddreg [dreg:$0x9]  }
0xa9: {  	[tilespmem:s21], [sflag:$0x4] =	stream.linear.gather [hbm4b:s1+s16], $0x80, $0x38;
	[tilespmem:$0xD300] =	vst v63  }
0xaa: {  	s17 =	rddreg [dreg:$0xa]  }
0xab: {  	[tilespmem:s22], [sflag:$0x2] =	stream.linear.gather [hbm4b:s17+s16], $0x80, $0x38;
	[tilespmem:$0xD300] =	vst v63  }
0xac: {  	_ =	swait.ge [sflag:s23], $0x80  }
0xad: {  	[sflag:s23] =	ssyncset.done $0x0  }
0xae: {  	[sflag:s23] =	ssyncadd.s32 $0xFFFFFF80  }
0xaf: {  	_ =	swait.ge [sflag:s20], $0xA00  }
0xb0: {  	[sflag:s20] =	ssyncset.done $0x0  }
.Ltmp11:
0xb1: {  	[sflag:s20] =	ssyncadd.s32 $0xFFFFF600;
	(pc) =	sbr.rel .LBB2_12-.Ltmp11, $4  }
0xb2: {  	[bflag:$0x0] =	sbarrier.arrive $0xFFFF  }
0xb3: {  	[tilespmem:s24], [sflag:$0x7] =	stream.indirect.gather [spmem:s3], $0x20, s16, s22, $0xb8;
	[tilespmem:$0xD300] =	vst v63  }
0xb4: {  	s17 =	rddreg [dreg:$0x10]  }
0xb5: {  	s31 =	rddreg [dreg:$0xf]  }
.LBB2_14:
0xb6: {  	_ =	swait.ge [sflag:s6], $0x1000  }
0xb7: {  	p0 =	seq.s32 s16, $0x4E;
	[sflag:s6] =	ssyncset.done $0x0  }
.Ltmp12:
0xb8: {  	[sflag:s6] =	ssyncadd.s32 $0xFFFFF000;
	(pc) =	sbr.rel @p0 .LBB2_21-.Ltmp12, $4  }
0xb9: {  	_ =	swait.ge [sflag:s9], $0x80  }
0xba: {  	[sflag:s9] =	ssyncset.done $0x0  }
0xbb: {  	[sflag:s9] =	ssyncadd.s32 $0xFFFFFF80  }
0xbc: {  	[spmem:s2] =	stream.indirect.scatter.add.bf16 [tilespmem:s24], [sflag:$0xA], $0x20, s21, s22, $0xb8;
	[tilespmem:$0xD300] =	vst v63  }
0xbd: {  	_ =	swait.ge [sflag:s10], $0x80  }
0xbe: {  	p0 =	slt.u32 s16, $0x2;
	[sflag:s10] =	ssyncset.done $0x0  }
0xbf: {  	s0 =	simm.s32 @!p0 $0xB;
	[sflag:s10] =	ssyncadd.s32 $0xFFFFFF80  }
0xc0: {  	_ =	swait.ge @!p0 [sflag:s0], $0x1000  }
0xc1: {  	[sflag:s0] =	ssyncset.done @!p0 $0x0  }
0xc2: {  	[sflag:s0] =	ssyncadd.s32 @!p0 $0xFFFFF000  }
0xc3: {  	[tilespmem:s13], [sflag:$0x8] =	stream.indirect.gather [spmem:s3], $0x20, s22, s22, $0xb8;
	[tilespmem:$0xD300] =	vst v63  }
0xc4: {  	p0 =	sgt.u32 s16, $0x4C  }
0xc5: {  	[tilespmem:s5], [sflag:$0x5] =	stream.linear.gather [hbm4b:s17+s4], $0x80, $0x38;
	[tilespmem:$0xD300] =	vst v63  }
0xc6: {  	s0 =	simm.s32 @!p0 $0x0;
	s1 =	simm.s32 @!p0 $0x100  }
0xc7: {  	[tilespmem:s1], [sflag:$0x3] =	stream.linear.gather @!p0 [hbm4b:s31+s0], $0x80, $0x38;
	[tilespmem:$0xD300] =	vst v63  }
.LBB2_20:
0xc8: {  	s16 =	sadd.s32 $0x1, s16  }
0xc9: {  	p0 =	sne.s32 s16, $0x4F  }
.Ltmp13:
0xca: {  	_ = 	snop;
	(pc) =	sbr.rel @!p0 .LBB2_21-.Ltmp13, $2  }
0xcb: {  	_ =	sdelay $0x2  }
0xcc: {  	s31 =	sadd.s32 $0x10, s31;
	s17 =	sadd.s32 $0x10, s17  }
.LBB2_12:
0xcd: {  	s0 =	smul.u32 $0xAB, s16;
	_ =	sdelay $0x1  }
0xce: {  	s0 =	sshrl.u32 s0, $0x9  }
0xcf: {  	s0 =	sand.u32 $0x7F, s0  }
0xd0: {  	s0 =	smul.u32 $0x3, s0;
	_ =	sdelay $0x1  }
0xd1: {  	s0 =	ssub.s32 s16, s0  }
0xd2: {  	s0 =	sand.u32 $0xFF, s0  }
0xd3: {  	p0 =	seq.s32 s0, $0x2  }
.Ltmp14:
0xd4: {  	_ = 	snop;
	(pc) =	sbr.rel @p0 .LBB2_18-.Ltmp14, $1  }
0xd5: {  	_ =	sdelay $0x3  }
0xd6: {  	p0 =	seq.s32 s0, $0x1  }
.Ltmp15:
0xd7: {  	_ = 	snop;
	(pc) =	sbr.rel @!p0 .LBB2_14-.Ltmp15, $1  }
0xd8: {  	_ =	sdelay $0x3  }
0xd9: {  	_ =	swait.ge [sflag:s8], $0x1000  }
0xda: {  	p0 =	seq.s32 s16, $0x4E;
	[sflag:s8] =	ssyncset.done $0x0  }
.Ltmp16:
0xdb: {  	[sflag:s8] =	ssyncadd.s32 $0xFFFFF000;
	(pc) =	sbr.rel @p0 .LBB2_21-.Ltmp16, $4  }
0xdc: {  	_ =	swait.ge [sflag:s12], $0x80  }
0xdd: {  	[sflag:s12] =	ssyncset.done $0x0  }
0xde: {  	[sflag:s12] =	ssyncadd.s32 $0xFFFFFF80  }
0xdf: {  	[spmem:s2] =	stream.indirect.scatter.add.bf16 [tilespmem:s13], [sflag:$0xB], $0x20, s5, s22, $0xb8;
	[tilespmem:$0xD300] =	vst v63  }
0xe0: {  	_ =	swait.ge [sflag:s14], $0x80  }
0xe1: {  	p0 =	slt.u32 s16, $0x2;
	[sflag:s14] =	ssyncset.done $0x0  }
0xe2: {  	s0 =	simm.s32 @!p0 $0xC;
	[sflag:s14] =	ssyncadd.s32 $0xFFFFFF80  }
0xe3: {  	_ =	swait.ge @!p0 [sflag:s0], $0x1000  }
0xe4: {  	[sflag:s0] =	ssyncset.done @!p0 $0x0  }
0xe5: {  	[sflag:s0] =	ssyncadd.s32 @!p0 $0xFFFFF000  }
0xe6: {  	[tilespmem:s29], [sflag:$0x9] =	stream.indirect.gather [spmem:s3], $0x20, s15, s22, $0xb8;
	[tilespmem:$0xD300] =	vst v63  }
.Ltmp17:
0xe7: {  	_ = 	snop;
	(pc) =	sbr.rel .LBB2_20-.Ltmp17, $4  }
0xe8: {  	p0 =	sgt.u32 s16, $0x4C  }
0xe9: {  	[tilespmem:s28], [sflag:$0x6] =	stream.linear.gather [hbm4b:s17+s4], $0x80, $0x38;
	[tilespmem:$0xD300] =	vst v63  }
0xea: {  	s0 =	simm.s32 @!p0 $0x0  }
0xeb: {  	[tilespmem:s0], [sflag:$0x1] =	stream.linear.gather @!p0 [hbm4b:s31+s0], $0x80, $0x38;
	[tilespmem:$0xD300] =	vst v63  }
.LBB2_18:
0xec: {  	_ =	swait.ge [sflag:s25], $0x1000  }
0xed: {  	p0 =	seq.s32 s16, $0x4E;
	[sflag:s25] =	ssyncset.done $0x0  }
.Ltmp18:
0xee: {  	[sflag:s25] =	ssyncadd.s32 $0xFFFFF000;
	(pc) =	sbr.rel @p0 .LBB2_21-.Ltmp18, $4  }
0xef: {  	_ =	swait.ge [sflag:s26], $0x80  }
0xf0: {  	[sflag:s26] =	ssyncset.done $0x0  }
0xf1: {  	[sflag:s26] =	ssyncadd.s32 $0xFFFFFF80  }
0xf2: {  	[spmem:s2] =	stream.indirect.scatter.add.bf16 [tilespmem:s29], [sflag:$0xC], $0x20, s28, s22, $0xb8;
	[tilespmem:$0xD300] =	vst v63  }
0xf3: {  	_ =	swait.ge [sflag:s23], $0x80  }
0xf4: {  	[sflag:s23] =	ssyncset.done $0x0  }
0xf5: {  	[sflag:s23] =	ssyncadd.s32 $0xFFFFFF80  }
0xf6: {  	_ =	swait.ge [sflag:s30], $0x1000  }
0xf7: {  	[sflag:s30] =	ssyncset.done $0x0  }
0xf8: {  	[sflag:s30] =	ssyncadd.s32 $0xFFFFF000  }
0xf9: {  	[tilespmem:s24], [sflag:$0x7] =	stream.indirect.gather [spmem:s3], $0x20, s4, s22, $0xb8;
	[tilespmem:$0xD300] =	vst v63  }
.Ltmp19:
0xfa: {  	_ = 	snop;
	(pc) =	sbr.rel .LBB2_20-.Ltmp19, $4  }
0xfb: {  	p0 =	sgt.u32 s16, $0x4C  }
0xfc: {  	[tilespmem:s21], [sflag:$0x4] =	stream.linear.gather [hbm4b:s17+s4], $0x80, $0x38;
	[tilespmem:$0xD300] =	vst v63  }
0xfd: {  	s0 =	simm.s32 @!p0 $0x0;
	s1 =	simm.s32 @!p0 $0x80  }
0xfe: {  	[tilespmem:s1], [sflag:$0x2] =	stream.linear.gather @!p0 [hbm4b:s31+s0], $0x80, $0x38;
	[tilespmem:$0xD300] =	vst v63  }
.LBB2_22:
0xff: {  	_ =	sfence.sel $0x180000  }
0x100: {  	[bflag:$0x0] =	sbarrier.arrive $0xFFFF  }
0x101: {  	_ =	strace $0x9000004A  }
0x102: {  	s0 =	stileid.u32;
	[bflag:$0x2] =	sbarrier.arrive $0xFFFF  }
0x103: {  	p0 =	sne.s32 s0, $0x0;
	s0 =	rddreg [dreg:$0x4]  }
0x104: {  	s0 =	sadd.s32 @!p0 $0x100000, s0  }
0x105: {  	[sflag:s0] =	ssyncadd.tile.s32 @!p0 $0x1;
	_ =	shalt  }
.Lfunc_end2:
_tile_overlayer_lowered:
.L_overlay_start_2:
0x106: {  	(tag) =	ssettag $0x2  }
0x107: {  	s0 =	rddreg [dreg:$0x0];
	s2 =	stileid.u32  }
0x108: {  	s1 =	rddreg [dreg:$0x1];
	p0 =	sne.s32 s2, $0x0  }
0x109: {  	s3 =	rddreg [dreg:$0x2];
	[bflag:$0x3] =	sbarrier.arrive $0xFFFF;
	s2 =	simm.s32 @!p0 $0x1C0E  }
0x10a: {  	[timem:s3], [sflag:s2] =	dma.local @!p0 [hbm:s0], s1  }
0x10b: {  	s0 =	simm.s32 @!p0 $0xE  }
0x10c: {  	_ =	swait.ge @!p0 [sflag:s0], s1  }
0x10d: {  	s1 =	ssub.s32 @!p0 $0x0, s1;
	[sflag:s0] =	ssyncset.done @!p0 $0x0  }
0x10e: {  	[sflag:s0] =	ssyncadd.s32 @!p0 s1  }
0x10f: {  	[bflag:$0x3] =	sbarrier.arrive $0xFFFF  }
0x110: {  	_ =	shalt  }

// kernel: kernel.14.cloned.1.call-start
scs
__scs_entry_jumppad:
0x0: {  	(pc) =	sbr.rel $0x88, $3  }
0x1: {  	(tag) =	ssettag $0x0;
	lr =	simm.s32 $0x1  }
0x2: {  	[smem:$0x3F9B] =	sst lr;
	_ =	strace $0xD0000000  }
0x3: {  	_ = 	snop  }
0x4: {  	_ = 	snop  }
0x5: {  	_ = 	snop  }
0x6: {  	_ = 	snop  }
0x7: {  	_ = 	snop  }
__scs_overlays_trampoline_lowered:
0x8: {  	[smem:$0x3FAA] =	sst s0  }
0x9: {  	[smem:$0x3FAB] =	sst s1  }
0xa: {  	[smem:$0x3FAC] =	sst s2  }
0xb: {  	[smem:$0x3FAD] =	sst s3  }
0xc: {  	[smem:$0x3FAE] =	sst s4  }
0xd: {  	[smem:$0x3FAF] =	sst s5  }
0xe: {  	[smem:$0x3FB0] =	sst s6  }
0xf: {  	[smem:$0x3FB1] =	sst s7  }
0x10: {  	[smem:$0x3FB2] =	sst s8  }
0x11: {  	[smem:$0x3FB3] =	sst s9;
	s0 =	simm.s32 @!p0 $0x0  }
0x12: {  	s1 =	sld [smem:$0x3F99];
	s0 =	simm.s32 @p0 $0x1  }
0x13: {  	[smem:$0x3FB4] =	sst s0;
	s0 =	simm.s32 @!p1 $0x0  }
0x14: {  	s2 =	sld [smem:$0x3F98];
	s0 =	simm.s32 @p1 $0x1  }
0x15: {  	[smem:$0x3FB5] =	sst s0;
	s0 =	simm.s32 @!p2 $0x0  }
0x16: {  	s3 =	sld [smem:$0x3FDB];
	s0 =	simm.s32 @p2 $0x1  }
0x17: {  	s4 =	simm.s32 $0x1BF5;
	[smem:$0x3FB7] =	sst s0  }
0x18: {  	s0 =	sld [smem:$0x3F9A];
	_ =	swait.ge [sflag:s4], $0x0  }
0x19: {  	s7 =	sld [smem:$0x3F9B]  }
0x1a: {  	s8 =	sadd.s32 $0xFFFFE003, lr  }
0x1b: {  	s9 =	sadd.s32 $0xFFFFFEF7, lr;
	s5 =	simm.s32 $0xFFFFFFFF;
	p2 =	slt.u32 s8, $0xFFFFF086  }
0x1c: {  	p1 =	slt.u32 s9, $0xF7A;
	s5 =	simm.s32 @!p2 $0x0  }
0x1d: {  	s5 =	simm.s32 @p1 $0x1;
	p0 =	seq.s32 s7, s2  }
0x1e: {  	s7 =	smul.u32 @!p0 $0xF7A, s2;
	p2 =	seq.s32 @!p0 s5, $0x0  }
0x1f: {  	s9 =	smul.u32 $0xF7A, s1;
	s8 =	simm.s32 @!p0 $0x1BF5;
	p2 =	por !p2, p0  }
0x20: {  	[sflag:s8] =	ssyncset.s32 @!p0 $0xFFFFF086;
	s6 =	sadd.s32 @!p0 s3, s7;
	s7 =	simm.s32 @!p0 $0x108  }
0x21: {  	s3 =	sadd.s32 s3, s9;
	s6 =	sadd.s32 @!p0 $0x88, s6;
	s7 =	simm.s32 @p2 $0x1082  }
0x22: {  	[simem:s7], [sflag:s8] =	dma.local @!p0 [hbm:s6], $0xF7A  }
0x23: {  	s9 =	sor.u32 $0xD0000000, s2;
	s6 =	simm.s32 $0x108;
	_ =	swait.ge @!p0 [sflag:s8], $0x0  }
0x24: {  	s3 =	sadd.s32 $0x88, s3;
	s6 =	simm.s32 @!p1 $0x1082;
	[sflag:s4] =	ssyncset.s32 $0xFFFFF086  }
0x25: {  	[simem:s6], [sflag:s4] =	dma.local [hbm:s3], $0xF7A  }
0x26: {  	[smem:$0x3F9B] =	sst s1;
	(tag) =	ssettag s2;
	_ =	strace s9  }
0x27: {  	s1 =	sld [smem:$0x3FAB]  }
0x28: {  	s2 =	sld [smem:$0x3FAC]  }
0x29: {  	s4 =	sld [smem:$0x3FAE]  }
0x2a: {  	p0 =	seq.s32 s5, $0x0;
	s5 =	sld [smem:$0x3FAF]  }
0x2b: {  	s6 =	sld [smem:$0x3FB0]  }
0x2c: {  	s7 =	sld [smem:$0x3FB1]  }
0x2d: {  	s3 =	simm.s32 $0x108;
	s8 =	sld [smem:$0x3FB2]  }
0x2e: {  	s3 =	simm.s32 @!p0 $0x1082;
	s9 =	sld [smem:$0x3FB3]  }
0x2f: {  	lr =	sadd.s32 s0, s3;
	s0 =	sld [smem:$0x3FAA]  }
0x30: {  	s3 =	sld [smem:$0x3FAD]  }
0x31: {  	[smem:$0x3FB6] =	sst s10  }
0x32: {  	s10 =	sld [smem:$0x3FB4];
	_ =	sdelay $0x3  }
0x33: {  	p0 =	seq.s32 s10, $0x1;
	s10 =	sld [smem:$0x3FB6];
	_ =	sdelay $0x3  }
0x34: {  	[smem:$0x3FB6] =	sst s10  }
0x35: {  	s10 =	sld [smem:$0x3FB5];
	_ =	sdelay $0x3  }
0x36: {  	p1 =	seq.s32 s10, $0x1;
	s10 =	sld [smem:$0x3FB6];
	_ =	sdelay $0x3  }
0x37: {  	[smem:$0x3FB6] =	sst s10  }
0x38: {  	s10 =	sld [smem:$0x3FB7]  }
0x39: {  	_ = 	snop;
	(pc) =	sbr.ind lr, $3  }
0x3a: {  	_ = 	snop  }
0x3b: {  	_ = 	snop  }
0x3c: {  	p2 =	seq.s32 s10, $0x1;
	s10 =	sld [smem:$0x3FB6]  }
0x3d: {  	_ =	shalt  }
0x3e: {  	_ =	shalt  }
0x3f: {  	_ =	shalt  }
0x40: {  	_ =	shalt  }
0x41: {  	_ =	shalt  }
0x42: {  	_ =	shalt  }
0x43: {  	_ =	shalt  }
0x44: {  	_ =	shalt  }
0x45: {  	_ =	shalt  }
0x46: {  	_ =	shalt  }
0x47: {  	_ =	shalt  }
0x48: {  	_ =	shalt  }
0x49: {  	_ =	shalt  }
0x4a: {  	_ =	shalt  }
0x4b: {  	_ =	shalt  }
0x4c: {  	_ =	shalt  }
0x4d: {  	_ =	shalt  }
0x4e: {  	_ =	shalt  }
0x4f: {  	_ =	shalt  }
0x50: {  	_ =	shalt  }
0x51: {  	_ =	shalt  }
0x52: {  	_ =	shalt  }
0x53: {  	_ =	shalt  }
0x54: {  	_ =	shalt  }
0x55: {  	_ =	shalt  }
0x56: {  	_ =	shalt  }
0x57: {  	_ =	shalt  }
0x58: {  	_ =	shalt  }
0x59: {  	_ =	shalt  }
0x5a: {  	_ =	shalt  }
0x5b: {  	_ =	shalt  }
0x5c: {  	_ =	shalt  }
0x5d: {  	_ =	shalt  }
0x5e: {  	_ =	shalt  }
0x5f: {  	_ =	shalt  }
0x60: {  	_ =	shalt  }
0x61: {  	_ =	shalt  }
0x62: {  	_ =	shalt  }
0x63: {  	_ =	shalt  }
0x64: {  	_ =	shalt  }
0x65: {  	_ =	shalt  }
0x66: {  	_ =	shalt  }
0x67: {  	_ =	shalt  }
0x68: {  	_ =	shalt  }
0x69: {  	_ =	shalt  }
0x6a: {  	_ =	shalt  }
0x6b: {  	_ =	shalt  }
0x6c: {  	_ =	shalt  }
0x6d: {  	_ =	shalt  }
0x6e: {  	_ =	shalt  }
0x6f: {  	_ =	shalt  }
0x70: {  	_ =	shalt  }
0x71: {  	_ =	shalt  }
0x72: {  	_ =	shalt  }
0x73: {  	_ =	shalt  }
0x74: {  	_ =	shalt  }
0x75: {  	_ =	shalt  }
0x76: {  	_ =	shalt  }
0x77: {  	_ =	shalt  }
0x78: {  	_ =	shalt  }
0x79: {  	_ =	shalt  }
0x7a: {  	_ =	shalt  }
0x7b: {  	_ =	shalt  }
0x7c: {  	_ =	shalt  }
0x7d: {  	_ =	shalt  }
0x7e: {  	_ =	shalt  }
0x7f: {  	_ =	shalt  }
0x80: {  	_ =	shalt  }
0x81: {  	_ =	shalt  }
0x82: {  	_ =	shalt  }
0x83: {  	_ =	shalt  }
0x84: {  	_ =	shalt  }
0x85: {  	_ =	shalt  }
0x86: {  	_ =	shalt  }
0x87: {  	_ =	shalt  }
.Lfunc_end0:
.L_simem_size_0:
called_computation.2_lowered:
.L_overlay_start_0:
0x88: {  	s2 =	sld [smem:$0x3FD9]  }
0x89: {  	s3 =	sld [smem:$0x3FFE];
	_ =	sdelay $0x1  }
0x8a: {  	s1 =	srdreg.scid  }
0x8b: {  	s0 =	sand.u32 $0x1, s1  }
0x8c: {  	s17 =	sshll.u32 s0, $0xA;
	s2 =	sadd.s32 s3, s2  }
0x8d: {  	s2 =	sadd.s32 s2, s17  }
0x8e: {  	[smem:$0x3FC2] =	sst s2  }
0x8f: {  	_ = 	snop  }
0x90: {  	s2 =	sld [smem:$0x3FD0];
	(tm) =	ssettm $0x1  }
0x91: {  	s18 =	sld [smem:$0x3FFB];
	_ =	sdelay $0x3  }
0x92: {  	_ =	strace s18  }
0x93: {  	s3 =	sld [smem:$0x3FFC];
	_ =	sdelay $0x3  }
0x94: {  	_ =	strace s3  }
0x95: {  	s3 =	sld [smem:$0x3FFD];
	_ =	sdelay $0x3  }
0x96: {  	_ =	strace s3  }
0x97: {  	_ =	strace $0x8FFFFFFF  }
0x98: {  	s19 =	sld [smem:$0x3FDB];
	_ =	sdelay $0x1  }
0x99: {  	s4 =	simm.s32 $_scs_section_size  }
0x9a: {  	s5 =	simm.s32 $_size__tile_overlayer_lowered;
	s6 =	simm.s32 $_tile_overlayer_lowered  }
0x9b: {  	s22 =	simm.s32 $0x1BFF;
	s21 =	sshll.u32 s6, $0x1;
	s3 =	sadd.s32 s4, s19  }
0x9c: {  	s7 =	simm.s32 $0x0;
	s20 =	sshll.u32 s5, $0x1;
	s5 =	sadd.s32 s21, s3  }
0x9d: {  	[timem:s7], [sflag:s22] =	dma.local [hbm:s5], s20  }
0x9e: {  	_ =	swait.ge [sflag:s22], s20  }
0x9f: {  	s4 =	ssub.s32 $0x0, s20;
	[sflag:s22] =	ssyncset.done $0x0  }
0xa0: {  	[sflag:s22] =	ssyncadd.s32 s4;
	_ =	sdelay $0x1  }
0xa1: {  	s23 =	simm.s32 $0x1B8B  }
0xa2: {  	_ =	swait.ge [sflag:s23], $0x1  }
0xa3: {  	[sflag:s23] =	ssyncset.done $0x0  }
0xa4: {  	s25 =	simm.s32 $0x1B8E;
	s24 =	sld [smem:$0x3FFE];
	[sflag:s23] =	ssyncadd.s32 $0xFFFFFFFF  }
0xa5: {  	s26 =	simm.s32 $execute0_lowered;
	[smem:$0x3FD2] =	sst s25  }
0xa6: {  	s5 =	sshll.u32 s26, $0x1;
	_ =	strace $0x8000004C;
	[dreg:$0x1] =	wrdreg $0xFFFFFFFF  }
0xa7: {  	s28 =	simm.s32 $_size_execute0_lowered;
	s3 =	sadd.s32 s3, s5;
	[dreg:$0x0] =	wrdreg $0x0  }
0xa8: {  	s5 =	sshll.u32 s28, $0x1;
	[dreg:$0x2] =	wrdreg s3  }
0xa9: {  	[dreg:$0x3] =	wrdreg s5  }
0xaa: {  	[dreg:$0x4] =	wrdreg $0xC0  }
0xab: {  	_ =	task [dreg:s7], $0x5FFFF  }
0xac: {  	[dreg:$0x1] =	wrdreg $0xFFFFFFFF  }
0xad: {  	[dreg:$0x0] =	wrdreg $0x60  }
0xae: {  	[dreg:$0x2] =	wrdreg s24  }
0xaf: {  	[dreg:$0x3] =	wrdreg s2  }
0xb0: {  	[dreg:$0x4] =	wrdreg $0x83000  }
0xb1: {  	[dreg:$0x5] =	wrdreg $0x33000  }
0xb2: {  	[dreg:$0x6] =	wrdreg $0x9  }
0xb3: {  	_ =	task.clear_ibuf [dreg:s7], $0x7FFFF;
	_ =	strace $0x9000004C  }
0xb4: {  	s29 =	simm.s32 $0x9;
	_ =	strace $0x8000004E  }
0xb5: {  	_ =	swait.ge [sflag:s29], $0x1  }
0xb6: {  	[sflag:s29] =	ssyncadd.s32 $0xFFFFFFFF  }
0xb7: {  	_ =	strace $0x9000004E  }
0xb8: {  	_ =	sfence  }
0xb9: {  	s30 =	sld [smem:$0x0];
	_ =	sdelay $0x2  }
0xba: {  	s31 =	sshll.u32 s1, $0xD;
	s1 =	sshrl.u32 s1, $0x2  }
0xbb: {  	s3 =	sand.u32 $0x4000, s31;
	s1 =	sadd.s32 s1, s30  }
0xbc: {  	s0 =	sor.u32 s3, s0;
	s1 =	sshll.u32 s1, $0x11  }
0xbd: {  	s0 =	sor.u32 s1, s0  }
0xbe: {  	s0 =	sadd.s32 $0x8F2B, s0  }
0xbf: {  	[sflag:s0] =	ssyncadd.remote.s32 $0x1  }
0xc0: {  	_ =	sfence.sel $0xFFFF  }
0xc1: {  	[dreg:$0x0] =	wrdreg $0xFFFFFFFF;
	(pc) =	sbr.abs _section_cstart, $3  }
0xc2: {  	[dreg:$0x1] =	wrdreg $0xFFFFFFFF  }
0xc3: {  	_ =	task.clear_ibuf [dreg:s7], $0x2FFFF;
	_ =	strace $0x9FFFFFFF  }
0xc4: {  	(tm) =	ssettm $0x7FFFFFFF  }
0xc5: {  	_ =	shalt  }
tec
execute0_lowered:
.L_overlay_start_1:
0x0: {  	(tag) =	ssettag $0x1  }
0x1: {  	s0 =	rddreg [dreg:$0x0]  }
0x2: {  	s1 =	rddreg [dreg:$0x1]  }
0x3: {  	s2 =	rddreg [dreg:$0x2]  }
0x4: {  	s3 =	rddreg [dreg:$0x3];
	s12 =	stileid.u32;
	s4 =	simm.s32 $0x0  }
0x5: {  	s5 =	srdreg.scid;
	s28 =	simm.s32 $0xA;
	s31 =	simm.s32 $0xE  }
0x6: {  	s13 =	simm.s32 $0x0;
	s6 =	smul.u32 $0x4F, s12;
	[smem:$0x7FF] =	sst s4  }
0x7: {  	s7 =	smul.u32 $0xA000, s12;
	s5 =	sand.u32 $0x1, s5;
	s20 =	sshll.u32 s12, $0x6  }
0x8: {  	s12 =	simm.s32 $0x2;
	p0 =	seq.s32 s5, $0x0;
	s9 =	smul.u32 $0xA0000, s5  }
0x9: {  	_ =	strace $0x8000004D;
	s5 =	ssub.s32 $0x2, s5;
	[dreg:$0x5] =	wrdreg s20  }
0xa: {  	s8 =	sadd.s32 $0x4F0, s6;
	s10 =	sshrl.u32 s7, $0x4;
	s18 =	sshrl.u32 s5, $0x1  }
0xb: {  	s11 =	sshrl.u32 s7, $0x1;
	s8 =	smov.u32 @p0 s6;
	s17 =	sadd.s32 s10, s0  }
0xc: {  	s9 =	sadd.s32 s7, s9;
	s5 =	ssub.s32 s5, s18;
	s19 =	sadd.s32 s11, s2  }
0xd: {  	s1 =	sadd.s32 s1, s10;
	s7 =	sor.u32 $0x1C0D, s20;
	s21 =	sadd.s32 s11, s3  }
0xe: {  	s18 =	simm.s32 $0xD;
	s20 =	simm.s32 $0x80;
	s10 =	simm.s32 $0x7  }
0xf: {  	s11 =	simm.s32 $0x4;
	s8 =	sshll.u32 s8, $0x4;
	s9 =	sshrl.u32 s9, $0x4  }
0x10: {  	[dreg:$0x6] =	wrdreg s1;
	s6 =	sadd.s32 $0x15000, s17;
	s25 =	smax.u32 s5, $0x1  }
0x11: {  	s16 =	sshrl.u32 s19, $0x3;
	s30 =	sshrl.u32 s21, $0x3;
	s19 =	simm.s32 $0x180  }
0x12: {  	s21 =	simm.s32 $0x1;
	s1 =	simm.s32 $0x5;
	[dreg:$0x7] =	wrdreg s6  }
0x13: {  	s5 =	simm.s32 $0x100;
	s8 =	sadd.s32 s8, s0;
	[dreg:$0xc] =	wrdreg s25  }
0x14: {  	s0 =	sadd.s32 s9, s0;
	[dreg:$0xf] =	wrdreg s30;
	s22 =	sadd.s32 $0xB200, s8  }
0x15: {  	s25 =	simm.s32 $0x280;
	s23 =	sadd.s32 $0x1400, s8;
	[dreg:$0x8] =	wrdreg s22  }
0x16: {  	s6 =	simm.s32 $0x200;
	s24 =	sadd.s32 $0xB210, s8;
	[dreg:$0x9] =	wrdreg s23  }
.Ltmp0:
0x17: {  	s0 =	sadd.s32 $0xCE200, s0;
	[dreg:$0xa] =	wrdreg s24;
	(pc) =	sbr.rel .LBB2_1-.Ltmp0, $4  }
0x18: {  	s9 =	simm.s32 $0x3;
	s26 =	sadd.s32 $0xB220, s8;
	[dreg:$0xb] =	wrdreg s0  }
0x19: {  	s29 =	sadd.s32 $0x1410, s8;
	s8 =	simm.s32 $0x1300;
	[dreg:$0xd] =	wrdreg s26  }
0x1a: {  	[dreg:$0xe] =	wrdreg s29;
	s22 =	simm.s32 $0x300;
	s23 =	simm.s32 $0x9  }
0x1b: {  	s24 =	simm.s32 $0x6;
	s26 =	simm.s32 $0x2300;
	s0 =	simm.s32 $0x8  }
.LBB2_11:
0x1c: {  	_ =	swait.ge [sflag:s28], $0x1000  }
0x1d: {  	[sflag:s28] =	ssyncset.done $0x0  }
0x1e: {  	s14 =	simm.s32 $0xB;
	[sflag:s28] =	ssyncadd.s32 $0xFFFFF000  }
0x1f: {  	_ =	swait.ge [sflag:s14], $0x1000  }
0x20: {  	[sflag:s14] =	ssyncset.done $0x0  }
0x21: {  	s17 =	simm.s32 $0xC;
	[sflag:s14] =	ssyncadd.s32 $0xFFFFF000  }
0x22: {  	_ =	swait.ge [sflag:s17], $0x1000  }
0x23: {  	[sflag:s17] =	ssyncset.done $0x0  }
0x24: {  	[sflag:s17] =	ssyncadd.s32 $0xFFFFF000  }
0x25: {  	[bflag:$0x0] =	sbarrier.arrive $0xFFFF  }
0x26: {  	s29 =	rddreg [dreg:$0x5]  }
0x27: {  	s15 =	rddreg [dreg:$0xb];
	s14 =	sor.u32 $0x1C0E, s29  }
0x28: {  	[hbm:s15], [sflag:s14] =	dma.local [spmem:s16], $0xA00  }
0x29: {  	_ =	swait.ge [sflag:s31], $0xA00  }
0x2a: {  	s13 =	sadd.s32 $0x1, s13;
	s30 =	rddreg [dreg:$0xc]  }
0x2b: {  	p0 =	sne.s32 s13, s30  }
.Ltmp1:
0x2c: {  	_ = 	snop;
	(pc) =	sbr.rel @!p0 .LBB2_12-.Ltmp1, $3  }
0x2d: {  	_ =	sdelay $0x1  }
0x2e: {  	[sflag:s31] =	ssyncset.done $0x0  }
0x2f: {  	[sflag:s31] =	ssyncadd.s32 $0xFFFFF600  }
.LBB2_1:
0x30: {  	s14 =	rddreg [dreg:$0x6]  }
0x31: {  	[spmem:s16], [sflag:s7] =	dma.local [hbm:s14], $0xA00  }
0x32: {  	s14 =	rddreg [dreg:$0x7]  }
0x33: {  	s15 =	rddreg [dreg:$0xf]  }
0x34: {  	[spmem:s15], [sflag:s7] =	dma.local [hbm:s14], $0xA00  }
0x35: {  	_ =	swait.ge [sflag:s18], $0xA00  }
0x36: {  	[sflag:s18] =	ssyncset.done $0x0  }
0x37: {  	s17 =	rddreg [dreg:$0x8];
	[sflag:s18] =	ssyncadd.s32 $0xFFFFF600  }
0x38: {  	[tilespmem:s4], [sflag:$0x1] =	stream.linear.gather [hbm4b:s17+s4], $0x80, $0x38;
	[tilespmem:$0xD300] =	vst v63  }
0x39: {  	s29 =	rddreg [dreg:$0x9]  }
0x3a: {  	[tilespmem:s19], [sflag:$0x4] =	stream.linear.gather [hbm4b:s29+s4], $0x80, $0x38;
	[tilespmem:$0xD300] =	vst v63  }
0x3b: {  	s30 =	rddreg [dreg:$0xa]  }
0x3c: {  	[tilespmem:s20], [sflag:$0x2] =	stream.linear.gather [hbm4b:s30+s4], $0x80, $0x38;
	[tilespmem:$0xD300] =	vst v63  }
0x3d: {  	_ =	swait.ge [sflag:s21], $0x80  }
0x3e: {  	[sflag:s21] =	ssyncset.done $0x0  }
0x3f: {  	[sflag:s21] =	ssyncadd.s32 $0xFFFFFF80  }
0x40: {  	_ =	swait.ge [sflag:s18], $0xA00  }
0x41: {  	[sflag:s18] =	ssyncset.done $0x0  }
.Ltmp2:
0x42: {  	[sflag:s18] =	ssyncadd.s32 $0xFFFFF600;
	(pc) =	sbr.rel .LBB2_2-.Ltmp2, $4  }
0x43: {  	[bflag:$0x0] =	sbarrier.arrive $0xFFFF  }
0x44: {  	[tilespmem:s22], [sflag:$0x7] =	stream.indirect.gather [spmem:s3], $0x20, s4, s20, $0xb8;
	[tilespmem:$0xD300] =	vst v63  }
0x45: {  	s15 =	rddreg [dreg:$0xe]  }
0x46: {  	s17 =	simm.s32 $0x0;
	s14 =	rddreg [dreg:$0xd]  }
.LBB2_4:
0x47: {  	_ =	swait.ge [sflag:s10], $0x1000  }
0x48: {  	p0 =	seq.s32 s17, $0x4E;
	[sflag:s10] =	ssyncset.done $0x0  }
.Ltmp3:
0x49: {  	[sflag:s10] =	ssyncadd.s32 $0xFFFFF000;
	(pc) =	sbr.rel @p0 .LBB2_11-.Ltmp3, $4  }
0x4a: {  	_ =	swait.ge [sflag:s11], $0x80  }
0x4b: {  	[sflag:s11] =	ssyncset.done $0x0  }
0x4c: {  	[sflag:s11] =	ssyncadd.s32 $0xFFFFFF80  }
0x4d: {  	[spmem:s2] =	stream.indirect.scatter.add.bf16 [tilespmem:s22], [sflag:$0xA], $0x20, s19, s20, $0xb8;
	[tilespmem:$0xD300] =	vst v63  }
0x4e: {  	_ =	swait.ge [sflag:s12], $0x80  }
0x4f: {  	p0 =	slt.u32 s17, $0x2;
	[sflag:s12] =	ssyncset.done $0x0  }
0x50: {  	s29 =	simm.s32 @!p0 $0xB;
	[sflag:s12] =	ssyncadd.s32 $0xFFFFFF80  }
0x51: {  	_ =	swait.ge @!p0 [sflag:s29], $0x1000  }
0x52: {  	[sflag:s29] =	ssyncset.done @!p0 $0x0  }
0x53: {  	[sflag:s29] =	ssyncadd.s32 @!p0 $0xFFFFF000  }
0x54: {  	[tilespmem:s8], [sflag:$0x8] =	stream.indirect.gather [spmem:s3], $0x20, s20, s20, $0xb8;
	[tilespmem:$0xD300] =	vst v63  }
0x55: {  	p0 =	sgt.u32 s17, $0x4C  }
0x56: {  	[tilespmem:s6], [sflag:$0x5] =	stream.linear.gather [hbm4b:s15+s4], $0x80, $0x38;
	[tilespmem:$0xD300] =	vst v63  }
0x57: {  	s29 =	simm.s32 @!p0 $0x0;
	s30 =	simm.s32 @!p0 $0x100  }
0x58: {  	[tilespmem:s30], [sflag:$0x3] =	stream.linear.gather @!p0 [hbm4b:s14+s29], $0x80, $0x38;
	[tilespmem:$0xD300] =	vst v63  }
.LBB2_10:
0x59: {  	s17 =	sadd.s32 $0x1, s17  }
0x5a: {  	p0 =	sne.s32 s17, $0x4F  }
.Ltmp4:
0x5b: {  	_ = 	snop;
	(pc) =	sbr.rel @!p0 .LBB2_11-.Ltmp4, $2  }
0x5c: {  	_ =	sdelay $0x2  }
0x5d: {  	s14 =	sadd.s32 $0x10, s14;
	s15 =	sadd.s32 $0x10, s15  }
.LBB2_2:
0x5e: {  	s29 =	smul.u32 $0xAB, s17;
	_ =	sdelay $0x1  }
0x5f: {  	s29 =	sshrl.u32 s29, $0x9  }
0x60: {  	s29 =	sand.u32 $0x7F, s29  }
0x61: {  	s29 =	smul.u32 $0x3, s29;
	_ =	sdelay $0x1  }
0x62: {  	s29 =	ssub.s32 s17, s29  }
0x63: {  	s29 =	sand.u32 $0xFF, s29  }
0x64: {  	p0 =	seq.s32 s29, $0x2  }
.Ltmp5:
0x65: {  	_ = 	snop;
	(pc) =	sbr.rel @p0 .LBB2_8-.Ltmp5, $1  }
0x66: {  	_ =	sdelay $0x3  }
0x67: {  	p0 =	seq.s32 s29, $0x1  }
.Ltmp6:
0x68: {  	_ = 	snop;
	(pc) =	sbr.rel @!p0 .LBB2_4-.Ltmp6, $1  }
0x69: {  	_ =	sdelay $0x3  }
0x6a: {  	_ =	swait.ge [sflag:s0], $0x1000  }
0x6b: {  	p0 =	seq.s32 s17, $0x4E;
	[sflag:s0] =	ssyncset.done $0x0  }
.Ltmp7:
0x6c: {  	[sflag:s0] =	ssyncadd.s32 $0xFFFFF000;
	(pc) =	sbr.rel @p0 .LBB2_11-.Ltmp7, $4  }
0x6d: {  	_ =	swait.ge [sflag:s1], $0x80  }
0x6e: {  	[sflag:s1] =	ssyncset.done $0x0  }
0x6f: {  	[sflag:s1] =	ssyncadd.s32 $0xFFFFFF80  }
0x70: {  	[spmem:s2] =	stream.indirect.scatter.add.bf16 [tilespmem:s8], [sflag:$0xB], $0x20, s6, s20, $0xb8;
	[tilespmem:$0xD300] =	vst v63  }
0x71: {  	_ =	swait.ge [sflag:s9], $0x80  }
0x72: {  	p0 =	slt.u32 s17, $0x2;
	[sflag:s9] =	ssyncset.done $0x0  }
0x73: {  	s29 =	simm.s32 @!p0 $0xC;
	[sflag:s9] =	ssyncadd.s32 $0xFFFFFF80  }
0x74: {  	_ =	swait.ge @!p0 [sflag:s29], $0x1000  }
0x75: {  	[sflag:s29] =	ssyncset.done @!p0 $0x0  }
0x76: {  	[sflag:s29] =	ssyncadd.s32 @!p0 $0xFFFFF000  }
0x77: {  	[tilespmem:s26], [sflag:$0x9] =	stream.indirect.gather [spmem:s3], $0x20, s5, s20, $0xb8;
	[tilespmem:$0xD300] =	vst v63  }
.Ltmp8:
0x78: {  	_ = 	snop;
	(pc) =	sbr.rel .LBB2_10-.Ltmp8, $4  }
0x79: {  	p0 =	sgt.u32 s17, $0x4C  }
0x7a: {  	[tilespmem:s25], [sflag:$0x6] =	stream.linear.gather [hbm4b:s15+s4], $0x80, $0x38;
	[tilespmem:$0xD300] =	vst v63  }
0x7b: {  	s29 =	simm.s32 @!p0 $0x0  }
0x7c: {  	[tilespmem:s29], [sflag:$0x1] =	stream.linear.gather @!p0 [hbm4b:s14+s29], $0x80, $0x38;
	[tilespmem:$0xD300] =	vst v63  }
.LBB2_8:
0x7d: {  	_ =	swait.ge [sflag:s23], $0x1000  }
0x7e: {  	p0 =	seq.s32 s17, $0x4E;
	[sflag:s23] =	ssyncset.done $0x0  }
.Ltmp9:
0x7f: {  	[sflag:s23] =	ssyncadd.s32 $0xFFFFF000;
	(pc) =	sbr.rel @p0 .LBB2_11-.Ltmp9, $4  }
0x80: {  	_ =	swait.ge [sflag:s24], $0x80  }
0x81: {  	[sflag:s24] =	ssyncset.done $0x0  }
0x82: {  	[sflag:s24] =	ssyncadd.s32 $0xFFFFFF80  }
0x83: {  	[spmem:s2] =	stream.indirect.scatter.add.bf16 [tilespmem:s26], [sflag:$0xC], $0x20, s25, s20, $0xb8;
	[tilespmem:$0xD300] =	vst v63  }
0x84: {  	_ =	swait.ge [sflag:s21], $0x80  }
0x85: {  	[sflag:s21] =	ssyncset.done $0x0  }
0x86: {  	[sflag:s21] =	ssyncadd.s32 $0xFFFFFF80  }
0x87: {  	_ =	swait.ge [sflag:s28], $0x1000  }
0x88: {  	[sflag:s28] =	ssyncset.done $0x0  }
0x89: {  	[sflag:s28] =	ssyncadd.s32 $0xFFFFF000  }
0x8a: {  	[tilespmem:s22], [sflag:$0x7] =	stream.indirect.gather [spmem:s3], $0x20, s4, s20, $0xb8;
	[tilespmem:$0xD300] =	vst v63  }
.Ltmp10:
0x8b: {  	_ = 	snop;
	(pc) =	sbr.rel .LBB2_10-.Ltmp10, $4  }
0x8c: {  	p0 =	sgt.u32 s17, $0x4C  }
0x8d: {  	[tilespmem:s19], [sflag:$0x4] =	stream.linear.gather [hbm4b:s15+s4], $0x80, $0x38;
	[tilespmem:$0xD300] =	vst v63  }
0x8e: {  	s29 =	simm.s32 @!p0 $0x0;
	s30 =	simm.s32 @!p0 $0x80  }
0x8f: {  	[tilespmem:s30], [sflag:$0x2] =	stream.linear.gather @!p0 [hbm4b:s14+s29], $0x80, $0x38;
	[tilespmem:$0xD300] =	vst v63  }
.LBB2_12:
0x90: {  	_ =	sfence.sel $0x180000  }
0x91: {  	[bflag:$0x0] =	sbarrier.arrive $0xFFFF  }
0x92: {  	_ =	strace $0x9000004D  }
0x93: {  	s0 =	stileid.u32;
	[bflag:$0x2] =	sbarrier.arrive $0xFFFF  }
0x94: {  	p0 =	sne.s32 s0, $0x0;
	s0 =	rddreg [dreg:$0x4]  }
0x95: {  	s0 =	sadd.s32 @!p0 $0x100000, s0  }
0x96: {  	[sflag:s0] =	ssyncadd.tile.s32 @!p0 $0x1;
	_ =	shalt  }
.Lfunc_end2:
_tile_overlayer_lowered:
.L_overlay_start_2:
0x97: {  	(tag) =	ssettag $0x2  }
0x98: {  	s0 =	rddreg [dreg:$0x0];
	s2 =	stileid.u32  }
0x99: {  	s1 =	rddreg [dreg:$0x1];
	p0 =	sne.s32 s2, $0x0  }
0x9a: {  	s3 =	rddreg [dreg:$0x2];
	[bflag:$0x3] =	sbarrier.arrive $0xFFFF;
	s2 =	simm.s32 @!p0 $0x1C0E  }
0x9b: {  	[timem:s3], [sflag:s2] =	dma.local @!p0 [hbm:s0], s1  }
0x9c: {  	s0 =	simm.s32 @!p0 $0xE  }
0x9d: {  	_ =	swait.ge @!p0 [sflag:s0], s1  }
0x9e: {  	s1 =	ssub.s32 @!p0 $0x0, s1;
	[sflag:s0] =	ssyncset.done @!p0 $0x0  }
0x9f: {  	[sflag:s0] =	ssyncadd.s32 @!p0 s1  }
0xa0: {  	[bflag:$0x3] =	sbarrier.arrive $0xFFFF  }
0xa1: {  	_ =	shalt  }

// kernel: kernel.8.cloned.1.call-start
scs
__scs_entry_jumppad:
0x0: {  	(pc) =	sbr.rel $0x88, $3  }
0x1: {  	(tag) =	ssettag $0x0;
	lr =	simm.s32 $0x1  }
0x2: {  	[smem:$0x3F9B] =	sst lr;
	_ =	strace $0xD0000000  }
0x3: {  	_ = 	snop  }
0x4: {  	_ = 	snop  }
0x5: {  	_ = 	snop  }
0x6: {  	_ = 	snop  }
0x7: {  	_ = 	snop  }
__scs_overlays_trampoline_lowered:
0x8: {  	[smem:$0x3FAA] =	sst s0  }
0x9: {  	[smem:$0x3FAB] =	sst s1  }
0xa: {  	[smem:$0x3FAC] =	sst s2  }
0xb: {  	[smem:$0x3FAD] =	sst s3  }
0xc: {  	[smem:$0x3FAE] =	sst s4  }
0xd: {  	[smem:$0x3FAF] =	sst s5  }
0xe: {  	[smem:$0x3FB0] =	sst s6  }
0xf: {  	[smem:$0x3FB1] =	sst s7  }
0x10: {  	[smem:$0x3FB2] =	sst s8  }
0x11: {  	[smem:$0x3FB3] =	sst s9;
	s0 =	simm.s32 @!p0 $0x0  }
0x12: {  	s1 =	sld [smem:$0x3F99];
	s0 =	simm.s32 @p0 $0x1  }
0x13: {  	[smem:$0x3FB4] =	sst s0;
	s0 =	simm.s32 @!p1 $0x0  }
0x14: {  	s2 =	sld [smem:$0x3F98];
	s0 =	simm.s32 @p1 $0x1  }
0x15: {  	[smem:$0x3FB5] =	sst s0;
	s0 =	simm.s32 @!p2 $0x0  }
0x16: {  	s3 =	sld [smem:$0x3FDB];
	s0 =	simm.s32 @p2 $0x1  }
0x17: {  	s4 =	simm.s32 $0x1BF5;
	[smem:$0x3FB7] =	sst s0  }
0x18: {  	s0 =	sld [smem:$0x3F9A];
	_ =	swait.ge [sflag:s4], $0x0  }
0x19: {  	s7 =	sld [smem:$0x3F9B]  }
0x1a: {  	s8 =	sadd.s32 $0xFFFFE003, lr  }
0x1b: {  	s9 =	sadd.s32 $0xFFFFFEF7, lr;
	s5 =	simm.s32 $0xFFFFFFFF;
	p2 =	slt.u32 s8, $0xFFFFF086  }
0x1c: {  	p1 =	slt.u32 s9, $0xF7A;
	s5 =	simm.s32 @!p2 $0x0  }
0x1d: {  	s5 =	simm.s32 @p1 $0x1;
	p0 =	seq.s32 s7, s2  }
0x1e: {  	s7 =	smul.u32 @!p0 $0xF7A, s2;
	p2 =	seq.s32 @!p0 s5, $0x0  }
0x1f: {  	s9 =	smul.u32 $0xF7A, s1;
	s8 =	simm.s32 @!p0 $0x1BF5;
	p2 =	por !p2, p0  }
0x20: {  	[sflag:s8] =	ssyncset.s32 @!p0 $0xFFFFF086;
	s6 =	sadd.s32 @!p0 s3, s7;
	s7 =	simm.s32 @!p0 $0x108  }
0x21: {  	s3 =	sadd.s32 s3, s9;
	s6 =	sadd.s32 @!p0 $0x88, s6;
	s7 =	simm.s32 @p2 $0x1082  }
0x22: {  	[simem:s7], [sflag:s8] =	dma.local @!p0 [hbm:s6], $0xF7A  }
0x23: {  	s9 =	sor.u32 $0xD0000000, s2;
	s6 =	simm.s32 $0x108;
	_ =	swait.ge @!p0 [sflag:s8], $0x0  }
0x24: {  	s3 =	sadd.s32 $0x88, s3;
	s6 =	simm.s32 @!p1 $0x1082;
	[sflag:s4] =	ssyncset.s32 $0xFFFFF086  }
0x25: {  	[simem:s6], [sflag:s4] =	dma.local [hbm:s3], $0xF7A  }
0x26: {  	[smem:$0x3F9B] =	sst s1;
	(tag) =	ssettag s2;
	_ =	strace s9  }
0x27: {  	s1 =	sld [smem:$0x3FAB]  }
0x28: {  	s2 =	sld [smem:$0x3FAC]  }
0x29: {  	s4 =	sld [smem:$0x3FAE]  }
0x2a: {  	p0 =	seq.s32 s5, $0x0;
	s5 =	sld [smem:$0x3FAF]  }
0x2b: {  	s6 =	sld [smem:$0x3FB0]  }
0x2c: {  	s7 =	sld [smem:$0x3FB1]  }
0x2d: {  	s3 =	simm.s32 $0x108;
	s8 =	sld [smem:$0x3FB2]  }
0x2e: {  	s3 =	simm.s32 @!p0 $0x1082;
	s9 =	sld [smem:$0x3FB3]  }
0x2f: {  	lr =	sadd.s32 s0, s3;
	s0 =	sld [smem:$0x3FAA]  }
0x30: {  	s3 =	sld [smem:$0x3FAD]  }
0x31: {  	[smem:$0x3FB6] =	sst s10  }
0x32: {  	s10 =	sld [smem:$0x3FB4];
	_ =	sdelay $0x3  }
0x33: {  	p0 =	seq.s32 s10, $0x1;
	s10 =	sld [smem:$0x3FB6];
	_ =	sdelay $0x3  }
0x34: {  	[smem:$0x3FB6] =	sst s10  }
0x35: {  	s10 =	sld [smem:$0x3FB5];
	_ =	sdelay $0x3  }
0x36: {  	p1 =	seq.s32 s10, $0x1;
	s10 =	sld [smem:$0x3FB6];
	_ =	sdelay $0x3  }
0x37: {  	[smem:$0x3FB6] =	sst s10  }
0x38: {  	s10 =	sld [smem:$0x3FB7]  }
0x39: {  	_ = 	snop;
	(pc) =	sbr.ind lr, $3  }
0x3a: {  	_ = 	snop  }
0x3b: {  	_ = 	snop  }
0x3c: {  	p2 =	seq.s32 s10, $0x1;
	s10 =	sld [smem:$0x3FB6]  }
0x3d: {  	_ =	shalt  }
0x3e: {  	_ =	shalt  }
0x3f: {  	_ =	shalt  }
0x40: {  	_ =	shalt  }
0x41: {  	_ =	shalt  }
0x42: {  	_ =	shalt  }
0x43: {  	_ =	shalt  }
0x44: {  	_ =	shalt  }
0x45: {  	_ =	shalt  }
0x46: {  	_ =	shalt  }
0x47: {  	_ =	shalt  }
0x48: {  	_ =	shalt  }
0x49: {  	_ =	shalt  }
0x4a: {  	_ =	shalt  }
0x4b: {  	_ =	shalt  }
0x4c: {  	_ =	shalt  }
0x4d: {  	_ =	shalt  }
0x4e: {  	_ =	shalt  }
0x4f: {  	_ =	shalt  }
0x50: {  	_ =	shalt  }
0x51: {  	_ =	shalt  }
0x52: {  	_ =	shalt  }
0x53: {  	_ =	shalt  }
0x54: {  	_ =	shalt  }
0x55: {  	_ =	shalt  }
0x56: {  	_ =	shalt  }
0x57: {  	_ =	shalt  }
0x58: {  	_ =	shalt  }
0x59: {  	_ =	shalt  }
0x5a: {  	_ =	shalt  }
0x5b: {  	_ =	shalt  }
0x5c: {  	_ =	shalt  }
0x5d: {  	_ =	shalt  }
0x5e: {  	_ =	shalt  }
0x5f: {  	_ =	shalt  }
0x60: {  	_ =	shalt  }
0x61: {  	_ =	shalt  }
0x62: {  	_ =	shalt  }
0x63: {  	_ =	shalt  }
0x64: {  	_ =	shalt  }
0x65: {  	_ =	shalt  }
0x66: {  	_ =	shalt  }
0x67: {  	_ =	shalt  }
0x68: {  	_ =	shalt  }
0x69: {  	_ =	shalt  }
0x6a: {  	_ =	shalt  }
0x6b: {  	_ =	shalt  }
0x6c: {  	_ =	shalt  }
0x6d: {  	_ =	shalt  }
0x6e: {  	_ =	shalt  }
0x6f: {  	_ =	shalt  }
0x70: {  	_ =	shalt  }
0x71: {  	_ =	shalt  }
0x72: {  	_ =	shalt  }
0x73: {  	_ =	shalt  }
0x74: {  	_ =	shalt  }
0x75: {  	_ =	shalt  }
0x76: {  	_ =	shalt  }
0x77: {  	_ =	shalt  }
0x78: {  	_ =	shalt  }
0x79: {  	_ =	shalt  }
0x7a: {  	_ =	shalt  }
0x7b: {  	_ =	shalt  }
0x7c: {  	_ =	shalt  }
0x7d: {  	_ =	shalt  }
0x7e: {  	_ =	shalt  }
0x7f: {  	_ =	shalt  }
0x80: {  	_ =	shalt  }
0x81: {  	_ =	shalt  }
0x82: {  	_ =	shalt  }
0x83: {  	_ =	shalt  }
0x84: {  	_ =	shalt  }
0x85: {  	_ =	shalt  }
0x86: {  	_ =	shalt  }
0x87: {  	_ =	shalt  }
.Lfunc_end0:
.L_simem_size_0:
called_computation_lowered:
.L_overlay_start_0:
0x88: {  	s2 =	sld [smem:$0x3FD9]  }
0x89: {  	s3 =	sld [smem:$0x3FFE];
	_ =	sdelay $0x1  }
0x8a: {  	s1 =	srdreg.scid  }
0x8b: {  	s0 =	sand.u32 $0x1, s1  }
0x8c: {  	s16 =	sshll.u32 s0, $0xA;
	s2 =	sadd.s32 s3, s2  }
0x8d: {  	s2 =	sadd.s32 s2, s16  }
0x8e: {  	[smem:$0x3FC2] =	sst s2  }
0x8f: {  	_ = 	snop  }
0x90: {  	(tm) =	ssettm $0x1  }
0x91: {  	s17 =	sld [smem:$0x3FFB];
	_ =	sdelay $0x3  }
0x92: {  	_ =	strace s17  }
0x93: {  	s2 =	sld [smem:$0x3FFC];
	_ =	sdelay $0x3  }
0x94: {  	_ =	strace s2  }
0x95: {  	s2 =	sld [smem:$0x3FFD];
	_ =	sdelay $0x3  }
0x96: {  	_ =	strace s2  }
0x97: {  	_ =	strace $0x8FFFFFFF  }
0x98: {  	s18 =	sld [smem:$0x3FDB];
	_ =	sdelay $0x1  }
0x99: {  	s19 =	simm.s32 $_scs_section_size  }
0x9a: {  	s4 =	simm.s32 $_size__tile_overlayer_lowered;
	s5 =	simm.s32 $_tile_overlayer_lowered  }
0x9b: {  	s22 =	simm.s32 $0x1BFF;
	s21 =	sshll.u32 s5, $0x1;
	s2 =	sadd.s32 s19, s18  }
0x9c: {  	s6 =	simm.s32 $0x0;
	s20 =	sshll.u32 s4, $0x1;
	s4 =	sadd.s32 s21, s2  }
0x9d: {  	[timem:s6], [sflag:s22] =	dma.local [hbm:s4], s20  }
0x9e: {  	_ =	swait.ge [sflag:s22], s20  }
0x9f: {  	s3 =	ssub.s32 $0x0, s20;
	[sflag:s22] =	ssyncset.done $0x0  }
0xa0: {  	[sflag:s22] =	ssyncadd.s32 s3;
	_ =	sdelay $0x1  }
0xa1: {  	s23 =	simm.s32 $0x1B8B  }
0xa2: {  	_ =	swait.ge [sflag:s23], $0x1  }
0xa3: {  	[sflag:s23] =	ssyncset.done $0x0  }
0xa4: {  	s25 =	simm.s32 $0x1B8E;
	s24 =	sld [smem:$0x3FFE];
	[sflag:s23] =	ssyncadd.s32 $0xFFFFFFFF  }
0xa5: {  	s26 =	simm.s32 $execute0_lowered;
	[smem:$0x3FD2] =	sst s25  }
0xa6: {  	s4 =	sshll.u32 s26, $0x1;
	_ =	strace $0x80000046;
	[dreg:$0x1] =	wrdreg $0xFFFFFFFF  }
0xa7: {  	s28 =	simm.s32 $_size_execute0_lowered;
	s2 =	sadd.s32 s2, s4;
	[dreg:$0x0] =	wrdreg $0x0  }
0xa8: {  	s4 =	sshll.u32 s28, $0x1;
	[dreg:$0x2] =	wrdreg s2  }
0xa9: {  	[dreg:$0x3] =	wrdreg s4  }
0xaa: {  	[dreg:$0x4] =	wrdreg $0xC0  }
0xab: {  	_ =	task [dreg:s6], $0x5FFFF  }
0xac: {  	[dreg:$0x1] =	wrdreg $0xFFFFFFFF  }
0xad: {  	[dreg:$0x0] =	wrdreg $0x60  }
0xae: {  	[dreg:$0x2] =	wrdreg s24  }
0xaf: {  	[dreg:$0x3] =	wrdreg $0x57000  }
0xb0: {  	[dreg:$0x4] =	wrdreg $0x7F000  }
0xb1: {  	[dreg:$0x5] =	wrdreg $0x9  }
0xb2: {  	_ =	task.clear_ibuf [dreg:s6], $0x6FFFF;
	_ =	strace $0x90000046  }
0xb3: {  	s29 =	simm.s32 $0x9;
	_ =	strace $0x80000048  }
0xb4: {  	_ =	swait.ge [sflag:s29], $0x1  }
0xb5: {  	[sflag:s29] =	ssyncadd.s32 $0xFFFFFFFF  }
0xb6: {  	_ =	strace $0x90000048  }
0xb7: {  	_ =	sfence  }
0xb8: {  	s30 =	sld [smem:$0x0];
	_ =	sdelay $0x2  }
0xb9: {  	s31 =	sshll.u32 s1, $0xD;
	s1 =	sshrl.u32 s1, $0x2  }
0xba: {  	s3 =	sand.u32 $0x4000, s31;
	s1 =	sadd.s32 s1, s30  }
0xbb: {  	s0 =	sor.u32 s3, s0;
	s1 =	sshll.u32 s1, $0x11  }
0xbc: {  	s0 =	sor.u32 s1, s0  }
0xbd: {  	s0 =	sadd.s32 $0x8F2B, s0  }
0xbe: {  	[sflag:s0] =	ssyncadd.remote.s32 $0x1  }
0xbf: {  	_ =	sfence.sel $0xFFFF  }
0xc0: {  	[dreg:$0x0] =	wrdreg $0xFFFFFFFF;
	(pc) =	sbr.abs _section_cstart, $3  }
0xc1: {  	[dreg:$0x1] =	wrdreg $0xFFFFFFFF  }
0xc2: {  	_ =	task.clear_ibuf [dreg:s6], $0x2FFFF;
	_ =	strace $0x9FFFFFFF  }
0xc3: {  	(tm) =	ssettm $0x7FFFFFFF  }
tec
execute0_lowered:
.L_overlay_start_1:
0x0: {  	(tag) =	ssettag $0x1  }
0x1: {  	s0 =	srdreg.scid;
	s6 =	rddreg [dreg:$0x0]  }
0x2: {  	s28 =	stileid.u32;
	s2 =	rddreg [dreg:$0x1];
	s14 =	simm.s32 $0x2780  }
0x3: {  	s15 =	simm.s32 $0x4F00;
	s18 =	simm.s32 $0x1;
	s19 =	simm.s32 $0x80  }
0x4: {  	s21 =	simm.s32 $0x4;
	s22 =	simm.s32 $0x5;
	s23 =	simm.s32 $0x2  }
0x5: {  	s24 =	simm.s32 $0x3;
	s25 =	simm.s32 $0x6;
	s26 =	simm.s32 $0x0  }
0x6: {  	s1 =	sand.u32 $0x1, s0;
	s11 =	smul.u32 $0x2800, s28;
	s30 =	sadd.s32 $0x1A000, s6  }
0x7: {  	s3 =	sshll.u32 s1, $0x4;
	s7 =	smul.u32 $0x50000, s1;
	s1 =	ssub.s32 $0x2, s1  }
0x8: {  	s4 =	sor.u32 s28, s3;
	s3 =	rddreg [dreg:$0x2];
	s29 =	sshrl.u32 s11, $0x3  }
0x9: {  	s31 =	sshrl.u32 s1, $0x1;
	s16 =	sadd.s32 s11, s2;
	s5 =	smul.u32 $0x4F0, s4  }
0xa: {  	s4 =	simm.s32 $0x0;
	s7 =	sadd.s32 s11, s7;
	s9 =	sadd.s32 s29, s6  }
0xb: {  	s1 =	ssub.s32 s1, s31;
	s17 =	sadd.s32 s11, s3;
	s16 =	sshrl.u32 s16, $0x3  }
0xc: {  	[smem:$0x7FF] =	sst s4;
	s7 =	sshrl.u32 s7, $0x3;
	s13 =	smax.u32 s1, $0x1  }
0xd: {  	s17 =	sshrl.u32 s17, $0x3;
	_ =	strace $0x80000047;
	s8 =	sadd.s32 s5, s6  }
0xe: {  	[dreg:$0x4] =	wrdreg s30;
	s12 =	sadd.s32 s7, s6;
	s6 =	sadd.s32 $0xB200, s8  }
0xf: {  	s7 =	sadd.s32 $0x1400, s8;
	s8 =	sadd.s32 $0x15000, s9;
	s9 =	sshll.u32 s28, $0x6  }
0x10: {  	s11 =	sadd.s32 $0x1A200, s12;
	s12 =	sadd.s32 $0x1F200, s12;
	s10 =	sor.u32 $0x1C01, s9  }
.LBB2_1:
0x11: {  	[tilespmem:s4], [sflag:$0x1] =	stream.linear.gather [hbm4b:s6+s4], $0x2780, $0x38;
	[tilespmem:$0xA700] =	vst v63  }
0x12: {  	_ = 	snop  }
0x13: {  	[tilespmem:s14], [sflag:$0x1] =	stream.linear.gather [hbm4b:s7+s4], $0x2780, $0x38;
	[tilespmem:$0xA700] =	vst v63  }
0x14: {  	s0 =	rddreg [dreg:$0x4]  }
0x15: {  	[tilespmem:s15], [sflag:$0x1] =	stream.linear.gather [hbm4b:s0+s4], $0x800, $0x38;
	[tilespmem:$0xA700] =	vst v63  }
0x16: {  	[spmem:s16], [sflag:s10] =	dma.local [hbm:s8], $0x500  }
0x17: {  	[spmem:s17], [sflag:s10] =	dma.local [hbm:s8], $0x500  }
0x18: {  	_ =	swait.ge [sflag:s18], $0x2780  }
0x19: {  	[sflag:s18] =	ssyncset.done $0x0  }
0x1a: {  	[sflag:s18] =	ssyncadd.s32 $0xFFFFD880  }
0x1b: {  	_ =	swait.ge [sflag:s18], $0x2780  }
0x1c: {  	[sflag:s18] =	ssyncset.done $0x0  }
0x1d: {  	[sflag:s18] =	ssyncadd.s32 $0xFFFFD880  }
0x1e: {  	_ =	swait.ge [sflag:s18], $0x800  }
0x1f: {  	[sflag:s18] =	ssyncset.done $0x0  }
0x20: {  	[sflag:s18] =	ssyncadd.s32 $0xFFFFF800  }
0x21: {  	_ =	swait.ge [sflag:s18], $0x500  }
0x22: {  	[sflag:s18] =	ssyncset.done $0x0  }
0x23: {  	[sflag:s18] =	ssyncadd.s32 $0xFFFFFB00  }
0x24: {  	_ =	swait.ge [sflag:s18], $0x500  }
0x25: {  	[sflag:s18] =	ssyncset.done $0x0  }
0x26: {  	[sflag:s18] =	ssyncadd.s32 $0xFFFFFB00  }
0x27: {  	[bflag:$0x0] =	sbarrier.arrive $0xFFFF  }
0x28: {  	[spmem:s2] =	stream.indirect.scatter.add.f32 [tilespmem:s15], [sflag:$0x2], $0x10, s4, s19, $0xb8;
	[tilespmem:$0xA700] =	vst v63  }
0x29: {  	s1 =	sand.u32 $0x1, s23  }
0x2a: {  	[spmem:s3] =	stream.indirect.scatter.add.f32 [tilespmem:s15], [sflag:$0x3], $0x10, s14, s19, $0xb8;
	[tilespmem:$0xA700] =	vst v63  }
0x2b: {  	s28 =	simm.s32 $0x4;
	p0 =	seq.s32 s1, $0x1  }
0x2c: {  	[spmem:s2] =	stream.indirect.scatter.add.f32 [tilespmem:s15], [sflag:$0x4], $0x10, s19, s19, $0xb8;
	[tilespmem:$0xA700] =	vst v63  }
0x2d: {  	s5 =	simm.s32 $0x2800;
	s28 =	simm.s32 @!p0 $0x2  }
0x2e: {  	[spmem:s3] =	stream.indirect.scatter.add.f32 [tilespmem:s15], [sflag:$0x5], $0x10, s5, s19, $0xb8;
	[tilespmem:$0xA700] =	vst v63  }
0x2f: {  	s30 =	simm.s32 $0x100;
	s29 =	simm.s32 $0x2880;
	_ =	swait.ge [sflag:s28], $0x800  }
0x30: {  	s20 =	simm.s32 $0x3;
	s31 =	simm.s32 $0x5;
	[sflag:s28] =	ssyncset.done $0x0  }
0x31: {  	s31 =	simm.s32 @!p0 $0x3;
	s0 =	sand.u32 $0x1, s20;
	[sflag:s28] =	ssyncadd.s32 $0xFFFFF800  }
0x32: {  	[spmem:s2] =	stream.indirect.scatter.add.f32 [tilespmem:s15], [sflag:s28], $0x10, s30, s19, $0xb8;
	[tilespmem:$0xA700] =	vst v63  }
0x33: {  	s1 =	simm.s32 $0x4;
	p0 =	seq.s32 s0, $0x1;
	_ =	swait.ge [sflag:s31], $0x800  }
0x34: {  	s28 =	simm.s32 $0x2900;
	s30 =	simm.s32 $0x180;
	[sflag:s31] =	ssyncset.done $0x0  }
.LBB2_2:
0x35: {  	s0 =	simm.s32 $0x4;
	[sflag:s31] =	ssyncadd.s32 $0xFFFFF800  }
0x36: {  	s20 =	smov.u32 s1;
	s5 =	sadd.s32 $0x1, s1;
	s0 =	simm.s32 @!p0 $0x2  }
0x37: {  	[spmem:s3] =	stream.indirect.scatter.add.f32 [tilespmem:s15], [sflag:s31], $0x10, s29, s19, $0xb8;
	[tilespmem:$0xA700] =	vst v63  }
0x38: {  	p1 =	sne.s32 s1, $0x4E;
	s29 =	smov.u32 s28;
	_ =	swait.ge [sflag:s0], $0x800  }
.Ltmp0:
0x39: {  	s31 =	simm.s32 $0x5;
	[sflag:s0] =	ssyncset.done $0x0;
	(pc) =	sbr.rel @p1 .LBB2_2-.Ltmp0, $4  }
0x3a: {  	s1 =	smov.u32 s5;
	s31 =	simm.s32 @!p0 $0x3;
	[sflag:s0] =	ssyncadd.s32 $0xFFFFF800  }
0x3b: {  	[spmem:s2] =	stream.indirect.scatter.add.f32 [tilespmem:s15], [sflag:s0], $0x10, s30, s19, $0xb8;
	[tilespmem:$0xA700] =	vst v63  }
0x3c: {  	s28 =	sadd.s32 $0x80, s28;
	s0 =	sand.u32 $0x1, s20;
	_ =	swait.ge [sflag:s31], $0x800  }
0x3d: {  	s30 =	sadd.s32 $0x80, s30;
	p0 =	seq.s32 s0, $0x1;
	[sflag:s31] =	ssyncset.done $0x0  }
0x3e: {  	s0 =	simm.s32 $0x4  }
0x3f: {  	[sflag:s31] =	ssyncadd.s32 $0xFFFFF800;
	s0 =	simm.s32 @!p0 $0x2  }
0x40: {  	[spmem:s3] =	stream.indirect.scatter.add.f32 [tilespmem:s15], [sflag:s31], $0x10, s29, s19, $0xb8;
	[tilespmem:$0xA700] =	vst v63  }
0x41: {  	_ =	swait.ge [sflag:s0], $0x800  }
0x42: {  	s1 =	simm.s32 $0x5;
	[sflag:s0] =	ssyncset.done $0x0  }
0x43: {  	s1 =	simm.s32 @!p0 $0x3;
	[sflag:s0] =	ssyncadd.s32 $0xFFFFF800  }
0x44: {  	[spmem:s2] =	stream.indirect.scatter.add.f32 [tilespmem:s15], [sflag:s0], $0x10, s30, s19, $0xb8;
	[tilespmem:$0xA700] =	vst v63  }
0x45: {  	_ =	swait.ge [sflag:s1], $0x800  }
0x46: {  	[sflag:s1] =	ssyncset.done $0x0  }
0x47: {  	[sflag:s1] =	ssyncadd.s32 $0xFFFFF800  }
0x48: {  	[spmem:s3] =	stream.indirect.scatter.add.f32 [tilespmem:s15], [sflag:s1], $0x10, s28, s19, $0xb8;
	[tilespmem:$0xA700] =	vst v63  }
0x49: {  	_ =	swait.ge [sflag:s23], $0x800  }
0x4a: {  	[sflag:s23] =	ssyncset.done $0x0  }
0x4b: {  	[sflag:s23] =	ssyncadd.s32 $0xFFFFF800  }
0x4c: {  	_ =	swait.ge [sflag:s24], $0x800  }
0x4d: {  	[sflag:s24] =	ssyncset.done $0x0  }
0x4e: {  	[sflag:s24] =	ssyncadd.s32 $0xFFFFF800  }
0x4f: {  	_ =	swait.ge [sflag:s21], $0x800  }
0x50: {  	[sflag:s21] =	ssyncset.done $0x0  }
0x51: {  	[sflag:s21] =	ssyncadd.s32 $0xFFFFF800  }
0x52: {  	_ =	swait.ge [sflag:s22], $0x800  }
0x53: {  	[sflag:s22] =	ssyncset.done $0x0  }
0x54: {  	[sflag:s22] =	ssyncadd.s32 $0xFFFFF800  }
0x55: {  	s31 =	sor.u32 $0x1C06, s9;
	[bflag:$0x0] =	sbarrier.arrive $0xFFFF  }
0x56: {  	[hbm:s11], [sflag:s31] =	dma.local [spmem:s16], $0x500  }
0x57: {  	s26 =	sadd.s32 $0x1, s26;
	_ =	swait.ge [sflag:s25], $0x500  }
0x58: {  	p0 =	sne.s32 s26, s13;
	[sflag:s25] =	ssyncset.done $0x0  }
.Ltmp1:
0x59: {  	[sflag:s25] =	ssyncadd.s32 $0xFFFFFB00;
	(pc) =	sbr.rel @p0 .LBB2_1-.Ltmp1, $4  }
0x5a: {  	[hbm:s12], [sflag:s31] =	dma.local [spmem:s17], $0x500  }
0x5b: {  	_ =	swait.ge [sflag:s25], $0x500  }
0x5c: {  	[sflag:s25] =	ssyncset.done $0x0  }
0x5d: {  	[sflag:s25] =	ssyncadd.s32 $0xFFFFFB00  }
0x5e: {  	_ =	sfence.sel $0x180000  }
0x5f: {  	[bflag:$0x0] =	sbarrier.arrive $0xFFFF  }
0x60: {  	_ =	strace $0x90000047  }
0x61: {  	s0 =	stileid.u32;
	[bflag:$0x2] =	sbarrier.arrive $0xFFFF  }
0x62: {  	p0 =	sne.s32 s0, $0x0;
	s0 =	rddreg [dreg:$0x3]  }
0x63: {  	s0 =	sadd.s32 @!p0 $0x100000, s0  }
0x64: {  	[sflag:s0] =	ssyncadd.tile.s32 @!p0 $0x1;
	_ =	shalt  }
.Lfunc_end2:
_tile_overlayer_lowered:
.L_overlay_start_2:
0x65: {  	(tag) =	ssettag $0x2  }
0x66: {  	s0 =	rddreg [dreg:$0x0];
	s2 =	stileid.u32  }
0x67: {  	s1 =	rddreg [dreg:$0x1];
	p0 =	sne.s32 s2, $0x0  }
0x68: {  	s3 =	rddreg [dreg:$0x2];
	[bflag:$0x3] =	sbarrier.arrive $0xFFFF;
	s2 =	simm.s32 @!p0 $0x1C06  }
0x69: {  	[timem:s3], [sflag:s2] =	dma.local @!p0 [hbm:s0], s1  }
0x6a: {  	s0 =	simm.s32 @!p0 $0x6  }
0x6b: {  	_ =	swait.ge @!p0 [sflag:s0], s1  }
0x6c: {  	s1 =	ssub.s32 @!p0 $0x0, s1;
	[sflag:s0] =	ssyncset.done @!p0 $0x0  }
0x6d: {  	[sflag:s0] =	ssyncadd.s32 @!p0 s1  }
0x6e: {  	[bflag:$0x3] =	sbarrier.arrive $0xFFFF  }
0x6f: {  	_ =	shalt  }

</sc_bundles>
